<compile_context>
chip_gen: v7x
topology: tpu7x:2x2x1
jax: 0.10.2.dev20260603
libtpu: 0.0.44.dev20260713+nightly
codegen_flags: <defaults>
</compile_context>

<pallas_src>
import functools

import jax
import jax.numpy as jnp
from jax import lax
from jax.experimental import pallas as pl
from jax.experimental.pallas import tpu as pltpu
from jax.experimental.pallas import tpu_sc as plsc

NUM_CORES = 2
NUM_SUBCORES = 16
LANES = 16
NW = NUM_CORES * NUM_SUBCORES

BATCH = 16384
EMB = 32
B_W = BATCH // NW
GROUPS = B_W // LANES
BLK = 128
NSLOTS = 8


def _gmf_body(users_h, items_h, ut_h, it_h, w_h, b_h, out_h,
              uidx_v, iidx_v, ublk_v, iblk_v, tsc_v, outv_v, w_v, b_v,
              *sems):
    wid = lax.axis_index("s") * NUM_CORES + lax.axis_index("c")

    pltpu.sync_copy(users_h.at[wid], uidx_v)
    pltpu.sync_copy(items_h.at[wid], iidx_v)
    pltpu.sync_copy(w_h, w_v)
    pltpu.sync_copy(b_h, b_v)

    w0 = w_v[pl.ds(0, LANES)]
    w1 = w_v[pl.ds(LANES, LANES)]
    b_vec = b_v[...]
    iota = lax.iota(jnp.int32, LANES)
    zeros16 = jnp.zeros((LANES,), jnp.int32)

    def fire(slot, r_u, r_i):
        q_u = pl.multiple_of((r_u // BLK) * BLK, BLK)
        q_i = pl.multiple_of((r_i // BLK) * BLK, BLK)
        pltpu.async_copy(ut_h.at[:, pl.ds(q_u, BLK)], ublk_v.at[slot], sems[slot])
        pltpu.async_copy(it_h.at[:, pl.ds(q_i, BLK)], iblk_v.at[slot], sems[slot])

    def drain(slot):
        pltpu.make_async_copy(ut_h.at[:, pl.ds(0, BLK)], ublk_v.at[slot],
                              sems[slot]).wait()
        pltpu.make_async_copy(it_h.at[:, pl.ds(0, BLK)], iblk_v.at[slot],
                              sems[slot]).wait()

    rv_u0 = uidx_v[pl.ds(0, LANES)]
    rv_i0 = iidx_v[pl.ds(0, LANES)]
    for j in range(NSLOTS):
        fire(j, rv_u0[j], rv_i0[j])

    def group(g, carry):
        base = g * LANES
        rv_u = uidx_v[pl.ds(base, LANES)]
        rv_i = iidx_v[pl.ds(base, LANES)]
        g_next = jnp.minimum(g + 1, GROUPS - 1)
        rv_un = uidx_v[pl.ds(g_next * LANES, LANES)]
        rv_in = iidx_v[pl.ds(g_next * LANES, LANES)]

        for j in range(LANES):
            slot = j % NSLOTS
            drain(slot)
            m_u = zeros16 + (rv_u[j] % BLK)
            m_i = zeros16 + (rv_i[j] % BLK)
            u0 = plsc.load_gather(ublk_v.at[slot], [iota, m_u])
            u1 = plsc.load_gather(ublk_v.at[slot], [iota + LANES, m_u])
            i0 = plsc.load_gather(iblk_v.at[slot], [iota, m_i])
            i1 = plsc.load_gather(iblk_v.at[slot], [iota + LANES, m_i])
            tsc_v[j, pl.ds(0, LANES)] = (u0 * i0) * w0 + (u1 * i1) * w1
            if j + NSLOTS < LANES:
                fire(slot, rv_u[j + NSLOTS], rv_i[j + NSLOTS])
            else:
                @pl.when(g < GROUPS - 1)
                def _():
                    fire(slot, rv_un[j + NSLOTS - LANES], rv_in[j + NSLOTS - LANES])

        acc = b_vec
        for c in range(LANES):
            col = jnp.full((LANES,), c, jnp.int32)
            acc = acc + plsc.load_gather(tsc_v, [iota, col])
        outv_v[pl.ds(base, LANES)] = 1.0 / (1.0 + jnp.exp(-acc))
        return carry

    lax.fori_loop(0, GROUPS, group, 0)
    pltpu.sync_copy(outv_v, out_h.at[wid])


@functools.partial(jax.jit, static_argnames=("interpret",))
def _gmf(users, items, ut_t, it_t, w_flat, b_vec, interpret=False):
    run = pl.kernel(
        _gmf_body,
        out_type=jax.ShapeDtypeStruct((NW, B_W), jnp.float32),
        mesh=plsc.VectorSubcoreMesh(core_axis_name="c", subcore_axis_name="s",
                                    num_cores=NUM_CORES, num_subcores=NUM_SUBCORES),
        scratch_types=[
            pltpu.VMEM((B_W,), jnp.int32),
            pltpu.VMEM((B_W,), jnp.int32),
            pltpu.VMEM((NSLOTS, EMB, BLK), jnp.float32),
            pltpu.VMEM((NSLOTS, EMB, BLK), jnp.float32),
            pltpu.VMEM((LANES, BLK), jnp.float32),
            pltpu.VMEM((B_W,), jnp.float32),
            pltpu.VMEM((EMB,), jnp.float32),
            pltpu.VMEM((LANES,), jnp.float32),
        ] + [pltpu.SemaphoreType.DMA] * NSLOTS,
        compiler_params=pltpu.CompilerParams(needs_layout_passes=False,
                                             use_tc_tiling_on_sc=True),
        interpret=interpret,
    )
    return run(users, items, ut_t, it_t, w_flat, b_vec)


def kernel(users, items, user_table, item_table, W, b):
    users2 = users.astype(jnp.int32).reshape(NW, B_W)
    items2 = items.astype(jnp.int32).reshape(NW, B_W)
    ut_t = user_table.T
    it_t = item_table.T
    w_flat = W.reshape(EMB).astype(jnp.float32)
    b_vec = jnp.broadcast_to(b.astype(jnp.float32), (LANES,))
    out = _gmf(users2, items2, ut_t, it_t, w_flat, b_vec)
    return out.reshape(BATCH, 1)

# --- scband reference (transcript-rebuilt; emitter-appended) ---
"""Pipeline reference for scband-gmf-4629974745135 (READ-ONLY COPY).

The authoritative reference and input builder live on the scoring server;
editing this copy changes nothing except your own understanding.
"""

import jax, jax.numpy as jnp
import numpy as np

NUM_USERS = 1000000
NUM_ITEMS = 1000000
EMB_SIZE = 32
BATCH = 16384

def setup_inputs(seed: int = 0) -> dict:
    key = jax.random.key(seed)
    k1, k2, k3, k4, k5, k6 = jax.random.split(key, 6)
    users = jax.random.randint(k1, (BATCH,), 0, NUM_USERS, dtype=jnp.int64 if jax.config.jax_enable_x64 else jnp.int32)
    items = jax.random.randint(k2, (BATCH,), 0, NUM_ITEMS, dtype=jnp.int64 if jax.config.jax_enable_x64 else jnp.int32)
    user_table = jax.random.normal(k3, (NUM_USERS, EMB_SIZE), dtype=jnp.float32)
    item_table = jax.random.normal(k4, (NUM_ITEMS, EMB_SIZE), dtype=jnp.float32)
    W = jax.random.normal(k5, (1, EMB_SIZE), dtype=jnp.float32) * (1.0 / np.sqrt(EMB_SIZE))
    b = jax.random.normal(k6, (1,), dtype=jnp.float32) * 0.01
    return {"users": users, "items": items, "user_table": user_table, "item_table": item_table, "W": W, "b": b}

def reference(users, items, user_table, item_table, W, b):
    user_emb = jnp.take(user_table, users, axis=0)
    item_emb = jnp.take(item_table, items, axis=0)
    user_item = user_emb * item_emb
    logits = user_item @ W.T + b
    output = jax.nn.sigmoid(logits)
    return output

if __name__ == "__main__":
    import jax
    _d = setup_inputs()
    print(jax.jit(kernel)(*tuple(_d.values())))

</pallas_src>

<mosaic_0001>
#map = affine_map<(d0, d1) -> (0, 0)>
#map1 = affine_map<(d0, d1) -> (0)>
module attributes {stable_mosaic.version = 14 : i64} {
  func.func @_gmf_body(%arg0: i32, %arg1: i32, %arg2: memref<32x512xi32, #tpu.memory_space<hbm>>, %arg3: memref<32x512xi32, #tpu.memory_space<hbm>>, %arg4: memref<32x1000000xf32, #tpu.memory_space<hbm>>, %arg5: memref<32x1000000xf32, #tpu.memory_space<hbm>>, %arg6: memref<32xf32, #tpu.memory_space<hbm>>, %arg7: memref<16xf32, #tpu.memory_space<hbm>>, %arg8: memref<32x512xf32, #tpu.memory_space<hbm>>, %arg9: memref<512xi32, #tpu.memory_space<vmem>>, %arg10: memref<512xi32, #tpu.memory_space<vmem>>, %arg11: memref<8x32x128xf32, #tpu.memory_space<vmem>>, %arg12: memref<8x32x128xf32, #tpu.memory_space<vmem>>, %arg13: memref<16x128xf32, #tpu.memory_space<vmem>>, %arg14: memref<512xf32, #tpu.memory_space<vmem>>, %arg15: memref<32xf32, #tpu.memory_space<vmem>>, %arg16: memref<16xf32, #tpu.memory_space<vmem>>, %arg17: memref<!tpu.dma_semaphore, #tpu.memory_space<semaphore_mem>>, %arg18: memref<!tpu.dma_semaphore, #tpu.memory_space<semaphore_mem>>, %arg19: memref<!tpu.dma_semaphore, #tpu.memory_space<semaphore_mem>>, %arg20: memref<!tpu.dma_semaphore, #tpu.memory_space<semaphore_mem>>, %arg21: memref<!tpu.dma_semaphore, #tpu.memory_space<semaphore_mem>>, %arg22: memref<!tpu.dma_semaphore, #tpu.memory_space<semaphore_mem>>, %arg23: memref<!tpu.dma_semaphore, #tpu.memory_space<semaphore_mem>>, %arg24: memref<!tpu.dma_semaphore, #tpu.memory_space<semaphore_mem>>) attributes {dimension_semantics = [#tpu.dimension_semantics<core_parallel>, #tpu.dimension_semantics<subcore_parallel>], iteration_bounds = array<i64: 2, 16>, scalar_prefetch = 0 : i64, scratch_operands = 16 : i64, tpu.core_type = #tpu.core_type<sc_vector_subcore>, window_params = [{transform_indices = #map}, {transform_indices = #map}, {transform_indices = #map}, {transform_indices = #map}, {transform_indices = #map1}, {transform_indices = #map1}, {transform_indices = #map}]} {
    %mul3A = arith.constant 2 : i32
    %mul3A_0 = arith.muli %arg1, %mul3A : i32
    %add3A = arith.addi %mul3A_0, %arg0 : i32
    "tpu.region"() ({
      %run_scoped3A = tpu.sem_alloc : memref<!tpu.dma_semaphore, #tpu.memory_space<semaphore_mem>>
      %dma_start3A_676 = arith.constant 0 : i32
      %dma_start3A_677 = tpu.memref_slice %arg2[%add3A, %dma_start3A_676] : memref<32x512xi32, #tpu.memory_space<hbm>> -> memref<1x512xi32, #tpu.memory_space<hbm>>
      %dma_start3A_678 = tpu.memref_squeeze %dma_start3A_677 : memref<1x512xi32, #tpu.memory_space<hbm>> -> memref<512xi32, #tpu.memory_space<hbm>>
      %dma_start3A_679 = arith.constant 0 : i32
      %dma_start3A_680 = tpu.memref_slice %arg2[%add3A, %dma_start3A_679] : memref<32x512xi32, #tpu.memory_space<hbm>> -> memref<1x512xi32, #tpu.memory_space<hbm>>
      %dma_start3A_681 = tpu.memref_squeeze %dma_start3A_680 : memref<1x512xi32, #tpu.memory_space<hbm>> -> memref<512xi32, #tpu.memory_space<hbm>>
      tpu.enqueue_dma source(%dma_start3A_681 : memref<512xi32, #tpu.memory_space<hbm>>) target(%arg9 : memref<512xi32, #tpu.memory_space<vmem>>) target_semaphore(%run_scoped3A : memref<!tpu.dma_semaphore, #tpu.memory_space<semaphore_mem>>)
      %dma_wait3A = arith.constant 0 : i32
      %dma_wait3A_682 = tpu.memref_slice %arg2[%add3A, %dma_wait3A] : memref<32x512xi32, #tpu.memory_space<hbm>> -> memref<1x512xi32, #tpu.memory_space<hbm>>
      %dma_wait3A_683 = tpu.memref_squeeze %dma_wait3A_682 : memref<1x512xi32, #tpu.memory_space<hbm>> -> memref<512xi32, #tpu.memory_space<hbm>>
      %dma_wait3A_684 = arith.constant 0 : i32
      %dma_wait3A_685 = tpu.memref_slice %arg2[%add3A, %dma_wait3A_684] : memref<32x512xi32, #tpu.memory_space<hbm>> -> memref<1x512xi32, #tpu.memory_space<hbm>>
      %dma_wait3A_686 = tpu.memref_squeeze %dma_wait3A_685 : memref<1x512xi32, #tpu.memory_space<hbm>> -> memref<512xi32, #tpu.memory_space<hbm>>
      tpu.wait_dma2 semaphore(%run_scoped3A : memref<!tpu.dma_semaphore, #tpu.memory_space<semaphore_mem>>) src(%dma_wait3A_686 : memref<512xi32, #tpu.memory_space<hbm>>) dst(%arg9 : memref<512xi32, #tpu.memory_space<vmem>>)
      tpu.yield
    }) : () -> ()
    "tpu.region"() ({
      %run_scoped3A = tpu.sem_alloc : memref<!tpu.dma_semaphore, #tpu.memory_space<semaphore_mem>>
      %dma_start3A_676 = arith.constant 0 : i32
      %dma_start3A_677 = tpu.memref_slice %arg3[%add3A, %dma_start3A_676] : memref<32x512xi32, #tpu.memory_space<hbm>> -> memref<1x512xi32, #tpu.memory_space<hbm>>
      %dma_start3A_678 = tpu.memref_squeeze %dma_start3A_677 : memref<1x512xi32, #tpu.memory_space<hbm>> -> memref<512xi32, #tpu.memory_space<hbm>>
      %dma_start3A_679 = arith.constant 0 : i32
      %dma_start3A_680 = tpu.memref_slice %arg3[%add3A, %dma_start3A_679] : memref<32x512xi32, #tpu.memory_space<hbm>> -> memref<1x512xi32, #tpu.memory_space<hbm>>
      %dma_start3A_681 = tpu.memref_squeeze %dma_start3A_680 : memref<1x512xi32, #tpu.memory_space<hbm>> -> memref<512xi32, #tpu.memory_space<hbm>>
      tpu.enqueue_dma source(%dma_start3A_681 : memref<512xi32, #tpu.memory_space<hbm>>) target(%arg10 : memref<512xi32, #tpu.memory_space<vmem>>) target_semaphore(%run_scoped3A : memref<!tpu.dma_semaphore, #tpu.memory_space<semaphore_mem>>)
      %dma_wait3A = arith.constant 0 : i32
      %dma_wait3A_682 = tpu.memref_slice %arg3[%add3A, %dma_wait3A] : memref<32x512xi32, #tpu.memory_space<hbm>> -> memref<1x512xi32, #tpu.memory_space<hbm>>
      %dma_wait3A_683 = tpu.memref_squeeze %dma_wait3A_682 : memref<1x512xi32, #tpu.memory_space<hbm>> -> memref<512xi32, #tpu.memory_space<hbm>>
      %dma_wait3A_684 = arith.constant 0 : i32
      %dma_wait3A_685 = tpu.memref_slice %arg3[%add3A, %dma_wait3A_684] : memref<32x512xi32, #tpu.memory_space<hbm>> -> memref<1x512xi32, #tpu.memory_space<hbm>>
      %dma_wait3A_686 = tpu.memref_squeeze %dma_wait3A_685 : memref<1x512xi32, #tpu.memory_space<hbm>> -> memref<512xi32, #tpu.memory_space<hbm>>
      tpu.wait_dma2 semaphore(%run_scoped3A : memref<!tpu.dma_semaphore, #tpu.memory_space<semaphore_mem>>) src(%dma_wait3A_686 : memref<512xi32, #tpu.memory_space<hbm>>) dst(%arg10 : memref<512xi32, #tpu.memory_space<vmem>>)
      tpu.yield
    }) : () -> ()
    "tpu.region"() ({
      %run_scoped3A = tpu.sem_alloc : memref<!tpu.dma_semaphore, #tpu.memory_space<semaphore_mem>>
      tpu.enqueue_dma source(%arg6 : memref<32xf32, #tpu.memory_space<hbm>>) target(%arg15 : memref<32xf32, #tpu.memory_space<vmem>>) target_semaphore(%run_scoped3A : memref<!tpu.dma_semaphore, #tpu.memory_space<semaphore_mem>>)
      tpu.wait_dma2 semaphore(%run_scoped3A : memref<!tpu.dma_semaphore, #tpu.memory_space<semaphore_mem>>) src(%arg6 : memref<32xf32, #tpu.memory_space<hbm>>) dst(%arg15 : memref<32xf32, #tpu.memory_space<vmem>>)
      tpu.yield
    }) : () -> ()
    "tpu.region"() ({
      %run_scoped3A = tpu.sem_alloc : memref<!tpu.dma_semaphore, #tpu.memory_space<semaphore_mem>>
      tpu.enqueue_dma source(%arg7 : memref<16xf32, #tpu.memory_space<hbm>>) target(%arg16 : memref<16xf32, #tpu.memory_space<vmem>>) target_semaphore(%run_scoped3A : memref<!tpu.dma_semaphore, #tpu.memory_space<semaphore_mem>>)
      tpu.wait_dma2 semaphore(%run_scoped3A : memref<!tpu.dma_semaphore, #tpu.memory_space<semaphore_mem>>) src(%arg7 : memref<16xf32, #tpu.memory_space<hbm>>) dst(%arg16 : memref<16xf32, #tpu.memory_space<vmem>>)
      tpu.yield
    }) : () -> ()
    %get3A = arith.constant 0 : index
    %get3A_1 = tpu.vector_load %arg15[%get3A] {strides = array<i32>} : memref<32xf32, #tpu.memory_space<vmem>>, vector<16xf32>,
    %get3A_2 = arith.constant 16 : index
    %get3A_3 = tpu.vector_load %arg15[%get3A_2] {strides = array<i32>} : memref<32xf32, #tpu.memory_space<vmem>>, vector<16xf32>,
    %get3A_4 = arith.constant 0 : index
    %get3A_5 = tpu.vector_load %arg16[%get3A_4] {strides = array<i32>} : memref<16xf32, #tpu.memory_space<vmem>>, vector<16xf32>,
    %iota3A = tpu.iota {dimensions = array<i32: 0>} : vector<16xi32>
    %broadcast_in_dim3A = arith.constant 0 : i32
    %broadcast_in_dim3A_6 = vector.broadcast %broadcast_in_dim3A : i32 to vector<16xi32>
    %get3A_7 = arith.constant 0 : index
    %get3A_8 = tpu.vector_load %arg9[%get3A_7] {strides = array<i32>} : memref<512xi32, #tpu.memory_space<vmem>>, vector<16xi32>,
    %get3A_9 = arith.constant 0 : index
    %get3A_10 = tpu.vector_load %arg10[%get3A_9] {strides = array<i32>} : memref<512xi32, #tpu.memory_space<vmem>>, vector<16xi32>,
    %slice3A = vector.extract_strided_slice %get3A_8 {offsets = [0], sizes = [1], strides = [1]} : vector<16xi32> to vector<1xi32>
    %squeeze3A = vector.extract %slice3A[0] : i32 from vector<1xi32>
    %slice3A_11 = vector.extract_strided_slice %get3A_10 {offsets = [0], sizes = [1], strides = [1]} : vector<16xi32> to vector<1xi32>
    %squeeze3A_12 = vector.extract %slice3A_11[0] : i32 from vector<1xi32>
    %jit3A = arith.constant 128 : i32
    %div3A = arith.divsi %squeeze3A, %jit3A : i32
    %sign3A = arith.constant 0 : i32
    %sign3A_13 = arith.cmpi sgt, %squeeze3A, %sign3A : i32
    %sign3A_14 = arith.extui %sign3A_13 : i1 to i32
    %sign3A_15 = arith.constant 0 : i32
    %sign3A_16 = arith.cmpi slt, %squeeze3A, %sign3A_15 : i32
    %sign3A_17 = arith.extui %sign3A_16 : i1 to i32
    %sign3A_18 = arith.subi %sign3A_14, %sign3A_17 : i32
    %sign3A_19 = arith.constant 0 : i32
    %sign3A_20 = arith.cmpi sgt, %jit3A, %sign3A_19 : i32
    %sign3A_21 = arith.extui %sign3A_20 : i1 to i32
    %sign3A_22 = arith.constant 0 : i32
    %sign3A_23 = arith.cmpi slt, %jit3A, %sign3A_22 : i32
    %sign3A_24 = arith.extui %sign3A_23 : i1 to i32
    %sign3A_25 = arith.subi %sign3A_21, %sign3A_24 : i32
    %ne3A = arith.cmpi ne, %sign3A_18, %sign3A_25 : i32
    %rem3A = arith.remsi %squeeze3A, %jit3A : i32
    %ne3A_26 = arith.constant 0 : i32
    %ne3A_27 = arith.cmpi ne, %rem3A, %ne3A_26 : i32
    %and3A = arith.andi %ne3A, %ne3A_27 : i1
    %sub3A = arith.constant 1 : i32
    %sub3A_28 = arith.subi %div3A, %sub3A : i32
    %select_n3A = arith.select %and3A, %sub3A_28, %div3A : i32
    %mul3A_29 = arith.constant 128 : i32
    %mul3A_30 = arith.muli %select_n3A, %mul3A_29 : i32
    %multiple_of3A = tpu.assume_multiple %mul3A_30, 128 : i32
    %jit3A_31 = arith.constant 128 : i32
    %div3A_32 = arith.divsi %squeeze3A_12, %jit3A_31 : i32
    %sign3A_33 = arith.constant 0 : i32
    %sign3A_34 = arith.cmpi sgt, %squeeze3A_12, %sign3A_33 : i32
    %sign3A_35 = arith.extui %sign3A_34 : i1 to i32
    %sign3A_36 = arith.constant 0 : i32
    %sign3A_37 = arith.cmpi slt, %squeeze3A_12, %sign3A_36 : i32
    %sign3A_38 = arith.extui %sign3A_37 : i1 to i32
    %sign3A_39 = arith.subi %sign3A_35, %sign3A_38 : i32
    %sign3A_40 = arith.constant 0 : i32
    %sign3A_41 = arith.cmpi sgt, %jit3A_31, %sign3A_40 : i32
    %sign3A_42 = arith.extui %sign3A_41 : i1 to i32
    %sign3A_43 = arith.constant 0 : i32
    %sign3A_44 = arith.cmpi slt, %jit3A_31, %sign3A_43 : i32
    %sign3A_45 = arith.extui %sign3A_44 : i1 to i32
    %sign3A_46 = arith.subi %sign3A_42, %sign3A_45 : i32
    %ne3A_47 = arith.cmpi ne, %sign3A_39, %sign3A_46 : i32
    %rem3A_48 = arith.remsi %squeeze3A_12, %jit3A_31 : i32
    %ne3A_49 = arith.constant 0 : i32
    %ne3A_50 = arith.cmpi ne, %rem3A_48, %ne3A_49 : i32
    %and3A_51 = arith.andi %ne3A_47, %ne3A_50 : i1
    %sub3A_52 = arith.constant 1 : i32
    %sub3A_53 = arith.subi %div3A_32, %sub3A_52 : i32
    %select_n3A_54 = arith.select %and3A_51, %sub3A_53, %div3A_32 : i32
    %mul3A_55 = arith.constant 128 : i32
    %mul3A_56 = arith.muli %select_n3A_54, %mul3A_55 : i32
    %multiple_of3A_57 = tpu.assume_multiple %mul3A_56, 128 : i32
    %dma_start3A = arith.constant 0 : i32
    %dma_start3A_58 = arith.constant 0 : i32
    %dma_start3A_59 = arith.constant 0 : i32
    %dma_start3A_60 = tpu.memref_slice %arg11[%dma_start3A, %dma_start3A_58, %dma_start3A_59] : memref<8x32x128xf32, #tpu.memory_space<vmem>> -> memref<1x32x128xf32, #tpu.memory_space<vmem>>
    %dma_start3A_61 = tpu.memref_squeeze %dma_start3A_60 : memref<1x32x128xf32, #tpu.memory_space<vmem>> -> memref<32x128xf32, #tpu.memory_space<vmem>>
    %dma_start3A_62 = arith.constant 0 : i32
    %dma_start3A_63 = tpu.memref_slice %arg4[%dma_start3A_62, %multiple_of3A] : memref<32x1000000xf32, #tpu.memory_space<hbm>> -> memref<32x128xf32, #tpu.memory_space<hbm>>
    %dma_start3A_64 = arith.constant 0 : i32
    %dma_start3A_65 = arith.constant 0 : i32
    %dma_start3A_66 = tpu.memref_slice %arg11[%dma_start3A, %dma_start3A_64, %dma_start3A_65] : memref<8x32x128xf32, #tpu.memory_space<vmem>> -> memref<1x32x128xf32, #tpu.memory_space<vmem>>
    %dma_start3A_67 = tpu.memref_squeeze %dma_start3A_66 : memref<1x32x128xf32, #tpu.memory_space<vmem>> -> memref<32x128xf32, #tpu.memory_space<vmem>>
    %dma_start3A_68 = arith.constant 0 : i32
    %dma_start3A_69 = tpu.memref_slice %arg4[%dma_start3A_68, %multiple_of3A] : memref<32x1000000xf32, #tpu.memory_space<hbm>> -> memref<32x128xf32, #tpu.memory_space<hbm>>
    tpu.enqueue_dma source(%dma_start3A_69 : memref<32x128xf32, #tpu.memory_space<hbm>>) target(%dma_start3A_67 : memref<32x128xf32, #tpu.memory_space<vmem>>) target_semaphore(%arg17 : memref<!tpu.dma_semaphore, #tpu.memory_space<semaphore_mem>>)
    %dma_start3A_70 = arith.constant 0 : i32
    %dma_start3A_71 = arith.constant 0 : i32
    %dma_start3A_72 = arith.constant 0 : i32
    %dma_start3A_73 = tpu.memref_slice %arg12[%dma_start3A_70, %dma_start3A_71, %dma_start3A_72] : memref<8x32x128xf32, #tpu.memory_space<vmem>> -> memref<1x32x128xf32, #tpu.memory_space<vmem>>
    %dma_start3A_74 = tpu.memref_squeeze %dma_start3A_73 : memref<1x32x128xf32, #tpu.memory_space<vmem>> -> memref<32x128xf32, #tpu.memory_space<vmem>>
    %dma_start3A_75 = arith.constant 0 : i32
    %dma_start3A_76 = tpu.memref_slice %arg5[%dma_start3A_75, %multiple_of3A_57] : memref<32x1000000xf32, #tpu.memory_space<hbm>> -> memref<32x128xf32, #tpu.memory_space<hbm>>
    %dma_start3A_77 = arith.constant 0 : i32
    %dma_start3A_78 = arith.constant 0 : i32
    %dma_start3A_79 = tpu.memref_slice %arg12[%dma_start3A_70, %dma_start3A_77, %dma_start3A_78] : memref<8x32x128xf32, #tpu.memory_space<vmem>> -> memref<1x32x128xf32, #tpu.memory_space<vmem>>
    %dma_start3A_80 = tpu.memref_squeeze %dma_start3A_79 : memref<1x32x128xf32, #tpu.memory_space<vmem>> -> memref<32x128xf32, #tpu.memory_space<vmem>>
    %dma_start3A_81 = arith.constant 0 : i32
    %dma_start3A_82 = tpu.memref_slice %arg5[%dma_start3A_81, %multiple_of3A_57] : memref<32x1000000xf32, #tpu.memory_space<hbm>> -> memref<32x128xf32, #tpu.memory_space<hbm>>
    tpu.enqueue_dma source(%dma_start3A_82 : memref<32x128xf32, #tpu.memory_space<hbm>>) target(%dma_start3A_80 : memref<32x128xf32, #tpu.memory_space<vmem>>) target_semaphore(%arg17 : memref<!tpu.dma_semaphore, #tpu.memory_space<semaphore_mem>>)
    %slice3A_83 = vector.extract_strided_slice %get3A_8 {offsets = [1], sizes = [1], strides = [1]} : vector<16xi32> to vector<1xi32>
    %squeeze3A_84 = vector.extract %slice3A_83[0] : i32 from vector<1xi32>
    %slice3A_85 = vector.extract_strided_slice %get3A_10 {offsets = [1], sizes = [1], strides = [1]} : vector<16xi32> to vector<1xi32>
    %squeeze3A_86 = vector.extract %slice3A_85[0] : i32 from vector<1xi32>
    %jit3A_87 = arith.constant 128 : i32
    %div3A_88 = arith.divsi %squeeze3A_84, %jit3A_87 : i32
    %sign3A_89 = arith.constant 0 : i32
    %sign3A_90 = arith.cmpi sgt, %squeeze3A_84, %sign3A_89 : i32
    %sign3A_91 = arith.extui %sign3A_90 : i1 to i32
    %sign3A_92 = arith.constant 0 : i32
    %sign3A_93 = arith.cmpi slt, %squeeze3A_84, %sign3A_92 : i32
    %sign3A_94 = arith.extui %sign3A_93 : i1 to i32
    %sign3A_95 = arith.subi %sign3A_91, %sign3A_94 : i32
    %sign3A_96 = arith.constant 0 : i32
    %sign3A_97 = arith.cmpi sgt, %jit3A_87, %sign3A_96 : i32
    %sign3A_98 = arith.extui %sign3A_97 : i1 to i32
    %sign3A_99 = arith.constant 0 : i32
    %sign3A_100 = arith.cmpi slt, %jit3A_87, %sign3A_99 : i32
    %sign3A_101 = arith.extui %sign3A_100 : i1 to i32
    %sign3A_102 = arith.subi %sign3A_98, %sign3A_101 : i32
    %ne3A_103 = arith.cmpi ne, %sign3A_95, %sign3A_102 : i32
    %rem3A_104 = arith.remsi %squeeze3A_84, %jit3A_87 : i32
    %ne3A_105 = arith.constant 0 : i32
    %ne3A_106 = arith.cmpi ne, %rem3A_104, %ne3A_105 : i32
    %and3A_107 = arith.andi %ne3A_103, %ne3A_106 : i1
    %sub3A_108 = arith.constant 1 : i32
    %sub3A_109 = arith.subi %div3A_88, %sub3A_108 : i32
    %select_n3A_110 = arith.select %and3A_107, %sub3A_109, %div3A_88 : i32
    %mul3A_111 = arith.constant 128 : i32
    %mul3A_112 = arith.muli %select_n3A_110, %mul3A_111 : i32
    %multiple_of3A_113 = tpu.assume_multiple %mul3A_112, 128 : i32
    %jit3A_114 = arith.constant 128 : i32
    %div3A_115 = arith.divsi %squeeze3A_86, %jit3A_114 : i32
    %sign3A_116 = arith.constant 0 : i32
    %sign3A_117 = arith.cmpi sgt, %squeeze3A_86, %sign3A_116 : i32
    %sign3A_118 = arith.extui %sign3A_117 : i1 to i32
    %sign3A_119 = arith.constant 0 : i32
    %sign3A_120 = arith.cmpi slt, %squeeze3A_86, %sign3A_119 : i32
    %sign3A_121 = arith.extui %sign3A_120 : i1 to i32
    %sign3A_122 = arith.subi %sign3A_118, %sign3A_121 : i32
    %sign3A_123 = arith.constant 0 : i32
    %sign3A_124 = arith.cmpi sgt, %jit3A_114, %sign3A_123 : i32
    %sign3A_125 = arith.extui %sign3A_124 : i1 to i32
    %sign3A_126 = arith.constant 0 : i32
    %sign3A_127 = arith.cmpi slt, %jit3A_114, %sign3A_126 : i32
    %sign3A_128 = arith.extui %sign3A_127 : i1 to i32
    %sign3A_129 = arith.subi %sign3A_125, %sign3A_128 : i32
    %ne3A_130 = arith.cmpi ne, %sign3A_122, %sign3A_129 : i32
    %rem3A_131 = arith.remsi %squeeze3A_86, %jit3A_114 : i32
    %ne3A_132 = arith.constant 0 : i32
    %ne3A_133 = arith.cmpi ne, %rem3A_131, %ne3A_132 : i32
    %and3A_134 = arith.andi %ne3A_130, %ne3A_133 : i1
    %sub3A_135 = arith.constant 1 : i32
    %sub3A_136 = arith.subi %div3A_115, %sub3A_135 : i32
    %select_n3A_137 = arith.select %and3A_134, %sub3A_136, %div3A_115 : i32
    %mul3A_138 = arith.constant 128 : i32
    %mul3A_139 = arith.muli %select_n3A_137, %mul3A_138 : i32
    %multiple_of3A_140 = tpu.assume_multiple %mul3A_139, 128 : i32
    %dma_start3A_141 = arith.constant 1 : i32
    %dma_start3A_142 = arith.constant 0 : i32
    %dma_start3A_143 = arith.constant 0 : i32
    %dma_start3A_144 = tpu.memref_slice %arg11[%dma_start3A_141, %dma_start3A_142, %dma_start3A_143] : memref<8x32x128xf32, #tpu.memory_space<vmem>> -> memref<1x32x128xf32, #tpu.memory_space<vmem>>
    %dma_start3A_145 = tpu.memref_squeeze %dma_start3A_144 : memref<1x32x128xf32, #tpu.memory_space<vmem>> -> memref<32x128xf32, #tpu.memory_space<vmem>>
    %dma_start3A_146 = arith.constant 0 : i32
    %dma_start3A_147 = tpu.memref_slice %arg4[%dma_start3A_146, %multiple_of3A_113] : memref<32x1000000xf32, #tpu.memory_space<hbm>> -> memref<32x128xf32, #tpu.memory_space<hbm>>
    %dma_start3A_148 = arith.constant 0 : i32
    %dma_start3A_149 = arith.constant 0 : i32
    %dma_start3A_150 = tpu.memref_slice %arg11[%dma_start3A_141, %dma_start3A_148, %dma_start3A_149] : memref<8x32x128xf32, #tpu.memory_space<vmem>> -> memref<1x32x128xf32, #tpu.memory_space<vmem>>
    %dma_start3A_151 = tpu.memref_squeeze %dma_start3A_150 : memref<1x32x128xf32, #tpu.memory_space<vmem>> -> memref<32x128xf32, #tpu.memory_space<vmem>>
    %dma_start3A_152 = arith.constant 0 : i32
    %dma_start3A_153 = tpu.memref_slice %arg4[%dma_start3A_152, %multiple_of3A_113] : memref<32x1000000xf32, #tpu.memory_space<hbm>> -> memref<32x128xf32, #tpu.memory_space<hbm>>
    tpu.enqueue_dma source(%dma_start3A_153 : memref<32x128xf32, #tpu.memory_space<hbm>>) target(%dma_start3A_151 : memref<32x128xf32, #tpu.memory_space<vmem>>) target_semaphore(%arg18 : memref<!tpu.dma_semaphore, #tpu.memory_space<semaphore_mem>>)
    %dma_start3A_154 = arith.constant 1 : i32
    %dma_start3A_155 = arith.constant 0 : i32
    %dma_start3A_156 = arith.constant 0 : i32
    %dma_start3A_157 = tpu.memref_slice %arg12[%dma_start3A_154, %dma_start3A_155, %dma_start3A_156] : memref<8x32x128xf32, #tpu.memory_space<vmem>> -> memref<1x32x128xf32, #tpu.memory_space<vmem>>
    %dma_start3A_158 = tpu.memref_squeeze %dma_start3A_157 : memref<1x32x128xf32, #tpu.memory_space<vmem>> -> memref<32x128xf32, #tpu.memory_space<vmem>>
    %dma_start3A_159 = arith.constant 0 : i32
    %dma_start3A_160 = tpu.memref_slice %arg5[%dma_start3A_159, %multiple_of3A_140] : memref<32x1000000xf32, #tpu.memory_space<hbm>> -> memref<32x128xf32, #tpu.memory_space<hbm>>
    %dma_start3A_161 = arith.constant 0 : i32
    %dma_start3A_162 = arith.constant 0 : i32
    %dma_start3A_163 = tpu.memref_slice %arg12[%dma_start3A_154, %dma_start3A_161, %dma_start3A_162] : memref<8x32x128xf32, #tpu.memory_space<vmem>> -> memref<1x32x128xf32, #tpu.memory_space<vmem>>
    %dma_start3A_164 = tpu.memref_squeeze %dma_start3A_163 : memref<1x32x128xf32, #tpu.memory_space<vmem>> -> memref<32x128xf32, #tpu.memory_space<vmem>>
    %dma_start3A_165 = arith.constant 0 : i32
    %dma_start3A_166 = tpu.memref_slice %arg5[%dma_start3A_165, %multiple_of3A_140] : memref<32x1000000xf32, #tpu.memory_space<hbm>> -> memref<32x128xf32, #tpu.memory_space<hbm>>
    tpu.enqueue_dma source(%dma_start3A_166 : memref<32x128xf32, #tpu.memory_space<hbm>>) target(%dma_start3A_164 : memref<32x128xf32, #tpu.memory_space<vmem>>) target_semaphore(%arg18 : memref<!tpu.dma_semaphore, #tpu.memory_space<semaphore_mem>>)
    %slice3A_167 = vector.extract_strided_slice %get3A_8 {offsets = [2], sizes = [1], strides = [1]} : vector<16xi32> to vector<1xi32>
    %squeeze3A_168 = vector.extract %slice3A_167[0] : i32 from vector<1xi32>
    %slice3A_169 = vector.extract_strided_slice %get3A_10 {offsets = [2], sizes = [1], strides = [1]} : vector<16xi32> to vector<1xi32>
    %squeeze3A_170 = vector.extract %slice3A_169[0] : i32 from vector<1xi32>
    %jit3A_171 = arith.constant 128 : i32
    %div3A_172 = arith.divsi %squeeze3A_168, %jit3A_171 : i32
    %sign3A_173 = arith.constant 0 : i32
    %sign3A_174 = arith.cmpi sgt, %squeeze3A_168, %sign3A_173 : i32
    %sign3A_175 = arith.extui %sign3A_174 : i1 to i32
    %sign3A_176 = arith.constant 0 : i32
    %sign3A_177 = arith.cmpi slt, %squeeze3A_168, %sign3A_176 : i32
    %sign3A_178 = arith.extui %sign3A_177 : i1 to i32
    %sign3A_179 = arith.subi %sign3A_175, %sign3A_178 : i32
    %sign3A_180 = arith.constant 0 : i32
    %sign3A_181 = arith.cmpi sgt, %jit3A_171, %sign3A_180 : i32
    %sign3A_182 = arith.extui %sign3A_181 : i1 to i32
    %sign3A_183 = arith.constant 0 : i32
    %sign3A_184 = arith.cmpi slt, %jit3A_171, %sign3A_183 : i32
    %sign3A_185 = arith.extui %sign3A_184 : i1 to i32
    %sign3A_186 = arith.subi %sign3A_182, %sign3A_185 : i32
    %ne3A_187 = arith.cmpi ne, %sign3A_179, %sign3A_186 : i32
    %rem3A_188 = arith.remsi %squeeze3A_168, %jit3A_171 : i32
    %ne3A_189 = arith.constant 0 : i32
    %ne3A_190 = arith.cmpi ne, %rem3A_188, %ne3A_189 : i32
    %and3A_191 = arith.andi %ne3A_187, %ne3A_190 : i1
    %sub3A_192 = arith.constant 1 : i32
    %sub3A_193 = arith.subi %div3A_172, %sub3A_192 : i32
    %select_n3A_194 = arith.select %and3A_191, %sub3A_193, %div3A_172 : i32
    %mul3A_195 = arith.constant 128 : i32
    %mul3A_196 = arith.muli %select_n3A_194, %mul3A_195 : i32
    %multiple_of3A_197 = tpu.assume_multiple %mul3A_196, 128 : i32
    %jit3A_198 = arith.constant 128 : i32
    %div3A_199 = arith.divsi %squeeze3A_170, %jit3A_198 : i32
    %sign3A_200 = arith.constant 0 : i32
    %sign3A_201 = arith.cmpi sgt, %squeeze3A_170, %sign3A_200 : i32
    %sign3A_202 = arith.extui %sign3A_201 : i1 to i32
    %sign3A_203 = arith.constant 0 : i32
    %sign3A_204 = arith.cmpi slt, %squeeze3A_170, %sign3A_203 : i32
    %sign3A_205 = arith.extui %sign3A_204 : i1 to i32
    %sign3A_206 = arith.subi %sign3A_202, %sign3A_205 : i32
    %sign3A_207 = arith.constant 0 : i32
    %sign3A_208 = arith.cmpi sgt, %jit3A_198, %sign3A_207 : i32
    %sign3A_209 = arith.extui %sign3A_208 : i1 to i32
    %sign3A_210 = arith.constant 0 : i32
    %sign3A_211 = arith.cmpi slt, %jit3A_198, %sign3A_210 : i32
    %sign3A_212 = arith.extui %sign3A_211 : i1 to i32
    %sign3A_213 = arith.subi %sign3A_209, %sign3A_212 : i32
    %ne3A_214 = arith.cmpi ne, %sign3A_206, %sign3A_213 : i32
    %rem3A_215 = arith.remsi %squeeze3A_170, %jit3A_198 : i32
    %ne3A_216 = arith.constant 0 : i32
    %ne3A_217 = arith.cmpi ne, %rem3A_215, %ne3A_216 : i32
    %and3A_218 = arith.andi %ne3A_214, %ne3A_217 : i1
    %sub3A_219 = arith.constant 1 : i32
    %sub3A_220 = arith.subi %div3A_199, %sub3A_219 : i32
    %select_n3A_221 = arith.select %and3A_218, %sub3A_220, %div3A_199 : i32
    %mul3A_222 = arith.constant 128 : i32
    %mul3A_223 = arith.muli %select_n3A_221, %mul3A_222 : i32
    %multiple_of3A_224 = tpu.assume_multiple %mul3A_223, 128 : i32
    %dma_start3A_225 = arith.constant 2 : i32
    %dma_start3A_226 = arith.constant 0 : i32
    %dma_start3A_227 = arith.constant 0 : i32
    %dma_start3A_228 = tpu.memref_slice %arg11[%dma_start3A_225, %dma_start3A_226, %dma_start3A_227] : memref<8x32x128xf32, #tpu.memory_space<vmem>> -> memref<1x32x128xf32, #tpu.memory_space<vmem>>
    %dma_start3A_229 = tpu.memref_squeeze %dma_start3A_228 : memref<1x32x128xf32, #tpu.memory_space<vmem>> -> memref<32x128xf32, #tpu.memory_space<vmem>>
    %dma_start3A_230 = arith.constant 0 : i32
    %dma_start3A_231 = tpu.memref_slice %arg4[%dma_start3A_230, %multiple_of3A_197] : memref<32x1000000xf32, #tpu.memory_space<hbm>> -> memref<32x128xf32, #tpu.memory_space<hbm>>
    %dma_start3A_232 = arith.constant 0 : i32
    %dma_start3A_233 = arith.constant 0 : i32
    %dma_start3A_234 = tpu.memref_slice %arg11[%dma_start3A_225, %dma_start3A_232, %dma_start3A_233] : memref<8x32x128xf32, #tpu.memory_space<vmem>> -> memref<1x32x128xf32, #tpu.memory_space<vmem>>
    %dma_start3A_235 = tpu.memref_squeeze %dma_start3A_234 : memref<1x32x128xf32, #tpu.memory_space<vmem>> -> memref<32x128xf32, #tpu.memory_space<vmem>>
    %dma_start3A_236 = arith.constant 0 : i32
    %dma_start3A_237 = tpu.memref_slice %arg4[%dma_start3A_236, %multiple_of3A_197] : memref<32x1000000xf32, #tpu.memory_space<hbm>> -> memref<32x128xf32, #tpu.memory_space<hbm>>
    tpu.enqueue_dma source(%dma_start3A_237 : memref<32x128xf32, #tpu.memory_space<hbm>>) target(%dma_start3A_235 : memref<32x128xf32, #tpu.memory_space<vmem>>) target_semaphore(%arg19 : memref<!tpu.dma_semaphore, #tpu.memory_space<semaphore_mem>>)
    %dma_start3A_238 = arith.constant 2 : i32
    %dma_start3A_239 = arith.constant 0 : i32
    %dma_start3A_240 = arith.constant 0 : i32
    %dma_start3A_241 = tpu.memref_slice %arg12[%dma_start3A_238, %dma_start3A_239, %dma_start3A_240] : memref<8x32x128xf32, #tpu.memory_space<vmem>> -> memref<1x32x128xf32, #tpu.memory_space<vmem>>
    %dma_start3A_242 = tpu.memref_squeeze %dma_start3A_241 : memref<1x32x128xf32, #tpu.memory_space<vmem>> -> memref<32x128xf32, #tpu.memory_space<vmem>>
    %dma_start3A_243 = arith.constant 0 : i32
    %dma_start3A_244 = tpu.memref_slice %arg5[%dma_start3A_243, %multiple_of3A_224] : memref<32x1000000xf32, #tpu.memory_space<hbm>> -> memref<32x128xf32, #tpu.memory_space<hbm>>
    %dma_start3A_245 = arith.constant 0 : i32
    %dma_start3A_246 = arith.constant 0 : i32
    %dma_start3A_247 = tpu.memref_slice %arg12[%dma_start3A_238, %dma_start3A_245, %dma_start3A_246] : memref<8x32x128xf32, #tpu.memory_space<vmem>> -> memref<1x32x128xf32, #tpu.memory_space<vmem>>
    %dma_start3A_248 = tpu.memref_squeeze %dma_start3A_247 : memref<1x32x128xf32, #tpu.memory_space<vmem>> -> memref<32x128xf32, #tpu.memory_space<vmem>>
    %dma_start3A_249 = arith.constant 0 : i32
    %dma_start3A_250 = tpu.memref_slice %arg5[%dma_start3A_249, %multiple_of3A_224] : memref<32x1000000xf32, #tpu.memory_space<hbm>> -> memref<32x128xf32, #tpu.memory_space<hbm>>
    tpu.enqueue_dma source(%dma_start3A_250 : memref<32x128xf32, #tpu.memory_space<hbm>>) target(%dma_start3A_248 : memref<32x128xf32, #tpu.memory_space<vmem>>) target_semaphore(%arg19 : memref<!tpu.dma_semaphore, #tpu.memory_space<semaphore_mem>>)
    %slice3A_251 = vector.extract_strided_slice %get3A_8 {offsets = [3], sizes = [1], strides = [1]} : vector<16xi32> to vector<1xi32>
    %squeeze3A_252 = vector.extract %slice3A_251[0] : i32 from vector<1xi32>
    %slice3A_253 = vector.extract_strided_slice %get3A_10 {offsets = [3], sizes = [1], strides = [1]} : vector<16xi32> to vector<1xi32>
    %squeeze3A_254 = vector.extract %slice3A_253[0] : i32 from vector<1xi32>
    %jit3A_255 = arith.constant 128 : i32
    %div3A_256 = arith.divsi %squeeze3A_252, %jit3A_255 : i32
    %sign3A_257 = arith.constant 0 : i32
    %sign3A_258 = arith.cmpi sgt, %squeeze3A_252, %sign3A_257 : i32
    %sign3A_259 = arith.extui %sign3A_258 : i1 to i32
    %sign3A_260 = arith.constant 0 : i32
    %sign3A_261 = arith.cmpi slt, %squeeze3A_252, %sign3A_260 : i32
    %sign3A_262 = arith.extui %sign3A_261 : i1 to i32
    %sign3A_263 = arith.subi %sign3A_259, %sign3A_262 : i32
    %sign3A_264 = arith.constant 0 : i32
    %sign3A_265 = arith.cmpi sgt, %jit3A_255, %sign3A_264 : i32
    %sign3A_266 = arith.extui %sign3A_265 : i1 to i32
    %sign3A_267 = arith.constant 0 : i32
    %sign3A_268 = arith.cmpi slt, %jit3A_255, %sign3A_267 : i32
    %sign3A_269 = arith.extui %sign3A_268 : i1 to i32
    %sign3A_270 = arith.subi %sign3A_266, %sign3A_269 : i32
    %ne3A_271 = arith.cmpi ne, %sign3A_263, %sign3A_270 : i32
    %rem3A_272 = arith.remsi %squeeze3A_252, %jit3A_255 : i32
    %ne3A_273 = arith.constant 0 : i32
    %ne3A_274 = arith.cmpi ne, %rem3A_272, %ne3A_273 : i32
    %and3A_275 = arith.andi %ne3A_271, %ne3A_274 : i1
    %sub3A_276 = arith.constant 1 : i32
    %sub3A_277 = arith.subi %div3A_256, %sub3A_276 : i32
    %select_n3A_278 = arith.select %and3A_275, %sub3A_277, %div3A_256 : i32
    %mul3A_279 = arith.constant 128 : i32
    %mul3A_280 = arith.muli %select_n3A_278, %mul3A_279 : i32
    %multiple_of3A_281 = tpu.assume_multiple %mul3A_280, 128 : i32
    %jit3A_282 = arith.constant 128 : i32
    %div3A_283 = arith.divsi %squeeze3A_254, %jit3A_282 : i32
    %sign3A_284 = arith.constant 0 : i32
    %sign3A_285 = arith.cmpi sgt, %squeeze3A_254, %sign3A_284 : i32
    %sign3A_286 = arith.extui %sign3A_285 : i1 to i32
    %sign3A_287 = arith.constant 0 : i32
    %sign3A_288 = arith.cmpi slt, %squeeze3A_254, %sign3A_287 : i32
    %sign3A_289 = arith.extui %sign3A_288 : i1 to i32
    %sign3A_290 = arith.subi %sign3A_286, %sign3A_289 : i32
    %sign3A_291 = arith.constant 0 : i32
    %sign3A_292 = arith.cmpi sgt, %jit3A_282, %sign3A_291 : i32
    %sign3A_293 = arith.extui %sign3A_292 : i1 to i32
    %sign3A_294 = arith.constant 0 : i32
    %sign3A_295 = arith.cmpi slt, %jit3A_282, %sign3A_294 : i32
    %sign3A_296 = arith.extui %sign3A_295 : i1 to i32
    %sign3A_297 = arith.subi %sign3A_293, %sign3A_296 : i32
    %ne3A_298 = arith.cmpi ne, %sign3A_290, %sign3A_297 : i32
    %rem3A_299 = arith.remsi %squeeze3A_254, %jit3A_282 : i32
    %ne3A_300 = arith.constant 0 : i32
    %ne3A_301 = arith.cmpi ne, %rem3A_299, %ne3A_300 : i32
    %and3A_302 = arith.andi %ne3A_298, %ne3A_301 : i1
    %sub3A_303 = arith.constant 1 : i32
    %sub3A_304 = arith.subi %div3A_283, %sub3A_303 : i32
    %select_n3A_305 = arith.select %and3A_302, %sub3A_304, %div3A_283 : i32
    %mul3A_306 = arith.constant 128 : i32
    %mul3A_307 = arith.muli %select_n3A_305, %mul3A_306 : i32
    %multiple_of3A_308 = tpu.assume_multiple %mul3A_307, 128 : i32
    %dma_start3A_309 = arith.constant 3 : i32
    %dma_start3A_310 = arith.constant 0 : i32
    %dma_start3A_311 = arith.constant 0 : i32
    %dma_start3A_312 = tpu.memref_slice %arg11[%dma_start3A_309, %dma_start3A_310, %dma_start3A_311] : memref<8x32x128xf32, #tpu.memory_space<vmem>> -> memref<1x32x128xf32, #tpu.memory_space<vmem>>
    %dma_start3A_313 = tpu.memref_squeeze %dma_start3A_312 : memref<1x32x128xf32, #tpu.memory_space<vmem>> -> memref<32x128xf32, #tpu.memory_space<vmem>>
    %dma_start3A_314 = arith.constant 0 : i32
    %dma_start3A_315 = tpu.memref_slice %arg4[%dma_start3A_314, %multiple_of3A_281] : memref<32x1000000xf32, #tpu.memory_space<hbm>> -> memref<32x128xf32, #tpu.memory_space<hbm>>
    %dma_start3A_316 = arith.constant 0 : i32
    %dma_start3A_317 = arith.constant 0 : i32
    %dma_start3A_318 = tpu.memref_slice %arg11[%dma_start3A_309, %dma_start3A_316, %dma_start3A_317] : memref<8x32x128xf32, #tpu.memory_space<vmem>> -> memref<1x32x128xf32, #tpu.memory_space<vmem>>
    %dma_start3A_319 = tpu.memref_squeeze %dma_start3A_318 : memref<1x32x128xf32, #tpu.memory_space<vmem>> -> memref<32x128xf32, #tpu.memory_space<vmem>>
    %dma_start3A_320 = arith.constant 0 : i32
    %dma_start3A_321 = tpu.memref_slice %arg4[%dma_start3A_320, %multiple_of3A_281] : memref<32x1000000xf32, #tpu.memory_space<hbm>> -> memref<32x128xf32, #tpu.memory_space<hbm>>
    tpu.enqueue_dma source(%dma_start3A_321 : memref<32x128xf32, #tpu.memory_space<hbm>>) target(%dma_start3A_319 : memref<32x128xf32, #tpu.memory_space<vmem>>) target_semaphore(%arg20 : memref<!tpu.dma_semaphore, #tpu.memory_space<semaphore_mem>>)
    %dma_start3A_322 = arith.constant 3 : i32
    %dma_start3A_323 = arith.constant 0 : i32
    %dma_start3A_324 = arith.constant 0 : i32
    %dma_start3A_325 = tpu.memref_slice %arg12[%dma_start3A_322, %dma_start3A_323, %dma_start3A_324] : memref<8x32x128xf32, #tpu.memory_space<vmem>> -> memref<1x32x128xf32, #tpu.memory_space<vmem>>
    %dma_start3A_326 = tpu.memref_squeeze %dma_start3A_325 : memref<1x32x128xf32, #tpu.memory_space<vmem>> -> memref<32x128xf32, #tpu.memory_space<vmem>>
    %dma_start3A_327 = arith.constant 0 : i32
    %dma_start3A_328 = tpu.memref_slice %arg5[%dma_start3A_327, %multiple_of3A_308] : memref<32x1000000xf32, #tpu.memory_space<hbm>> -> memref<32x128xf32, #tpu.memory_space<hbm>>
    %dma_start3A_329 = arith.constant 0 : i32
    %dma_start3A_330 = arith.constant 0 : i32
    %dma_start3A_331 = tpu.memref_slice %arg12[%dma_start3A_322, %dma_start3A_329, %dma_start3A_330] : memref<8x32x128xf32, #tpu.memory_space<vmem>> -> memref<1x32x128xf32, #tpu.memory_space<vmem>>
    %dma_start3A_332 = tpu.memref_squeeze %dma_start3A_331 : memref<1x32x128xf32, #tpu.memory_space<vmem>> -> memref<32x128xf32, #tpu.memory_space<vmem>>
    %dma_start3A_333 = arith.constant 0 : i32
    %dma_start3A_334 = tpu.memref_slice %arg5[%dma_start3A_333, %multiple_of3A_308] : memref<32x1000000xf32, #tpu.memory_space<hbm>> -> memref<32x128xf32, #tpu.memory_space<hbm>>
    tpu.enqueue_dma source(%dma_start3A_334 : memref<32x128xf32, #tpu.memory_space<hbm>>) target(%dma_start3A_332 : memref<32x128xf32, #tpu.memory_space<vmem>>) target_semaphore(%arg20 : memref<!tpu.dma_semaphore, #tpu.memory_space<semaphore_mem>>)
    %slice3A_335 = vector.extract_strided_slice %get3A_8 {offsets = [4], sizes = [1], strides = [1]} : vector<16xi32> to vector<1xi32>
    %squeeze3A_336 = vector.extract %slice3A_335[0] : i32 from vector<1xi32>
    %slice3A_337 = vector.extract_strided_slice %get3A_10 {offsets = [4], sizes = [1], strides = [1]} : vector<16xi32> to vector<1xi32>
    %squeeze3A_338 = vector.extract %slice3A_337[0] : i32 from vector<1xi32>
    %jit3A_339 = arith.constant 128 : i32
    %div3A_340 = arith.divsi %squeeze3A_336, %jit3A_339 : i32
    %sign3A_341 = arith.constant 0 : i32
    %sign3A_342 = arith.cmpi sgt, %squeeze3A_336, %sign3A_341 : i32
    %sign3A_343 = arith.extui %sign3A_342 : i1 to i32
    %sign3A_344 = arith.constant 0 : i32
    %sign3A_345 = arith.cmpi slt, %squeeze3A_336, %sign3A_344 : i32
    %sign3A_346 = arith.extui %sign3A_345 : i1 to i32
    %sign3A_347 = arith.subi %sign3A_343, %sign3A_346 : i32
    %sign3A_348 = arith.constant 0 : i32
    %sign3A_349 = arith.cmpi sgt, %jit3A_339, %sign3A_348 : i32
    %sign3A_350 = arith.extui %sign3A_349 : i1 to i32
    %sign3A_351 = arith.constant 0 : i32
    %sign3A_352 = arith.cmpi slt, %jit3A_339, %sign3A_351 : i32
    %sign3A_353 = arith.extui %sign3A_352 : i1 to i32
    %sign3A_354 = arith.subi %sign3A_350, %sign3A_353 : i32
    %ne3A_355 = arith.cmpi ne, %sign3A_347, %sign3A_354 : i32
    %rem3A_356 = arith.remsi %squeeze3A_336, %jit3A_339 : i32
    %ne3A_357 = arith.constant 0 : i32
    %ne3A_358 = arith.cmpi ne, %rem3A_356, %ne3A_357 : i32
    %and3A_359 = arith.andi %ne3A_355, %ne3A_358 : i1
    %sub3A_360 = arith.constant 1 : i32
    %sub3A_361 = arith.subi %div3A_340, %sub3A_360 : i32
    %select_n3A_362 = arith.select %and3A_359, %sub3A_361, %div3A_340 : i32
    %mul3A_363 = arith.constant 128 : i32
    %mul3A_364 = arith.muli %select_n3A_362, %mul3A_363 : i32
    %multiple_of3A_365 = tpu.assume_multiple %mul3A_364, 128 : i32
    %jit3A_366 = arith.constant 128 : i32
    %div3A_367 = arith.divsi %squeeze3A_338, %jit3A_366 : i32
    %sign3A_368 = arith.constant 0 : i32
    %sign3A_369 = arith.cmpi sgt, %squeeze3A_338, %sign3A_368 : i32
    %sign3A_370 = arith.extui %sign3A_369 : i1 to i32
    %sign3A_371 = arith.constant 0 : i32
    %sign3A_372 = arith.cmpi slt, %squeeze3A_338, %sign3A_371 : i32
    %sign3A_373 = arith.extui %sign3A_372 : i1 to i32
    %sign3A_374 = arith.subi %sign3A_370, %sign3A_373 : i32
    %sign3A_375 = arith.constant 0 : i32
    %sign3A_376 = arith.cmpi sgt, %jit3A_366, %sign3A_375 : i32
    %sign3A_377 = arith.extui %sign3A_376 : i1 to i32
    %sign3A_378 = arith.constant 0 : i32
    %sign3A_379 = arith.cmpi slt, %jit3A_366, %sign3A_378 : i32
    %sign3A_380 = arith.extui %sign3A_379 : i1 to i32
    %sign3A_381 = arith.subi %sign3A_377, %sign3A_380 : i32
    %ne3A_382 = arith.cmpi ne, %sign3A_374, %sign3A_381 : i32
    %rem3A_383 = arith.remsi %squeeze3A_338, %jit3A_366 : i32
    %ne3A_384 = arith.constant 0 : i32
    %ne3A_385 = arith.cmpi ne, %rem3A_383, %ne3A_384 : i32
    %and3A_386 = arith.andi %ne3A_382, %ne3A_385 : i1
    %sub3A_387 = arith.constant 1 : i32
    %sub3A_388 = arith.subi %div3A_367, %sub3A_387 : i32
    %select_n3A_389 = arith.select %and3A_386, %sub3A_388, %div3A_367 : i32
    %mul3A_390 = arith.constant 128 : i32
    %mul3A_391 = arith.muli %select_n3A_389, %mul3A_390 : i32
    %multiple_of3A_392 = tpu.assume_multiple %mul3A_391, 128 : i32
    %dma_start3A_393 = arith.constant 4 : i32
    %dma_start3A_394 = arith.constant 0 : i32
    %dma_start3A_395 = arith.constant 0 : i32
    %dma_start3A_396 = tpu.memref_slice %arg11[%dma_start3A_393, %dma_start3A_394, %dma_start3A_395] : memref<8x32x128xf32, #tpu.memory_space<vmem>> -> memref<1x32x128xf32, #tpu.memory_space<vmem>>
    %dma_start3A_397 = tpu.memref_squeeze %dma_start3A_396 : memref<1x32x128xf32, #tpu.memory_space<vmem>> -> memref<32x128xf32, #tpu.memory_space<vmem>>
    %dma_start3A_398 = arith.constant 0 : i32
    %dma_start3A_399 = tpu.memref_slice %arg4[%dma_start3A_398, %multiple_of3A_365] : memref<32x1000000xf32, #tpu.memory_space<hbm>> -> memref<32x128xf32, #tpu.memory_space<hbm>>
    %dma_start3A_400 = arith.constant 0 : i32
    %dma_start3A_401 = arith.constant 0 : i32
    %dma_start3A_402 = tpu.memref_slice %arg11[%dma_start3A_393, %dma_start3A_400, %dma_start3A_401] : memref<8x32x128xf32, #tpu.memory_space<vmem>> -> memref<1x32x128xf32, #tpu.memory_space<vmem>>
    %dma_start3A_403 = tpu.memref_squeeze %dma_start3A_402 : memref<1x32x128xf32, #tpu.memory_space<vmem>> -> memref<32x128xf32, #tpu.memory_space<vmem>>
    %dma_start3A_404 = arith.constant 0 : i32
    %dma_start3A_405 = tpu.memref_slice %arg4[%dma_start3A_404, %multiple_of3A_365] : memref<32x1000000xf32, #tpu.memory_space<hbm>> -> memref<32x128xf32, #tpu.memory_space<hbm>>
    tpu.enqueue_dma source(%dma_start3A_405 : memref<32x128xf32, #tpu.memory_space<hbm>>) target(%dma_start3A_403 : memref<32x128xf32, #tpu.memory_space<vmem>>) target_semaphore(%arg21 : memref<!tpu.dma_semaphore, #tpu.memory_space<semaphore_mem>>)
    %dma_start3A_406 = arith.constant 4 : i32
    %dma_start3A_407 = arith.constant 0 : i32
    %dma_start3A_408 = arith.constant 0 : i32
    %dma_start3A_409 = tpu.memref_slice %arg12[%dma_start3A_406, %dma_start3A_407, %dma_start3A_408] : memref<8x32x128xf32, #tpu.memory_space<vmem>> -> memref<1x32x128xf32, #tpu.memory_space<vmem>>
    %dma_start3A_410 = tpu.memref_squeeze %dma_start3A_409 : memref<1x32x128xf32, #tpu.memory_space<vmem>> -> memref<32x128xf32, #tpu.memory_space<vmem>>
    %dma_start3A_411 = arith.constant 0 : i32
    %dma_start3A_412 = tpu.memref_slice %arg5[%dma_start3A_411, %multiple_of3A_392] : memref<32x1000000xf32, #tpu.memory_space<hbm>> -> memref<32x128xf32, #tpu.memory_space<hbm>>
    %dma_start3A_413 = arith.constant 0 : i32
    %dma_start3A_414 = arith.constant 0 : i32
    %dma_start3A_415 = tpu.memref_slice %arg12[%dma_start3A_406, %dma_start3A_413, %dma_start3A_414] : memref<8x32x128xf32, #tpu.memory_space<vmem>> -> memref<1x32x128xf32, #tpu.memory_space<vmem>>
    %dma_start3A_416 = tpu.memref_squeeze %dma_start3A_415 : memref<1x32x128xf32, #tpu.memory_space<vmem>> -> memref<32x128xf32, #tpu.memory_space<vmem>>
    %dma_start3A_417 = arith.constant 0 : i32
    %dma_start3A_418 = tpu.memref_slice %arg5[%dma_start3A_417, %multiple_of3A_392] : memref<32x1000000xf32, #tpu.memory_space<hbm>> -> memref<32x128xf32, #tpu.memory_space<hbm>>
    tpu.enqueue_dma source(%dma_start3A_418 : memref<32x128xf32, #tpu.memory_space<hbm>>) target(%dma_start3A_416 : memref<32x128xf32, #tpu.memory_space<vmem>>) target_semaphore(%arg21 : memref<!tpu.dma_semaphore, #tpu.memory_space<semaphore_mem>>)
    %slice3A_419 = vector.extract_strided_slice %get3A_8 {offsets = [5], sizes = [1], strides = [1]} : vector<16xi32> to vector<1xi32>
    %squeeze3A_420 = vector.extract %slice3A_419[0] : i32 from vector<1xi32>
    %slice3A_421 = vector.extract_strided_slice %get3A_10 {offsets = [5], sizes = [1], strides = [1]} : vector<16xi32> to vector<1xi32>
    %squeeze3A_422 = vector.extract %slice3A_421[0] : i32 from vector<1xi32>
    %jit3A_423 = arith.constant 128 : i32
    %div3A_424 = arith.divsi %squeeze3A_420, %jit3A_423 : i32
    %sign3A_425 = arith.constant 0 : i32
    %sign3A_426 = arith.cmpi sgt, %squeeze3A_420, %sign3A_425 : i32
    %sign3A_427 = arith.extui %sign3A_426 : i1 to i32
    %sign3A_428 = arith.constant 0 : i32
    %sign3A_429 = arith.cmpi slt, %squeeze3A_420, %sign3A_428 : i32
    %sign3A_430 = arith.extui %sign3A_429 : i1 to i32
    %sign3A_431 = arith.subi %sign3A_427, %sign3A_430 : i32
    %sign3A_432 = arith.constant 0 : i32
    %sign3A_433 = arith.cmpi sgt, %jit3A_423, %sign3A_432 : i32
    %sign3A_434 = arith.extui %sign3A_433 : i1 to i32
    %sign3A_435 = arith.constant 0 : i32
    %sign3A_436 = arith.cmpi slt, %jit3A_423, %sign3A_435 : i32
    %sign3A_437 = arith.extui %sign3A_436 : i1 to i32
    %sign3A_438 = arith.subi %sign3A_434, %sign3A_437 : i32
    %ne3A_439 = arith.cmpi ne, %sign3A_431, %sign3A_438 : i32
    %rem3A_440 = arith.remsi %squeeze3A_420, %jit3A_423 : i32
    %ne3A_441 = arith.constant 0 : i32
    %ne3A_442 = arith.cmpi ne, %rem3A_440, %ne3A_441 : i32
    %and3A_443 = arith.andi %ne3A_439, %ne3A_442 : i1
    %sub3A_444 = arith.constant 1 : i32
    %sub3A_445 = arith.subi %div3A_424, %sub3A_444 : i32
    %select_n3A_446 = arith.select %and3A_443, %sub3A_445, %div3A_424 : i32
    %mul3A_447 = arith.constant 128 : i32
    %mul3A_448 = arith.muli %select_n3A_446, %mul3A_447 : i32
    %multiple_of3A_449 = tpu.assume_multiple %mul3A_448, 128 : i32
    %jit3A_450 = arith.constant 128 : i32
    %div3A_451 = arith.divsi %squeeze3A_422, %jit3A_450 : i32
    %sign3A_452 = arith.constant 0 : i32
    %sign3A_453 = arith.cmpi sgt, %squeeze3A_422, %sign3A_452 : i32
    %sign3A_454 = arith.extui %sign3A_453 : i1 to i32
    %sign3A_455 = arith.constant 0 : i32
    %sign3A_456 = arith.cmpi slt, %squeeze3A_422, %sign3A_455 : i32
    %sign3A_457 = arith.extui %sign3A_456 : i1 to i32
    %sign3A_458 = arith.subi %sign3A_454, %sign3A_457 : i32
    %sign3A_459 = arith.constant 0 : i32
    %sign3A_460 = arith.cmpi sgt, %jit3A_450, %sign3A_459 : i32
    %sign3A_461 = arith.extui %sign3A_460 : i1 to i32
    %sign3A_462 = arith.constant 0 : i32
    %sign3A_463 = arith.cmpi slt, %jit3A_450, %sign3A_462 : i32
    %sign3A_464 = arith.extui %sign3A_463 : i1 to i32
    %sign3A_465 = arith.subi %sign3A_461, %sign3A_464 : i32
    %ne3A_466 = arith.cmpi ne, %sign3A_458, %sign3A_465 : i32
    %rem3A_467 = arith.remsi %squeeze3A_422, %jit3A_450 : i32
    %ne3A_468 = arith.constant 0 : i32
    %ne3A_469 = arith.cmpi ne, %rem3A_467, %ne3A_468 : i32
    %and3A_470 = arith.andi %ne3A_466, %ne3A_469 : i1
    %sub3A_471 = arith.constant 1 : i32
    %sub3A_472 = arith.subi %div3A_451, %sub3A_471 : i32
    %select_n3A_473 = arith.select %and3A_470, %sub3A_472, %div3A_451 : i32
    %mul3A_474 = arith.constant 128 : i32
    %mul3A_475 = arith.muli %select_n3A_473, %mul3A_474 : i32
    %multiple_of3A_476 = tpu.assume_multiple %mul3A_475, 128 : i32
    %dma_start3A_477 = arith.constant 5 : i32
    %dma_start3A_478 = arith.constant 0 : i32
    %dma_start3A_479 = arith.constant 0 : i32
    %dma_start3A_480 = tpu.memref_slice %arg11[%dma_start3A_477, %dma_start3A_478, %dma_start3A_479] : memref<8x32x128xf32, #tpu.memory_space<vmem>> -> memref<1x32x128xf32, #tpu.memory_space<vmem>>
    %dma_start3A_481 = tpu.memref_squeeze %dma_start3A_480 : memref<1x32x128xf32, #tpu.memory_space<vmem>> -> memref<32x128xf32, #tpu.memory_space<vmem>>
    %dma_start3A_482 = arith.constant 0 : i32
    %dma_start3A_483 = tpu.memref_slice %arg4[%dma_start3A_482, %multiple_of3A_449] : memref<32x1000000xf32, #tpu.memory_space<hbm>> -> memref<32x128xf32, #tpu.memory_space<hbm>>
    %dma_start3A_484 = arith.constant 0 : i32
    %dma_start3A_485 = arith.constant 0 : i32
    %dma_start3A_486 = tpu.memref_slice %arg11[%dma_start3A_477, %dma_start3A_484, %dma_start3A_485] : memref<8x32x128xf32, #tpu.memory_space<vmem>> -> memref<1x32x128xf32, #tpu.memory_space<vmem>>
    %dma_start3A_487 = tpu.memref_squeeze %dma_start3A_486 : memref<1x32x128xf32, #tpu.memory_space<vmem>> -> memref<32x128xf32, #tpu.memory_space<vmem>>
    %dma_start3A_488 = arith.constant 0 : i32
    %dma_start3A_489 = tpu.memref_slice %arg4[%dma_start3A_488, %multiple_of3A_449] : memref<32x1000000xf32, #tpu.memory_space<hbm>> -> memref<32x128xf32, #tpu.memory_space<hbm>>
    tpu.enqueue_dma source(%dma_start3A_489 : memref<32x128xf32, #tpu.memory_space<hbm>>) target(%dma_start3A_487 : memref<32x128xf32, #tpu.memory_space<vmem>>) target_semaphore(%arg22 : memref<!tpu.dma_semaphore, #tpu.memory_space<semaphore_mem>>)
    %dma_start3A_490 = arith.constant 5 : i32
    %dma_start3A_491 = arith.constant 0 : i32
    %dma_start3A_492 = arith.constant 0 : i32
    %dma_start3A_493 = tpu.memref_slice %arg12[%dma_start3A_490, %dma_start3A_491, %dma_start3A_492] : memref<8x32x128xf32, #tpu.memory_space<vmem>> -> memref<1x32x128xf32, #tpu.memory_space<vmem>>
    %dma_start3A_494 = tpu.memref_squeeze %dma_start3A_493 : memref<1x32x128xf32, #tpu.memory_space<vmem>> -> memref<32x128xf32, #tpu.memory_space<vmem>>
    %dma_start3A_495 = arith.constant 0 : i32
    %dma_start3A_496 = tpu.memref_slice %arg5[%dma_start3A_495, %multiple_of3A_476] : memref<32x1000000xf32, #tpu.memory_space<hbm>> -> memref<32x128xf32, #tpu.memory_space<hbm>>
    %dma_start3A_497 = arith.constant 0 : i32
    %dma_start3A_498 = arith.constant 0 : i32
    %dma_start3A_499 = tpu.memref_slice %arg12[%dma_start3A_490, %dma_start3A_497, %dma_start3A_498] : memref<8x32x128xf32, #tpu.memory_space<vmem>> -> memref<1x32x128xf32, #tpu.memory_space<vmem>>
    %dma_start3A_500 = tpu.memref_squeeze %dma_start3A_499 : memref<1x32x128xf32, #tpu.memory_space<vmem>> -> memref<32x128xf32, #tpu.memory_space<vmem>>
    %dma_start3A_501 = arith.constant 0 : i32
    %dma_start3A_502 = tpu.memref_slice %arg5[%dma_start3A_501, %multiple_of3A_476] : memref<32x1000000xf32, #tpu.memory_space<hbm>> -> memref<32x128xf32, #tpu.memory_space<hbm>>
    tpu.enqueue_dma source(%dma_start3A_502 : memref<32x128xf32, #tpu.memory_space<hbm>>) target(%dma_start3A_500 : memref<32x128xf32, #tpu.memory_space<vmem>>) target_semaphore(%arg22 : memref<!tpu.dma_semaphore, #tpu.memory_space<semaphore_mem>>)
    %slice3A_503 = vector.extract_strided_slice %get3A_8 {offsets = [6], sizes = [1], strides = [1]} : vector<16xi32> to vector<1xi32>
    %squeeze3A_504 = vector.extract %slice3A_503[0] : i32 from vector<1xi32>
    %slice3A_505 = vector.extract_strided_slice %get3A_10 {offsets = [6], sizes = [1], strides = [1]} : vector<16xi32> to vector<1xi32>
    %squeeze3A_506 = vector.extract %slice3A_505[0] : i32 from vector<1xi32>
    %jit3A_507 = arith.constant 128 : i32
    %div3A_508 = arith.divsi %squeeze3A_504, %jit3A_507 : i32
    %sign3A_509 = arith.constant 0 : i32
    %sign3A_510 = arith.cmpi sgt, %squeeze3A_504, %sign3A_509 : i32
    %sign3A_511 = arith.extui %sign3A_510 : i1 to i32
    %sign3A_512 = arith.constant 0 : i32
    %sign3A_513 = arith.cmpi slt, %squeeze3A_504, %sign3A_512 : i32
    %sign3A_514 = arith.extui %sign3A_513 : i1 to i32
    %sign3A_515 = arith.subi %sign3A_511, %sign3A_514 : i32
    %sign3A_516 = arith.constant 0 : i32
    %sign3A_517 = arith.cmpi sgt, %jit3A_507, %sign3A_516 : i32
    %sign3A_518 = arith.extui %sign3A_517 : i1 to i32
    %sign3A_519 = arith.constant 0 : i32
    %sign3A_520 = arith.cmpi slt, %jit3A_507, %sign3A_519 : i32
    %sign3A_521 = arith.extui %sign3A_520 : i1 to i32
    %sign3A_522 = arith.subi %sign3A_518, %sign3A_521 : i32
    %ne3A_523 = arith.cmpi ne, %sign3A_515, %sign3A_522 : i32
    %rem3A_524 = arith.remsi %squeeze3A_504, %jit3A_507 : i32
    %ne3A_525 = arith.constant 0 : i32
    %ne3A_526 = arith.cmpi ne, %rem3A_524, %ne3A_525 : i32
    %and3A_527 = arith.andi %ne3A_523, %ne3A_526 : i1
    %sub3A_528 = arith.constant 1 : i32
    %sub3A_529 = arith.subi %div3A_508, %sub3A_528 : i32
    %select_n3A_530 = arith.select %and3A_527, %sub3A_529, %div3A_508 : i32
    %mul3A_531 = arith.constant 128 : i32
    %mul3A_532 = arith.muli %select_n3A_530, %mul3A_531 : i32
    %multiple_of3A_533 = tpu.assume_multiple %mul3A_532, 128 : i32
    %jit3A_534 = arith.constant 128 : i32
    %div3A_535 = arith.divsi %squeeze3A_506, %jit3A_534 : i32
    %sign3A_536 = arith.constant 0 : i32
    %sign3A_537 = arith.cmpi sgt, %squeeze3A_506, %sign3A_536 : i32
    %sign3A_538 = arith.extui %sign3A_537 : i1 to i32
    %sign3A_539 = arith.constant 0 : i32
    %sign3A_540 = arith.cmpi slt, %squeeze3A_506, %sign3A_539 : i32
    %sign3A_541 = arith.extui %sign3A_540 : i1 to i32
    %sign3A_542 = arith.subi %sign3A_538, %sign3A_541 : i32
    %sign3A_543 = arith.constant 0 : i32
    %sign3A_544 = arith.cmpi sgt, %jit3A_534, %sign3A_543 : i32
    %sign3A_545 = arith.extui %sign3A_544 : i1 to i32
    %sign3A_546 = arith.constant 0 : i32
    %sign3A_547 = arith.cmpi slt, %jit3A_534, %sign3A_546 : i32
    %sign3A_548 = arith.extui %sign3A_547 : i1 to i32
    %sign3A_549 = arith.subi %sign3A_545, %sign3A_548 : i32
    %ne3A_550 = arith.cmpi ne, %sign3A_542, %sign3A_549 : i32
    %rem3A_551 = arith.remsi %squeeze3A_506, %jit3A_534 : i32
    %ne3A_552 = arith.constant 0 : i32
    %ne3A_553 = arith.cmpi ne, %rem3A_551, %ne3A_552 : i32
    %and3A_554 = arith.andi %ne3A_550, %ne3A_553 : i1
    %sub3A_555 = arith.constant 1 : i32
    %sub3A_556 = arith.subi %div3A_535, %sub3A_555 : i32
    %select_n3A_557 = arith.select %and3A_554, %sub3A_556, %div3A_535 : i32
    %mul3A_558 = arith.constant 128 : i32
    %mul3A_559 = arith.muli %select_n3A_557, %mul3A_558 : i32
    %multiple_of3A_560 = tpu.assume_multiple %mul3A_559, 128 : i32
    %dma_start3A_561 = arith.constant 6 : i32
    %dma_start3A_562 = arith.constant 0 : i32
    %dma_start3A_563 = arith.constant 0 : i32
    %dma_start3A_564 = tpu.memref_slice %arg11[%dma_start3A_561, %dma_start3A_562, %dma_start3A_563] : memref<8x32x128xf32, #tpu.memory_space<vmem>> -> memref<1x32x128xf32, #tpu.memory_space<vmem>>
    %dma_start3A_565 = tpu.memref_squeeze %dma_start3A_564 : memref<1x32x128xf32, #tpu.memory_space<vmem>> -> memref<32x128xf32, #tpu.memory_space<vmem>>
    %dma_start3A_566 = arith.constant 0 : i32
    %dma_start3A_567 = tpu.memref_slice %arg4[%dma_start3A_566, %multiple_of3A_533] : memref<32x1000000xf32, #tpu.memory_space<hbm>> -> memref<32x128xf32, #tpu.memory_space<hbm>>
    %dma_start3A_568 = arith.constant 0 : i32
    %dma_start3A_569 = arith.constant 0 : i32
    %dma_start3A_570 = tpu.memref_slice %arg11[%dma_start3A_561, %dma_start3A_568, %dma_start3A_569] : memref<8x32x128xf32, #tpu.memory_space<vmem>> -> memref<1x32x128xf32, #tpu.memory_space<vmem>>
    %dma_start3A_571 = tpu.memref_squeeze %dma_start3A_570 : memref<1x32x128xf32, #tpu.memory_space<vmem>> -> memref<32x128xf32, #tpu.memory_space<vmem>>
    %dma_start3A_572 = arith.constant 0 : i32
    %dma_start3A_573 = tpu.memref_slice %arg4[%dma_start3A_572, %multiple_of3A_533] : memref<32x1000000xf32, #tpu.memory_space<hbm>> -> memref<32x128xf32, #tpu.memory_space<hbm>>
    tpu.enqueue_dma source(%dma_start3A_573 : memref<32x128xf32, #tpu.memory_space<hbm>>) target(%dma_start3A_571 : memref<32x128xf32, #tpu.memory_space<vmem>>) target_semaphore(%arg23 : memref<!tpu.dma_semaphore, #tpu.memory_space<semaphore_mem>>)
    %dma_start3A_574 = arith.constant 6 : i32
    %dma_start3A_575 = arith.constant 0 : i32
    %dma_start3A_576 = arith.constant 0 : i32
    %dma_start3A_577 = tpu.memref_slice %arg12[%dma_start3A_574, %dma_start3A_575, %dma_start3A_576] : memref<8x32x128xf32, #tpu.memory_space<vmem>> -> memref<1x32x128xf32, #tpu.memory_space<vmem>>
    %dma_start3A_578 = tpu.memref_squeeze %dma_start3A_577 : memref<1x32x128xf32, #tpu.memory_space<vmem>> -> memref<32x128xf32, #tpu.memory_space<vmem>>
    %dma_start3A_579 = arith.constant 0 : i32
    %dma_start3A_580 = tpu.memref_slice %arg5[%dma_start3A_579, %multiple_of3A_560] : memref<32x1000000xf32, #tpu.memory_space<hbm>> -> memref<32x128xf32, #tpu.memory_space<hbm>>
    %dma_start3A_581 = arith.constant 0 : i32
    %dma_start3A_582 = arith.constant 0 : i32
    %dma_start3A_583 = tpu.memref_slice %arg12[%dma_start3A_574, %dma_start3A_581, %dma_start3A_582] : memref<8x32x128xf32, #tpu.memory_space<vmem>> -> memref<1x32x128xf32, #tpu.memory_space<vmem>>
    %dma_start3A_584 = tpu.memref_squeeze %dma_start3A_583 : memref<1x32x128xf32, #tpu.memory_space<vmem>> -> memref<32x128xf32, #tpu.memory_space<vmem>>
    %dma_start3A_585 = arith.constant 0 : i32
    %dma_start3A_586 = tpu.memref_slice %arg5[%dma_start3A_585, %multiple_of3A_560] : memref<32x1000000xf32, #tpu.memory_space<hbm>> -> memref<32x128xf32, #tpu.memory_space<hbm>>
    tpu.enqueue_dma source(%dma_start3A_586 : memref<32x128xf32, #tpu.memory_space<hbm>>) target(%dma_start3A_584 : memref<32x128xf32, #tpu.memory_space<vmem>>) target_semaphore(%arg23 : memref<!tpu.dma_semaphore, #tpu.memory_space<semaphore_mem>>)
    %slice3A_587 = vector.extract_strided_slice %get3A_8 {offsets = [7], sizes = [1], strides = [1]} : vector<16xi32> to vector<1xi32>
    %squeeze3A_588 = vector.extract %slice3A_587[0] : i32 from vector<1xi32>
    %slice3A_589 = vector.extract_strided_slice %get3A_10 {offsets = [7], sizes = [1], strides = [1]} : vector<16xi32> to vector<1xi32>
    %squeeze3A_590 = vector.extract %slice3A_589[0] : i32 from vector<1xi32>
    %jit3A_591 = arith.constant 128 : i32
    %div3A_592 = arith.divsi %squeeze3A_588, %jit3A_591 : i32
    %sign3A_593 = arith.constant 0 : i32
    %sign3A_594 = arith.cmpi sgt, %squeeze3A_588, %sign3A_593 : i32
    %sign3A_595 = arith.extui %sign3A_594 : i1 to i32
    %sign3A_596 = arith.constant 0 : i32
    %sign3A_597 = arith.cmpi slt, %squeeze3A_588, %sign3A_596 : i32
    %sign3A_598 = arith.extui %sign3A_597 : i1 to i32
    %sign3A_599 = arith.subi %sign3A_595, %sign3A_598 : i32
    %sign3A_600 = arith.constant 0 : i32
    %sign3A_601 = arith.cmpi sgt, %jit3A_591, %sign3A_600 : i32
    %sign3A_602 = arith.extui %sign3A_601 : i1 to i32
    %sign3A_603 = arith.constant 0 : i32
    %sign3A_604 = arith.cmpi slt, %jit3A_591, %sign3A_603 : i32
    %sign3A_605 = arith.extui %sign3A_604 : i1 to i32
    %sign3A_606 = arith.subi %sign3A_602, %sign3A_605 : i32
    %ne3A_607 = arith.cmpi ne, %sign3A_599, %sign3A_606 : i32
    %rem3A_608 = arith.remsi %squeeze3A_588, %jit3A_591 : i32
    %ne3A_609 = arith.constant 0 : i32
    %ne3A_610 = arith.cmpi ne, %rem3A_608, %ne3A_609 : i32
    %and3A_611 = arith.andi %ne3A_607, %ne3A_610 : i1
    %sub3A_612 = arith.constant 1 : i32
    %sub3A_613 = arith.subi %div3A_592, %sub3A_612 : i32
    %select_n3A_614 = arith.select %and3A_611, %sub3A_613, %div3A_592 : i32
    %mul3A_615 = arith.constant 128 : i32
    %mul3A_616 = arith.muli %select_n3A_614, %mul3A_615 : i32
    %multiple_of3A_617 = tpu.assume_multiple %mul3A_616, 128 : i32
    %jit3A_618 = arith.constant 128 : i32
    %div3A_619 = arith.divsi %squeeze3A_590, %jit3A_618 : i32
    %sign3A_620 = arith.constant 0 : i32
    %sign3A_621 = arith.cmpi sgt, %squeeze3A_590, %sign3A_620 : i32
    %sign3A_622 = arith.extui %sign3A_621 : i1 to i32
    %sign3A_623 = arith.constant 0 : i32
    %sign3A_624 = arith.cmpi slt, %squeeze3A_590, %sign3A_623 : i32
    %sign3A_625 = arith.extui %sign3A_624 : i1 to i32
    %sign3A_626 = arith.subi %sign3A_622, %sign3A_625 : i32
    %sign3A_627 = arith.constant 0 : i32
    %sign3A_628 = arith.cmpi sgt, %jit3A_618, %sign3A_627 : i32
    %sign3A_629 = arith.extui %sign3A_628 : i1 to i32
    %sign3A_630 = arith.constant 0 : i32
    %sign3A_631 = arith.cmpi slt, %jit3A_618, %sign3A_630 : i32
    %sign3A_632 = arith.extui %sign3A_631 : i1 to i32
    %sign3A_633 = arith.subi %sign3A_629, %sign3A_632 : i32
    %ne3A_634 = arith.cmpi ne, %sign3A_626, %sign3A_633 : i32
    %rem3A_635 = arith.remsi %squeeze3A_590, %jit3A_618 : i32
    %ne3A_636 = arith.constant 0 : i32
    %ne3A_637 = arith.cmpi ne, %rem3A_635, %ne3A_636 : i32
    %and3A_638 = arith.andi %ne3A_634, %ne3A_637 : i1
    %sub3A_639 = arith.constant 1 : i32
    %sub3A_640 = arith.subi %div3A_619, %sub3A_639 : i32
    %select_n3A_641 = arith.select %and3A_638, %sub3A_640, %div3A_619 : i32
    %mul3A_642 = arith.constant 128 : i32
    %mul3A_643 = arith.muli %select_n3A_641, %mul3A_642 : i32
    %multiple_of3A_644 = tpu.assume_multiple %mul3A_643, 128 : i32
    %dma_start3A_645 = arith.constant 7 : i32
    %dma_start3A_646 = arith.constant 0 : i32
    %dma_start3A_647 = arith.constant 0 : i32
    %dma_start3A_648 = tpu.memref_slice %arg11[%dma_start3A_645, %dma_start3A_646, %dma_start3A_647] : memref<8x32x128xf32, #tpu.memory_space<vmem>> -> memref<1x32x128xf32, #tpu.memory_space<vmem>>
    %dma_start3A_649 = tpu.memref_squeeze %dma_start3A_648 : memref<1x32x128xf32, #tpu.memory_space<vmem>> -> memref<32x128xf32, #tpu.memory_space<vmem>>
    %dma_start3A_650 = arith.constant 0 : i32
    %dma_start3A_651 = tpu.memref_slice %arg4[%dma_start3A_650, %multiple_of3A_617] : memref<32x1000000xf32, #tpu.memory_space<hbm>> -> memref<32x128xf32, #tpu.memory_space<hbm>>
    %dma_start3A_652 = arith.constant 0 : i32
    %dma_start3A_653 = arith.constant 0 : i32
    %dma_start3A_654 = tpu.memref_slice %arg11[%dma_start3A_645, %dma_start3A_652, %dma_start3A_653] : memref<8x32x128xf32, #tpu.memory_space<vmem>> -> memref<1x32x128xf32, #tpu.memory_space<vmem>>
    %dma_start3A_655 = tpu.memref_squeeze %dma_start3A_654 : memref<1x32x128xf32, #tpu.memory_space<vmem>> -> memref<32x128xf32, #tpu.memory_space<vmem>>
    %dma_start3A_656 = arith.constant 0 : i32
    %dma_start3A_657 = tpu.memref_slice %arg4[%dma_start3A_656, %multiple_of3A_617] : memref<32x1000000xf32, #tpu.memory_space<hbm>> -> memref<32x128xf32, #tpu.memory_space<hbm>>
    tpu.enqueue_dma source(%dma_start3A_657 : memref<32x128xf32, #tpu.memory_space<hbm>>) target(%dma_start3A_655 : memref<32x128xf32, #tpu.memory_space<vmem>>) target_semaphore(%arg24 : memref<!tpu.dma_semaphore, #tpu.memory_space<semaphore_mem>>)
    %dma_start3A_658 = arith.constant 7 : i32
    %dma_start3A_659 = arith.constant 0 : i32
    %dma_start3A_660 = arith.constant 0 : i32
    %dma_start3A_661 = tpu.memref_slice %arg12[%dma_start3A_658, %dma_start3A_659, %dma_start3A_660] : memref<8x32x128xf32, #tpu.memory_space<vmem>> -> memref<1x32x128xf32, #tpu.memory_space<vmem>>
    %dma_start3A_662 = tpu.memref_squeeze %dma_start3A_661 : memref<1x32x128xf32, #tpu.memory_space<vmem>> -> memref<32x128xf32, #tpu.memory_space<vmem>>
    %dma_start3A_663 = arith.constant 0 : i32
    %dma_start3A_664 = tpu.memref_slice %arg5[%dma_start3A_663, %multiple_of3A_644] : memref<32x1000000xf32, #tpu.memory_space<hbm>> -> memref<32x128xf32, #tpu.memory_space<hbm>>
    %dma_start3A_665 = arith.constant 0 : i32
    %dma_start3A_666 = arith.constant 0 : i32
    %dma_start3A_667 = tpu.memref_slice %arg12[%dma_start3A_658, %dma_start3A_665, %dma_start3A_666] : memref<8x32x128xf32, #tpu.memory_space<vmem>> -> memref<1x32x128xf32, #tpu.memory_space<vmem>>
    %dma_start3A_668 = tpu.memref_squeeze %dma_start3A_667 : memref<1x32x128xf32, #tpu.memory_space<vmem>> -> memref<32x128xf32, #tpu.memory_space<vmem>>
    %dma_start3A_669 = arith.constant 0 : i32
    %dma_start3A_670 = tpu.memref_slice %arg5[%dma_start3A_669, %multiple_of3A_644] : memref<32x1000000xf32, #tpu.memory_space<hbm>> -> memref<32x128xf32, #tpu.memory_space<hbm>>
    tpu.enqueue_dma source(%dma_start3A_670 : memref<32x128xf32, #tpu.memory_space<hbm>>) target(%dma_start3A_668 : memref<32x128xf32, #tpu.memory_space<vmem>>) target_semaphore(%arg24 : memref<!tpu.dma_semaphore, #tpu.memory_space<semaphore_mem>>)
    %scan3A = arith.constant 0 : i32
    %scan3A_671 = arith.constant 0 : i32
    %scan3A_672 = arith.constant 32 : i32
    %scan3A_673 = arith.addi %scan3A_671, %scan3A_672 : i32
    %scan3A_674 = arith.constant 1 : i32
    scf.for %scan3A_676 = %scan3A_671 to %scan3A_673 step %scan3A_674  : i32 {
      %mul3A_677 = arith.constant 16 : i32
      %mul3A_678 = arith.muli %scan3A_676, %mul3A_677 : i32
      %get3A_679 = arith.index_cast %mul3A_678 : i32 to index
      %get3A_680 = tpu.vector_load %arg9[%get3A_679] {strides = array<i32>} : memref<512xi32, #tpu.memory_space<vmem>>, vector<16xi32>,
      %get3A_681 = arith.index_cast %mul3A_678 : i32 to index
      %get3A_682 = tpu.vector_load %arg10[%get3A_681] {strides = array<i32>} : memref<512xi32, #tpu.memory_space<vmem>>, vector<16xi32>,
      %add3A_683 = arith.constant 1 : i32
      %add3A_684 = arith.addi %scan3A_676, %add3A_683 : i32
      %min3A = arith.constant 31 : i32
      %min3A_685 = arith.minsi %add3A_684, %min3A : i32
      %mul3A_686 = arith.constant 16 : i32
      %mul3A_687 = arith.muli %min3A_685, %mul3A_686 : i32
      %get3A_688 = arith.index_cast %mul3A_687 : i32 to index
      %get3A_689 = tpu.vector_load %arg9[%get3A_688] {strides = array<i32>} : memref<512xi32, #tpu.memory_space<vmem>>, vector<16xi32>,
      %mul3A_690 = arith.constant 16 : i32
      %mul3A_691 = arith.muli %min3A_685, %mul3A_690 : i32
      %get3A_692 = arith.index_cast %mul3A_691 : i32 to index
      %get3A_693 = tpu.vector_load %arg10[%get3A_692] {strides = array<i32>} : memref<512xi32, #tpu.memory_space<vmem>>, vector<16xi32>,
      %dma_wait3A = arith.constant 0 : i32
      %dma_wait3A_694 = arith.constant 0 : i32
      %dma_wait3A_695 = arith.constant 0 : i32
      %dma_wait3A_696 = tpu.memref_slice %arg11[%dma_wait3A, %dma_wait3A_694, %dma_wait3A_695] : memref<8x32x128xf32, #tpu.memory_space<vmem>> -> memref<1x32x128xf32, #tpu.memory_space<vmem>>
      %dma_wait3A_697 = tpu.memref_squeeze %dma_wait3A_696 : memref<1x32x128xf32, #tpu.memory_space<vmem>> -> memref<32x128xf32, #tpu.memory_space<vmem>>
      %dma_wait3A_698 = arith.constant 0 : i32
      %dma_wait3A_699 = arith.constant 0 : i32
      %dma_wait3A_700 = tpu.memref_slice %arg4[%dma_wait3A_698, %dma_wait3A_699] : memref<32x1000000xf32, #tpu.memory_space<hbm>> -> memref<32x128xf32, #tpu.memory_space<hbm>>
      %dma_wait3A_701 = arith.constant 0 : i32
      %dma_wait3A_702 = arith.constant 0 : i32
      %dma_wait3A_703 = tpu.memref_slice %arg11[%dma_wait3A, %dma_wait3A_701, %dma_wait3A_702] : memref<8x32x128xf32, #tpu.memory_space<vmem>> -> memref<1x32x128xf32, #tpu.memory_space<vmem>>
      %dma_wait3A_704 = tpu.memref_squeeze %dma_wait3A_703 : memref<1x32x128xf32, #tpu.memory_space<vmem>> -> memref<32x128xf32, #tpu.memory_space<vmem>>
      %dma_wait3A_705 = arith.constant 0 : i32
      %dma_wait3A_706 = arith.constant 0 : i32
      %dma_wait3A_707 = tpu.memref_slice %arg4[%dma_wait3A_705, %dma_wait3A_706] : memref<32x1000000xf32, #tpu.memory_space<hbm>> -> memref<32x128xf32, #tpu.memory_space<hbm>>
      tpu.wait_dma2 semaphore(%arg17 : memref<!tpu.dma_semaphore, #tpu.memory_space<semaphore_mem>>) src(%dma_wait3A_707 : memref<32x128xf32, #tpu.memory_space<hbm>>) dst(%dma_wait3A_704 : memref<32x128xf32, #tpu.memory_space<vmem>>)
      %dma_wait3A_708 = arith.constant 0 : i32
      %dma_wait3A_709 = arith.constant 0 : i32
      %dma_wait3A_710 = arith.constant 0 : i32
      %dma_wait3A_711 = tpu.memref_slice %arg12[%dma_wait3A_708, %dma_wait3A_709, %dma_wait3A_710] : memref<8x32x128xf32, #tpu.memory_space<vmem>> -> memref<1x32x128xf32, #tpu.memory_space<vmem>>
      %dma_wait3A_712 = tpu.memref_squeeze %dma_wait3A_711 : memref<1x32x128xf32, #tpu.memory_space<vmem>> -> memref<32x128xf32, #tpu.memory_space<vmem>>
      %dma_wait3A_713 = arith.constant 0 : i32
      %dma_wait3A_714 = arith.constant 0 : i32
      %dma_wait3A_715 = tpu.memref_slice %arg5[%dma_wait3A_713, %dma_wait3A_714] : memref<32x1000000xf32, #tpu.memory_space<hbm>> -> memref<32x128xf32, #tpu.memory_space<hbm>>
      %dma_wait3A_716 = arith.constant 0 : i32
      %dma_wait3A_717 = arith.constant 0 : i32
      %dma_wait3A_718 = tpu.memref_slice %arg12[%dma_wait3A_708, %dma_wait3A_716, %dma_wait3A_717] : memref<8x32x128xf32, #tpu.memory_space<vmem>> -> memref<1x32x128xf32, #tpu.memory_space<vmem>>
      %dma_wait3A_719 = tpu.memref_squeeze %dma_wait3A_718 : memref<1x32x128xf32, #tpu.memory_space<vmem>> -> memref<32x128xf32, #tpu.memory_space<vmem>>
      %dma_wait3A_720 = arith.constant 0 : i32
      %dma_wait3A_721 = arith.constant 0 : i32
      %dma_wait3A_722 = tpu.memref_slice %arg5[%dma_wait3A_720, %dma_wait3A_721] : memref<32x1000000xf32, #tpu.memory_space<hbm>> -> memref<32x128xf32, #tpu.memory_space<hbm>>
      tpu.wait_dma2 semaphore(%arg17 : memref<!tpu.dma_semaphore, #tpu.memory_space<semaphore_mem>>) src(%dma_wait3A_722 : memref<32x128xf32, #tpu.memory_space<hbm>>) dst(%dma_wait3A_719 : memref<32x128xf32, #tpu.memory_space<vmem>>)
      %slice3A_723 = vector.extract_strided_slice %get3A_680 {offsets = [0], sizes = [1], strides = [1]} : vector<16xi32> to vector<1xi32>
      %squeeze3A_724 = vector.extract %slice3A_723[0] : i32 from vector<1xi32>
      %jit3A_725 = arith.constant 128 : i32
      %eq3A = arith.constant 0 : i32
      %eq3A_726 = arith.cmpi eq, %jit3A_725, %eq3A : i32
      %jit3A_727 = arith.constant 1 : i32
      %select_n3A_728 = arith.select %eq3A_726, %jit3A_727, %jit3A_725 : i32
      %rem3A_729 = arith.remsi %squeeze3A_724, %select_n3A_728 : i32
      %ne3A_730 = arith.constant 0 : i32
      %ne3A_731 = arith.cmpi ne, %rem3A_729, %ne3A_730 : i32
      %lt3A = arith.constant 0 : i32
      %lt3A_732 = arith.cmpi slt, %rem3A_729, %lt3A : i32
      %lt3A_733 = arith.constant 0 : i32
      %lt3A_734 = arith.cmpi slt, %select_n3A_728, %lt3A_733 : i32
      %ne3A_735 = arith.xori %lt3A_732, %lt3A_734 : i1
      %and3A_736 = arith.andi %ne3A_735, %ne3A_731 : i1
      %add3A_737 = arith.addi %rem3A_729, %select_n3A_728 : i32
      %select_n3A_738 = arith.select %and3A_736, %add3A_737, %rem3A_729 : i32
      %add3A_739 = vector.broadcast %select_n3A_738 : i32 to vector<16xi32>
      %add3A_740 = arith.addi %broadcast_in_dim3A_6, %add3A_739 : vector<16xi32>
      %slice3A_741 = vector.extract_strided_slice %get3A_682 {offsets = [0], sizes = [1], strides = [1]} : vector<16xi32> to vector<1xi32>
      %squeeze3A_742 = vector.extract %slice3A_741[0] : i32 from vector<1xi32>
      %jit3A_743 = arith.constant 128 : i32
      %eq3A_744 = arith.constant 0 : i32
      %eq3A_745 = arith.cmpi eq, %jit3A_743, %eq3A_744 : i32
      %jit3A_746 = arith.constant 1 : i32
      %select_n3A_747 = arith.select %eq3A_745, %jit3A_746, %jit3A_743 : i32
      %rem3A_748 = arith.remsi %squeeze3A_742, %select_n3A_747 : i32
      %ne3A_749 = arith.constant 0 : i32
      %ne3A_750 = arith.cmpi ne, %rem3A_748, %ne3A_749 : i32
      %lt3A_751 = arith.constant 0 : i32
      %lt3A_752 = arith.cmpi slt, %rem3A_748, %lt3A_751 : i32
      %lt3A_753 = arith.constant 0 : i32
      %lt3A_754 = arith.cmpi slt, %select_n3A_747, %lt3A_753 : i32
      %ne3A_755 = arith.xori %lt3A_752, %lt3A_754 : i1
      %and3A_756 = arith.andi %ne3A_755, %ne3A_750 : i1
      %add3A_757 = arith.addi %rem3A_748, %select_n3A_747 : i32
      %select_n3A_758 = arith.select %and3A_756, %add3A_757, %rem3A_748 : i32
      %add3A_759 = vector.broadcast %select_n3A_758 : i32 to vector<16xi32>
      %add3A_760 = arith.addi %broadcast_in_dim3A_6, %add3A_759 : vector<16xi32>
      %gather3A = arith.constant 0 : i32
      %gather3A_761 = arith.constant 0 : i32
      %gather3A_762 = arith.constant 0 : i32
      %gather3A_763 = tpu.memref_slice %arg11[%gather3A, %gather3A_761, %gather3A_762] : memref<8x32x128xf32, #tpu.memory_space<vmem>> -> memref<1x32x128xf32, #tpu.memory_space<vmem>>
      %gather3A_764 = tpu.memref_squeeze %gather3A_763 : memref<1x32x128xf32, #tpu.memory_space<vmem>> -> memref<32x128xf32, #tpu.memory_space<vmem>>
      %gather3A_765 = tpu.vector_load_idx %gather3A_764[%iota3A, %add3A_740] : memref<32x128xf32, #tpu.memory_space<vmem>>[vector<16xi32>, vector<16xi32>], vector<16xf32>,
      %add3A_766 = arith.constant 16 : i32
      %add3A_767 = vector.broadcast %add3A_766 : i32 to vector<16xi32>
      %add3A_768 = arith.addi %iota3A, %add3A_767 : vector<16xi32>
      %gather3A_769 = arith.constant 0 : i32
      %gather3A_770 = arith.constant 0 : i32
      %gather3A_771 = arith.constant 0 : i32
      %gather3A_772 = tpu.memref_slice %arg11[%gather3A_769, %gather3A_770, %gather3A_771] : memref<8x32x128xf32, #tpu.memory_space<vmem>> -> memref<1x32x128xf32, #tpu.memory_space<vmem>>
      %gather3A_773 = tpu.memref_squeeze %gather3A_772 : memref<1x32x128xf32, #tpu.memory_space<vmem>> -> memref<32x128xf32, #tpu.memory_space<vmem>>
      %gather3A_774 = tpu.vector_load_idx %gather3A_773[%add3A_768, %add3A_740] : memref<32x128xf32, #tpu.memory_space<vmem>>[vector<16xi32>, vector<16xi32>], vector<16xf32>,
      %gather3A_775 = arith.constant 0 : i32
      %gather3A_776 = arith.constant 0 : i32
      %gather3A_777 = arith.constant 0 : i32
      %gather3A_778 = tpu.memref_slice %arg12[%gather3A_775, %gather3A_776, %gather3A_777] : memref<8x32x128xf32, #tpu.memory_space<vmem>> -> memref<1x32x128xf32, #tpu.memory_space<vmem>>
      %gather3A_779 = tpu.memref_squeeze %gather3A_778 : memref<1x32x128xf32, #tpu.memory_space<vmem>> -> memref<32x128xf32, #tpu.memory_space<vmem>>
      %gather3A_780 = tpu.vector_load_idx %gather3A_779[%iota3A, %add3A_760] : memref<32x128xf32, #tpu.memory_space<vmem>>[vector<16xi32>, vector<16xi32>], vector<16xf32>,
      %add3A_781 = arith.constant 16 : i32
      %add3A_782 = vector.broadcast %add3A_781 : i32 to vector<16xi32>
      %add3A_783 = arith.addi %iota3A, %add3A_782 : vector<16xi32>
      %gather3A_784 = arith.constant 0 : i32
      %gather3A_785 = arith.constant 0 : i32
      %gather3A_786 = arith.constant 0 : i32
      %gather3A_787 = tpu.memref_slice %arg12[%gather3A_784, %gather3A_785, %gather3A_786] : memref<8x32x128xf32, #tpu.memory_space<vmem>> -> memref<1x32x128xf32, #tpu.memory_space<vmem>>
      %gather3A_788 = tpu.memref_squeeze %gather3A_787 : memref<1x32x128xf32, #tpu.memory_space<vmem>> -> memref<32x128xf32, #tpu.memory_space<vmem>>
      %gather3A_789 = tpu.vector_load_idx %gather3A_788[%add3A_783, %add3A_760] : memref<32x128xf32, #tpu.memory_space<vmem>>[vector<16xi32>, vector<16xi32>], vector<16xf32>,
      %mul3A_790 = arith.mulf %gather3A_765, %gather3A_780 : vector<16xf32>
      %mul3A_791 = arith.mulf %mul3A_790, %get3A_1 : vector<16xf32>
      %mul3A_792 = arith.mulf %gather3A_774, %gather3A_789 : vector<16xf32>
      %mul3A_793 = arith.mulf %mul3A_792, %get3A_3 : vector<16xf32>
      %add3A_794 = arith.addf %mul3A_791, %mul3A_793 : vector<16xf32>
      %swap3A = arith.constant 0 : i32
      %swap3A_795 = arith.index_cast %swap3A : i32 to index
      %swap3A_796 = arith.constant 0 : index
      %swap3A_797 = tpu.vector_load %arg13[%swap3A_795, %swap3A_796] {strides = array<i32>} : memref<16x128xf32, #tpu.memory_space<vmem>>, vector<16xf32>,
      tpu.vector_store %arg13[%swap3A_795, %swap3A_796], %add3A_794 {strides = array<i32>} : memref<16x128xf32, #tpu.memory_space<vmem>>, vector<16xf32>,
      %slice3A_798 = vector.extract_strided_slice %get3A_680 {offsets = [8], sizes = [1], strides = [1]} : vector<16xi32> to vector<1xi32>
      %squeeze3A_799 = vector.extract %slice3A_798[0] : i32 from vector<1xi32>
      %slice3A_800 = vector.extract_strided_slice %get3A_682 {offsets = [8], sizes = [1], strides = [1]} : vector<16xi32> to vector<1xi32>
      %squeeze3A_801 = vector.extract %slice3A_800[0] : i32 from vector<1xi32>
      %jit3A_802 = arith.constant 128 : i32
      %div3A_803 = arith.divsi %squeeze3A_799, %jit3A_802 : i32
      %sign3A_804 = arith.constant 0 : i32
      %sign3A_805 = arith.cmpi sgt, %squeeze3A_799, %sign3A_804 : i32
      %sign3A_806 = arith.extui %sign3A_805 : i1 to i32
      %sign3A_807 = arith.constant 0 : i32
      %sign3A_808 = arith.cmpi slt, %squeeze3A_799, %sign3A_807 : i32
      %sign3A_809 = arith.extui %sign3A_808 : i1 to i32
      %sign3A_810 = arith.subi %sign3A_806, %sign3A_809 : i32
      %sign3A_811 = arith.constant 0 : i32
      %sign3A_812 = arith.cmpi sgt, %jit3A_802, %sign3A_811 : i32
      %sign3A_813 = arith.extui %sign3A_812 : i1 to i32
      %sign3A_814 = arith.constant 0 : i32
      %sign3A_815 = arith.cmpi slt, %jit3A_802, %sign3A_814 : i32
      %sign3A_816 = arith.extui %sign3A_815 : i1 to i32
      %sign3A_817 = arith.subi %sign3A_813, %sign3A_816 : i32
      %ne3A_818 = arith.cmpi ne, %sign3A_810, %sign3A_817 : i32
      %rem3A_819 = arith.remsi %squeeze3A_799, %jit3A_802 : i32
      %ne3A_820 = arith.constant 0 : i32
      %ne3A_821 = arith.cmpi ne, %rem3A_819, %ne3A_820 : i32
      %and3A_822 = arith.andi %ne3A_818, %ne3A_821 : i1
      %sub3A_823 = arith.constant 1 : i32
      %sub3A_824 = arith.subi %div3A_803, %sub3A_823 : i32
      %select_n3A_825 = arith.select %and3A_822, %sub3A_824, %div3A_803 : i32
      %mul3A_826 = arith.constant 128 : i32
      %mul3A_827 = arith.muli %select_n3A_825, %mul3A_826 : i32
      %multiple_of3A_828 = tpu.assume_multiple %mul3A_827, 128 : i32
      %jit3A_829 = arith.constant 128 : i32
      %div3A_830 = arith.divsi %squeeze3A_801, %jit3A_829 : i32
      %sign3A_831 = arith.constant 0 : i32
      %sign3A_832 = arith.cmpi sgt, %squeeze3A_801, %sign3A_831 : i32
      %sign3A_833 = arith.extui %sign3A_832 : i1 to i32
      %sign3A_834 = arith.constant 0 : i32
      %sign3A_835 = arith.cmpi slt, %squeeze3A_801, %sign3A_834 : i32
      %sign3A_836 = arith.extui %sign3A_835 : i1 to i32
      %sign3A_837 = arith.subi %sign3A_833, %sign3A_836 : i32
      %sign3A_838 = arith.constant 0 : i32
      %sign3A_839 = arith.cmpi sgt, %jit3A_829, %sign3A_838 : i32
      %sign3A_840 = arith.extui %sign3A_839 : i1 to i32
      %sign3A_841 = arith.constant 0 : i32
      %sign3A_842 = arith.cmpi slt, %jit3A_829, %sign3A_841 : i32
      %sign3A_843 = arith.extui %sign3A_842 : i1 to i32
      %sign3A_844 = arith.subi %sign3A_840, %sign3A_843 : i32
      %ne3A_845 = arith.cmpi ne, %sign3A_837, %sign3A_844 : i32
      %rem3A_846 = arith.remsi %squeeze3A_801, %jit3A_829 : i32
      %ne3A_847 = arith.constant 0 : i32
      %ne3A_848 = arith.cmpi ne, %rem3A_846, %ne3A_847 : i32
      %and3A_849 = arith.andi %ne3A_845, %ne3A_848 : i1
      %sub3A_850 = arith.constant 1 : i32
      %sub3A_851 = arith.subi %div3A_830, %sub3A_850 : i32
      %select_n3A_852 = arith.select %and3A_849, %sub3A_851, %div3A_830 : i32
      %mul3A_853 = arith.constant 128 : i32
      %mul3A_854 = arith.muli %select_n3A_852, %mul3A_853 : i32
      %multiple_of3A_855 = tpu.assume_multiple %mul3A_854, 128 : i32
      %dma_start3A_856 = arith.constant 0 : i32
      %dma_start3A_857 = arith.constant 0 : i32
      %dma_start3A_858 = arith.constant 0 : i32
      %dma_start3A_859 = tpu.memref_slice %arg11[%dma_start3A_856, %dma_start3A_857, %dma_start3A_858] : memref<8x32x128xf32, #tpu.memory_space<vmem>> -> memref<1x32x128xf32, #tpu.memory_space<vmem>>
      %dma_start3A_860 = tpu.memref_squeeze %dma_start3A_859 : memref<1x32x128xf32, #tpu.memory_space<vmem>> -> memref<32x128xf32, #tpu.memory_space<vmem>>
      %dma_start3A_861 = arith.constant 0 : i32
      %dma_start3A_862 = tpu.memref_slice %arg4[%dma_start3A_861, %multiple_of3A_828] : memref<32x1000000xf32, #tpu.memory_space<hbm>> -> memref<32x128xf32, #tpu.memory_space<hbm>>
      %dma_start3A_863 = arith.constant 0 : i32
      %dma_start3A_864 = arith.constant 0 : i32
      %dma_start3A_865 = tpu.memref_slice %arg11[%dma_start3A_856, %dma_start3A_863, %dma_start3A_864] : memref<8x32x128xf32, #tpu.memory_space<vmem>> -> memref<1x32x128xf32, #tpu.memory_space<vmem>>
      %dma_start3A_866 = tpu.memref_squeeze %dma_start3A_865 : memref<1x32x128xf32, #tpu.memory_space<vmem>> -> memref<32x128xf32, #tpu.memory_space<vmem>>
      %dma_start3A_867 = arith.constant 0 : i32
      %dma_start3A_868 = tpu.memref_slice %arg4[%dma_start3A_867, %multiple_of3A_828] : memref<32x1000000xf32, #tpu.memory_space<hbm>> -> memref<32x128xf32, #tpu.memory_space<hbm>>
      tpu.enqueue_dma source(%dma_start3A_868 : memref<32x128xf32, #tpu.memory_space<hbm>>) target(%dma_start3A_866 : memref<32x128xf32, #tpu.memory_space<vmem>>) target_semaphore(%arg17 : memref<!tpu.dma_semaphore, #tpu.memory_space<semaphore_mem>>)
      %dma_start3A_869 = arith.constant 0 : i32
      %dma_start3A_870 = arith.constant 0 : i32
      %dma_start3A_871 = arith.constant 0 : i32
      %dma_start3A_872 = tpu.memref_slice %arg12[%dma_start3A_869, %dma_start3A_870, %dma_start3A_871] : memref<8x32x128xf32, #tpu.memory_space<vmem>> -> memref<1x32x128xf32, #tpu.memory_space<vmem>>
      %dma_start3A_873 = tpu.memref_squeeze %dma_start3A_872 : memref<1x32x128xf32, #tpu.memory_space<vmem>> -> memref<32x128xf32, #tpu.memory_space<vmem>>
      %dma_start3A_874 = arith.constant 0 : i32
      %dma_start3A_875 = tpu.memref_slice %arg5[%dma_start3A_874, %multiple_of3A_855] : memref<32x1000000xf32, #tpu.memory_space<hbm>> -> memref<32x128xf32, #tpu.memory_space<hbm>>
      %dma_start3A_876 = arith.constant 0 : i32
      %dma_start3A_877 = arith.constant 0 : i32
      %dma_start3A_878 = tpu.memref_slice %arg12[%dma_start3A_869, %dma_start3A_876, %dma_start3A_877] : memref<8x32x128xf32, #tpu.memory_space<vmem>> -> memref<1x32x128xf32, #tpu.memory_space<vmem>>
      %dma_start3A_879 = tpu.memref_squeeze %dma_start3A_878 : memref<1x32x128xf32, #tpu.memory_space<vmem>> -> memref<32x128xf32, #tpu.memory_space<vmem>>
      %dma_start3A_880 = arith.constant 0 : i32
      %dma_start3A_881 = tpu.memref_slice %arg5[%dma_start3A_880, %multiple_of3A_855] : memref<32x1000000xf32, #tpu.memory_space<hbm>> -> memref<32x128xf32, #tpu.memory_space<hbm>>
      tpu.enqueue_dma source(%dma_start3A_881 : memref<32x128xf32, #tpu.memory_space<hbm>>) target(%dma_start3A_879 : memref<32x128xf32, #tpu.memory_space<vmem>>) target_semaphore(%arg17 : memref<!tpu.dma_semaphore, #tpu.memory_space<semaphore_mem>>)
      %dma_wait3A_882 = arith.constant 1 : i32
      %dma_wait3A_883 = arith.constant 0 : i32
      %dma_wait3A_884 = arith.constant 0 : i32
      %dma_wait3A_885 = tpu.memref_slice %arg11[%dma_wait3A_882, %dma_wait3A_883, %dma_wait3A_884] : memref<8x32x128xf32, #tpu.memory_space<vmem>> -> memref<1x32x128xf32, #tpu.memory_space<vmem>>
      %dma_wait3A_886 = tpu.memref_squeeze %dma_wait3A_885 : memref<1x32x128xf32, #tpu.memory_space<vmem>> -> memref<32x128xf32, #tpu.memory_space<vmem>>
      %dma_wait3A_887 = arith.constant 0 : i32
      %dma_wait3A_888 = arith.constant 0 : i32
      %dma_wait3A_889 = tpu.memref_slice %arg4[%dma_wait3A_887, %dma_wait3A_888] : memref<32x1000000xf32, #tpu.memory_space<hbm>> -> memref<32x128xf32, #tpu.memory_space<hbm>>
      %dma_wait3A_890 = arith.constant 0 : i32
      %dma_wait3A_891 = arith.constant 0 : i32
      %dma_wait3A_892 = tpu.memref_slice %arg11[%dma_wait3A_882, %dma_wait3A_890, %dma_wait3A_891] : memref<8x32x128xf32, #tpu.memory_space<vmem>> -> memref<1x32x128xf32, #tpu.memory_space<vmem>>
      %dma_wait3A_893 = tpu.memref_squeeze %dma_wait3A_892 : memref<1x32x128xf32, #tpu.memory_space<vmem>> -> memref<32x128xf32, #tpu.memory_space<vmem>>
      %dma_wait3A_894 = arith.constant 0 : i32
      %dma_wait3A_895 = arith.constant 0 : i32
      %dma_wait3A_896 = tpu.memref_slice %arg4[%dma_wait3A_894, %dma_wait3A_895] : memref<32x1000000xf32, #tpu.memory_space<hbm>> -> memref<32x128xf32, #tpu.memory_space<hbm>>
      tpu.wait_dma2 semaphore(%arg18 : memref<!tpu.dma_semaphore, #tpu.memory_space<semaphore_mem>>) src(%dma_wait3A_896 : memref<32x128xf32, #tpu.memory_space<hbm>>) dst(%dma_wait3A_893 : memref<32x128xf32, #tpu.memory_space<vmem>>)
      %dma_wait3A_897 = arith.constant 1 : i32
      %dma_wait3A_898 = arith.constant 0 : i32
      %dma_wait3A_899 = arith.constant 0 : i32
      %dma_wait3A_900 = tpu.memref_slice %arg12[%dma_wait3A_897, %dma_wait3A_898, %dma_wait3A_899] : memref<8x32x128xf32, #tpu.memory_space<vmem>> -> memref<1x32x128xf32, #tpu.memory_space<vmem>>
      %dma_wait3A_901 = tpu.memref_squeeze %dma_wait3A_900 : memref<1x32x128xf32, #tpu.memory_space<vmem>> -> memref<32x128xf32, #tpu.memory_space<vmem>>
      %dma_wait3A_902 = arith.constant 0 : i32
      %dma_wait3A_903 = arith.constant 0 : i32
      %dma_wait3A_904 = tpu.memref_slice %arg5[%dma_wait3A_902, %dma_wait3A_903] : memref<32x1000000xf32, #tpu.memory_space<hbm>> -> memref<32x128xf32, #tpu.memory_space<hbm>>
      %dma_wait3A_905 = arith.constant 0 : i32
      %dma_wait3A_906 = arith.constant 0 : i32
      %dma_wait3A_907 = tpu.memref_slice %arg12[%dma_wait3A_897, %dma_wait3A_905, %dma_wait3A_906] : memref<8x32x128xf32, #tpu.memory_space<vmem>> -> memref<1x32x128xf32, #tpu.memory_space<vmem>>
      %dma_wait3A_908 = tpu.memref_squeeze %dma_wait3A_907 : memref<1x32x128xf32, #tpu.memory_space<vmem>> -> memref<32x128xf32, #tpu.memory_space<vmem>>
      %dma_wait3A_909 = arith.constant 0 : i32
      %dma_wait3A_910 = arith.constant 0 : i32
      %dma_wait3A_911 = tpu.memref_slice %arg5[%dma_wait3A_909, %dma_wait3A_910] : memref<32x1000000xf32, #tpu.memory_space<hbm>> -> memref<32x128xf32, #tpu.memory_space<hbm>>
      tpu.wait_dma2 semaphore(%arg18 : memref<!tpu.dma_semaphore, #tpu.memory_space<semaphore_mem>>) src(%dma_wait3A_911 : memref<32x128xf32, #tpu.memory_space<hbm>>) dst(%dma_wait3A_908 : memref<32x128xf32, #tpu.memory_space<vmem>>)
      %slice3A_912 = vector.extract_strided_slice %get3A_680 {offsets = [1], sizes = [1], strides = [1]} : vector<16xi32> to vector<1xi32>
      %squeeze3A_913 = vector.extract %slice3A_912[0] : i32 from vector<1xi32>
      %jit3A_914 = arith.constant 128 : i32
      %eq3A_915 = arith.constant 0 : i32
      %eq3A_916 = arith.cmpi eq, %jit3A_914, %eq3A_915 : i32
      %jit3A_917 = arith.constant 1 : i32
      %select_n3A_918 = arith.select %eq3A_916, %jit3A_917, %jit3A_914 : i32
      %rem3A_919 = arith.remsi %squeeze3A_913, %select_n3A_918 : i32
      %ne3A_920 = arith.constant 0 : i32
      %ne3A_921 = arith.cmpi ne, %rem3A_919, %ne3A_920 : i32
      %lt3A_922 = arith.constant 0 : i32
      %lt3A_923 = arith.cmpi slt, %rem3A_919, %lt3A_922 : i32
      %lt3A_924 = arith.constant 0 : i32
      %lt3A_925 = arith.cmpi slt, %select_n3A_918, %lt3A_924 : i32
      %ne3A_926 = arith.xori %lt3A_923, %lt3A_925 : i1
      %and3A_927 = arith.andi %ne3A_926, %ne3A_921 : i1
      %add3A_928 = arith.addi %rem3A_919, %select_n3A_918 : i32
      %select_n3A_929 = arith.select %and3A_927, %add3A_928, %rem3A_919 : i32
      %add3A_930 = vector.broadcast %select_n3A_929 : i32 to vector<16xi32>
      %add3A_931 = arith.addi %broadcast_in_dim3A_6, %add3A_930 : vector<16xi32>
      %slice3A_932 = vector.extract_strided_slice %get3A_682 {offsets = [1], sizes = [1], strides = [1]} : vector<16xi32> to vector<1xi32>
      %squeeze3A_933 = vector.extract %slice3A_932[0] : i32 from vector<1xi32>
      %jit3A_934 = arith.constant 128 : i32
      %eq3A_935 = arith.constant 0 : i32
      %eq3A_936 = arith.cmpi eq, %jit3A_934, %eq3A_935 : i32
      %jit3A_937 = arith.constant 1 : i32
      %select_n3A_938 = arith.select %eq3A_936, %jit3A_937, %jit3A_934 : i32
      %rem3A_939 = arith.remsi %squeeze3A_933, %select_n3A_938 : i32
      %ne3A_940 = arith.constant 0 : i32
      %ne3A_941 = arith.cmpi ne, %rem3A_939, %ne3A_940 : i32
      %lt3A_942 = arith.constant 0 : i32
      %lt3A_943 = arith.cmpi slt, %rem3A_939, %lt3A_942 : i32
      %lt3A_944 = arith.constant 0 : i32
      %lt3A_945 = arith.cmpi slt, %select_n3A_938, %lt3A_944 : i32
      %ne3A_946 = arith.xori %lt3A_943, %lt3A_945 : i1
      %and3A_947 = arith.andi %ne3A_946, %ne3A_941 : i1
      %add3A_948 = arith.addi %rem3A_939, %select_n3A_938 : i32
      %select_n3A_949 = arith.select %and3A_947, %add3A_948, %rem3A_939 : i32
      %add3A_950 = vector.broadcast %select_n3A_949 : i32 to vector<16xi32>
      %add3A_951 = arith.addi %broadcast_in_dim3A_6, %add3A_950 : vector<16xi32>
      %gather3A_952 = arith.constant 1 : i32
      %gather3A_953 = arith.constant 0 : i32
      %gather3A_954 = arith.constant 0 : i32
      %gather3A_955 = tpu.memref_slice %arg11[%gather3A_952, %gather3A_953, %gather3A_954] : memref<8x32x128xf32, #tpu.memory_space<vmem>> -> memref<1x32x128xf32, #tpu.memory_space<vmem>>
      %gather3A_956 = tpu.memref_squeeze %gather3A_955 : memref<1x32x128xf32, #tpu.memory_space<vmem>> -> memref<32x128xf32, #tpu.memory_space<vmem>>
      %gather3A_957 = tpu.vector_load_idx %gather3A_956[%iota3A, %add3A_931] : memref<32x128xf32, #tpu.memory_space<vmem>>[vector<16xi32>, vector<16xi32>], vector<16xf32>,
      %add3A_958 = arith.constant 16 : i32
      %add3A_959 = vector.broadcast %add3A_958 : i32 to vector<16xi32>
      %add3A_960 = arith.addi %iota3A, %add3A_959 : vector<16xi32>
      %gather3A_961 = arith.constant 1 : i32
      %gather3A_962 = arith.constant 0 : i32
      %gather3A_963 = arith.constant 0 : i32
      %gather3A_964 = tpu.memref_slice %arg11[%gather3A_961, %gather3A_962, %gather3A_963] : memref<8x32x128xf32, #tpu.memory_space<vmem>> -> memref<1x32x128xf32, #tpu.memory_space<vmem>>
      %gather3A_965 = tpu.memref_squeeze %gather3A_964 : memref<1x32x128xf32, #tpu.memory_space<vmem>> -> memref<32x128xf32, #tpu.memory_space<vmem>>
      %gather3A_966 = tpu.vector_load_idx %gather3A_965[%add3A_960, %add3A_931] : memref<32x128xf32, #tpu.memory_space<vmem>>[vector<16xi32>, vector<16xi32>], vector<16xf32>,
      %gather3A_967 = arith.constant 1 : i32
      %gather3A_968 = arith.constant 0 : i32
      %gather3A_969 = arith.constant 0 : i32
      %gather3A_970 = tpu.memref_slice %arg12[%gather3A_967, %gather3A_968, %gather3A_969] : memref<8x32x128xf32, #tpu.memory_space<vmem>> -> memref<1x32x128xf32, #tpu.memory_space<vmem>>
      %gather3A_971 = tpu.memref_squeeze %gather3A_970 : memref<1x32x128xf32, #tpu.memory_space<vmem>> -> memref<32x128xf32, #tpu.memory_space<vmem>>
      %gather3A_972 = tpu.vector_load_idx %gather3A_971[%iota3A, %add3A_951] : memref<32x128xf32, #tpu.memory_space<vmem>>[vector<16xi32>, vector<16xi32>], vector<16xf32>,
      %add3A_973 = arith.constant 16 : i32
      %add3A_974 = vector.broadcast %add3A_973 : i32 to vector<16xi32>
      %add3A_975 = arith.addi %iota3A, %add3A_974 : vector<16xi32>
      %gather3A_976 = arith.constant 1 : i32
      %gather3A_977 = arith.constant 0 : i32
      %gather3A_978 = arith.constant 0 : i32
      %gather3A_979 = tpu.memref_slice %arg12[%gather3A_976, %gather3A_977, %gather3A_978] : memref<8x32x128xf32, #tpu.memory_space<vmem>> -> memref<1x32x128xf32, #tpu.memory_space<vmem>>
      %gather3A_980 = tpu.memref_squeeze %gather3A_979 : memref<1x32x128xf32, #tpu.memory_space<vmem>> -> memref<32x128xf32, #tpu.memory_space<vmem>>
      %gather3A_981 = tpu.vector_load_idx %gather3A_980[%add3A_975, %add3A_951] : memref<32x128xf32, #tpu.memory_space<vmem>>[vector<16xi32>, vector<16xi32>], vector<16xf32>,
      %mul3A_982 = arith.mulf %gather3A_957, %gather3A_972 : vector<16xf32>
      %mul3A_983 = arith.mulf %mul3A_982, %get3A_1 : vector<16xf32>
      %mul3A_984 = arith.mulf %gather3A_966, %gather3A_981 : vector<16xf32>
      %mul3A_985 = arith.mulf %mul3A_984, %get3A_3 : vector<16xf32>
      %add3A_986 = arith.addf %mul3A_983, %mul3A_985 : vector<16xf32>
      %swap3A_987 = arith.constant 1 : i32
      %swap3A_988 = arith.index_cast %swap3A_987 : i32 to index
      %swap3A_989 = arith.constant 0 : index
      %swap3A_990 = tpu.vector_load %arg13[%swap3A_988, %swap3A_989] {strides = array<i32>} : memref<16x128xf32, #tpu.memory_space<vmem>>, vector<16xf32>,
      tpu.vector_store %arg13[%swap3A_988, %swap3A_989], %add3A_986 {strides = array<i32>} : memref<16x128xf32, #tpu.memory_space<vmem>>, vector<16xf32>,
      %slice3A_991 = vector.extract_strided_slice %get3A_680 {offsets = [9], sizes = [1], strides = [1]} : vector<16xi32> to vector<1xi32>
      %squeeze3A_992 = vector.extract %slice3A_991[0] : i32 from vector<1xi32>
      %slice3A_993 = vector.extract_strided_slice %get3A_682 {offsets = [9], sizes = [1], strides = [1]} : vector<16xi32> to vector<1xi32>
      %squeeze3A_994 = vector.extract %slice3A_993[0] : i32 from vector<1xi32>
      %jit3A_995 = arith.constant 128 : i32
      %div3A_996 = arith.divsi %squeeze3A_992, %jit3A_995 : i32
      %sign3A_997 = arith.constant 0 : i32
      %sign3A_998 = arith.cmpi sgt, %squeeze3A_992, %sign3A_997 : i32
      %sign3A_999 = arith.extui %sign3A_998 : i1 to i32
      %sign3A_1000 = arith.constant 0 : i32
      %sign3A_1001 = arith.cmpi slt, %squeeze3A_992, %sign3A_1000 : i32
      %sign3A_1002 = arith.extui %sign3A_1001 : i1 to i32
      %sign3A_1003 = arith.subi %sign3A_999, %sign3A_1002 : i32
      %sign3A_1004 = arith.constant 0 : i32
      %sign3A_1005 = arith.cmpi sgt, %jit3A_995, %sign3A_1004 : i32
      %sign3A_1006 = arith.extui %sign3A_1005 : i1 to i32
      %sign3A_1007 = arith.constant 0 : i32
      %sign3A_1008 = arith.cmpi slt, %jit3A_995, %sign3A_1007 : i32
      %sign3A_1009 = arith.extui %sign3A_1008 : i1 to i32
      %sign3A_1010 = arith.subi %sign3A_1006, %sign3A_1009 : i32
      %ne3A_1011 = arith.cmpi ne, %sign3A_1003, %sign3A_1010 : i32
      %rem3A_1012 = arith.remsi %squeeze3A_992, %jit3A_995 : i32
      %ne3A_1013 = arith.constant 0 : i32
      %ne3A_1014 = arith.cmpi ne, %rem3A_1012, %ne3A_1013 : i32
      %and3A_1015 = arith.andi %ne3A_1011, %ne3A_1014 : i1
      %sub3A_1016 = arith.constant 1 : i32
      %sub3A_1017 = arith.subi %div3A_996, %sub3A_1016 : i32
      %select_n3A_1018 = arith.select %and3A_1015, %sub3A_1017, %div3A_996 : i32
      %mul3A_1019 = arith.constant 128 : i32
      %mul3A_1020 = arith.muli %select_n3A_1018, %mul3A_1019 : i32
      %multiple_of3A_1021 = tpu.assume_multiple %mul3A_1020, 128 : i32
      %jit3A_1022 = arith.constant 128 : i32
      %div3A_1023 = arith.divsi %squeeze3A_994, %jit3A_1022 : i32
      %sign3A_1024 = arith.constant 0 : i32
      %sign3A_1025 = arith.cmpi sgt, %squeeze3A_994, %sign3A_1024 : i32
      %sign3A_1026 = arith.extui %sign3A_1025 : i1 to i32
      %sign3A_1027 = arith.constant 0 : i32
      %sign3A_1028 = arith.cmpi slt, %squeeze3A_994, %sign3A_1027 : i32
      %sign3A_1029 = arith.extui %sign3A_1028 : i1 to i32
      %sign3A_1030 = arith.subi %sign3A_1026, %sign3A_1029 : i32
      %sign3A_1031 = arith.constant 0 : i32
      %sign3A_1032 = arith.cmpi sgt, %jit3A_1022, %sign3A_1031 : i32
      %sign3A_1033 = arith.extui %sign3A_1032 : i1 to i32
      %sign3A_1034 = arith.constant 0 : i32
      %sign3A_1035 = arith.cmpi slt, %jit3A_1022, %sign3A_1034 : i32
      %sign3A_1036 = arith.extui %sign3A_1035 : i1 to i32
      %sign3A_1037 = arith.subi %sign3A_1033, %sign3A_1036 : i32
      %ne3A_1038 = arith.cmpi ne, %sign3A_1030, %sign3A_1037 : i32
      %rem3A_1039 = arith.remsi %squeeze3A_994, %jit3A_1022 : i32
      %ne3A_1040 = arith.constant 0 : i32
      %ne3A_1041 = arith.cmpi ne, %rem3A_1039, %ne3A_1040 : i32
      %and3A_1042 = arith.andi %ne3A_1038, %ne3A_1041 : i1
      %sub3A_1043 = arith.constant 1 : i32
      %sub3A_1044 = arith.subi %div3A_1023, %sub3A_1043 : i32
      %select_n3A_1045 = arith.select %and3A_1042, %sub3A_1044, %div3A_1023 : i32
      %mul3A_1046 = arith.constant 128 : i32
      %mul3A_1047 = arith.muli %select_n3A_1045, %mul3A_1046 : i32
      %multiple_of3A_1048 = tpu.assume_multiple %mul3A_1047, 128 : i32
      %dma_start3A_1049 = arith.constant 1 : i32
      %dma_start3A_1050 = arith.constant 0 : i32
      %dma_start3A_1051 = arith.constant 0 : i32
      %dma_start3A_1052 = tpu.memref_slice %arg11[%dma_start3A_1049, %dma_start3A_1050, %dma_start3A_1051] : memref<8x32x128xf32, #tpu.memory_space<vmem>> -> memref<1x32x128xf32, #tpu.memory_space<vmem>>
      %dma_start3A_1053 = tpu.memref_squeeze %dma_start3A_1052 : memref<1x32x128xf32, #tpu.memory_space<vmem>> -> memref<32x128xf32, #tpu.memory_space<vmem>>
      %dma_start3A_1054 = arith.constant 0 : i32
      %dma_start3A_1055 = tpu.memref_slice %arg4[%dma_start3A_1054, %multiple_of3A_1021] : memref<32x1000000xf32, #tpu.memory_space<hbm>> -> memref<32x128xf32, #tpu.memory_space<hbm>>
      %dma_start3A_1056 = arith.constant 0 : i32
      %dma_start3A_1057 = arith.constant 0 : i32
      %dma_start3A_1058 = tpu.memref_slice %arg11[%dma_start3A_1049, %dma_start3A_1056, %dma_start3A_1057] : memref<8x32x128xf32, #tpu.memory_space<vmem>> -> memref<1x32x128xf32, #tpu.memory_space<vmem>>
      %dma_start3A_1059 = tpu.memref_squeeze %dma_start3A_1058 : memref<1x32x128xf32, #tpu.memory_space<vmem>> -> memref<32x128xf32, #tpu.memory_space<vmem>>
      %dma_start3A_1060 = arith.constant 0 : i32
      %dma_start3A_1061 = tpu.memref_slice %arg4[%dma_start3A_1060, %multiple_of3A_1021] : memref<32x1000000xf32, #tpu.memory_space<hbm>> -> memref<32x128xf32, #tpu.memory_space<hbm>>
      tpu.enqueue_dma source(%dma_start3A_1061 : memref<32x128xf32, #tpu.memory_space<hbm>>) target(%dma_start3A_1059 : memref<32x128xf32, #tpu.memory_space<vmem>>) target_semaphore(%arg18 : memref<!tpu.dma_semaphore, #tpu.memory_space<semaphore_mem>>)
      %dma_start3A_1062 = arith.constant 1 : i32
      %dma_start3A_1063 = arith.constant 0 : i32
      %dma_start3A_1064 = arith.constant 0 : i32
      %dma_start3A_1065 = tpu.memref_slice %arg12[%dma_start3A_1062, %dma_start3A_1063, %dma_start3A_1064] : memref<8x32x128xf32, #tpu.memory_space<vmem>> -> memref<1x32x128xf32, #tpu.memory_space<vmem>>
      %dma_start3A_1066 = tpu.memref_squeeze %dma_start3A_1065 : memref<1x32x128xf32, #tpu.memory_space<vmem>> -> memref<32x128xf32, #tpu.memory_space<vmem>>
      %dma_start3A_1067 = arith.constant 0 : i32
      %dma_start3A_1068 = tpu.memref_slice %arg5[%dma_start3A_1067, %multiple_of3A_1048] : memref<32x1000000xf32, #tpu.memory_space<hbm>> -> memref<32x128xf32, #tpu.memory_space<hbm>>
      %dma_start3A_1069 = arith.constant 0 : i32
      %dma_start3A_1070 = arith.constant 0 : i32
      %dma_start3A_1071 = tpu.memref_slice %arg12[%dma_start3A_1062, %dma_start3A_1069, %dma_start3A_1070] : memref<8x32x128xf32, #tpu.memory_space<vmem>> -> memref<1x32x128xf32, #tpu.memory_space<vmem>>
      %dma_start3A_1072 = tpu.memref_squeeze %dma_start3A_1071 : memref<1x32x128xf32, #tpu.memory_space<vmem>> -> memref<32x128xf32, #tpu.memory_space<vmem>>
      %dma_start3A_1073 = arith.constant 0 : i32
      %dma_start3A_1074 = tpu.memref_slice %arg5[%dma_start3A_1073, %multiple_of3A_1048] : memref<32x1000000xf32, #tpu.memory_space<hbm>> -> memref<32x128xf32, #tpu.memory_space<hbm>>
      tpu.enqueue_dma source(%dma_start3A_1074 : memref<32x128xf32, #tpu.memory_space<hbm>>) target(%dma_start3A_1072 : memref<32x128xf32, #tpu.memory_space<vmem>>) target_semaphore(%arg18 : memref<!tpu.dma_semaphore, #tpu.memory_space<semaphore_mem>>)
      %dma_wait3A_1075 = arith.constant 2 : i32
      %dma_wait3A_1076 = arith.constant 0 : i32
      %dma_wait3A_1077 = arith.constant 0 : i32
      %dma_wait3A_1078 = tpu.memref_slice %arg11[%dma_wait3A_1075, %dma_wait3A_1076, %dma_wait3A_1077] : memref<8x32x128xf32, #tpu.memory_space<vmem>> -> memref<1x32x128xf32, #tpu.memory_space<vmem>>
      %dma_wait3A_1079 = tpu.memref_squeeze %dma_wait3A_1078 : memref<1x32x128xf32, #tpu.memory_space<vmem>> -> memref<32x128xf32, #tpu.memory_space<vmem>>
      %dma_wait3A_1080 = arith.constant 0 : i32
      %dma_wait3A_1081 = arith.constant 0 : i32
      %dma_wait3A_1082 = tpu.memref_slice %arg4[%dma_wait3A_1080, %dma_wait3A_1081] : memref<32x1000000xf32, #tpu.memory_space<hbm>> -> memref<32x128xf32, #tpu.memory_space<hbm>>
      %dma_wait3A_1083 = arith.constant 0 : i32
      %dma_wait3A_1084 = arith.constant 0 : i32
      %dma_wait3A_1085 = tpu.memref_slice %arg11[%dma_wait3A_1075, %dma_wait3A_1083, %dma_wait3A_1084] : memref<8x32x128xf32, #tpu.memory_space<vmem>> -> memref<1x32x128xf32, #tpu.memory_space<vmem>>
      %dma_wait3A_1086 = tpu.memref_squeeze %dma_wait3A_1085 : memref<1x32x128xf32, #tpu.memory_space<vmem>> -> memref<32x128xf32, #tpu.memory_space<vmem>>
      %dma_wait3A_1087 = arith.constant 0 : i32
      %dma_wait3A_1088 = arith.constant 0 : i32
      %dma_wait3A_1089 = tpu.memref_slice %arg4[%dma_wait3A_1087, %dma_wait3A_1088] : memref<32x1000000xf32, #tpu.memory_space<hbm>> -> memref<32x128xf32, #tpu.memory_space<hbm>>
      tpu.wait_dma2 semaphore(%arg19 : memref<!tpu.dma_semaphore, #tpu.memory_space<semaphore_mem>>) src(%dma_wait3A_1089 : memref<32x128xf32, #tpu.memory_space<hbm>>) dst(%dma_wait3A_1086 : memref<32x128xf32, #tpu.memory_space<vmem>>)
      %dma_wait3A_1090 = arith.constant 2 : i32
      %dma_wait3A_1091 = arith.constant 0 : i32
      %dma_wait3A_1092 = arith.constant 0 : i32
      %dma_wait3A_1093 = tpu.memref_slice %arg12[%dma_wait3A_1090, %dma_wait3A_1091, %dma_wait3A_1092] : memref<8x32x128xf32, #tpu.memory_space<vmem>> -> memref<1x32x128xf32, #tpu.memory_space<vmem>>
      %dma_wait3A_1094 = tpu.memref_squeeze %dma_wait3A_1093 : memref<1x32x128xf32, #tpu.memory_space<vmem>> -> memref<32x128xf32, #tpu.memory_space<vmem>>
      %dma_wait3A_1095 = arith.constant 0 : i32
      %dma_wait3A_1096 = arith.constant 0 : i32
      %dma_wait3A_1097 = tpu.memref_slice %arg5[%dma_wait3A_1095, %dma_wait3A_1096] : memref<32x1000000xf32, #tpu.memory_space<hbm>> -> memref<32x128xf32, #tpu.memory_space<hbm>>
      %dma_wait3A_1098 = arith.constant 0 : i32
      %dma_wait3A_1099 = arith.constant 0 : i32
      %dma_wait3A_1100 = tpu.memref_slice %arg12[%dma_wait3A_1090, %dma_wait3A_1098, %dma_wait3A_1099] : memref<8x32x128xf32, #tpu.memory_space<vmem>> -> memref<1x32x128xf32, #tpu.memory_space<vmem>>
      %dma_wait3A_1101 = tpu.memref_squeeze %dma_wait3A_1100 : memref<1x32x128xf32, #tpu.memory_space<vmem>> -> memref<32x128xf32, #tpu.memory_space<vmem>>
      %dma_wait3A_1102 = arith.constant 0 : i32
      %dma_wait3A_1103 = arith.constant 0 : i32
      %dma_wait3A_1104 = tpu.memref_slice %arg5[%dma_wait3A_1102, %dma_wait3A_1103] : memref<32x1000000xf32, #tpu.memory_space<hbm>> -> memref<32x128xf32, #tpu.memory_space<hbm>>
      tpu.wait_dma2 semaphore(%arg19 : memref<!tpu.dma_semaphore, #tpu.memory_space<semaphore_mem>>) src(%dma_wait3A_1104 : memref<32x128xf32, #tpu.memory_space<hbm>>) dst(%dma_wait3A_1101 : memref<32x128xf32, #tpu.memory_space<vmem>>)
      %slice3A_1105 = vector.extract_strided_slice %get3A_680 {offsets = [2], sizes = [1], strides = [1]} : vector<16xi32> to vector<1xi32>
      %squeeze3A_1106 = vector.extract %slice3A_1105[0] : i32 from vector<1xi32>
      %jit3A_1107 = arith.constant 128 : i32
      %eq3A_1108 = arith.constant 0 : i32
      %eq3A_1109 = arith.cmpi eq, %jit3A_1107, %eq3A_1108 : i32
      %jit3A_1110 = arith.constant 1 : i32
      %select_n3A_1111 = arith.select %eq3A_1109, %jit3A_1110, %jit3A_1107 : i32
      %rem3A_1112 = arith.remsi %squeeze3A_1106, %select_n3A_1111 : i32
      %ne3A_1113 = arith.constant 0 : i32
      %ne3A_1114 = arith.cmpi ne, %rem3A_1112, %ne3A_1113 : i32
      %lt3A_1115 = arith.constant 0 : i32
      %lt3A_1116 = arith.cmpi slt, %rem3A_1112, %lt3A_1115 : i32
      %lt3A_1117 = arith.constant 0 : i32
      %lt3A_1118 = arith.cmpi slt, %select_n3A_1111, %lt3A_1117 : i32
      %ne3A_1119 = arith.xori %lt3A_1116, %lt3A_1118 : i1
      %and3A_1120 = arith.andi %ne3A_1119, %ne3A_1114 : i1
      %add3A_1121 = arith.addi %rem3A_1112, %select_n3A_1111 : i32
      %select_n3A_1122 = arith.select %and3A_1120, %add3A_1121, %rem3A_1112 : i32
      %add3A_1123 = vector.broadcast %select_n3A_1122 : i32 to vector<16xi32>
      %add3A_1124 = arith.addi %broadcast_in_dim3A_6, %add3A_1123 : vector<16xi32>
      %slice3A_1125 = vector.extract_strided_slice %get3A_682 {offsets = [2], sizes = [1], strides = [1]} : vector<16xi32> to vector<1xi32>
      %squeeze3A_1126 = vector.extract %slice3A_1125[0] : i32 from vector<1xi32>
      %jit3A_1127 = arith.constant 128 : i32
      %eq3A_1128 = arith.constant 0 : i32
      %eq3A_1129 = arith.cmpi eq, %jit3A_1127, %eq3A_1128 : i32
      %jit3A_1130 = arith.constant 1 : i32
      %select_n3A_1131 = arith.select %eq3A_1129, %jit3A_1130, %jit3A_1127 : i32
      %rem3A_1132 = arith.remsi %squeeze3A_1126, %select_n3A_1131 : i32
      %ne3A_1133 = arith.constant 0 : i32
      %ne3A_1134 = arith.cmpi ne, %rem3A_1132, %ne3A_1133 : i32
      %lt3A_1135 = arith.constant 0 : i32
      %lt3A_1136 = arith.cmpi slt, %rem3A_1132, %lt3A_1135 : i32
      %lt3A_1137 = arith.constant 0 : i32
      %lt3A_1138 = arith.cmpi slt, %select_n3A_1131, %lt3A_1137 : i32
      %ne3A_1139 = arith.xori %lt3A_1136, %lt3A_1138 : i1
      %and3A_1140 = arith.andi %ne3A_1139, %ne3A_1134 : i1
      %add3A_1141 = arith.addi %rem3A_1132, %select_n3A_1131 : i32
      %select_n3A_1142 = arith.select %and3A_1140, %add3A_1141, %rem3A_1132 : i32
      %add3A_1143 = vector.broadcast %select_n3A_1142 : i32 to vector<16xi32>
      %add3A_1144 = arith.addi %broadcast_in_dim3A_6, %add3A_1143 : vector<16xi32>
      %gather3A_1145 = arith.constant 2 : i32
      %gather3A_1146 = arith.constant 0 : i32
      %gather3A_1147 = arith.constant 0 : i32
      %gather3A_1148 = tpu.memref_slice %arg11[%gather3A_1145, %gather3A_1146, %gather3A_1147] : memref<8x32x128xf32, #tpu.memory_space<vmem>> -> memref<1x32x128xf32, #tpu.memory_space<vmem>>
      %gather3A_1149 = tpu.memref_squeeze %gather3A_1148 : memref<1x32x128xf32, #tpu.memory_space<vmem>> -> memref<32x128xf32, #tpu.memory_space<vmem>>
      %gather3A_1150 = tpu.vector_load_idx %gather3A_1149[%iota3A, %add3A_1124] : memref<32x128xf32, #tpu.memory_space<vmem>>[vector<16xi32>, vector<16xi32>], vector<16xf32>,
      %add3A_1151 = arith.constant 16 : i32
      %add3A_1152 = vector.broadcast %add3A_1151 : i32 to vector<16xi32>
      %add3A_1153 = arith.addi %iota3A, %add3A_1152 : vector<16xi32>
      %gather3A_1154 = arith.constant 2 : i32
      %gather3A_1155 = arith.constant 0 : i32
      %gather3A_1156 = arith.constant 0 : i32
      %gather3A_1157 = tpu.memref_slice %arg11[%gather3A_1154, %gather3A_1155, %gather3A_1156] : memref<8x32x128xf32, #tpu.memory_space<vmem>> -> memref<1x32x128xf32, #tpu.memory_space<vmem>>
      %gather3A_1158 = tpu.memref_squeeze %gather3A_1157 : memref<1x32x128xf32, #tpu.memory_space<vmem>> -> memref<32x128xf32, #tpu.memory_space<vmem>>
      %gather3A_1159 = tpu.vector_load_idx %gather3A_1158[%add3A_1153, %add3A_1124] : memref<32x128xf32, #tpu.memory_space<vmem>>[vector<16xi32>, vector<16xi32>], vector<16xf32>,
      %gather3A_1160 = arith.constant 2 : i32
      %gather3A_1161 = arith.constant 0 : i32
      %gather3A_1162 = arith.constant 0 : i32
      %gather3A_1163 = tpu.memref_slice %arg12[%gather3A_1160, %gather3A_1161, %gather3A_1162] : memref<8x32x128xf32, #tpu.memory_space<vmem>> -> memref<1x32x128xf32, #tpu.memory_space<vmem>>
      %gather3A_1164 = tpu.memref_squeeze %gather3A_1163 : memref<1x32x128xf32, #tpu.memory_space<vmem>> -> memref<32x128xf32, #tpu.memory_space<vmem>>
      %gather3A_1165 = tpu.vector_load_idx %gather3A_1164[%iota3A, %add3A_1144] : memref<32x128xf32, #tpu.memory_space<vmem>>[vector<16xi32>, vector<16xi32>], vector<16xf32>,
      %add3A_1166 = arith.constant 16 : i32
      %add3A_1167 = vector.broadcast %add3A_1166 : i32 to vector<16xi32>
      %add3A_1168 = arith.addi %iota3A, %add3A_1167 : vector<16xi32>
      %gather3A_1169 = arith.constant 2 : i32
      %gather3A_1170 = arith.constant 0 : i32
      %gather3A_1171 = arith.constant 0 : i32
      %gather3A_1172 = tpu.memref_slice %arg12[%gather3A_1169, %gather3A_1170, %gather3A_1171] : memref<8x32x128xf32, #tpu.memory_space<vmem>> -> memref<1x32x128xf32, #tpu.memory_space<vmem>>
      %gather3A_1173 = tpu.memref_squeeze %gather3A_1172 : memref<1x32x128xf32, #tpu.memory_space<vmem>> -> memref<32x128xf32, #tpu.memory_space<vmem>>
      %gather3A_1174 = tpu.vector_load_idx %gather3A_1173[%add3A_1168, %add3A_1144] : memref<32x128xf32, #tpu.memory_space<vmem>>[vector<16xi32>, vector<16xi32>], vector<16xf32>,
      %mul3A_1175 = arith.mulf %gather3A_1150, %gather3A_1165 : vector<16xf32>
      %mul3A_1176 = arith.mulf %mul3A_1175, %get3A_1 : vector<16xf32>
      %mul3A_1177 = arith.mulf %gather3A_1159, %gather3A_1174 : vector<16xf32>
      %mul3A_1178 = arith.mulf %mul3A_1177, %get3A_3 : vector<16xf32>
      %add3A_1179 = arith.addf %mul3A_1176, %mul3A_1178 : vector<16xf32>
      %swap3A_1180 = arith.constant 2 : i32
      %swap3A_1181 = arith.index_cast %swap3A_1180 : i32 to index
      %swap3A_1182 = arith.constant 0 : index
      %swap3A_1183 = tpu.vector_load %arg13[%swap3A_1181, %swap3A_1182] {strides = array<i32>} : memref<16x128xf32, #tpu.memory_space<vmem>>, vector<16xf32>,
      tpu.vector_store %arg13[%swap3A_1181, %swap3A_1182], %add3A_1179 {strides = array<i32>} : memref<16x128xf32, #tpu.memory_space<vmem>>, vector<16xf32>,
      %slice3A_1184 = vector.extract_strided_slice %get3A_680 {offsets = [10], sizes = [1], strides = [1]} : vector<16xi32> to vector<1xi32>
      %squeeze3A_1185 = vector.extract %slice3A_1184[0] : i32 from vector<1xi32>
      %slice3A_1186 = vector.extract_strided_slice %get3A_682 {offsets = [10], sizes = [1], strides = [1]} : vector<16xi32> to vector<1xi32>
      %squeeze3A_1187 = vector.extract %slice3A_1186[0] : i32 from vector<1xi32>
      %jit3A_1188 = arith.constant 128 : i32
      %div3A_1189 = arith.divsi %squeeze3A_1185, %jit3A_1188 : i32
      %sign3A_1190 = arith.constant 0 : i32
      %sign3A_1191 = arith.cmpi sgt, %squeeze3A_1185, %sign3A_1190 : i32
      %sign3A_1192 = arith.extui %sign3A_1191 : i1 to i32
      %sign3A_1193 = arith.constant 0 : i32
      %sign3A_1194 = arith.cmpi slt, %squeeze3A_1185, %sign3A_1193 : i32
      %sign3A_1195 = arith.extui %sign3A_1194 : i1 to i32
      %sign3A_1196 = arith.subi %sign3A_1192, %sign3A_1195 : i32
      %sign3A_1197 = arith.constant 0 : i32
      %sign3A_1198 = arith.cmpi sgt, %jit3A_1188, %sign3A_1197 : i32
      %sign3A_1199 = arith.extui %sign3A_1198 : i1 to i32
      %sign3A_1200 = arith.constant 0 : i32
      %sign3A_1201 = arith.cmpi slt, %jit3A_1188, %sign3A_1200 : i32
      %sign3A_1202 = arith.extui %sign3A_1201 : i1 to i32
      %sign3A_1203 = arith.subi %sign3A_1199, %sign3A_1202 : i32
      %ne3A_1204 = arith.cmpi ne, %sign3A_1196, %sign3A_1203 : i32
      %rem3A_1205 = arith.remsi %squeeze3A_1185, %jit3A_1188 : i32
      %ne3A_1206 = arith.constant 0 : i32
      %ne3A_1207 = arith.cmpi ne, %rem3A_1205, %ne3A_1206 : i32
      %and3A_1208 = arith.andi %ne3A_1204, %ne3A_1207 : i1
      %sub3A_1209 = arith.constant 1 : i32
      %sub3A_1210 = arith.subi %div3A_1189, %sub3A_1209 : i32
      %select_n3A_1211 = arith.select %and3A_1208, %sub3A_1210, %div3A_1189 : i32
      %mul3A_1212 = arith.constant 128 : i32
      %mul3A_1213 = arith.muli %select_n3A_1211, %mul3A_1212 : i32
      %multiple_of3A_1214 = tpu.assume_multiple %mul3A_1213, 128 : i32
      %jit3A_1215 = arith.constant 128 : i32
      %div3A_1216 = arith.divsi %squeeze3A_1187, %jit3A_1215 : i32
      %sign3A_1217 = arith.constant 0 : i32
      %sign3A_1218 = arith.cmpi sgt, %squeeze3A_1187, %sign3A_1217 : i32
      %sign3A_1219 = arith.extui %sign3A_1218 : i1 to i32
      %sign3A_1220 = arith.constant 0 : i32
      %sign3A_1221 = arith.cmpi slt, %squeeze3A_1187, %sign3A_1220 : i32
      %sign3A_1222 = arith.extui %sign3A_1221 : i1 to i32
      %sign3A_1223 = arith.subi %sign3A_1219, %sign3A_1222 : i32
      %sign3A_1224 = arith.constant 0 : i32
      %sign3A_1225 = arith.cmpi sgt, %jit3A_1215, %sign3A_1224 : i32
      %sign3A_1226 = arith.extui %sign3A_1225 : i1 to i32
      %sign3A_1227 = arith.constant 0 : i32
      %sign3A_1228 = arith.cmpi slt, %jit3A_1215, %sign3A_1227 : i32
      %sign3A_1229 = arith.extui %sign3A_1228 : i1 to i32
      %sign3A_1230 = arith.subi %sign3A_1226, %sign3A_1229 : i32
      %ne3A_1231 = arith.cmpi ne, %sign3A_1223, %sign3A_1230 : i32
      %rem3A_1232 = arith.remsi %squeeze3A_1187, %jit3A_1215 : i32
      %ne3A_1233 = arith.constant 0 : i32
      %ne3A_1234 = arith.cmpi ne, %rem3A_1232, %ne3A_1233 : i32
      %and3A_1235 = arith.andi %ne3A_1231, %ne3A_1234 : i1
      %sub3A_1236 = arith.constant 1 : i32
      %sub3A_1237 = arith.subi %div3A_1216, %sub3A_1236 : i32
      %select_n3A_1238 = arith.select %and3A_1235, %sub3A_1237, %div3A_1216 : i32
      %mul3A_1239 = arith.constant 128 : i32
      %mul3A_1240 = arith.muli %select_n3A_1238, %mul3A_1239 : i32
      %multiple_of3A_1241 = tpu.assume_multiple %mul3A_1240, 128 : i32
      %dma_start3A_1242 = arith.constant 2 : i32
      %dma_start3A_1243 = arith.constant 0 : i32
      %dma_start3A_1244 = arith.constant 0 : i32
      %dma_start3A_1245 = tpu.memref_slice %arg11[%dma_start3A_1242, %dma_start3A_1243, %dma_start3A_1244] : memref<8x32x128xf32, #tpu.memory_space<vmem>> -> memref<1x32x128xf32, #tpu.memory_space<vmem>>
      %dma_start3A_1246 = tpu.memref_squeeze %dma_start3A_1245 : memref<1x32x128xf32, #tpu.memory_space<vmem>> -> memref<32x128xf32, #tpu.memory_space<vmem>>
      %dma_start3A_1247 = arith.constant 0 : i32
      %dma_start3A_1248 = tpu.memref_slice %arg4[%dma_start3A_1247, %multiple_of3A_1214] : memref<32x1000000xf32, #tpu.memory_space<hbm>> -> memref<32x128xf32, #tpu.memory_space<hbm>>
      %dma_start3A_1249 = arith.constant 0 : i32
      %dma_start3A_1250 = arith.constant 0 : i32
      %dma_start3A_1251 = tpu.memref_slice %arg11[%dma_start3A_1242, %dma_start3A_1249, %dma_start3A_1250] : memref<8x32x128xf32, #tpu.memory_space<vmem>> -> memref<1x32x128xf32, #tpu.memory_space<vmem>>
      %dma_start3A_1252 = tpu.memref_squeeze %dma_start3A_1251 : memref<1x32x128xf32, #tpu.memory_space<vmem>> -> memref<32x128xf32, #tpu.memory_space<vmem>>
      %dma_start3A_1253 = arith.constant 0 : i32
      %dma_start3A_1254 = tpu.memref_slice %arg4[%dma_start3A_1253, %multiple_of3A_1214] : memref<32x1000000xf32, #tpu.memory_space<hbm>> -> memref<32x128xf32, #tpu.memory_space<hbm>>
      tpu.enqueue_dma source(%dma_start3A_1254 : memref<32x128xf32, #tpu.memory_space<hbm>>) target(%dma_start3A_1252 : memref<32x128xf32, #tpu.memory_space<vmem>>) target_semaphore(%arg19 : memref<!tpu.dma_semaphore, #tpu.memory_space<semaphore_mem>>)
      %dma_start3A_1255 = arith.constant 2 : i32
      %dma_start3A_1256 = arith.constant 0 : i32
      %dma_start3A_1257 = arith.constant 0 : i32
      %dma_start3A_1258 = tpu.memref_slice %arg12[%dma_start3A_1255, %dma_start3A_1256, %dma_start3A_1257] : memref<8x32x128xf32, #tpu.memory_space<vmem>> -> memref<1x32x128xf32, #tpu.memory_space<vmem>>
      %dma_start3A_1259 = tpu.memref_squeeze %dma_start3A_1258 : memref<1x32x128xf32, #tpu.memory_space<vmem>> -> memref<32x128xf32, #tpu.memory_space<vmem>>
      %dma_start3A_1260 = arith.constant 0 : i32
      %dma_start3A_1261 = tpu.memref_slice %arg5[%dma_start3A_1260, %multiple_of3A_1241] : memref<32x1000000xf32, #tpu.memory_space<hbm>> -> memref<32x128xf32, #tpu.memory_space<hbm>>
      %dma_start3A_1262 = arith.constant 0 : i32
      %dma_start3A_1263 = arith.constant 0 : i32
      %dma_start3A_1264 = tpu.memref_slice %arg12[%dma_start3A_1255, %dma_start3A_1262, %dma_start3A_1263] : memref<8x32x128xf32, #tpu.memory_space<vmem>> -> memref<1x32x128xf32, #tpu.memory_space<vmem>>
      %dma_start3A_1265 = tpu.memref_squeeze %dma_start3A_1264 : memref<1x32x128xf32, #tpu.memory_space<vmem>> -> memref<32x128xf32, #tpu.memory_space<vmem>>
      %dma_start3A_1266 = arith.constant 0 : i32
      %dma_start3A_1267 = tpu.memref_slice %arg5[%dma_start3A_1266, %multiple_of3A_1241] : memref<32x1000000xf32, #tpu.memory_space<hbm>> -> memref<32x128xf32, #tpu.memory_space<hbm>>
      tpu.enqueue_dma source(%dma_start3A_1267 : memref<32x128xf32, #tpu.memory_space<hbm>>) target(%dma_start3A_1265 : memref<32x128xf32, #tpu.memory_space<vmem>>) target_semaphore(%arg19 : memref<!tpu.dma_semaphore, #tpu.memory_space<semaphore_mem>>)
      %dma_wait3A_1268 = arith.constant 3 : i32
      %dma_wait3A_1269 = arith.constant 0 : i32
      %dma_wait3A_1270 = arith.constant 0 : i32
      %dma_wait3A_1271 = tpu.memref_slice %arg11[%dma_wait3A_1268, %dma_wait3A_1269, %dma_wait3A_1270] : memref<8x32x128xf32, #tpu.memory_space<vmem>> -> memref<1x32x128xf32, #tpu.memory_space<vmem>>
      %dma_wait3A_1272 = tpu.memref_squeeze %dma_wait3A_1271 : memref<1x32x128xf32, #tpu.memory_space<vmem>> -> memref<32x128xf32, #tpu.memory_space<vmem>>
      %dma_wait3A_1273 = arith.constant 0 : i32
      %dma_wait3A_1274 = arith.constant 0 : i32
      %dma_wait3A_1275 = tpu.memref_slice %arg4[%dma_wait3A_1273, %dma_wait3A_1274] : memref<32x1000000xf32, #tpu.memory_space<hbm>> -> memref<32x128xf32, #tpu.memory_space<hbm>>
      %dma_wait3A_1276 = arith.constant 0 : i32
      %dma_wait3A_1277 = arith.constant 0 : i32
      %dma_wait3A_1278 = tpu.memref_slice %arg11[%dma_wait3A_1268, %dma_wait3A_1276, %dma_wait3A_1277] : memref<8x32x128xf32, #tpu.memory_space<vmem>> -> memref<1x32x128xf32, #tpu.memory_space<vmem>>
      %dma_wait3A_1279 = tpu.memref_squeeze %dma_wait3A_1278 : memref<1x32x128xf32, #tpu.memory_space<vmem>> -> memref<32x128xf32, #tpu.memory_space<vmem>>
      %dma_wait3A_1280 = arith.constant 0 : i32
      %dma_wait3A_1281 = arith.constant 0 : i32
      %dma_wait3A_1282 = tpu.memref_slice %arg4[%dma_wait3A_1280, %dma_wait3A_1281] : memref<32x1000000xf32, #tpu.memory_space<hbm>> -> memref<32x128xf32, #tpu.memory_space<hbm>>
      tpu.wait_dma2 semaphore(%arg20 : memref<!tpu.dma_semaphore, #tpu.memory_space<semaphore_mem>>) src(%dma_wait3A_1282 : memref<32x128xf32, #tpu.memory_space<hbm>>) dst(%dma_wait3A_1279 : memref<32x128xf32, #tpu.memory_space<vmem>>)
      %dma_wait3A_1283 = arith.constant 3 : i32
      %dma_wait3A_1284 = arith.constant 0 : i32
      %dma_wait3A_1285 = arith.constant 0 : i32
      %dma_wait3A_1286 = tpu.memref_slice %arg12[%dma_wait3A_1283, %dma_wait3A_1284, %dma_wait3A_1285] : memref<8x32x128xf32, #tpu.memory_space<vmem>> -> memref<1x32x128xf32, #tpu.memory_space<vmem>>
      %dma_wait3A_1287 = tpu.memref_squeeze %dma_wait3A_1286 : memref<1x32x128xf32, #tpu.memory_space<vmem>> -> memref<32x128xf32, #tpu.memory_space<vmem>>
      %dma_wait3A_1288 = arith.constant 0 : i32
      %dma_wait3A_1289 = arith.constant 0 : i32
      %dma_wait3A_1290 = tpu.memref_slice %arg5[%dma_wait3A_1288, %dma_wait3A_1289] : memref<32x1000000xf32, #tpu.memory_space<hbm>> -> memref<32x128xf32, #tpu.memory_space<hbm>>
      %dma_wait3A_1291 = arith.constant 0 : i32
      %dma_wait3A_1292 = arith.constant 0 : i32
      %dma_wait3A_1293 = tpu.memref_slice %arg12[%dma_wait3A_1283, %dma_wait3A_1291, %dma_wait3A_1292] : memref<8x32x128xf32, #tpu.memory_space<vmem>> -> memref<1x32x128xf32, #tpu.memory_space<vmem>>
      %dma_wait3A_1294 = tpu.memref_squeeze %dma_wait3A_1293 : memref<1x32x128xf32, #tpu.memory_space<vmem>> -> memref<32x128xf32, #tpu.memory_space<vmem>>
      %dma_wait3A_1295 = arith.constant 0 : i32
      %dma_wait3A_1296 = arith.constant 0 : i32
      %dma_wait3A_1297 = tpu.memref_slice %arg5[%dma_wait3A_1295, %dma_wait3A_1296] : memref<32x1000000xf32, #tpu.memory_space<hbm>> -> memref<32x128xf32, #tpu.memory_space<hbm>>
      tpu.wait_dma2 semaphore(%arg20 : memref<!tpu.dma_semaphore, #tpu.memory_space<semaphore_mem>>) src(%dma_wait3A_1297 : memref<32x128xf32, #tpu.memory_space<hbm>>) dst(%dma_wait3A_1294 : memref<32x128xf32, #tpu.memory_space<vmem>>)
      %slice3A_1298 = vector.extract_strided_slice %get3A_680 {offsets = [3], sizes = [1], strides = [1]} : vector<16xi32> to vector<1xi32>
      %squeeze3A_1299 = vector.extract %slice3A_1298[0] : i32 from vector<1xi32>
      %jit3A_1300 = arith.constant 128 : i32
      %eq3A_1301 = arith.constant 0 : i32
      %eq3A_1302 = arith.cmpi eq, %jit3A_1300, %eq3A_1301 : i32
      %jit3A_1303 = arith.constant 1 : i32
      %select_n3A_1304 = arith.select %eq3A_1302, %jit3A_1303, %jit3A_1300 : i32
      %rem3A_1305 = arith.remsi %squeeze3A_1299, %select_n3A_1304 : i32
      %ne3A_1306 = arith.constant 0 : i32
      %ne3A_1307 = arith.cmpi ne, %rem3A_1305, %ne3A_1306 : i32
      %lt3A_1308 = arith.constant 0 : i32
      %lt3A_1309 = arith.cmpi slt, %rem3A_1305, %lt3A_1308 : i32
      %lt3A_1310 = arith.constant 0 : i32
      %lt3A_1311 = arith.cmpi slt, %select_n3A_1304, %lt3A_1310 : i32
      %ne3A_1312 = arith.xori %lt3A_1309, %lt3A_1311 : i1
      %and3A_1313 = arith.andi %ne3A_1312, %ne3A_1307 : i1
      %add3A_1314 = arith.addi %rem3A_1305, %select_n3A_1304 : i32
      %select_n3A_1315 = arith.select %and3A_1313, %add3A_1314, %rem3A_1305 : i32
      %add3A_1316 = vector.broadcast %select_n3A_1315 : i32 to vector<16xi32>
      %add3A_1317 = arith.addi %broadcast_in_dim3A_6, %add3A_1316 : vector<16xi32>
      %slice3A_1318 = vector.extract_strided_slice %get3A_682 {offsets = [3], sizes = [1], strides = [1]} : vector<16xi32> to vector<1xi32>
      %squeeze3A_1319 = vector.extract %slice3A_1318[0] : i32 from vector<1xi32>
      %jit3A_1320 = arith.constant 128 : i32
      %eq3A_1321 = arith.constant 0 : i32
      %eq3A_1322 = arith.cmpi eq, %jit3A_1320, %eq3A_1321 : i32
      %jit3A_1323 = arith.constant 1 : i32
      %select_n3A_1324 = arith.select %eq3A_1322, %jit3A_1323, %jit3A_1320 : i32
      %rem3A_1325 = arith.remsi %squeeze3A_1319, %select_n3A_1324 : i32
      %ne3A_1326 = arith.constant 0 : i32
      %ne3A_1327 = arith.cmpi ne, %rem3A_1325, %ne3A_1326 : i32
      %lt3A_1328 = arith.constant 0 : i32
      %lt3A_1329 = arith.cmpi slt, %rem3A_1325, %lt3A_1328 : i32
      %lt3A_1330 = arith.constant 0 : i32
      %lt3A_1331 = arith.cmpi slt, %select_n3A_1324, %lt3A_1330 : i32
      %ne3A_1332 = arith.xori %lt3A_1329, %lt3A_1331 : i1
      %and3A_1333 = arith.andi %ne3A_1332, %ne3A_1327 : i1
      %add3A_1334 = arith.addi %rem3A_1325, %select_n3A_1324 : i32
      %select_n3A_1335 = arith.select %and3A_1333, %add3A_1334, %rem3A_1325 : i32
      %add3A_1336 = vector.broadcast %select_n3A_1335 : i32 to vector<16xi32>
      %add3A_1337 = arith.addi %broadcast_in_dim3A_6, %add3A_1336 : vector<16xi32>
      %gather3A_1338 = arith.constant 3 : i32
      %gather3A_1339 = arith.constant 0 : i32
      %gather3A_1340 = arith.constant 0 : i32
      %gather3A_1341 = tpu.memref_slice %arg11[%gather3A_1338, %gather3A_1339, %gather3A_1340] : memref<8x32x128xf32, #tpu.memory_space<vmem>> -> memref<1x32x128xf32, #tpu.memory_space<vmem>>
      %gather3A_1342 = tpu.memref_squeeze %gather3A_1341 : memref<1x32x128xf32, #tpu.memory_space<vmem>> -> memref<32x128xf32, #tpu.memory_space<vmem>>
      %gather3A_1343 = tpu.vector_load_idx %gather3A_1342[%iota3A, %add3A_1317] : memref<32x128xf32, #tpu.memory_space<vmem>>[vector<16xi32>, vector<16xi32>], vector<16xf32>,
      %add3A_1344 = arith.constant 16 : i32
      %add3A_1345 = vector.broadcast %add3A_1344 : i32 to vector<16xi32>
      %add3A_1346 = arith.addi %iota3A, %add3A_1345 : vector<16xi32>
      %gather3A_1347 = arith.constant 3 : i32
      %gather3A_1348 = arith.constant 0 : i32
      %gather3A_1349 = arith.constant 0 : i32
      %gather3A_1350 = tpu.memref_slice %arg11[%gather3A_1347, %gather3A_1348, %gather3A_1349] : memref<8x32x128xf32, #tpu.memory_space<vmem>> -> memref<1x32x128xf32, #tpu.memory_space<vmem>>
      %gather3A_1351 = tpu.memref_squeeze %gather3A_1350 : memref<1x32x128xf32, #tpu.memory_space<vmem>> -> memref<32x128xf32, #tpu.memory_space<vmem>>
      %gather3A_1352 = tpu.vector_load_idx %gather3A_1351[%add3A_1346, %add3A_1317] : memref<32x128xf32, #tpu.memory_space<vmem>>[vector<16xi32>, vector<16xi32>], vector<16xf32>,
      %gather3A_1353 = arith.constant 3 : i32
      %gather3A_1354 = arith.constant 0 : i32
      %gather3A_1355 = arith.constant 0 : i32
      %gather3A_1356 = tpu.memref_slice %arg12[%gather3A_1353, %gather3A_1354, %gather3A_1355] : memref<8x32x128xf32, #tpu.memory_space<vmem>> -> memref<1x32x128xf32, #tpu.memory_space<vmem>>
      %gather3A_1357 = tpu.memref_squeeze %gather3A_1356 : memref<1x32x128xf32, #tpu.memory_space<vmem>> -> memref<32x128xf32, #tpu.memory_space<vmem>>
      %gather3A_1358 = tpu.vector_load_idx %gather3A_1357[%iota3A, %add3A_1337] : memref<32x128xf32, #tpu.memory_space<vmem>>[vector<16xi32>, vector<16xi32>], vector<16xf32>,
      %add3A_1359 = arith.constant 16 : i32
      %add3A_1360 = vector.broadcast %add3A_1359 : i32 to vector<16xi32>
      %add3A_1361 = arith.addi %iota3A, %add3A_1360 : vector<16xi32>
      %gather3A_1362 = arith.constant 3 : i32
      %gather3A_1363 = arith.constant 0 : i32
      %gather3A_1364 = arith.constant 0 : i32
      %gather3A_1365 = tpu.memref_slice %arg12[%gather3A_1362, %gather3A_1363, %gather3A_1364] : memref<8x32x128xf32, #tpu.memory_space<vmem>> -> memref<1x32x128xf32, #tpu.memory_space<vmem>>
      %gather3A_1366 = tpu.memref_squeeze %gather3A_1365 : memref<1x32x128xf32, #tpu.memory_space<vmem>> -> memref<32x128xf32, #tpu.memory_space<vmem>>
      %gather3A_1367 = tpu.vector_load_idx %gather3A_1366[%add3A_1361, %add3A_1337] : memref<32x128xf32, #tpu.memory_space<vmem>>[vector<16xi32>, vector<16xi32>], vector<16xf32>,
      %mul3A_1368 = arith.mulf %gather3A_1343, %gather3A_1358 : vector<16xf32>
      %mul3A_1369 = arith.mulf %mul3A_1368, %get3A_1 : vector<16xf32>
      %mul3A_1370 = arith.mulf %gather3A_1352, %gather3A_1367 : vector<16xf32>
      %mul3A_1371 = arith.mulf %mul3A_1370, %get3A_3 : vector<16xf32>
      %add3A_1372 = arith.addf %mul3A_1369, %mul3A_1371 : vector<16xf32>
      %swap3A_1373 = arith.constant 3 : i32
      %swap3A_1374 = arith.index_cast %swap3A_1373 : i32 to index
      %swap3A_1375 = arith.constant 0 : index
      %swap3A_1376 = tpu.vector_load %arg13[%swap3A_1374, %swap3A_1375] {strides = array<i32>} : memref<16x128xf32, #tpu.memory_space<vmem>>, vector<16xf32>,
      tpu.vector_store %arg13[%swap3A_1374, %swap3A_1375], %add3A_1372 {strides = array<i32>} : memref<16x128xf32, #tpu.memory_space<vmem>>, vector<16xf32>,
      %slice3A_1377 = vector.extract_strided_slice %get3A_680 {offsets = [11], sizes = [1], strides = [1]} : vector<16xi32> to vector<1xi32>
      %squeeze3A_1378 = vector.extract %slice3A_1377[0] : i32 from vector<1xi32>
      %slice3A_1379 = vector.extract_strided_slice %get3A_682 {offsets = [11], sizes = [1], strides = [1]} : vector<16xi32> to vector<1xi32>
      %squeeze3A_1380 = vector.extract %slice3A_1379[0] : i32 from vector<1xi32>
      %jit3A_1381 = arith.constant 128 : i32
      %div3A_1382 = arith.divsi %squeeze3A_1378, %jit3A_1381 : i32
      %sign3A_1383 = arith.constant 0 : i32
      %sign3A_1384 = arith.cmpi sgt, %squeeze3A_1378, %sign3A_1383 : i32
      %sign3A_1385 = arith.extui %sign3A_1384 : i1 to i32
      %sign3A_1386 = arith.constant 0 : i32
      %sign3A_1387 = arith.cmpi slt, %squeeze3A_1378, %sign3A_1386 : i32
      %sign3A_1388 = arith.extui %sign3A_1387 : i1 to i32
      %sign3A_1389 = arith.subi %sign3A_1385, %sign3A_1388 : i32
      %sign3A_1390 = arith.constant 0 : i32
      %sign3A_1391 = arith.cmpi sgt, %jit3A_1381, %sign3A_1390 : i32
      %sign3A_1392 = arith.extui %sign3A_1391 : i1 to i32
      %sign3A_1393 = arith.constant 0 : i32
      %sign3A_1394 = arith.cmpi slt, %jit3A_1381, %sign3A_1393 : i32
      %sign3A_1395 = arith.extui %sign3A_1394 : i1 to i32
      %sign3A_1396 = arith.subi %sign3A_1392, %sign3A_1395 : i32
      %ne3A_1397 = arith.cmpi ne, %sign3A_1389, %sign3A_1396 : i32
      %rem3A_1398 = arith.remsi %squeeze3A_1378, %jit3A_1381 : i32
      %ne3A_1399 = arith.constant 0 : i32
      %ne3A_1400 = arith.cmpi ne, %rem3A_1398, %ne3A_1399 : i32
      %and3A_1401 = arith.andi %ne3A_1397, %ne3A_1400 : i1
      %sub3A_1402 = arith.constant 1 : i32
      %sub3A_1403 = arith.subi %div3A_1382, %sub3A_1402 : i32
      %select_n3A_1404 = arith.select %and3A_1401, %sub3A_1403, %div3A_1382 : i32
      %mul3A_1405 = arith.constant 128 : i32
      %mul3A_1406 = arith.muli %select_n3A_1404, %mul3A_1405 : i32
      %multiple_of3A_1407 = tpu.assume_multiple %mul3A_1406, 128 : i32
      %jit3A_1408 = arith.constant 128 : i32
      %div3A_1409 = arith.divsi %squeeze3A_1380, %jit3A_1408 : i32
      %sign3A_1410 = arith.constant 0 : i32
      %sign3A_1411 = arith.cmpi sgt, %squeeze3A_1380, %sign3A_1410 : i32
      %sign3A_1412 = arith.extui %sign3A_1411 : i1 to i32
      %sign3A_1413 = arith.constant 0 : i32
      %sign3A_1414 = arith.cmpi slt, %squeeze3A_1380, %sign3A_1413 : i32
      %sign3A_1415 = arith.extui %sign3A_1414 : i1 to i32
      %sign3A_1416 = arith.subi %sign3A_1412, %sign3A_1415 : i32
      %sign3A_1417 = arith.constant 0 : i32
      %sign3A_1418 = arith.cmpi sgt, %jit3A_1408, %sign3A_1417 : i32
      %sign3A_1419 = arith.extui %sign3A_1418 : i1 to i32
      %sign3A_1420 = arith.constant 0 : i32
      %sign3A_1421 = arith.cmpi slt, %jit3A_1408, %sign3A_1420 : i32
      %sign3A_1422 = arith.extui %sign3A_1421 : i1 to i32
      %sign3A_1423 = arith.subi %sign3A_1419, %sign3A_1422 : i32
      %ne3A_1424 = arith.cmpi ne, %sign3A_1416, %sign3A_1423 : i32
      %rem3A_1425 = arith.remsi %squeeze3A_1380, %jit3A_1408 : i32
      %ne3A_1426 = arith.constant 0 : i32
      %ne3A_1427 = arith.cmpi ne, %rem3A_1425, %ne3A_1426 : i32
      %and3A_1428 = arith.andi %ne3A_1424, %ne3A_1427 : i1
      %sub3A_1429 = arith.constant 1 : i32
      %sub3A_1430 = arith.subi %div3A_1409, %sub3A_1429 : i32
      %select_n3A_1431 = arith.select %and3A_1428, %sub3A_1430, %div3A_1409 : i32
      %mul3A_1432 = arith.constant 128 : i32
      %mul3A_1433 = arith.muli %select_n3A_1431, %mul3A_1432 : i32
      %multiple_of3A_1434 = tpu.assume_multiple %mul3A_1433, 128 : i32
      %dma_start3A_1435 = arith.constant 3 : i32
      %dma_start3A_1436 = arith.constant 0 : i32
      %dma_start3A_1437 = arith.constant 0 : i32
      %dma_start3A_1438 = tpu.memref_slice %arg11[%dma_start3A_1435, %dma_start3A_1436, %dma_start3A_1437] : memref<8x32x128xf32, #tpu.memory_space<vmem>> -> memref<1x32x128xf32, #tpu.memory_space<vmem>>
      %dma_start3A_1439 = tpu.memref_squeeze %dma_start3A_1438 : memref<1x32x128xf32, #tpu.memory_space<vmem>> -> memref<32x128xf32, #tpu.memory_space<vmem>>
      %dma_start3A_1440 = arith.constant 0 : i32
      %dma_start3A_1441 = tpu.memref_slice %arg4[%dma_start3A_1440, %multiple_of3A_1407] : memref<32x1000000xf32, #tpu.memory_space<hbm>> -> memref<32x128xf32, #tpu.memory_space<hbm>>
      %dma_start3A_1442 = arith.constant 0 : i32
      %dma_start3A_1443 = arith.constant 0 : i32
      %dma_start3A_1444 = tpu.memref_slice %arg11[%dma_start3A_1435, %dma_start3A_1442, %dma_start3A_1443] : memref<8x32x128xf32, #tpu.memory_space<vmem>> -> memref<1x32x128xf32, #tpu.memory_space<vmem>>
      %dma_start3A_1445 = tpu.memref_squeeze %dma_start3A_1444 : memref<1x32x128xf32, #tpu.memory_space<vmem>> -> memref<32x128xf32, #tpu.memory_space<vmem>>
      %dma_start3A_1446 = arith.constant 0 : i32
      %dma_start3A_1447 = tpu.memref_slice %arg4[%dma_start3A_1446, %multiple_of3A_1407] : memref<32x1000000xf32, #tpu.memory_space<hbm>> -> memref<32x128xf32, #tpu.memory_space<hbm>>
      tpu.enqueue_dma source(%dma_start3A_1447 : memref<32x128xf32, #tpu.memory_space<hbm>>) target(%dma_start3A_1445 : memref<32x128xf32, #tpu.memory_space<vmem>>) target_semaphore(%arg20 : memref<!tpu.dma_semaphore, #tpu.memory_space<semaphore_mem>>)
      %dma_start3A_1448 = arith.constant 3 : i32
      %dma_start3A_1449 = arith.constant 0 : i32
      %dma_start3A_1450 = arith.constant 0 : i32
      %dma_start3A_1451 = tpu.memref_slice %arg12[%dma_start3A_1448, %dma_start3A_1449, %dma_start3A_1450] : memref<8x32x128xf32, #tpu.memory_space<vmem>> -> memref<1x32x128xf32, #tpu.memory_space<vmem>>
      %dma_start3A_1452 = tpu.memref_squeeze %dma_start3A_1451 : memref<1x32x128xf32, #tpu.memory_space<vmem>> -> memref<32x128xf32, #tpu.memory_space<vmem>>
      %dma_start3A_1453 = arith.constant 0 : i32
      %dma_start3A_1454 = tpu.memref_slice %arg5[%dma_start3A_1453, %multiple_of3A_1434] : memref<32x1000000xf32, #tpu.memory_space<hbm>> -> memref<32x128xf32, #tpu.memory_space<hbm>>
      %dma_start3A_1455 = arith.constant 0 : i32
      %dma_start3A_1456 = arith.constant 0 : i32
      %dma_start3A_1457 = tpu.memref_slice %arg12[%dma_start3A_1448, %dma_start3A_1455, %dma_start3A_1456] : memref<8x32x128xf32, #tpu.memory_space<vmem>> -> memref<1x32x128xf32, #tpu.memory_space<vmem>>
      %dma_start3A_1458 = tpu.memref_squeeze %dma_start3A_1457 : memref<1x32x128xf32, #tpu.memory_space<vmem>> -> memref<32x128xf32, #tpu.memory_space<vmem>>
      %dma_start3A_1459 = arith.constant 0 : i32
      %dma_start3A_1460 = tpu.memref_slice %arg5[%dma_start3A_1459, %multiple_of3A_1434] : memref<32x1000000xf32, #tpu.memory_space<hbm>> -> memref<32x128xf32, #tpu.memory_space<hbm>>
      tpu.enqueue_dma source(%dma_start3A_1460 : memref<32x128xf32, #tpu.memory_space<hbm>>) target(%dma_start3A_1458 : memref<32x128xf32, #tpu.memory_space<vmem>>) target_semaphore(%arg20 : memref<!tpu.dma_semaphore, #tpu.memory_space<semaphore_mem>>)
      %dma_wait3A_1461 = arith.constant 4 : i32
      %dma_wait3A_1462 = arith.constant 0 : i32
      %dma_wait3A_1463 = arith.constant 0 : i32
      %dma_wait3A_1464 = tpu.memref_slice %arg11[%dma_wait3A_1461, %dma_wait3A_1462, %dma_wait3A_1463] : memref<8x32x128xf32, #tpu.memory_space<vmem>> -> memref<1x32x128xf32, #tpu.memory_space<vmem>>
      %dma_wait3A_1465 = tpu.memref_squeeze %dma_wait3A_1464 : memref<1x32x128xf32, #tpu.memory_space<vmem>> -> memref<32x128xf32, #tpu.memory_space<vmem>>
      %dma_wait3A_1466 = arith.constant 0 : i32
      %dma_wait3A_1467 = arith.constant 0 : i32
      %dma_wait3A_1468 = tpu.memref_slice %arg4[%dma_wait3A_1466, %dma_wait3A_1467] : memref<32x1000000xf32, #tpu.memory_space<hbm>> -> memref<32x128xf32, #tpu.memory_space<hbm>>
      %dma_wait3A_1469 = arith.constant 0 : i32
      %dma_wait3A_1470 = arith.constant 0 : i32
      %dma_wait3A_1471 = tpu.memref_slice %arg11[%dma_wait3A_1461, %dma_wait3A_1469, %dma_wait3A_1470] : memref<8x32x128xf32, #tpu.memory_space<vmem>> -> memref<1x32x128xf32, #tpu.memory_space<vmem>>
      %dma_wait3A_1472 = tpu.memref_squeeze %dma_wait3A_1471 : memref<1x32x128xf32, #tpu.memory_space<vmem>> -> memref<32x128xf32, #tpu.memory_space<vmem>>
      %dma_wait3A_1473 = arith.constant 0 : i32
      %dma_wait3A_1474 = arith.constant 0 : i32
      %dma_wait3A_1475 = tpu.memref_slice %arg4[%dma_wait3A_1473, %dma_wait3A_1474] : memref<32x1000000xf32, #tpu.memory_space<hbm>> -> memref<32x128xf32, #tpu.memory_space<hbm>>
      tpu.wait_dma2 semaphore(%arg21 : memref<!tpu.dma_semaphore, #tpu.memory_space<semaphore_mem>>) src(%dma_wait3A_1475 : memref<32x128xf32, #tpu.memory_space<hbm>>) dst(%dma_wait3A_1472 : memref<32x128xf32, #tpu.memory_space<vmem>>)
      %dma_wait3A_1476 = arith.constant 4 : i32
      %dma_wait3A_1477 = arith.constant 0 : i32
      %dma_wait3A_1478 = arith.constant 0 : i32
      %dma_wait3A_1479 = tpu.memref_slice %arg12[%dma_wait3A_1476, %dma_wait3A_1477, %dma_wait3A_1478] : memref<8x32x128xf32, #tpu.memory_space<vmem>> -> memref<1x32x128xf32, #tpu.memory_space<vmem>>
      %dma_wait3A_1480 = tpu.memref_squeeze %dma_wait3A_1479 : memref<1x32x128xf32, #tpu.memory_space<vmem>> -> memref<32x128xf32, #tpu.memory_space<vmem>>
      %dma_wait3A_1481 = arith.constant 0 : i32
      %dma_wait3A_1482 = arith.constant 0 : i32
      %dma_wait3A_1483 = tpu.memref_slice %arg5[%dma_wait3A_1481, %dma_wait3A_1482] : memref<32x1000000xf32, #tpu.memory_space<hbm>> -> memref<32x128xf32, #tpu.memory_space<hbm>>
      %dma_wait3A_1484 = arith.constant 0 : i32
      %dma_wait3A_1485 = arith.constant 0 : i32
      %dma_wait3A_1486 = tpu.memref_slice %arg12[%dma_wait3A_1476, %dma_wait3A_1484, %dma_wait3A_1485] : memref<8x32x128xf32, #tpu.memory_space<vmem>> -> memref<1x32x128xf32, #tpu.memory_space<vmem>>
      %dma_wait3A_1487 = tpu.memref_squeeze %dma_wait3A_1486 : memref<1x32x128xf32, #tpu.memory_space<vmem>> -> memref<32x128xf32, #tpu.memory_space<vmem>>
      %dma_wait3A_1488 = arith.constant 0 : i32
      %dma_wait3A_1489 = arith.constant 0 : i32
      %dma_wait3A_1490 = tpu.memref_slice %arg5[%dma_wait3A_1488, %dma_wait3A_1489] : memref<32x1000000xf32, #tpu.memory_space<hbm>> -> memref<32x128xf32, #tpu.memory_space<hbm>>
      tpu.wait_dma2 semaphore(%arg21 : memref<!tpu.dma_semaphore, #tpu.memory_space<semaphore_mem>>) src(%dma_wait3A_1490 : memref<32x128xf32, #tpu.memory_space<hbm>>) dst(%dma_wait3A_1487 : memref<32x128xf32, #tpu.memory_space<vmem>>)
      %slice3A_1491 = vector.extract_strided_slice %get3A_680 {offsets = [4], sizes = [1], strides = [1]} : vector<16xi32> to vector<1xi32>
      %squeeze3A_1492 = vector.extract %slice3A_1491[0] : i32 from vector<1xi32>
      %jit3A_1493 = arith.constant 128 : i32
      %eq3A_1494 = arith.constant 0 : i32
      %eq3A_1495 = arith.cmpi eq, %jit3A_1493, %eq3A_1494 : i32
      %jit3A_1496 = arith.constant 1 : i32
      %select_n3A_1497 = arith.select %eq3A_1495, %jit3A_1496, %jit3A_1493 : i32
      %rem3A_1498 = arith.remsi %squeeze3A_1492, %select_n3A_1497 : i32
      %ne3A_1499 = arith.constant 0 : i32
      %ne3A_1500 = arith.cmpi ne, %rem3A_1498, %ne3A_1499 : i32
      %lt3A_1501 = arith.constant 0 : i32
      %lt3A_1502 = arith.cmpi slt, %rem3A_1498, %lt3A_1501 : i32
      %lt3A_1503 = arith.constant 0 : i32
      %lt3A_1504 = arith.cmpi slt, %select_n3A_1497, %lt3A_1503 : i32
      %ne3A_1505 = arith.xori %lt3A_1502, %lt3A_1504 : i1
      %and3A_1506 = arith.andi %ne3A_1505, %ne3A_1500 : i1
      %add3A_1507 = arith.addi %rem3A_1498, %select_n3A_1497 : i32
      %select_n3A_1508 = arith.select %and3A_1506, %add3A_1507, %rem3A_1498 : i32
      %add3A_1509 = vector.broadcast %select_n3A_1508 : i32 to vector<16xi32>
      %add3A_1510 = arith.addi %broadcast_in_dim3A_6, %add3A_1509 : vector<16xi32>
      %slice3A_1511 = vector.extract_strided_slice %get3A_682 {offsets = [4], sizes = [1], strides = [1]} : vector<16xi32> to vector<1xi32>
      %squeeze3A_1512 = vector.extract %slice3A_1511[0] : i32 from vector<1xi32>
      %jit3A_1513 = arith.constant 128 : i32
      %eq3A_1514 = arith.constant 0 : i32
      %eq3A_1515 = arith.cmpi eq, %jit3A_1513, %eq3A_1514 : i32
      %jit3A_1516 = arith.constant 1 : i32
      %select_n3A_1517 = arith.select %eq3A_1515, %jit3A_1516, %jit3A_1513 : i32
      %rem3A_1518 = arith.remsi %squeeze3A_1512, %select_n3A_1517 : i32
      %ne3A_1519 = arith.constant 0 : i32
      %ne3A_1520 = arith.cmpi ne, %rem3A_1518, %ne3A_1519 : i32
      %lt3A_1521 = arith.constant 0 : i32
      %lt3A_1522 = arith.cmpi slt, %rem3A_1518, %lt3A_1521 : i32
      %lt3A_1523 = arith.constant 0 : i32
      %lt3A_1524 = arith.cmpi slt, %select_n3A_1517, %lt3A_1523 : i32
      %ne3A_1525 = arith.xori %lt3A_1522, %lt3A_1524 : i1
      %and3A_1526 = arith.andi %ne3A_1525, %ne3A_1520 : i1
      %add3A_1527 = arith.addi %rem3A_1518, %select_n3A_1517 : i32
      %select_n3A_1528 = arith.select %and3A_1526, %add3A_1527, %rem3A_1518 : i32
      %add3A_1529 = vector.broadcast %select_n3A_1528 : i32 to vector<16xi32>
      %add3A_1530 = arith.addi %broadcast_in_dim3A_6, %add3A_1529 : vector<16xi32>
      %gather3A_1531 = arith.constant 4 : i32
      %gather3A_1532 = arith.constant 0 : i32
      %gather3A_1533 = arith.constant 0 : i32
      %gather3A_1534 = tpu.memref_slice %arg11[%gather3A_1531, %gather3A_1532, %gather3A_1533] : memref<8x32x128xf32, #tpu.memory_space<vmem>> -> memref<1x32x128xf32, #tpu.memory_space<vmem>>
      %gather3A_1535 = tpu.memref_squeeze %gather3A_1534 : memref<1x32x128xf32, #tpu.memory_space<vmem>> -> memref<32x128xf32, #tpu.memory_space<vmem>>
      %gather3A_1536 = tpu.vector_load_idx %gather3A_1535[%iota3A, %add3A_1510] : memref<32x128xf32, #tpu.memory_space<vmem>>[vector<16xi32>, vector<16xi32>], vector<16xf32>,
      %add3A_1537 = arith.constant 16 : i32
      %add3A_1538 = vector.broadcast %add3A_1537 : i32 to vector<16xi32>
      %add3A_1539 = arith.addi %iota3A, %add3A_1538 : vector<16xi32>
      %gather3A_1540 = arith.constant 4 : i32
      %gather3A_1541 = arith.constant 0 : i32
      %gather3A_1542 = arith.constant 0 : i32
      %gather3A_1543 = tpu.memref_slice %arg11[%gather3A_1540, %gather3A_1541, %gather3A_1542] : memref<8x32x128xf32, #tpu.memory_space<vmem>> -> memref<1x32x128xf32, #tpu.memory_space<vmem>>
      %gather3A_1544 = tpu.memref_squeeze %gather3A_1543 : memref<1x32x128xf32, #tpu.memory_space<vmem>> -> memref<32x128xf32, #tpu.memory_space<vmem>>
      %gather3A_1545 = tpu.vector_load_idx %gather3A_1544[%add3A_1539, %add3A_1510] : memref<32x128xf32, #tpu.memory_space<vmem>>[vector<16xi32>, vector<16xi32>], vector<16xf32>,
      %gather3A_1546 = arith.constant 4 : i32
      %gather3A_1547 = arith.constant 0 : i32
      %gather3A_1548 = arith.constant 0 : i32
      %gather3A_1549 = tpu.memref_slice %arg12[%gather3A_1546, %gather3A_1547, %gather3A_1548] : memref<8x32x128xf32, #tpu.memory_space<vmem>> -> memref<1x32x128xf32, #tpu.memory_space<vmem>>
      %gather3A_1550 = tpu.memref_squeeze %gather3A_1549 : memref<1x32x128xf32, #tpu.memory_space<vmem>> -> memref<32x128xf32, #tpu.memory_space<vmem>>
      %gather3A_1551 = tpu.vector_load_idx %gather3A_1550[%iota3A, %add3A_1530] : memref<32x128xf32, #tpu.memory_space<vmem>>[vector<16xi32>, vector<16xi32>], vector<16xf32>,
      %add3A_1552 = arith.constant 16 : i32
      %add3A_1553 = vector.broadcast %add3A_1552 : i32 to vector<16xi32>
      %add3A_1554 = arith.addi %iota3A, %add3A_1553 : vector<16xi32>
      %gather3A_1555 = arith.constant 4 : i32
      %gather3A_1556 = arith.constant 0 : i32
      %gather3A_1557 = arith.constant 0 : i32
      %gather3A_1558 = tpu.memref_slice %arg12[%gather3A_1555, %gather3A_1556, %gather3A_1557] : memref<8x32x128xf32, #tpu.memory_space<vmem>> -> memref<1x32x128xf32, #tpu.memory_space<vmem>>
      %gather3A_1559 = tpu.memref_squeeze %gather3A_1558 : memref<1x32x128xf32, #tpu.memory_space<vmem>> -> memref<32x128xf32, #tpu.memory_space<vmem>>
      %gather3A_1560 = tpu.vector_load_idx %gather3A_1559[%add3A_1554, %add3A_1530] : memref<32x128xf32, #tpu.memory_space<vmem>>[vector<16xi32>, vector<16xi32>], vector<16xf32>,
      %mul3A_1561 = arith.mulf %gather3A_1536, %gather3A_1551 : vector<16xf32>
      %mul3A_1562 = arith.mulf %mul3A_1561, %get3A_1 : vector<16xf32>
      %mul3A_1563 = arith.mulf %gather3A_1545, %gather3A_1560 : vector<16xf32>
      %mul3A_1564 = arith.mulf %mul3A_1563, %get3A_3 : vector<16xf32>
      %add3A_1565 = arith.addf %mul3A_1562, %mul3A_1564 : vector<16xf32>
      %swap3A_1566 = arith.constant 4 : i32
      %swap3A_1567 = arith.index_cast %swap3A_1566 : i32 to index
      %swap3A_1568 = arith.constant 0 : index
      %swap3A_1569 = tpu.vector_load %arg13[%swap3A_1567, %swap3A_1568] {strides = array<i32>} : memref<16x128xf32, #tpu.memory_space<vmem>>, vector<16xf32>,
      tpu.vector_store %arg13[%swap3A_1567, %swap3A_1568], %add3A_1565 {strides = array<i32>} : memref<16x128xf32, #tpu.memory_space<vmem>>, vector<16xf32>,
      %slice3A_1570 = vector.extract_strided_slice %get3A_680 {offsets = [12], sizes = [1], strides = [1]} : vector<16xi32> to vector<1xi32>
      %squeeze3A_1571 = vector.extract %slice3A_1570[0] : i32 from vector<1xi32>
      %slice3A_1572 = vector.extract_strided_slice %get3A_682 {offsets = [12], sizes = [1], strides = [1]} : vector<16xi32> to vector<1xi32>
      %squeeze3A_1573 = vector.extract %slice3A_1572[0] : i32 from vector<1xi32>
      %jit3A_1574 = arith.constant 128 : i32
      %div3A_1575 = arith.divsi %squeeze3A_1571, %jit3A_1574 : i32
      %sign3A_1576 = arith.constant 0 : i32
      %sign3A_1577 = arith.cmpi sgt, %squeeze3A_1571, %sign3A_1576 : i32
      %sign3A_1578 = arith.extui %sign3A_1577 : i1 to i32
      %sign3A_1579 = arith.constant 0 : i32
      %sign3A_1580 = arith.cmpi slt, %squeeze3A_1571, %sign3A_1579 : i32
      %sign3A_1581 = arith.extui %sign3A_1580 : i1 to i32
      %sign3A_1582 = arith.subi %sign3A_1578, %sign3A_1581 : i32
      %sign3A_1583 = arith.constant 0 : i32
      %sign3A_1584 = arith.cmpi sgt, %jit3A_1574, %sign3A_1583 : i32
      %sign3A_1585 = arith.extui %sign3A_1584 : i1 to i32
      %sign3A_1586 = arith.constant 0 : i32
      %sign3A_1587 = arith.cmpi slt, %jit3A_1574, %sign3A_1586 : i32
      %sign3A_1588 = arith.extui %sign3A_1587 : i1 to i32
      %sign3A_1589 = arith.subi %sign3A_1585, %sign3A_1588 : i32
      %ne3A_1590 = arith.cmpi ne, %sign3A_1582, %sign3A_1589 : i32
      %rem3A_1591 = arith.remsi %squeeze3A_1571, %jit3A_1574 : i32
      %ne3A_1592 = arith.constant 0 : i32
      %ne3A_1593 = arith.cmpi ne, %rem3A_1591, %ne3A_1592 : i32
      %and3A_1594 = arith.andi %ne3A_1590, %ne3A_1593 : i1
      %sub3A_1595 = arith.constant 1 : i32
      %sub3A_1596 = arith.subi %div3A_1575, %sub3A_1595 : i32
      %select_n3A_1597 = arith.select %and3A_1594, %sub3A_1596, %div3A_1575 : i32
      %mul3A_1598 = arith.constant 128 : i32
      %mul3A_1599 = arith.muli %select_n3A_1597, %mul3A_1598 : i32
      %multiple_of3A_1600 = tpu.assume_multiple %mul3A_1599, 128 : i32
      %jit3A_1601 = arith.constant 128 : i32
      %div3A_1602 = arith.divsi %squeeze3A_1573, %jit3A_1601 : i32
      %sign3A_1603 = arith.constant 0 : i32
      %sign3A_1604 = arith.cmpi sgt, %squeeze3A_1573, %sign3A_1603 : i32
      %sign3A_1605 = arith.extui %sign3A_1604 : i1 to i32
      %sign3A_1606 = arith.constant 0 : i32
      %sign3A_1607 = arith.cmpi slt, %squeeze3A_1573, %sign3A_1606 : i32
      %sign3A_1608 = arith.extui %sign3A_1607 : i1 to i32
      %sign3A_1609 = arith.subi %sign3A_1605, %sign3A_1608 : i32
      %sign3A_1610 = arith.constant 0 : i32
      %sign3A_1611 = arith.cmpi sgt, %jit3A_1601, %sign3A_1610 : i32
      %sign3A_1612 = arith.extui %sign3A_1611 : i1 to i32
      %sign3A_1613 = arith.constant 0 : i32
      %sign3A_1614 = arith.cmpi slt, %jit3A_1601, %sign3A_1613 : i32
      %sign3A_1615 = arith.extui %sign3A_1614 : i1 to i32
      %sign3A_1616 = arith.subi %sign3A_1612, %sign3A_1615 : i32
      %ne3A_1617 = arith.cmpi ne, %sign3A_1609, %sign3A_1616 : i32
      %rem3A_1618 = arith.remsi %squeeze3A_1573, %jit3A_1601 : i32
      %ne3A_1619 = arith.constant 0 : i32
      %ne3A_1620 = arith.cmpi ne, %rem3A_1618, %ne3A_1619 : i32
      %and3A_1621 = arith.andi %ne3A_1617, %ne3A_1620 : i1
      %sub3A_1622 = arith.constant 1 : i32
      %sub3A_1623 = arith.subi %div3A_1602, %sub3A_1622 : i32
      %select_n3A_1624 = arith.select %and3A_1621, %sub3A_1623, %div3A_1602 : i32
      %mul3A_1625 = arith.constant 128 : i32
      %mul3A_1626 = arith.muli %select_n3A_1624, %mul3A_1625 : i32
      %multiple_of3A_1627 = tpu.assume_multiple %mul3A_1626, 128 : i32
      %dma_start3A_1628 = arith.constant 4 : i32
      %dma_start3A_1629 = arith.constant 0 : i32
      %dma_start3A_1630 = arith.constant 0 : i32
      %dma_start3A_1631 = tpu.memref_slice %arg11[%dma_start3A_1628, %dma_start3A_1629, %dma_start3A_1630] : memref<8x32x128xf32, #tpu.memory_space<vmem>> -> memref<1x32x128xf32, #tpu.memory_space<vmem>>
      %dma_start3A_1632 = tpu.memref_squeeze %dma_start3A_1631 : memref<1x32x128xf32, #tpu.memory_space<vmem>> -> memref<32x128xf32, #tpu.memory_space<vmem>>
      %dma_start3A_1633 = arith.constant 0 : i32
      %dma_start3A_1634 = tpu.memref_slice %arg4[%dma_start3A_1633, %multiple_of3A_1600] : memref<32x1000000xf32, #tpu.memory_space<hbm>> -> memref<32x128xf32, #tpu.memory_space<hbm>>
      %dma_start3A_1635 = arith.constant 0 : i32
      %dma_start3A_1636 = arith.constant 0 : i32
      %dma_start3A_1637 = tpu.memref_slice %arg11[%dma_start3A_1628, %dma_start3A_1635, %dma_start3A_1636] : memref<8x32x128xf32, #tpu.memory_space<vmem>> -> memref<1x32x128xf32, #tpu.memory_space<vmem>>
      %dma_start3A_1638 = tpu.memref_squeeze %dma_start3A_1637 : memref<1x32x128xf32, #tpu.memory_space<vmem>> -> memref<32x128xf32, #tpu.memory_space<vmem>>
      %dma_start3A_1639 = arith.constant 0 : i32
      %dma_start3A_1640 = tpu.memref_slice %arg4[%dma_start3A_1639, %multiple_of3A_1600] : memref<32x1000000xf32, #tpu.memory_space<hbm>> -> memref<32x128xf32, #tpu.memory_space<hbm>>
      tpu.enqueue_dma source(%dma_start3A_1640 : memref<32x128xf32, #tpu.memory_space<hbm>>) target(%dma_start3A_1638 : memref<32x128xf32, #tpu.memory_space<vmem>>) target_semaphore(%arg21 : memref<!tpu.dma_semaphore, #tpu.memory_space<semaphore_mem>>)
      %dma_start3A_1641 = arith.constant 4 : i32
      %dma_start3A_1642 = arith.constant 0 : i32
      %dma_start3A_1643 = arith.constant 0 : i32
      %dma_start3A_1644 = tpu.memref_slice %arg12[%dma_start3A_1641, %dma_start3A_1642, %dma_start3A_1643] : memref<8x32x128xf32, #tpu.memory_space<vmem>> -> memref<1x32x128xf32, #tpu.memory_space<vmem>>
      %dma_start3A_1645 = tpu.memref_squeeze %dma_start3A_1644 : memref<1x32x128xf32, #tpu.memory_space<vmem>> -> memref<32x128xf32, #tpu.memory_space<vmem>>
      %dma_start3A_1646 = arith.constant 0 : i32
      %dma_start3A_1647 = tpu.memref_slice %arg5[%dma_start3A_1646, %multiple_of3A_1627] : memref<32x1000000xf32, #tpu.memory_space<hbm>> -> memref<32x128xf32, #tpu.memory_space<hbm>>
      %dma_start3A_1648 = arith.constant 0 : i32
      %dma_start3A_1649 = arith.constant 0 : i32
      %dma_start3A_1650 = tpu.memref_slice %arg12[%dma_start3A_1641, %dma_start3A_1648, %dma_start3A_1649] : memref<8x32x128xf32, #tpu.memory_space<vmem>> -> memref<1x32x128xf32, #tpu.memory_space<vmem>>
      %dma_start3A_1651 = tpu.memref_squeeze %dma_start3A_1650 : memref<1x32x128xf32, #tpu.memory_space<vmem>> -> memref<32x128xf32, #tpu.memory_space<vmem>>
      %dma_start3A_1652 = arith.constant 0 : i32
      %dma_start3A_1653 = tpu.memref_slice %arg5[%dma_start3A_1652, %multiple_of3A_1627] : memref<32x1000000xf32, #tpu.memory_space<hbm>> -> memref<32x128xf32, #tpu.memory_space<hbm>>
      tpu.enqueue_dma source(%dma_start3A_1653 : memref<32x128xf32, #tpu.memory_space<hbm>>) target(%dma_start3A_1651 : memref<32x128xf32, #tpu.memory_space<vmem>>) target_semaphore(%arg21 : memref<!tpu.dma_semaphore, #tpu.memory_space<semaphore_mem>>)
      %dma_wait3A_1654 = arith.constant 5 : i32
      %dma_wait3A_1655 = arith.constant 0 : i32
      %dma_wait3A_1656 = arith.constant 0 : i32
      %dma_wait3A_1657 = tpu.memref_slice %arg11[%dma_wait3A_1654, %dma_wait3A_1655, %dma_wait3A_1656] : memref<8x32x128xf32, #tpu.memory_space<vmem>> -> memref<1x32x128xf32, #tpu.memory_space<vmem>>
      %dma_wait3A_1658 = tpu.memref_squeeze %dma_wait3A_1657 : memref<1x32x128xf32, #tpu.memory_space<vmem>> -> memref<32x128xf32, #tpu.memory_space<vmem>>
      %dma_wait3A_1659 = arith.constant 0 : i32
      %dma_wait3A_1660 = arith.constant 0 : i32
      %dma_wait3A_1661 = tpu.memref_slice %arg4[%dma_wait3A_1659, %dma_wait3A_1660] : memref<32x1000000xf32, #tpu.memory_space<hbm>> -> memref<32x128xf32, #tpu.memory_space<hbm>>
      %dma_wait3A_1662 = arith.constant 0 : i32
      %dma_wait3A_1663 = arith.constant 0 : i32
      %dma_wait3A_1664 = tpu.memref_slice %arg11[%dma_wait3A_1654, %dma_wait3A_1662, %dma_wait3A_1663] : memref<8x32x128xf32, #tpu.memory_space<vmem>> -> memref<1x32x128xf32, #tpu.memory_space<vmem>>
      %dma_wait3A_1665 = tpu.memref_squeeze %dma_wait3A_1664 : memref<1x32x128xf32, #tpu.memory_space<vmem>> -> memref<32x128xf32, #tpu.memory_space<vmem>>
      %dma_wait3A_1666 = arith.constant 0 : i32
      %dma_wait3A_1667 = arith.constant 0 : i32
      %dma_wait3A_1668 = tpu.memref_slice %arg4[%dma_wait3A_1666, %dma_wait3A_1667] : memref<32x1000000xf32, #tpu.memory_space<hbm>> -> memref<32x128xf32, #tpu.memory_space<hbm>>
      tpu.wait_dma2 semaphore(%arg22 : memref<!tpu.dma_semaphore, #tpu.memory_space<semaphore_mem>>) src(%dma_wait3A_1668 : memref<32x128xf32, #tpu.memory_space<hbm>>) dst(%dma_wait3A_1665 : memref<32x128xf32, #tpu.memory_space<vmem>>)
      %dma_wait3A_1669 = arith.constant 5 : i32
      %dma_wait3A_1670 = arith.constant 0 : i32
      %dma_wait3A_1671 = arith.constant 0 : i32
      %dma_wait3A_1672 = tpu.memref_slice %arg12[%dma_wait3A_1669, %dma_wait3A_1670, %dma_wait3A_1671] : memref<8x32x128xf32, #tpu.memory_space<vmem>> -> memref<1x32x128xf32, #tpu.memory_space<vmem>>
      %dma_wait3A_1673 = tpu.memref_squeeze %dma_wait3A_1672 : memref<1x32x128xf32, #tpu.memory_space<vmem>> -> memref<32x128xf32, #tpu.memory_space<vmem>>
      %dma_wait3A_1674 = arith.constant 0 : i32
      %dma_wait3A_1675 = arith.constant 0 : i32
      %dma_wait3A_1676 = tpu.memref_slice %arg5[%dma_wait3A_1674, %dma_wait3A_1675] : memref<32x1000000xf32, #tpu.memory_space<hbm>> -> memref<32x128xf32, #tpu.memory_space<hbm>>
      %dma_wait3A_1677 = arith.constant 0 : i32
      %dma_wait3A_1678 = arith.constant 0 : i32
      %dma_wait3A_1679 = tpu.memref_slice %arg12[%dma_wait3A_1669, %dma_wait3A_1677, %dma_wait3A_1678] : memref<8x32x128xf32, #tpu.memory_space<vmem>> -> memref<1x32x128xf32, #tpu.memory_space<vmem>>
      %dma_wait3A_1680 = tpu.memref_squeeze %dma_wait3A_1679 : memref<1x32x128xf32, #tpu.memory_space<vmem>> -> memref<32x128xf32, #tpu.memory_space<vmem>>
      %dma_wait3A_1681 = arith.constant 0 : i32
      %dma_wait3A_1682 = arith.constant 0 : i32
      %dma_wait3A_1683 = tpu.memref_slice %arg5[%dma_wait3A_1681, %dma_wait3A_1682] : memref<32x1000000xf32, #tpu.memory_space<hbm>> -> memref<32x128xf32, #tpu.memory_space<hbm>>
      tpu.wait_dma2 semaphore(%arg22 : memref<!tpu.dma_semaphore, #tpu.memory_space<semaphore_mem>>) src(%dma_wait3A_1683 : memref<32x128xf32, #tpu.memory_space<hbm>>) dst(%dma_wait3A_1680 : memref<32x128xf32, #tpu.memory_space<vmem>>)
      %slice3A_1684 = vector.extract_strided_slice %get3A_680 {offsets = [5], sizes = [1], strides = [1]} : vector<16xi32> to vector<1xi32>
      %squeeze3A_1685 = vector.extract %slice3A_1684[0] : i32 from vector<1xi32>
      %jit3A_1686 = arith.constant 128 : i32
      %eq3A_1687 = arith.constant 0 : i32
      %eq3A_1688 = arith.cmpi eq, %jit3A_1686, %eq3A_1687 : i32
      %jit3A_1689 = arith.constant 1 : i32
      %select_n3A_1690 = arith.select %eq3A_1688, %jit3A_1689, %jit3A_1686 : i32
      %rem3A_1691 = arith.remsi %squeeze3A_1685, %select_n3A_1690 : i32
      %ne3A_1692 = arith.constant 0 : i32
      %ne3A_1693 = arith.cmpi ne, %rem3A_1691, %ne3A_1692 : i32
      %lt3A_1694 = arith.constant 0 : i32
      %lt3A_1695 = arith.cmpi slt, %rem3A_1691, %lt3A_1694 : i32
      %lt3A_1696 = arith.constant 0 : i32
      %lt3A_1697 = arith.cmpi slt, %select_n3A_1690, %lt3A_1696 : i32
      %ne3A_1698 = arith.xori %lt3A_1695, %lt3A_1697 : i1
      %and3A_1699 = arith.andi %ne3A_1698, %ne3A_1693 : i1
      %add3A_1700 = arith.addi %rem3A_1691, %select_n3A_1690 : i32
      %select_n3A_1701 = arith.select %and3A_1699, %add3A_1700, %rem3A_1691 : i32
      %add3A_1702 = vector.broadcast %select_n3A_1701 : i32 to vector<16xi32>
      %add3A_1703 = arith.addi %broadcast_in_dim3A_6, %add3A_1702 : vector<16xi32>
      %slice3A_1704 = vector.extract_strided_slice %get3A_682 {offsets = [5], sizes = [1], strides = [1]} : vector<16xi32> to vector<1xi32>
      %squeeze3A_1705 = vector.extract %slice3A_1704[0] : i32 from vector<1xi32>
      %jit3A_1706 = arith.constant 128 : i32
      %eq3A_1707 = arith.constant 0 : i32
      %eq3A_1708 = arith.cmpi eq, %jit3A_1706, %eq3A_1707 : i32
      %jit3A_1709 = arith.constant 1 : i32
      %select_n3A_1710 = arith.select %eq3A_1708, %jit3A_1709, %jit3A_1706 : i32
      %rem3A_1711 = arith.remsi %squeeze3A_1705, %select_n3A_1710 : i32
      %ne3A_1712 = arith.constant 0 : i32
      %ne3A_1713 = arith.cmpi ne, %rem3A_1711, %ne3A_1712 : i32
      %lt3A_1714 = arith.constant 0 : i32
      %lt3A_1715 = arith.cmpi slt, %rem3A_1711, %lt3A_1714 : i32
      %lt3A_1716 = arith.constant 0 : i32
      %lt3A_1717 = arith.cmpi slt, %select_n3A_1710, %lt3A_1716 : i32
      %ne3A_1718 = arith.xori %lt3A_1715, %lt3A_1717 : i1
      %and3A_1719 = arith.andi %ne3A_1718, %ne3A_1713 : i1
      %add3A_1720 = arith.addi %rem3A_1711, %select_n3A_1710 : i32
      %select_n3A_1721 = arith.select %and3A_1719, %add3A_1720, %rem3A_1711 : i32
      %add3A_1722 = vector.broadcast %select_n3A_1721 : i32 to vector<16xi32>
      %add3A_1723 = arith.addi %broadcast_in_dim3A_6, %add3A_1722 : vector<16xi32>
      %gather3A_1724 = arith.constant 5 : i32
      %gather3A_1725 = arith.constant 0 : i32
      %gather3A_1726 = arith.constant 0 : i32
      %gather3A_1727 = tpu.memref_slice %arg11[%gather3A_1724, %gather3A_1725, %gather3A_1726] : memref<8x32x128xf32, #tpu.memory_space<vmem>> -> memref<1x32x128xf32, #tpu.memory_space<vmem>>
      %gather3A_1728 = tpu.memref_squeeze %gather3A_1727 : memref<1x32x128xf32, #tpu.memory_space<vmem>> -> memref<32x128xf32, #tpu.memory_space<vmem>>
      %gather3A_1729 = tpu.vector_load_idx %gather3A_1728[%iota3A, %add3A_1703] : memref<32x128xf32, #tpu.memory_space<vmem>>[vector<16xi32>, vector<16xi32>], vector<16xf32>,
      %add3A_1730 = arith.constant 16 : i32
      %add3A_1731 = vector.broadcast %add3A_1730 : i32 to vector<16xi32>
      %add3A_1732 = arith.addi %iota3A, %add3A_1731 : vector<16xi32>
      %gather3A_1733 = arith.constant 5 : i32
      %gather3A_1734 = arith.constant 0 : i32
      %gather3A_1735 = arith.constant 0 : i32
      %gather3A_1736 = tpu.memref_slice %arg11[%gather3A_1733, %gather3A_1734, %gather3A_1735] : memref<8x32x128xf32, #tpu.memory_space<vmem>> -> memref<1x32x128xf32, #tpu.memory_space<vmem>>
      %gather3A_1737 = tpu.memref_squeeze %gather3A_1736 : memref<1x32x128xf32, #tpu.memory_space<vmem>> -> memref<32x128xf32, #tpu.memory_space<vmem>>
      %gather3A_1738 = tpu.vector_load_idx %gather3A_1737[%add3A_1732, %add3A_1703] : memref<32x128xf32, #tpu.memory_space<vmem>>[vector<16xi32>, vector<16xi32>], vector<16xf32>,
      %gather3A_1739 = arith.constant 5 : i32
      %gather3A_1740 = arith.constant 0 : i32
      %gather3A_1741 = arith.constant 0 : i32
      %gather3A_1742 = tpu.memref_slice %arg12[%gather3A_1739, %gather3A_1740, %gather3A_1741] : memref<8x32x128xf32, #tpu.memory_space<vmem>> -> memref<1x32x128xf32, #tpu.memory_space<vmem>>
      %gather3A_1743 = tpu.memref_squeeze %gather3A_1742 : memref<1x32x128xf32, #tpu.memory_space<vmem>> -> memref<32x128xf32, #tpu.memory_space<vmem>>
      %gather3A_1744 = tpu.vector_load_idx %gather3A_1743[%iota3A, %add3A_1723] : memref<32x128xf32, #tpu.memory_space<vmem>>[vector<16xi32>, vector<16xi32>], vector<16xf32>,
      %add3A_1745 = arith.constant 16 : i32
      %add3A_1746 = vector.broadcast %add3A_1745 : i32 to vector<16xi32>
      %add3A_1747 = arith.addi %iota3A, %add3A_1746 : vector<16xi32>
      %gather3A_1748 = arith.constant 5 : i32
      %gather3A_1749 = arith.constant 0 : i32
      %gather3A_1750 = arith.constant 0 : i32
      %gather3A_1751 = tpu.memref_slice %arg12[%gather3A_1748, %gather3A_1749, %gather3A_1750] : memref<8x32x128xf32, #tpu.memory_space<vmem>> -> memref<1x32x128xf32, #tpu.memory_space<vmem>>
      %gather3A_1752 = tpu.memref_squeeze %gather3A_1751 : memref<1x32x128xf32, #tpu.memory_space<vmem>> -> memref<32x128xf32, #tpu.memory_space<vmem>>
      %gather3A_1753 = tpu.vector_load_idx %gather3A_1752[%add3A_1747, %add3A_1723] : memref<32x128xf32, #tpu.memory_space<vmem>>[vector<16xi32>, vector<16xi32>], vector<16xf32>,
      %mul3A_1754 = arith.mulf %gather3A_1729, %gather3A_1744 : vector<16xf32>
      %mul3A_1755 = arith.mulf %mul3A_1754, %get3A_1 : vector<16xf32>
      %mul3A_1756 = arith.mulf %gather3A_1738, %gather3A_1753 : vector<16xf32>
      %mul3A_1757 = arith.mulf %mul3A_1756, %get3A_3 : vector<16xf32>
      %add3A_1758 = arith.addf %mul3A_1755, %mul3A_1757 : vector<16xf32>
      %swap3A_1759 = arith.constant 5 : i32
      %swap3A_1760 = arith.index_cast %swap3A_1759 : i32 to index
      %swap3A_1761 = arith.constant 0 : index
      %swap3A_1762 = tpu.vector_load %arg13[%swap3A_1760, %swap3A_1761] {strides = array<i32>} : memref<16x128xf32, #tpu.memory_space<vmem>>, vector<16xf32>,
      tpu.vector_store %arg13[%swap3A_1760, %swap3A_1761], %add3A_1758 {strides = array<i32>} : memref<16x128xf32, #tpu.memory_space<vmem>>, vector<16xf32>,
      %slice3A_1763 = vector.extract_strided_slice %get3A_680 {offsets = [13], sizes = [1], strides = [1]} : vector<16xi32> to vector<1xi32>
      %squeeze3A_1764 = vector.extract %slice3A_1763[0] : i32 from vector<1xi32>
      %slice3A_1765 = vector.extract_strided_slice %get3A_682 {offsets = [13], sizes = [1], strides = [1]} : vector<16xi32> to vector<1xi32>
      %squeeze3A_1766 = vector.extract %slice3A_1765[0] : i32 from vector<1xi32>
      %jit3A_1767 = arith.constant 128 : i32
      %div3A_1768 = arith.divsi %squeeze3A_1764, %jit3A_1767 : i32
      %sign3A_1769 = arith.constant 0 : i32
      %sign3A_1770 = arith.cmpi sgt, %squeeze3A_1764, %sign3A_1769 : i32
      %sign3A_1771 = arith.extui %sign3A_1770 : i1 to i32
      %sign3A_1772 = arith.constant 0 : i32
      %sign3A_1773 = arith.cmpi slt, %squeeze3A_1764, %sign3A_1772 : i32
      %sign3A_1774 = arith.extui %sign3A_1773 : i1 to i32
      %sign3A_1775 = arith.subi %sign3A_1771, %sign3A_1774 : i32
      %sign3A_1776 = arith.constant 0 : i32
      %sign3A_1777 = arith.cmpi sgt, %jit3A_1767, %sign3A_1776 : i32
      %sign3A_1778 = arith.extui %sign3A_1777 : i1 to i32
      %sign3A_1779 = arith.constant 0 : i32
      %sign3A_1780 = arith.cmpi slt, %jit3A_1767, %sign3A_1779 : i32
      %sign3A_1781 = arith.extui %sign3A_1780 : i1 to i32
      %sign3A_1782 = arith.subi %sign3A_1778, %sign3A_1781 : i32
      %ne3A_1783 = arith.cmpi ne, %sign3A_1775, %sign3A_1782 : i32
      %rem3A_1784 = arith.remsi %squeeze3A_1764, %jit3A_1767 : i32
      %ne3A_1785 = arith.constant 0 : i32
      %ne3A_1786 = arith.cmpi ne, %rem3A_1784, %ne3A_1785 : i32
      %and3A_1787 = arith.andi %ne3A_1783, %ne3A_1786 : i1
      %sub3A_1788 = arith.constant 1 : i32
      %sub3A_1789 = arith.subi %div3A_1768, %sub3A_1788 : i32
      %select_n3A_1790 = arith.select %and3A_1787, %sub3A_1789, %div3A_1768 : i32
      %mul3A_1791 = arith.constant 128 : i32
      %mul3A_1792 = arith.muli %select_n3A_1790, %mul3A_1791 : i32
      %multiple_of3A_1793 = tpu.assume_multiple %mul3A_1792, 128 : i32
      %jit3A_1794 = arith.constant 128 : i32
      %div3A_1795 = arith.divsi %squeeze3A_1766, %jit3A_1794 : i32
      %sign3A_1796 = arith.constant 0 : i32
      %sign3A_1797 = arith.cmpi sgt, %squeeze3A_1766, %sign3A_1796 : i32
      %sign3A_1798 = arith.extui %sign3A_1797 : i1 to i32
      %sign3A_1799 = arith.constant 0 : i32
      %sign3A_1800 = arith.cmpi slt, %squeeze3A_1766, %sign3A_1799 : i32
      %sign3A_1801 = arith.extui %sign3A_1800 : i1 to i32
      %sign3A_1802 = arith.subi %sign3A_1798, %sign3A_1801 : i32
      %sign3A_1803 = arith.constant 0 : i32
      %sign3A_1804 = arith.cmpi sgt, %jit3A_1794, %sign3A_1803 : i32
      %sign3A_1805 = arith.extui %sign3A_1804 : i1 to i32
      %sign3A_1806 = arith.constant 0 : i32
      %sign3A_1807 = arith.cmpi slt, %jit3A_1794, %sign3A_1806 : i32
      %sign3A_1808 = arith.extui %sign3A_1807 : i1 to i32
      %sign3A_1809 = arith.subi %sign3A_1805, %sign3A_1808 : i32
      %ne3A_1810 = arith.cmpi ne, %sign3A_1802, %sign3A_1809 : i32
      %rem3A_1811 = arith.remsi %squeeze3A_1766, %jit3A_1794 : i32
      %ne3A_1812 = arith.constant 0 : i32
      %ne3A_1813 = arith.cmpi ne, %rem3A_1811, %ne3A_1812 : i32
      %and3A_1814 = arith.andi %ne3A_1810, %ne3A_1813 : i1
      %sub3A_1815 = arith.constant 1 : i32
      %sub3A_1816 = arith.subi %div3A_1795, %sub3A_1815 : i32
      %select_n3A_1817 = arith.select %and3A_1814, %sub3A_1816, %div3A_1795 : i32
      %mul3A_1818 = arith.constant 128 : i32
      %mul3A_1819 = arith.muli %select_n3A_1817, %mul3A_1818 : i32
      %multiple_of3A_1820 = tpu.assume_multiple %mul3A_1819, 128 : i32
      %dma_start3A_1821 = arith.constant 5 : i32
      %dma_start3A_1822 = arith.constant 0 : i32
      %dma_start3A_1823 = arith.constant 0 : i32
      %dma_start3A_1824 = tpu.memref_slice %arg11[%dma_start3A_1821, %dma_start3A_1822, %dma_start3A_1823] : memref<8x32x128xf32, #tpu.memory_space<vmem>> -> memref<1x32x128xf32, #tpu.memory_space<vmem>>
      %dma_start3A_1825 = tpu.memref_squeeze %dma_start3A_1824 : memref<1x32x128xf32, #tpu.memory_space<vmem>> -> memref<32x128xf32, #tpu.memory_space<vmem>>
      %dma_start3A_1826 = arith.constant 0 : i32
      %dma_start3A_1827 = tpu.memref_slice %arg4[%dma_start3A_1826, %multiple_of3A_1793] : memref<32x1000000xf32, #tpu.memory_space<hbm>> -> memref<32x128xf32, #tpu.memory_space<hbm>>
      %dma_start3A_1828 = arith.constant 0 : i32
      %dma_start3A_1829 = arith.constant 0 : i32
      %dma_start3A_1830 = tpu.memref_slice %arg11[%dma_start3A_1821, %dma_start3A_1828, %dma_start3A_1829] : memref<8x32x128xf32, #tpu.memory_space<vmem>> -> memref<1x32x128xf32, #tpu.memory_space<vmem>>
      %dma_start3A_1831 = tpu.memref_squeeze %dma_start3A_1830 : memref<1x32x128xf32, #tpu.memory_space<vmem>> -> memref<32x128xf32, #tpu.memory_space<vmem>>
      %dma_start3A_1832 = arith.constant 0 : i32
      %dma_start3A_1833 = tpu.memref_slice %arg4[%dma_start3A_1832, %multiple_of3A_1793] : memref<32x1000000xf32, #tpu.memory_space<hbm>> -> memref<32x128xf32, #tpu.memory_space<hbm>>
      tpu.enqueue_dma source(%dma_start3A_1833 : memref<32x128xf32, #tpu.memory_space<hbm>>) target(%dma_start3A_1831 : memref<32x128xf32, #tpu.memory_space<vmem>>) target_semaphore(%arg22 : memref<!tpu.dma_semaphore, #tpu.memory_space<semaphore_mem>>)
      %dma_start3A_1834 = arith.constant 5 : i32
      %dma_start3A_1835 = arith.constant 0 : i32
      %dma_start3A_1836 = arith.constant 0 : i32
      %dma_start3A_1837 = tpu.memref_slice %arg12[%dma_start3A_1834, %dma_start3A_1835, %dma_start3A_1836] : memref<8x32x128xf32, #tpu.memory_space<vmem>> -> memref<1x32x128xf32, #tpu.memory_space<vmem>>
      %dma_start3A_1838 = tpu.memref_squeeze %dma_start3A_1837 : memref<1x32x128xf32, #tpu.memory_space<vmem>> -> memref<32x128xf32, #tpu.memory_space<vmem>>
      %dma_start3A_1839 = arith.constant 0 : i32
      %dma_start3A_1840 = tpu.memref_slice %arg5[%dma_start3A_1839, %multiple_of3A_1820] : memref<32x1000000xf32, #tpu.memory_space<hbm>> -> memref<32x128xf32, #tpu.memory_space<hbm>>
      %dma_start3A_1841 = arith.constant 0 : i32
      %dma_start3A_1842 = arith.constant 0 : i32
      %dma_start3A_1843 = tpu.memref_slice %arg12[%dma_start3A_1834, %dma_start3A_1841, %dma_start3A_1842] : memref<8x32x128xf32, #tpu.memory_space<vmem>> -> memref<1x32x128xf32, #tpu.memory_space<vmem>>
      %dma_start3A_1844 = tpu.memref_squeeze %dma_start3A_1843 : memref<1x32x128xf32, #tpu.memory_space<vmem>> -> memref<32x128xf32, #tpu.memory_space<vmem>>
      %dma_start3A_1845 = arith.constant 0 : i32
      %dma_start3A_1846 = tpu.memref_slice %arg5[%dma_start3A_1845, %multiple_of3A_1820] : memref<32x1000000xf32, #tpu.memory_space<hbm>> -> memref<32x128xf32, #tpu.memory_space<hbm>>
      tpu.enqueue_dma source(%dma_start3A_1846 : memref<32x128xf32, #tpu.memory_space<hbm>>) target(%dma_start3A_1844 : memref<32x128xf32, #tpu.memory_space<vmem>>) target_semaphore(%arg22 : memref<!tpu.dma_semaphore, #tpu.memory_space<semaphore_mem>>)
      %dma_wait3A_1847 = arith.constant 6 : i32
      %dma_wait3A_1848 = arith.constant 0 : i32
      %dma_wait3A_1849 = arith.constant 0 : i32
      %dma_wait3A_1850 = tpu.memref_slice %arg11[%dma_wait3A_1847, %dma_wait3A_1848, %dma_wait3A_1849] : memref<8x32x128xf32, #tpu.memory_space<vmem>> -> memref<1x32x128xf32, #tpu.memory_space<vmem>>
      %dma_wait3A_1851 = tpu.memref_squeeze %dma_wait3A_1850 : memref<1x32x128xf32, #tpu.memory_space<vmem>> -> memref<32x128xf32, #tpu.memory_space<vmem>>
      %dma_wait3A_1852 = arith.constant 0 : i32
      %dma_wait3A_1853 = arith.constant 0 : i32
      %dma_wait3A_1854 = tpu.memref_slice %arg4[%dma_wait3A_1852, %dma_wait3A_1853] : memref<32x1000000xf32, #tpu.memory_space<hbm>> -> memref<32x128xf32, #tpu.memory_space<hbm>>
      %dma_wait3A_1855 = arith.constant 0 : i32
      %dma_wait3A_1856 = arith.constant 0 : i32
      %dma_wait3A_1857 = tpu.memref_slice %arg11[%dma_wait3A_1847, %dma_wait3A_1855, %dma_wait3A_1856] : memref<8x32x128xf32, #tpu.memory_space<vmem>> -> memref<1x32x128xf32, #tpu.memory_space<vmem>>
      %dma_wait3A_1858 = tpu.memref_squeeze %dma_wait3A_1857 : memref<1x32x128xf32, #tpu.memory_space<vmem>> -> memref<32x128xf32, #tpu.memory_space<vmem>>
      %dma_wait3A_1859 = arith.constant 0 : i32
      %dma_wait3A_1860 = arith.constant 0 : i32
      %dma_wait3A_1861 = tpu.memref_slice %arg4[%dma_wait3A_1859, %dma_wait3A_1860] : memref<32x1000000xf32, #tpu.memory_space<hbm>> -> memref<32x128xf32, #tpu.memory_space<hbm>>
      tpu.wait_dma2 semaphore(%arg23 : memref<!tpu.dma_semaphore, #tpu.memory_space<semaphore_mem>>) src(%dma_wait3A_1861 : memref<32x128xf32, #tpu.memory_space<hbm>>) dst(%dma_wait3A_1858 : memref<32x128xf32, #tpu.memory_space<vmem>>)
      %dma_wait3A_1862 = arith.constant 6 : i32
      %dma_wait3A_1863 = arith.constant 0 : i32
      %dma_wait3A_1864 = arith.constant 0 : i32
      %dma_wait3A_1865 = tpu.memref_slice %arg12[%dma_wait3A_1862, %dma_wait3A_1863, %dma_wait3A_1864] : memref<8x32x128xf32, #tpu.memory_space<vmem>> -> memref<1x32x128xf32, #tpu.memory_space<vmem>>
      %dma_wait3A_1866 = tpu.memref_squeeze %dma_wait3A_1865 : memref<1x32x128xf32, #tpu.memory_space<vmem>> -> memref<32x128xf32, #tpu.memory_space<vmem>>
      %dma_wait3A_1867 = arith.constant 0 : i32
      %dma_wait3A_1868 = arith.constant 0 : i32
      %dma_wait3A_1869 = tpu.memref_slice %arg5[%dma_wait3A_1867, %dma_wait3A_1868] : memref<32x1000000xf32, #tpu.memory_space<hbm>> -> memref<32x128xf32, #tpu.memory_space<hbm>>
      %dma_wait3A_1870 = arith.constant 0 : i32
      %dma_wait3A_1871 = arith.constant 0 : i32
      %dma_wait3A_1872 = tpu.memref_slice %arg12[%dma_wait3A_1862, %dma_wait3A_1870, %dma_wait3A_1871] : memref<8x32x128xf32, #tpu.memory_space<vmem>> -> memref<1x32x128xf32, #tpu.memory_space<vmem>>
      %dma_wait3A_1873 = tpu.memref_squeeze %dma_wait3A_1872 : memref<1x32x128xf32, #tpu.memory_space<vmem>> -> memref<32x128xf32, #tpu.memory_space<vmem>>
      %dma_wait3A_1874 = arith.constant 0 : i32
      %dma_wait3A_1875 = arith.constant 0 : i32
      %dma_wait3A_1876 = tpu.memref_slice %arg5[%dma_wait3A_1874, %dma_wait3A_1875] : memref<32x1000000xf32, #tpu.memory_space<hbm>> -> memref<32x128xf32, #tpu.memory_space<hbm>>
      tpu.wait_dma2 semaphore(%arg23 : memref<!tpu.dma_semaphore, #tpu.memory_space<semaphore_mem>>) src(%dma_wait3A_1876 : memref<32x128xf32, #tpu.memory_space<hbm>>) dst(%dma_wait3A_1873 : memref<32x128xf32, #tpu.memory_space<vmem>>)
      %slice3A_1877 = vector.extract_strided_slice %get3A_680 {offsets = [6], sizes = [1], strides = [1]} : vector<16xi32> to vector<1xi32>
      %squeeze3A_1878 = vector.extract %slice3A_1877[0] : i32 from vector<1xi32>
      %jit3A_1879 = arith.constant 128 : i32
      %eq3A_1880 = arith.constant 0 : i32
      %eq3A_1881 = arith.cmpi eq, %jit3A_1879, %eq3A_1880 : i32
      %jit3A_1882 = arith.constant 1 : i32
      %select_n3A_1883 = arith.select %eq3A_1881, %jit3A_1882, %jit3A_1879 : i32
      %rem3A_1884 = arith.remsi %squeeze3A_1878, %select_n3A_1883 : i32
      %ne3A_1885 = arith.constant 0 : i32
      %ne3A_1886 = arith.cmpi ne, %rem3A_1884, %ne3A_1885 : i32
      %lt3A_1887 = arith.constant 0 : i32
      %lt3A_1888 = arith.cmpi slt, %rem3A_1884, %lt3A_1887 : i32
      %lt3A_1889 = arith.constant 0 : i32
      %lt3A_1890 = arith.cmpi slt, %select_n3A_1883, %lt3A_1889 : i32
      %ne3A_1891 = arith.xori %lt3A_1888, %lt3A_1890 : i1
      %and3A_1892 = arith.andi %ne3A_1891, %ne3A_1886 : i1
      %add3A_1893 = arith.addi %rem3A_1884, %select_n3A_1883 : i32
      %select_n3A_1894 = arith.select %and3A_1892, %add3A_1893, %rem3A_1884 : i32
      %add3A_1895 = vector.broadcast %select_n3A_1894 : i32 to vector<16xi32>
      %add3A_1896 = arith.addi %broadcast_in_dim3A_6, %add3A_1895 : vector<16xi32>
      %slice3A_1897 = vector.extract_strided_slice %get3A_682 {offsets = [6], sizes = [1], strides = [1]} : vector<16xi32> to vector<1xi32>
      %squeeze3A_1898 = vector.extract %slice3A_1897[0] : i32 from vector<1xi32>
      %jit3A_1899 = arith.constant 128 : i32
      %eq3A_1900 = arith.constant 0 : i32
      %eq3A_1901 = arith.cmpi eq, %jit3A_1899, %eq3A_1900 : i32
      %jit3A_1902 = arith.constant 1 : i32
      %select_n3A_1903 = arith.select %eq3A_1901, %jit3A_1902, %jit3A_1899 : i32
      %rem3A_1904 = arith.remsi %squeeze3A_1898, %select_n3A_1903 : i32
      %ne3A_1905 = arith.constant 0 : i32
      %ne3A_1906 = arith.cmpi ne, %rem3A_1904, %ne3A_1905 : i32
      %lt3A_1907 = arith.constant 0 : i32
      %lt3A_1908 = arith.cmpi slt, %rem3A_1904, %lt3A_1907 : i32
      %lt3A_1909 = arith.constant 0 : i32
      %lt3A_1910 = arith.cmpi slt, %select_n3A_1903, %lt3A_1909 : i32
      %ne3A_1911 = arith.xori %lt3A_1908, %lt3A_1910 : i1
      %and3A_1912 = arith.andi %ne3A_1911, %ne3A_1906 : i1
      %add3A_1913 = arith.addi %rem3A_1904, %select_n3A_1903 : i32
      %select_n3A_1914 = arith.select %and3A_1912, %add3A_1913, %rem3A_1904 : i32
      %add3A_1915 = vector.broadcast %select_n3A_1914 : i32 to vector<16xi32>
      %add3A_1916 = arith.addi %broadcast_in_dim3A_6, %add3A_1915 : vector<16xi32>
      %gather3A_1917 = arith.constant 6 : i32
      %gather3A_1918 = arith.constant 0 : i32
      %gather3A_1919 = arith.constant 0 : i32
      %gather3A_1920 = tpu.memref_slice %arg11[%gather3A_1917, %gather3A_1918, %gather3A_1919] : memref<8x32x128xf32, #tpu.memory_space<vmem>> -> memref<1x32x128xf32, #tpu.memory_space<vmem>>
      %gather3A_1921 = tpu.memref_squeeze %gather3A_1920 : memref<1x32x128xf32, #tpu.memory_space<vmem>> -> memref<32x128xf32, #tpu.memory_space<vmem>>
      %gather3A_1922 = tpu.vector_load_idx %gather3A_1921[%iota3A, %add3A_1896] : memref<32x128xf32, #tpu.memory_space<vmem>>[vector<16xi32>, vector<16xi32>], vector<16xf32>,
      %add3A_1923 = arith.constant 16 : i32
      %add3A_1924 = vector.broadcast %add3A_1923 : i32 to vector<16xi32>
      %add3A_1925 = arith.addi %iota3A, %add3A_1924 : vector<16xi32>
      %gather3A_1926 = arith.constant 6 : i32
      %gather3A_1927 = arith.constant 0 : i32
      %gather3A_1928 = arith.constant 0 : i32
      %gather3A_1929 = tpu.memref_slice %arg11[%gather3A_1926, %gather3A_1927, %gather3A_1928] : memref<8x32x128xf32, #tpu.memory_space<vmem>> -> memref<1x32x128xf32, #tpu.memory_space<vmem>>
      %gather3A_1930 = tpu.memref_squeeze %gather3A_1929 : memref<1x32x128xf32, #tpu.memory_space<vmem>> -> memref<32x128xf32, #tpu.memory_space<vmem>>
      %gather3A_1931 = tpu.vector_load_idx %gather3A_1930[%add3A_1925, %add3A_1896] : memref<32x128xf32, #tpu.memory_space<vmem>>[vector<16xi32>, vector<16xi32>], vector<16xf32>,
      %gather3A_1932 = arith.constant 6 : i32
      %gather3A_1933 = arith.constant 0 : i32
      %gather3A_1934 = arith.constant 0 : i32
      %gather3A_1935 = tpu.memref_slice %arg12[%gather3A_1932, %gather3A_1933, %gather3A_1934] : memref<8x32x128xf32, #tpu.memory_space<vmem>> -> memref<1x32x128xf32, #tpu.memory_space<vmem>>
      %gather3A_1936 = tpu.memref_squeeze %gather3A_1935 : memref<1x32x128xf32, #tpu.memory_space<vmem>> -> memref<32x128xf32, #tpu.memory_space<vmem>>
      %gather3A_1937 = tpu.vector_load_idx %gather3A_1936[%iota3A, %add3A_1916] : memref<32x128xf32, #tpu.memory_space<vmem>>[vector<16xi32>, vector<16xi32>], vector<16xf32>,
      %add3A_1938 = arith.constant 16 : i32
      %add3A_1939 = vector.broadcast %add3A_1938 : i32 to vector<16xi32>
      %add3A_1940 = arith.addi %iota3A, %add3A_1939 : vector<16xi32>
      %gather3A_1941 = arith.constant 6 : i32
      %gather3A_1942 = arith.constant 0 : i32
      %gather3A_1943 = arith.constant 0 : i32
      %gather3A_1944 = tpu.memref_slice %arg12[%gather3A_1941, %gather3A_1942, %gather3A_1943] : memref<8x32x128xf32, #tpu.memory_space<vmem>> -> memref<1x32x128xf32, #tpu.memory_space<vmem>>
      %gather3A_1945 = tpu.memref_squeeze %gather3A_1944 : memref<1x32x128xf32, #tpu.memory_space<vmem>> -> memref<32x128xf32, #tpu.memory_space<vmem>>
      %gather3A_1946 = tpu.vector_load_idx %gather3A_1945[%add3A_1940, %add3A_1916] : memref<32x128xf32, #tpu.memory_space<vmem>>[vector<16xi32>, vector<16xi32>], vector<16xf32>,
      %mul3A_1947 = arith.mulf %gather3A_1922, %gather3A_1937 : vector<16xf32>
      %mul3A_1948 = arith.mulf %mul3A_1947, %get3A_1 : vector<16xf32>
      %mul3A_1949 = arith.mulf %gather3A_1931, %gather3A_1946 : vector<16xf32>
      %mul3A_1950 = arith.mulf %mul3A_1949, %get3A_3 : vector<16xf32>
      %add3A_1951 = arith.addf %mul3A_1948, %mul3A_1950 : vector<16xf32>
      %swap3A_1952 = arith.constant 6 : i32
      %swap3A_1953 = arith.index_cast %swap3A_1952 : i32 to index
      %swap3A_1954 = arith.constant 0 : index
      %swap3A_1955 = tpu.vector_load %arg13[%swap3A_1953, %swap3A_1954] {strides = array<i32>} : memref<16x128xf32, #tpu.memory_space<vmem>>, vector<16xf32>,
      tpu.vector_store %arg13[%swap3A_1953, %swap3A_1954], %add3A_1951 {strides = array<i32>} : memref<16x128xf32, #tpu.memory_space<vmem>>, vector<16xf32>,
      %slice3A_1956 = vector.extract_strided_slice %get3A_680 {offsets = [14], sizes = [1], strides = [1]} : vector<16xi32> to vector<1xi32>
      %squeeze3A_1957 = vector.extract %slice3A_1956[0] : i32 from vector<1xi32>
      %slice3A_1958 = vector.extract_strided_slice %get3A_682 {offsets = [14], sizes = [1], strides = [1]} : vector<16xi32> to vector<1xi32>
      %squeeze3A_1959 = vector.extract %slice3A_1958[0] : i32 from vector<1xi32>
      %jit3A_1960 = arith.constant 128 : i32
      %div3A_1961 = arith.divsi %squeeze3A_1957, %jit3A_1960 : i32
      %sign3A_1962 = arith.constant 0 : i32
      %sign3A_1963 = arith.cmpi sgt, %squeeze3A_1957, %sign3A_1962 : i32
      %sign3A_1964 = arith.extui %sign3A_1963 : i1 to i32
      %sign3A_1965 = arith.constant 0 : i32
      %sign3A_1966 = arith.cmpi slt, %squeeze3A_1957, %sign3A_1965 : i32
      %sign3A_1967 = arith.extui %sign3A_1966 : i1 to i32
      %sign3A_1968 = arith.subi %sign3A_1964, %sign3A_1967 : i32
      %sign3A_1969 = arith.constant 0 : i32
      %sign3A_1970 = arith.cmpi sgt, %jit3A_1960, %sign3A_1969 : i32
      %sign3A_1971 = arith.extui %sign3A_1970 : i1 to i32
      %sign3A_1972 = arith.constant 0 : i32
      %sign3A_1973 = arith.cmpi slt, %jit3A_1960, %sign3A_1972 : i32
      %sign3A_1974 = arith.extui %sign3A_1973 : i1 to i32
      %sign3A_1975 = arith.subi %sign3A_1971, %sign3A_1974 : i32
      %ne3A_1976 = arith.cmpi ne, %sign3A_1968, %sign3A_1975 : i32
      %rem3A_1977 = arith.remsi %squeeze3A_1957, %jit3A_1960 : i32
      %ne3A_1978 = arith.constant 0 : i32
      %ne3A_1979 = arith.cmpi ne, %rem3A_1977, %ne3A_1978 : i32
      %and3A_1980 = arith.andi %ne3A_1976, %ne3A_1979 : i1
      %sub3A_1981 = arith.constant 1 : i32
      %sub3A_1982 = arith.subi %div3A_1961, %sub3A_1981 : i32
      %select_n3A_1983 = arith.select %and3A_1980, %sub3A_1982, %div3A_1961 : i32
      %mul3A_1984 = arith.constant 128 : i32
      %mul3A_1985 = arith.muli %select_n3A_1983, %mul3A_1984 : i32
      %multiple_of3A_1986 = tpu.assume_multiple %mul3A_1985, 128 : i32
      %jit3A_1987 = arith.constant 128 : i32
      %div3A_1988 = arith.divsi %squeeze3A_1959, %jit3A_1987 : i32
      %sign3A_1989 = arith.constant 0 : i32
      %sign3A_1990 = arith.cmpi sgt, %squeeze3A_1959, %sign3A_1989 : i32
      %sign3A_1991 = arith.extui %sign3A_1990 : i1 to i32
      %sign3A_1992 = arith.constant 0 : i32
      %sign3A_1993 = arith.cmpi slt, %squeeze3A_1959, %sign3A_1992 : i32
      %sign3A_1994 = arith.extui %sign3A_1993 : i1 to i32
      %sign3A_1995 = arith.subi %sign3A_1991, %sign3A_1994 : i32
      %sign3A_1996 = arith.constant 0 : i32
      %sign3A_1997 = arith.cmpi sgt, %jit3A_1987, %sign3A_1996 : i32
      %sign3A_1998 = arith.extui %sign3A_1997 : i1 to i32
      %sign3A_1999 = arith.constant 0 : i32
      %sign3A_2000 = arith.cmpi slt, %jit3A_1987, %sign3A_1999 : i32
      %sign3A_2001 = arith.extui %sign3A_2000 : i1 to i32
      %sign3A_2002 = arith.subi %sign3A_1998, %sign3A_2001 : i32
      %ne3A_2003 = arith.cmpi ne, %sign3A_1995, %sign3A_2002 : i32
      %rem3A_2004 = arith.remsi %squeeze3A_1959, %jit3A_1987 : i32
      %ne3A_2005 = arith.constant 0 : i32
      %ne3A_2006 = arith.cmpi ne, %rem3A_2004, %ne3A_2005 : i32
      %and3A_2007 = arith.andi %ne3A_2003, %ne3A_2006 : i1
      %sub3A_2008 = arith.constant 1 : i32
      %sub3A_2009 = arith.subi %div3A_1988, %sub3A_2008 : i32
      %select_n3A_2010 = arith.select %and3A_2007, %sub3A_2009, %div3A_1988 : i32
      %mul3A_2011 = arith.constant 128 : i32
      %mul3A_2012 = arith.muli %select_n3A_2010, %mul3A_2011 : i32
      %multiple_of3A_2013 = tpu.assume_multiple %mul3A_2012, 128 : i32
      %dma_start3A_2014 = arith.constant 6 : i32
      %dma_start3A_2015 = arith.constant 0 : i32
      %dma_start3A_2016 = arith.constant 0 : i32
      %dma_start3A_2017 = tpu.memref_slice %arg11[%dma_start3A_2014, %dma_start3A_2015, %dma_start3A_2016] : memref<8x32x128xf32, #tpu.memory_space<vmem>> -> memref<1x32x128xf32, #tpu.memory_space<vmem>>
      %dma_start3A_2018 = tpu.memref_squeeze %dma_start3A_2017 : memref<1x32x128xf32, #tpu.memory_space<vmem>> -> memref<32x128xf32, #tpu.memory_space<vmem>>
      %dma_start3A_2019 = arith.constant 0 : i32
      %dma_start3A_2020 = tpu.memref_slice %arg4[%dma_start3A_2019, %multiple_of3A_1986] : memref<32x1000000xf32, #tpu.memory_space<hbm>> -> memref<32x128xf32, #tpu.memory_space<hbm>>
      %dma_start3A_2021 = arith.constant 0 : i32
      %dma_start3A_2022 = arith.constant 0 : i32
      %dma_start3A_2023 = tpu.memref_slice %arg11[%dma_start3A_2014, %dma_start3A_2021, %dma_start3A_2022] : memref<8x32x128xf32, #tpu.memory_space<vmem>> -> memref<1x32x128xf32, #tpu.memory_space<vmem>>
      %dma_start3A_2024 = tpu.memref_squeeze %dma_start3A_2023 : memref<1x32x128xf32, #tpu.memory_space<vmem>> -> memref<32x128xf32, #tpu.memory_space<vmem>>
      %dma_start3A_2025 = arith.constant 0 : i32
      %dma_start3A_2026 = tpu.memref_slice %arg4[%dma_start3A_2025, %multiple_of3A_1986] : memref<32x1000000xf32, #tpu.memory_space<hbm>> -> memref<32x128xf32, #tpu.memory_space<hbm>>
      tpu.enqueue_dma source(%dma_start3A_2026 : memref<32x128xf32, #tpu.memory_space<hbm>>) target(%dma_start3A_2024 : memref<32x128xf32, #tpu.memory_space<vmem>>) target_semaphore(%arg23 : memref<!tpu.dma_semaphore, #tpu.memory_space<semaphore_mem>>)
      %dma_start3A_2027 = arith.constant 6 : i32
      %dma_start3A_2028 = arith.constant 0 : i32
      %dma_start3A_2029 = arith.constant 0 : i32
      %dma_start3A_2030 = tpu.memref_slice %arg12[%dma_start3A_2027, %dma_start3A_2028, %dma_start3A_2029] : memref<8x32x128xf32, #tpu.memory_space<vmem>> -> memref<1x32x128xf32, #tpu.memory_space<vmem>>
      %dma_start3A_2031 = tpu.memref_squeeze %dma_start3A_2030 : memref<1x32x128xf32, #tpu.memory_space<vmem>> -> memref<32x128xf32, #tpu.memory_space<vmem>>
      %dma_start3A_2032 = arith.constant 0 : i32
      %dma_start3A_2033 = tpu.memref_slice %arg5[%dma_start3A_2032, %multiple_of3A_2013] : memref<32x1000000xf32, #tpu.memory_space<hbm>> -> memref<32x128xf32, #tpu.memory_space<hbm>>
      %dma_start3A_2034 = arith.constant 0 : i32
      %dma_start3A_2035 = arith.constant 0 : i32
      %dma_start3A_2036 = tpu.memref_slice %arg12[%dma_start3A_2027, %dma_start3A_2034, %dma_start3A_2035] : memref<8x32x128xf32, #tpu.memory_space<vmem>> -> memref<1x32x128xf32, #tpu.memory_space<vmem>>
      %dma_start3A_2037 = tpu.memref_squeeze %dma_start3A_2036 : memref<1x32x128xf32, #tpu.memory_space<vmem>> -> memref<32x128xf32, #tpu.memory_space<vmem>>
      %dma_start3A_2038 = arith.constant 0 : i32
      %dma_start3A_2039 = tpu.memref_slice %arg5[%dma_start3A_2038, %multiple_of3A_2013] : memref<32x1000000xf32, #tpu.memory_space<hbm>> -> memref<32x128xf32, #tpu.memory_space<hbm>>
      tpu.enqueue_dma source(%dma_start3A_2039 : memref<32x128xf32, #tpu.memory_space<hbm>>) target(%dma_start3A_2037 : memref<32x128xf32, #tpu.memory_space<vmem>>) target_semaphore(%arg23 : memref<!tpu.dma_semaphore, #tpu.memory_space<semaphore_mem>>)
      %dma_wait3A_2040 = arith.constant 7 : i32
      %dma_wait3A_2041 = arith.constant 0 : i32
      %dma_wait3A_2042 = arith.constant 0 : i32
      %dma_wait3A_2043 = tpu.memref_slice %arg11[%dma_wait3A_2040, %dma_wait3A_2041, %dma_wait3A_2042] : memref<8x32x128xf32, #tpu.memory_space<vmem>> -> memref<1x32x128xf32, #tpu.memory_space<vmem>>
      %dma_wait3A_2044 = tpu.memref_squeeze %dma_wait3A_2043 : memref<1x32x128xf32, #tpu.memory_space<vmem>> -> memref<32x128xf32, #tpu.memory_space<vmem>>
      %dma_wait3A_2045 = arith.constant 0 : i32
      %dma_wait3A_2046 = arith.constant 0 : i32
      %dma_wait3A_2047 = tpu.memref_slice %arg4[%dma_wait3A_2045, %dma_wait3A_2046] : memref<32x1000000xf32, #tpu.memory_space<hbm>> -> memref<32x128xf32, #tpu.memory_space<hbm>>
      %dma_wait3A_2048 = arith.constant 0 : i32
      %dma_wait3A_2049 = arith.constant 0 : i32
      %dma_wait3A_2050 = tpu.memref_slice %arg11[%dma_wait3A_2040, %dma_wait3A_2048, %dma_wait3A_2049] : memref<8x32x128xf32, #tpu.memory_space<vmem>> -> memref<1x32x128xf32, #tpu.memory_space<vmem>>
      %dma_wait3A_2051 = tpu.memref_squeeze %dma_wait3A_2050 : memref<1x32x128xf32, #tpu.memory_space<vmem>> -> memref<32x128xf32, #tpu.memory_space<vmem>>
      %dma_wait3A_2052 = arith.constant 0 : i32
      %dma_wait3A_2053 = arith.constant 0 : i32
      %dma_wait3A_2054 = tpu.memref_slice %arg4[%dma_wait3A_2052, %dma_wait3A_2053] : memref<32x1000000xf32, #tpu.memory_space<hbm>> -> memref<32x128xf32, #tpu.memory_space<hbm>>
      tpu.wait_dma2 semaphore(%arg24 : memref<!tpu.dma_semaphore, #tpu.memory_space<semaphore_mem>>) src(%dma_wait3A_2054 : memref<32x128xf32, #tpu.memory_space<hbm>>) dst(%dma_wait3A_2051 : memref<32x128xf32, #tpu.memory_space<vmem>>)
      %dma_wait3A_2055 = arith.constant 7 : i32
      %dma_wait3A_2056 = arith.constant 0 : i32
      %dma_wait3A_2057 = arith.constant 0 : i32
      %dma_wait3A_2058 = tpu.memref_slice %arg12[%dma_wait3A_2055, %dma_wait3A_2056, %dma_wait3A_2057] : memref<8x32x128xf32, #tpu.memory_space<vmem>> -> memref<1x32x128xf32, #tpu.memory_space<vmem>>
      %dma_wait3A_2059 = tpu.memref_squeeze %dma_wait3A_2058 : memref<1x32x128xf32, #tpu.memory_space<vmem>> -> memref<32x128xf32, #tpu.memory_space<vmem>>
      %dma_wait3A_2060 = arith.constant 0 : i32
      %dma_wait3A_2061 = arith.constant 0 : i32
      %dma_wait3A_2062 = tpu.memref_slice %arg5[%dma_wait3A_2060, %dma_wait3A_2061] : memref<32x1000000xf32, #tpu.memory_space<hbm>> -> memref<32x128xf32, #tpu.memory_space<hbm>>
      %dma_wait3A_2063 = arith.constant 0 : i32
      %dma_wait3A_2064 = arith.constant 0 : i32
      %dma_wait3A_2065 = tpu.memref_slice %arg12[%dma_wait3A_2055, %dma_wait3A_2063, %dma_wait3A_2064] : memref<8x32x128xf32, #tpu.memory_space<vmem>> -> memref<1x32x128xf32, #tpu.memory_space<vmem>>
      %dma_wait3A_2066 = tpu.memref_squeeze %dma_wait3A_2065 : memref<1x32x128xf32, #tpu.memory_space<vmem>> -> memref<32x128xf32, #tpu.memory_space<vmem>>
      %dma_wait3A_2067 = arith.constant 0 : i32
      %dma_wait3A_2068 = arith.constant 0 : i32
      %dma_wait3A_2069 = tpu.memref_slice %arg5[%dma_wait3A_2067, %dma_wait3A_2068] : memref<32x1000000xf32, #tpu.memory_space<hbm>> -> memref<32x128xf32, #tpu.memory_space<hbm>>
      tpu.wait_dma2 semaphore(%arg24 : memref<!tpu.dma_semaphore, #tpu.memory_space<semaphore_mem>>) src(%dma_wait3A_2069 : memref<32x128xf32, #tpu.memory_space<hbm>>) dst(%dma_wait3A_2066 : memref<32x128xf32, #tpu.memory_space<vmem>>)
      %slice3A_2070 = vector.extract_strided_slice %get3A_680 {offsets = [7], sizes = [1], strides = [1]} : vector<16xi32> to vector<1xi32>
      %squeeze3A_2071 = vector.extract %slice3A_2070[0] : i32 from vector<1xi32>
      %jit3A_2072 = arith.constant 128 : i32
      %eq3A_2073 = arith.constant 0 : i32
      %eq3A_2074 = arith.cmpi eq, %jit3A_2072, %eq3A_2073 : i32
      %jit3A_2075 = arith.constant 1 : i32
      %select_n3A_2076 = arith.select %eq3A_2074, %jit3A_2075, %jit3A_2072 : i32
      %rem3A_2077 = arith.remsi %squeeze3A_2071, %select_n3A_2076 : i32
      %ne3A_2078 = arith.constant 0 : i32
      %ne3A_2079 = arith.cmpi ne, %rem3A_2077, %ne3A_2078 : i32
      %lt3A_2080 = arith.constant 0 : i32
      %lt3A_2081 = arith.cmpi slt, %rem3A_2077, %lt3A_2080 : i32
      %lt3A_2082 = arith.constant 0 : i32
      %lt3A_2083 = arith.cmpi slt, %select_n3A_2076, %lt3A_2082 : i32
      %ne3A_2084 = arith.xori %lt3A_2081, %lt3A_2083 : i1
      %and3A_2085 = arith.andi %ne3A_2084, %ne3A_2079 : i1
      %add3A_2086 = arith.addi %rem3A_2077, %select_n3A_2076 : i32
      %select_n3A_2087 = arith.select %and3A_2085, %add3A_2086, %rem3A_2077 : i32
      %add3A_2088 = vector.broadcast %select_n3A_2087 : i32 to vector<16xi32>
      %add3A_2089 = arith.addi %broadcast_in_dim3A_6, %add3A_2088 : vector<16xi32>
      %slice3A_2090 = vector.extract_strided_slice %get3A_682 {offsets = [7], sizes = [1], strides = [1]} : vector<16xi32> to vector<1xi32>
      %squeeze3A_2091 = vector.extract %slice3A_2090[0] : i32 from vector<1xi32>
      %jit3A_2092 = arith.constant 128 : i32
      %eq3A_2093 = arith.constant 0 : i32
      %eq3A_2094 = arith.cmpi eq, %jit3A_2092, %eq3A_2093 : i32
      %jit3A_2095 = arith.constant 1 : i32
      %select_n3A_2096 = arith.select %eq3A_2094, %jit3A_2095, %jit3A_2092 : i32
      %rem3A_2097 = arith.remsi %squeeze3A_2091, %select_n3A_2096 : i32
      %ne3A_2098 = arith.constant 0 : i32
      %ne3A_2099 = arith.cmpi ne, %rem3A_2097, %ne3A_2098 : i32
      %lt3A_2100 = arith.constant 0 : i32
      %lt3A_2101 = arith.cmpi slt, %rem3A_2097, %lt3A_2100 : i32
      %lt3A_2102 = arith.constant 0 : i32
      %lt3A_2103 = arith.cmpi slt, %select_n3A_2096, %lt3A_2102 : i32
      %ne3A_2104 = arith.xori %lt3A_2101, %lt3A_2103 : i1
      %and3A_2105 = arith.andi %ne3A_2104, %ne3A_2099 : i1
      %add3A_2106 = arith.addi %rem3A_2097, %select_n3A_2096 : i32
      %select_n3A_2107 = arith.select %and3A_2105, %add3A_2106, %rem3A_2097 : i32
      %add3A_2108 = vector.broadcast %select_n3A_2107 : i32 to vector<16xi32>
      %add3A_2109 = arith.addi %broadcast_in_dim3A_6, %add3A_2108 : vector<16xi32>
      %gather3A_2110 = arith.constant 7 : i32
      %gather3A_2111 = arith.constant 0 : i32
      %gather3A_2112 = arith.constant 0 : i32
      %gather3A_2113 = tpu.memref_slice %arg11[%gather3A_2110, %gather3A_2111, %gather3A_2112] : memref<8x32x128xf32, #tpu.memory_space<vmem>> -> memref<1x32x128xf32, #tpu.memory_space<vmem>>
      %gather3A_2114 = tpu.memref_squeeze %gather3A_2113 : memref<1x32x128xf32, #tpu.memory_space<vmem>> -> memref<32x128xf32, #tpu.memory_space<vmem>>
      %gather3A_2115 = tpu.vector_load_idx %gather3A_2114[%iota3A, %add3A_2089] : memref<32x128xf32, #tpu.memory_space<vmem>>[vector<16xi32>, vector<16xi32>], vector<16xf32>,
      %add3A_2116 = arith.constant 16 : i32
      %add3A_2117 = vector.broadcast %add3A_2116 : i32 to vector<16xi32>
      %add3A_2118 = arith.addi %iota3A, %add3A_2117 : vector<16xi32>
      %gather3A_2119 = arith.constant 7 : i32
      %gather3A_2120 = arith.constant 0 : i32
      %gather3A_2121 = arith.constant 0 : i32
      %gather3A_2122 = tpu.memref_slice %arg11[%gather3A_2119, %gather3A_2120, %gather3A_2121] : memref<8x32x128xf32, #tpu.memory_space<vmem>> -> memref<1x32x128xf32, #tpu.memory_space<vmem>>
      %gather3A_2123 = tpu.memref_squeeze %gather3A_2122 : memref<1x32x128xf32, #tpu.memory_space<vmem>> -> memref<32x128xf32, #tpu.memory_space<vmem>>
      %gather3A_2124 = tpu.vector_load_idx %gather3A_2123[%add3A_2118, %add3A_2089] : memref<32x128xf32, #tpu.memory_space<vmem>>[vector<16xi32>, vector<16xi32>], vector<16xf32>,
      %gather3A_2125 = arith.constant 7 : i32
      %gather3A_2126 = arith.constant 0 : i32
      %gather3A_2127 = arith.constant 0 : i32
      %gather3A_2128 = tpu.memref_slice %arg12[%gather3A_2125, %gather3A_2126, %gather3A_2127] : memref<8x32x128xf32, #tpu.memory_space<vmem>> -> memref<1x32x128xf32, #tpu.memory_space<vmem>>
      %gather3A_2129 = tpu.memref_squeeze %gather3A_2128 : memref<1x32x128xf32, #tpu.memory_space<vmem>> -> memref<32x128xf32, #tpu.memory_space<vmem>>
      %gather3A_2130 = tpu.vector_load_idx %gather3A_2129[%iota3A, %add3A_2109] : memref<32x128xf32, #tpu.memory_space<vmem>>[vector<16xi32>, vector<16xi32>], vector<16xf32>,
      %add3A_2131 = arith.constant 16 : i32
      %add3A_2132 = vector.broadcast %add3A_2131 : i32 to vector<16xi32>
      %add3A_2133 = arith.addi %iota3A, %add3A_2132 : vector<16xi32>
      %gather3A_2134 = arith.constant 7 : i32
      %gather3A_2135 = arith.constant 0 : i32
      %gather3A_2136 = arith.constant 0 : i32
      %gather3A_2137 = tpu.memref_slice %arg12[%gather3A_2134, %gather3A_2135, %gather3A_2136] : memref<8x32x128xf32, #tpu.memory_space<vmem>> -> memref<1x32x128xf32, #tpu.memory_space<vmem>>
      %gather3A_2138 = tpu.memref_squeeze %gather3A_2137 : memref<1x32x128xf32, #tpu.memory_space<vmem>> -> memref<32x128xf32, #tpu.memory_space<vmem>>
      %gather3A_2139 = tpu.vector_load_idx %gather3A_2138[%add3A_2133, %add3A_2109] : memref<32x128xf32, #tpu.memory_space<vmem>>[vector<16xi32>, vector<16xi32>], vector<16xf32>,
      %mul3A_2140 = arith.mulf %gather3A_2115, %gather3A_2130 : vector<16xf32>
      %mul3A_2141 = arith.mulf %mul3A_2140, %get3A_1 : vector<16xf32>
      %mul3A_2142 = arith.mulf %gather3A_2124, %gather3A_2139 : vector<16xf32>
      %mul3A_2143 = arith.mulf %mul3A_2142, %get3A_3 : vector<16xf32>
      %add3A_2144 = arith.addf %mul3A_2141, %mul3A_2143 : vector<16xf32>
      %swap3A_2145 = arith.constant 7 : i32
      %swap3A_2146 = arith.index_cast %swap3A_2145 : i32 to index
      %swap3A_2147 = arith.constant 0 : index
      %swap3A_2148 = tpu.vector_load %arg13[%swap3A_2146, %swap3A_2147] {strides = array<i32>} : memref<16x128xf32, #tpu.memory_space<vmem>>, vector<16xf32>,
      tpu.vector_store %arg13[%swap3A_2146, %swap3A_2147], %add3A_2144 {strides = array<i32>} : memref<16x128xf32, #tpu.memory_space<vmem>>, vector<16xf32>,
      %slice3A_2149 = vector.extract_strided_slice %get3A_680 {offsets = [15], sizes = [1], strides = [1]} : vector<16xi32> to vector<1xi32>
      %squeeze3A_2150 = vector.extract %slice3A_2149[0] : i32 from vector<1xi32>
      %slice3A_2151 = vector.extract_strided_slice %get3A_682 {offsets = [15], sizes = [1], strides = [1]} : vector<16xi32> to vector<1xi32>
      %squeeze3A_2152 = vector.extract %slice3A_2151[0] : i32 from vector<1xi32>
      %jit3A_2153 = arith.constant 128 : i32
      %div3A_2154 = arith.divsi %squeeze3A_2150, %jit3A_2153 : i32
      %sign3A_2155 = arith.constant 0 : i32
      %sign3A_2156 = arith.cmpi sgt, %squeeze3A_2150, %sign3A_2155 : i32
      %sign3A_2157 = arith.extui %sign3A_2156 : i1 to i32
      %sign3A_2158 = arith.constant 0 : i32
      %sign3A_2159 = arith.cmpi slt, %squeeze3A_2150, %sign3A_2158 : i32
      %sign3A_2160 = arith.extui %sign3A_2159 : i1 to i32
      %sign3A_2161 = arith.subi %sign3A_2157, %sign3A_2160 : i32
      %sign3A_2162 = arith.constant 0 : i32
      %sign3A_2163 = arith.cmpi sgt, %jit3A_2153, %sign3A_2162 : i32
      %sign3A_2164 = arith.extui %sign3A_2163 : i1 to i32
      %sign3A_2165 = arith.constant 0 : i32
      %sign3A_2166 = arith.cmpi slt, %jit3A_2153, %sign3A_2165 : i32
      %sign3A_2167 = arith.extui %sign3A_2166 : i1 to i32
      %sign3A_2168 = arith.subi %sign3A_2164, %sign3A_2167 : i32
      %ne3A_2169 = arith.cmpi ne, %sign3A_2161, %sign3A_2168 : i32
      %rem3A_2170 = arith.remsi %squeeze3A_2150, %jit3A_2153 : i32
      %ne3A_2171 = arith.constant 0 : i32
      %ne3A_2172 = arith.cmpi ne, %rem3A_2170, %ne3A_2171 : i32
      %and3A_2173 = arith.andi %ne3A_2169, %ne3A_2172 : i1
      %sub3A_2174 = arith.constant 1 : i32
      %sub3A_2175 = arith.subi %div3A_2154, %sub3A_2174 : i32
      %select_n3A_2176 = arith.select %and3A_2173, %sub3A_2175, %div3A_2154 : i32
      %mul3A_2177 = arith.constant 128 : i32
      %mul3A_2178 = arith.muli %select_n3A_2176, %mul3A_2177 : i32
      %multiple_of3A_2179 = tpu.assume_multiple %mul3A_2178, 128 : i32
      %jit3A_2180 = arith.constant 128 : i32
      %div3A_2181 = arith.divsi %squeeze3A_2152, %jit3A_2180 : i32
      %sign3A_2182 = arith.constant 0 : i32
      %sign3A_2183 = arith.cmpi sgt, %squeeze3A_2152, %sign3A_2182 : i32
      %sign3A_2184 = arith.extui %sign3A_2183 : i1 to i32
      %sign3A_2185 = arith.constant 0 : i32
      %sign3A_2186 = arith.cmpi slt, %squeeze3A_2152, %sign3A_2185 : i32
      %sign3A_2187 = arith.extui %sign3A_2186 : i1 to i32
      %sign3A_2188 = arith.subi %sign3A_2184, %sign3A_2187 : i32
      %sign3A_2189 = arith.constant 0 : i32
      %sign3A_2190 = arith.cmpi sgt, %jit3A_2180, %sign3A_2189 : i32
      %sign3A_2191 = arith.extui %sign3A_2190 : i1 to i32
      %sign3A_2192 = arith.constant 0 : i32
      %sign3A_2193 = arith.cmpi slt, %jit3A_2180, %sign3A_2192 : i32
      %sign3A_2194 = arith.extui %sign3A_2193 : i1 to i32
      %sign3A_2195 = arith.subi %sign3A_2191, %sign3A_2194 : i32
      %ne3A_2196 = arith.cmpi ne, %sign3A_2188, %sign3A_2195 : i32
      %rem3A_2197 = arith.remsi %squeeze3A_2152, %jit3A_2180 : i32
      %ne3A_2198 = arith.constant 0 : i32
      %ne3A_2199 = arith.cmpi ne, %rem3A_2197, %ne3A_2198 : i32
      %and3A_2200 = arith.andi %ne3A_2196, %ne3A_2199 : i1
      %sub3A_2201 = arith.constant 1 : i32
      %sub3A_2202 = arith.subi %div3A_2181, %sub3A_2201 : i32
      %select_n3A_2203 = arith.select %and3A_2200, %sub3A_2202, %div3A_2181 : i32
      %mul3A_2204 = arith.constant 128 : i32
      %mul3A_2205 = arith.muli %select_n3A_2203, %mul3A_2204 : i32
      %multiple_of3A_2206 = tpu.assume_multiple %mul3A_2205, 128 : i32
      %dma_start3A_2207 = arith.constant 7 : i32
      %dma_start3A_2208 = arith.constant 0 : i32
      %dma_start3A_2209 = arith.constant 0 : i32
      %dma_start3A_2210 = tpu.memref_slice %arg11[%dma_start3A_2207, %dma_start3A_2208, %dma_start3A_2209] : memref<8x32x128xf32, #tpu.memory_space<vmem>> -> memref<1x32x128xf32, #tpu.memory_space<vmem>>
      %dma_start3A_2211 = tpu.memref_squeeze %dma_start3A_2210 : memref<1x32x128xf32, #tpu.memory_space<vmem>> -> memref<32x128xf32, #tpu.memory_space<vmem>>
      %dma_start3A_2212 = arith.constant 0 : i32
      %dma_start3A_2213 = tpu.memref_slice %arg4[%dma_start3A_2212, %multiple_of3A_2179] : memref<32x1000000xf32, #tpu.memory_space<hbm>> -> memref<32x128xf32, #tpu.memory_space<hbm>>
      %dma_start3A_2214 = arith.constant 0 : i32
      %dma_start3A_2215 = arith.constant 0 : i32
      %dma_start3A_2216 = tpu.memref_slice %arg11[%dma_start3A_2207, %dma_start3A_2214, %dma_start3A_2215] : memref<8x32x128xf32, #tpu.memory_space<vmem>> -> memref<1x32x128xf32, #tpu.memory_space<vmem>>
      %dma_start3A_2217 = tpu.memref_squeeze %dma_start3A_2216 : memref<1x32x128xf32, #tpu.memory_space<vmem>> -> memref<32x128xf32, #tpu.memory_space<vmem>>
      %dma_start3A_2218 = arith.constant 0 : i32
      %dma_start3A_2219 = tpu.memref_slice %arg4[%dma_start3A_2218, %multiple_of3A_2179] : memref<32x1000000xf32, #tpu.memory_space<hbm>> -> memref<32x128xf32, #tpu.memory_space<hbm>>
      tpu.enqueue_dma source(%dma_start3A_2219 : memref<32x128xf32, #tpu.memory_space<hbm>>) target(%dma_start3A_2217 : memref<32x128xf32, #tpu.memory_space<vmem>>) target_semaphore(%arg24 : memref<!tpu.dma_semaphore, #tpu.memory_space<semaphore_mem>>)
      %dma_start3A_2220 = arith.constant 7 : i32
      %dma_start3A_2221 = arith.constant 0 : i32
      %dma_start3A_2222 = arith.constant 0 : i32
      %dma_start3A_2223 = tpu.memref_slice %arg12[%dma_start3A_2220, %dma_start3A_2221, %dma_start3A_2222] : memref<8x32x128xf32, #tpu.memory_space<vmem>> -> memref<1x32x128xf32, #tpu.memory_space<vmem>>
      %dma_start3A_2224 = tpu.memref_squeeze %dma_start3A_2223 : memref<1x32x128xf32, #tpu.memory_space<vmem>> -> memref<32x128xf32, #tpu.memory_space<vmem>>
      %dma_start3A_2225 = arith.constant 0 : i32
      %dma_start3A_2226 = tpu.memref_slice %arg5[%dma_start3A_2225, %multiple_of3A_2206] : memref<32x1000000xf32, #tpu.memory_space<hbm>> -> memref<32x128xf32, #tpu.memory_space<hbm>>
      %dma_start3A_2227 = arith.constant 0 : i32
      %dma_start3A_2228 = arith.constant 0 : i32
      %dma_start3A_2229 = tpu.memref_slice %arg12[%dma_start3A_2220, %dma_start3A_2227, %dma_start3A_2228] : memref<8x32x128xf32, #tpu.memory_space<vmem>> -> memref<1x32x128xf32, #tpu.memory_space<vmem>>
      %dma_start3A_2230 = tpu.memref_squeeze %dma_start3A_2229 : memref<1x32x128xf32, #tpu.memory_space<vmem>> -> memref<32x128xf32, #tpu.memory_space<vmem>>
      %dma_start3A_2231 = arith.constant 0 : i32
      %dma_start3A_2232 = tpu.memref_slice %arg5[%dma_start3A_2231, %multiple_of3A_2206] : memref<32x1000000xf32, #tpu.memory_space<hbm>> -> memref<32x128xf32, #tpu.memory_space<hbm>>
      tpu.enqueue_dma source(%dma_start3A_2232 : memref<32x128xf32, #tpu.memory_space<hbm>>) target(%dma_start3A_2230 : memref<32x128xf32, #tpu.memory_space<vmem>>) target_semaphore(%arg24 : memref<!tpu.dma_semaphore, #tpu.memory_space<semaphore_mem>>)
      %dma_wait3A_2233 = arith.constant 0 : i32
      %dma_wait3A_2234 = arith.constant 0 : i32
      %dma_wait3A_2235 = arith.constant 0 : i32
      %dma_wait3A_2236 = tpu.memref_slice %arg11[%dma_wait3A_2233, %dma_wait3A_2234, %dma_wait3A_2235] : memref<8x32x128xf32, #tpu.memory_space<vmem>> -> memref<1x32x128xf32, #tpu.memory_space<vmem>>
      %dma_wait3A_2237 = tpu.memref_squeeze %dma_wait3A_2236 : memref<1x32x128xf32, #tpu.memory_space<vmem>> -> memref<32x128xf32, #tpu.memory_space<vmem>>
      %dma_wait3A_2238 = arith.constant 0 : i32
      %dma_wait3A_2239 = arith.constant 0 : i32
      %dma_wait3A_2240 = tpu.memref_slice %arg4[%dma_wait3A_2238, %dma_wait3A_2239] : memref<32x1000000xf32, #tpu.memory_space<hbm>> -> memref<32x128xf32, #tpu.memory_space<hbm>>
      %dma_wait3A_2241 = arith.constant 0 : i32
      %dma_wait3A_2242 = arith.constant 0 : i32
      %dma_wait3A_2243 = tpu.memref_slice %arg11[%dma_wait3A_2233, %dma_wait3A_2241, %dma_wait3A_2242] : memref<8x32x128xf32, #tpu.memory_space<vmem>> -> memref<1x32x128xf32, #tpu.memory_space<vmem>>
      %dma_wait3A_2244 = tpu.memref_squeeze %dma_wait3A_2243 : memref<1x32x128xf32, #tpu.memory_space<vmem>> -> memref<32x128xf32, #tpu.memory_space<vmem>>
      %dma_wait3A_2245 = arith.constant 0 : i32
      %dma_wait3A_2246 = arith.constant 0 : i32
      %dma_wait3A_2247 = tpu.memref_slice %arg4[%dma_wait3A_2245, %dma_wait3A_2246] : memref<32x1000000xf32, #tpu.memory_space<hbm>> -> memref<32x128xf32, #tpu.memory_space<hbm>>
      tpu.wait_dma2 semaphore(%arg17 : memref<!tpu.dma_semaphore, #tpu.memory_space<semaphore_mem>>) src(%dma_wait3A_2247 : memref<32x128xf32, #tpu.memory_space<hbm>>) dst(%dma_wait3A_2244 : memref<32x128xf32, #tpu.memory_space<vmem>>)
      %dma_wait3A_2248 = arith.constant 0 : i32
      %dma_wait3A_2249 = arith.constant 0 : i32
      %dma_wait3A_2250 = arith.constant 0 : i32
      %dma_wait3A_2251 = tpu.memref_slice %arg12[%dma_wait3A_2248, %dma_wait3A_2249, %dma_wait3A_2250] : memref<8x32x128xf32, #tpu.memory_space<vmem>> -> memref<1x32x128xf32, #tpu.memory_space<vmem>>
      %dma_wait3A_2252 = tpu.memref_squeeze %dma_wait3A_2251 : memref<1x32x128xf32, #tpu.memory_space<vmem>> -> memref<32x128xf32, #tpu.memory_space<vmem>>
      %dma_wait3A_2253 = arith.constant 0 : i32
      %dma_wait3A_2254 = arith.constant 0 : i32
      %dma_wait3A_2255 = tpu.memref_slice %arg5[%dma_wait3A_2253, %dma_wait3A_2254] : memref<32x1000000xf32, #tpu.memory_space<hbm>> -> memref<32x128xf32, #tpu.memory_space<hbm>>
      %dma_wait3A_2256 = arith.constant 0 : i32
      %dma_wait3A_2257 = arith.constant 0 : i32
      %dma_wait3A_2258 = tpu.memref_slice %arg12[%dma_wait3A_2248, %dma_wait3A_2256, %dma_wait3A_2257] : memref<8x32x128xf32, #tpu.memory_space<vmem>> -> memref<1x32x128xf32, #tpu.memory_space<vmem>>
      %dma_wait3A_2259 = tpu.memref_squeeze %dma_wait3A_2258 : memref<1x32x128xf32, #tpu.memory_space<vmem>> -> memref<32x128xf32, #tpu.memory_space<vmem>>
      %dma_wait3A_2260 = arith.constant 0 : i32
      %dma_wait3A_2261 = arith.constant 0 : i32
      %dma_wait3A_2262 = tpu.memref_slice %arg5[%dma_wait3A_2260, %dma_wait3A_2261] : memref<32x1000000xf32, #tpu.memory_space<hbm>> -> memref<32x128xf32, #tpu.memory_space<hbm>>
      tpu.wait_dma2 semaphore(%arg17 : memref<!tpu.dma_semaphore, #tpu.memory_space<semaphore_mem>>) src(%dma_wait3A_2262 : memref<32x128xf32, #tpu.memory_space<hbm>>) dst(%dma_wait3A_2259 : memref<32x128xf32, #tpu.memory_space<vmem>>)
      %slice3A_2263 = vector.extract_strided_slice %get3A_680 {offsets = [8], sizes = [1], strides = [1]} : vector<16xi32> to vector<1xi32>
      %squeeze3A_2264 = vector.extract %slice3A_2263[0] : i32 from vector<1xi32>
      %jit3A_2265 = arith.constant 128 : i32
      %eq3A_2266 = arith.constant 0 : i32
      %eq3A_2267 = arith.cmpi eq, %jit3A_2265, %eq3A_2266 : i32
      %jit3A_2268 = arith.constant 1 : i32
      %select_n3A_2269 = arith.select %eq3A_2267, %jit3A_2268, %jit3A_2265 : i32
      %rem3A_2270 = arith.remsi %squeeze3A_2264, %select_n3A_2269 : i32
      %ne3A_2271 = arith.constant 0 : i32
      %ne3A_2272 = arith.cmpi ne, %rem3A_2270, %ne3A_2271 : i32
      %lt3A_2273 = arith.constant 0 : i32
      %lt3A_2274 = arith.cmpi slt, %rem3A_2270, %lt3A_2273 : i32
      %lt3A_2275 = arith.constant 0 : i32
      %lt3A_2276 = arith.cmpi slt, %select_n3A_2269, %lt3A_2275 : i32
      %ne3A_2277 = arith.xori %lt3A_2274, %lt3A_2276 : i1
      %and3A_2278 = arith.andi %ne3A_2277, %ne3A_2272 : i1
      %add3A_2279 = arith.addi %rem3A_2270, %select_n3A_2269 : i32
      %select_n3A_2280 = arith.select %and3A_2278, %add3A_2279, %rem3A_2270 : i32
      %add3A_2281 = vector.broadcast %select_n3A_2280 : i32 to vector<16xi32>
      %add3A_2282 = arith.addi %broadcast_in_dim3A_6, %add3A_2281 : vector<16xi32>
      %slice3A_2283 = vector.extract_strided_slice %get3A_682 {offsets = [8], sizes = [1], strides = [1]} : vector<16xi32> to vector<1xi32>
      %squeeze3A_2284 = vector.extract %slice3A_2283[0] : i32 from vector<1xi32>
      %jit3A_2285 = arith.constant 128 : i32
      %eq3A_2286 = arith.constant 0 : i32
      %eq3A_2287 = arith.cmpi eq, %jit3A_2285, %eq3A_2286 : i32
      %jit3A_2288 = arith.constant 1 : i32
      %select_n3A_2289 = arith.select %eq3A_2287, %jit3A_2288, %jit3A_2285 : i32
      %rem3A_2290 = arith.remsi %squeeze3A_2284, %select_n3A_2289 : i32
      %ne3A_2291 = arith.constant 0 : i32
      %ne3A_2292 = arith.cmpi ne, %rem3A_2290, %ne3A_2291 : i32
      %lt3A_2293 = arith.constant 0 : i32
      %lt3A_2294 = arith.cmpi slt, %rem3A_2290, %lt3A_2293 : i32
      %lt3A_2295 = arith.constant 0 : i32
      %lt3A_2296 = arith.cmpi slt, %select_n3A_2289, %lt3A_2295 : i32
      %ne3A_2297 = arith.xori %lt3A_2294, %lt3A_2296 : i1
      %and3A_2298 = arith.andi %ne3A_2297, %ne3A_2292 : i1
      %add3A_2299 = arith.addi %rem3A_2290, %select_n3A_2289 : i32
      %select_n3A_2300 = arith.select %and3A_2298, %add3A_2299, %rem3A_2290 : i32
      %add3A_2301 = vector.broadcast %select_n3A_2300 : i32 to vector<16xi32>
      %add3A_2302 = arith.addi %broadcast_in_dim3A_6, %add3A_2301 : vector<16xi32>
      %gather3A_2303 = arith.constant 0 : i32
      %gather3A_2304 = arith.constant 0 : i32
      %gather3A_2305 = arith.constant 0 : i32
      %gather3A_2306 = tpu.memref_slice %arg11[%gather3A_2303, %gather3A_2304, %gather3A_2305] : memref<8x32x128xf32, #tpu.memory_space<vmem>> -> memref<1x32x128xf32, #tpu.memory_space<vmem>>
      %gather3A_2307 = tpu.memref_squeeze %gather3A_2306 : memref<1x32x128xf32, #tpu.memory_space<vmem>> -> memref<32x128xf32, #tpu.memory_space<vmem>>
      %gather3A_2308 = tpu.vector_load_idx %gather3A_2307[%iota3A, %add3A_2282] : memref<32x128xf32, #tpu.memory_space<vmem>>[vector<16xi32>, vector<16xi32>], vector<16xf32>,
      %add3A_2309 = arith.constant 16 : i32
      %add3A_2310 = vector.broadcast %add3A_2309 : i32 to vector<16xi32>
      %add3A_2311 = arith.addi %iota3A, %add3A_2310 : vector<16xi32>
      %gather3A_2312 = arith.constant 0 : i32
      %gather3A_2313 = arith.constant 0 : i32
      %gather3A_2314 = arith.constant 0 : i32
      %gather3A_2315 = tpu.memref_slice %arg11[%gather3A_2312, %gather3A_2313, %gather3A_2314] : memref<8x32x128xf32, #tpu.memory_space<vmem>> -> memref<1x32x128xf32, #tpu.memory_space<vmem>>
      %gather3A_2316 = tpu.memref_squeeze %gather3A_2315 : memref<1x32x128xf32, #tpu.memory_space<vmem>> -> memref<32x128xf32, #tpu.memory_space<vmem>>
      %gather3A_2317 = tpu.vector_load_idx %gather3A_2316[%add3A_2311, %add3A_2282] : memref<32x128xf32, #tpu.memory_space<vmem>>[vector<16xi32>, vector<16xi32>], vector<16xf32>,
      %gather3A_2318 = arith.constant 0 : i32
      %gather3A_2319 = arith.constant 0 : i32
      %gather3A_2320 = arith.constant 0 : i32
      %gather3A_2321 = tpu.memref_slice %arg12[%gather3A_2318, %gather3A_2319, %gather3A_2320] : memref<8x32x128xf32, #tpu.memory_space<vmem>> -> memref<1x32x128xf32, #tpu.memory_space<vmem>>
      %gather3A_2322 = tpu.memref_squeeze %gather3A_2321 : memref<1x32x128xf32, #tpu.memory_space<vmem>> -> memref<32x128xf32, #tpu.memory_space<vmem>>
      %gather3A_2323 = tpu.vector_load_idx %gather3A_2322[%iota3A, %add3A_2302] : memref<32x128xf32, #tpu.memory_space<vmem>>[vector<16xi32>, vector<16xi32>], vector<16xf32>,
      %add3A_2324 = arith.constant 16 : i32
      %add3A_2325 = vector.broadcast %add3A_2324 : i32 to vector<16xi32>
      %add3A_2326 = arith.addi %iota3A, %add3A_2325 : vector<16xi32>
      %gather3A_2327 = arith.constant 0 : i32
      %gather3A_2328 = arith.constant 0 : i32
      %gather3A_2329 = arith.constant 0 : i32
      %gather3A_2330 = tpu.memref_slice %arg12[%gather3A_2327, %gather3A_2328, %gather3A_2329] : memref<8x32x128xf32, #tpu.memory_space<vmem>> -> memref<1x32x128xf32, #tpu.memory_space<vmem>>
      %gather3A_2331 = tpu.memref_squeeze %gather3A_2330 : memref<1x32x128xf32, #tpu.memory_space<vmem>> -> memref<32x128xf32, #tpu.memory_space<vmem>>
      %gather3A_2332 = tpu.vector_load_idx %gather3A_2331[%add3A_2326, %add3A_2302] : memref<32x128xf32, #tpu.memory_space<vmem>>[vector<16xi32>, vector<16xi32>], vector<16xf32>,
      %mul3A_2333 = arith.mulf %gather3A_2308, %gather3A_2323 : vector<16xf32>
      %mul3A_2334 = arith.mulf %mul3A_2333, %get3A_1 : vector<16xf32>
      %mul3A_2335 = arith.mulf %gather3A_2317, %gather3A_2332 : vector<16xf32>
      %mul3A_2336 = arith.mulf %mul3A_2335, %get3A_3 : vector<16xf32>
      %add3A_2337 = arith.addf %mul3A_2334, %mul3A_2336 : vector<16xf32>
      %swap3A_2338 = arith.constant 8 : i32
      %swap3A_2339 = arith.index_cast %swap3A_2338 : i32 to index
      %swap3A_2340 = arith.constant 0 : index
      %swap3A_2341 = tpu.vector_load %arg13[%swap3A_2339, %swap3A_2340] {strides = array<i32>} : memref<16x128xf32, #tpu.memory_space<vmem>>, vector<16xf32>,
      tpu.vector_store %arg13[%swap3A_2339, %swap3A_2340], %add3A_2337 {strides = array<i32>} : memref<16x128xf32, #tpu.memory_space<vmem>>, vector<16xf32>,
      %lt3A_2342 = arith.constant 31 : i32
      %lt3A_2343 = arith.cmpi slt, %scan3A_676, %lt3A_2342 : i32
      %convert_element_type3A = arith.extui %lt3A_2343 : i1 to i32
      %cond3A = arith.constant 0 : i32
      %cond3A_2344 = arith.cmpi ne, %convert_element_type3A, %cond3A : i32
      scf.if %cond3A_2344 {
        %slice3A_3217 = vector.extract_strided_slice %get3A_689 {offsets = [0], sizes = [1], strides = [1]} : vector<16xi32> to vector<1xi32>
        %squeeze3A_3218 = vector.extract %slice3A_3217[0] : i32 from vector<1xi32>
        %slice3A_3219 = vector.extract_strided_slice %get3A_693 {offsets = [0], sizes = [1], strides = [1]} : vector<16xi32> to vector<1xi32>
        %squeeze3A_3220 = vector.extract %slice3A_3219[0] : i32 from vector<1xi32>
        %jit3A_3221 = arith.constant 128 : i32
        %div3A_3222 = arith.divsi %squeeze3A_3218, %jit3A_3221 : i32
        %sign3A_3223 = arith.constant 0 : i32
        %sign3A_3224 = arith.cmpi sgt, %squeeze3A_3218, %sign3A_3223 : i32
        %sign3A_3225 = arith.extui %sign3A_3224 : i1 to i32
        %sign3A_3226 = arith.constant 0 : i32
        %sign3A_3227 = arith.cmpi slt, %squeeze3A_3218, %sign3A_3226 : i32
        %sign3A_3228 = arith.extui %sign3A_3227 : i1 to i32
        %sign3A_3229 = arith.subi %sign3A_3225, %sign3A_3228 : i32
        %sign3A_3230 = arith.constant 0 : i32
        %sign3A_3231 = arith.cmpi sgt, %jit3A_3221, %sign3A_3230 : i32
        %sign3A_3232 = arith.extui %sign3A_3231 : i1 to i32
        %sign3A_3233 = arith.constant 0 : i32
        %sign3A_3234 = arith.cmpi slt, %jit3A_3221, %sign3A_3233 : i32
        %sign3A_3235 = arith.extui %sign3A_3234 : i1 to i32
        %sign3A_3236 = arith.subi %sign3A_3232, %sign3A_3235 : i32
        %ne3A_3237 = arith.cmpi ne, %sign3A_3229, %sign3A_3236 : i32
        %rem3A_3238 = arith.remsi %squeeze3A_3218, %jit3A_3221 : i32
        %ne3A_3239 = arith.constant 0 : i32
        %ne3A_3240 = arith.cmpi ne, %rem3A_3238, %ne3A_3239 : i32
        %and3A_3241 = arith.andi %ne3A_3237, %ne3A_3240 : i1
        %sub3A_3242 = arith.constant 1 : i32
        %sub3A_3243 = arith.subi %div3A_3222, %sub3A_3242 : i32
        %select_n3A_3244 = arith.select %and3A_3241, %sub3A_3243, %div3A_3222 : i32
        %mul3A_3245 = arith.constant 128 : i32
        %mul3A_3246 = arith.muli %select_n3A_3244, %mul3A_3245 : i32
        %multiple_of3A_3247 = tpu.assume_multiple %mul3A_3246, 128 : i32
        %jit3A_3248 = arith.constant 128 : i32
        %div3A_3249 = arith.divsi %squeeze3A_3220, %jit3A_3248 : i32
        %sign3A_3250 = arith.constant 0 : i32
        %sign3A_3251 = arith.cmpi sgt, %squeeze3A_3220, %sign3A_3250 : i32
        %sign3A_3252 = arith.extui %sign3A_3251 : i1 to i32
        %sign3A_3253 = arith.constant 0 : i32
        %sign3A_3254 = arith.cmpi slt, %squeeze3A_3220, %sign3A_3253 : i32
        %sign3A_3255 = arith.extui %sign3A_3254 : i1 to i32
        %sign3A_3256 = arith.subi %sign3A_3252, %sign3A_3255 : i32
        %sign3A_3257 = arith.constant 0 : i32
        %sign3A_3258 = arith.cmpi sgt, %jit3A_3248, %sign3A_3257 : i32
        %sign3A_3259 = arith.extui %sign3A_3258 : i1 to i32
        %sign3A_3260 = arith.constant 0 : i32
        %sign3A_3261 = arith.cmpi slt, %jit3A_3248, %sign3A_3260 : i32
        %sign3A_3262 = arith.extui %sign3A_3261 : i1 to i32
        %sign3A_3263 = arith.subi %sign3A_3259, %sign3A_3262 : i32
        %ne3A_3264 = arith.cmpi ne, %sign3A_3256, %sign3A_3263 : i32
        %rem3A_3265 = arith.remsi %squeeze3A_3220, %jit3A_3248 : i32
        %ne3A_3266 = arith.constant 0 : i32
        %ne3A_3267 = arith.cmpi ne, %rem3A_3265, %ne3A_3266 : i32
        %and3A_3268 = arith.andi %ne3A_3264, %ne3A_3267 : i1
        %sub3A_3269 = arith.constant 1 : i32
        %sub3A_3270 = arith.subi %div3A_3249, %sub3A_3269 : i32
        %select_n3A_3271 = arith.select %and3A_3268, %sub3A_3270, %div3A_3249 : i32
        %mul3A_3272 = arith.constant 128 : i32
        %mul3A_3273 = arith.muli %select_n3A_3271, %mul3A_3272 : i32
        %multiple_of3A_3274 = tpu.assume_multiple %mul3A_3273, 128 : i32
        %dma_start3A_3275 = arith.constant 0 : i32
        %dma_start3A_3276 = arith.constant 0 : i32
        %dma_start3A_3277 = arith.constant 0 : i32
        %dma_start3A_3278 = tpu.memref_slice %arg11[%dma_start3A_3275, %dma_start3A_3276, %dma_start3A_3277] : memref<8x32x128xf32, #tpu.memory_space<vmem>> -> memref<1x32x128xf32, #tpu.memory_space<vmem>>
        %dma_start3A_3279 = tpu.memref_squeeze %dma_start3A_3278 : memref<1x32x128xf32, #tpu.memory_space<vmem>> -> memref<32x128xf32, #tpu.memory_space<vmem>>
        %dma_start3A_3280 = arith.constant 0 : i32
        %dma_start3A_3281 = tpu.memref_slice %arg4[%dma_start3A_3280, %multiple_of3A_3247] : memref<32x1000000xf32, #tpu.memory_space<hbm>> -> memref<32x128xf32, #tpu.memory_space<hbm>>
        %dma_start3A_3282 = arith.constant 0 : i32
        %dma_start3A_3283 = arith.constant 0 : i32
        %dma_start3A_3284 = tpu.memref_slice %arg11[%dma_start3A_3275, %dma_start3A_3282, %dma_start3A_3283] : memref<8x32x128xf32, #tpu.memory_space<vmem>> -> memref<1x32x128xf32, #tpu.memory_space<vmem>>
        %dma_start3A_3285 = tpu.memref_squeeze %dma_start3A_3284 : memref<1x32x128xf32, #tpu.memory_space<vmem>> -> memref<32x128xf32, #tpu.memory_space<vmem>>
        %dma_start3A_3286 = arith.constant 0 : i32
        %dma_start3A_3287 = tpu.memref_slice %arg4[%dma_start3A_3286, %multiple_of3A_3247] : memref<32x1000000xf32, #tpu.memory_space<hbm>> -> memref<32x128xf32, #tpu.memory_space<hbm>>
        tpu.enqueue_dma source(%dma_start3A_3287 : memref<32x128xf32, #tpu.memory_space<hbm>>) target(%dma_start3A_3285 : memref<32x128xf32, #tpu.memory_space<vmem>>) target_semaphore(%arg17 : memref<!tpu.dma_semaphore, #tpu.memory_space<semaphore_mem>>)
        %dma_start3A_3288 = arith.constant 0 : i32
        %dma_start3A_3289 = arith.constant 0 : i32
        %dma_start3A_3290 = arith.constant 0 : i32
        %dma_start3A_3291 = tpu.memref_slice %arg12[%dma_start3A_3288, %dma_start3A_3289, %dma_start3A_3290] : memref<8x32x128xf32, #tpu.memory_space<vmem>> -> memref<1x32x128xf32, #tpu.memory_space<vmem>>
        %dma_start3A_3292 = tpu.memref_squeeze %dma_start3A_3291 : memref<1x32x128xf32, #tpu.memory_space<vmem>> -> memref<32x128xf32, #tpu.memory_space<vmem>>
        %dma_start3A_3293 = arith.constant 0 : i32
        %dma_start3A_3294 = tpu.memref_slice %arg5[%dma_start3A_3293, %multiple_of3A_3274] : memref<32x1000000xf32, #tpu.memory_space<hbm>> -> memref<32x128xf32, #tpu.memory_space<hbm>>
        %dma_start3A_3295 = arith.constant 0 : i32
        %dma_start3A_3296 = arith.constant 0 : i32
        %dma_start3A_3297 = tpu.memref_slice %arg12[%dma_start3A_3288, %dma_start3A_3295, %dma_start3A_3296] : memref<8x32x128xf32, #tpu.memory_space<vmem>> -> memref<1x32x128xf32, #tpu.memory_space<vmem>>
        %dma_start3A_3298 = tpu.memref_squeeze %dma_start3A_3297 : memref<1x32x128xf32, #tpu.memory_space<vmem>> -> memref<32x128xf32, #tpu.memory_space<vmem>>
        %dma_start3A_3299 = arith.constant 0 : i32
        %dma_start3A_3300 = tpu.memref_slice %arg5[%dma_start3A_3299, %multiple_of3A_3274] : memref<32x1000000xf32, #tpu.memory_space<hbm>> -> memref<32x128xf32, #tpu.memory_space<hbm>>
        tpu.enqueue_dma source(%dma_start3A_3300 : memref<32x128xf32, #tpu.memory_space<hbm>>) target(%dma_start3A_3298 : memref<32x128xf32, #tpu.memory_space<vmem>>) target_semaphore(%arg17 : memref<!tpu.dma_semaphore, #tpu.memory_space<semaphore_mem>>)
      } else {
      }
      %dma_wait3A_2345 = arith.constant 1 : i32
      %dma_wait3A_2346 = arith.constant 0 : i32
      %dma_wait3A_2347 = arith.constant 0 : i32
      %dma_wait3A_2348 = tpu.memref_slice %arg11[%dma_wait3A_2345, %dma_wait3A_2346, %dma_wait3A_2347] : memref<8x32x128xf32, #tpu.memory_space<vmem>> -> memref<1x32x128xf32, #tpu.memory_space<vmem>>
      %dma_wait3A_2349 = tpu.memref_squeeze %dma_wait3A_2348 : memref<1x32x128xf32, #tpu.memory_space<vmem>> -> memref<32x128xf32, #tpu.memory_space<vmem>>
      %dma_wait3A_2350 = arith.constant 0 : i32
      %dma_wait3A_2351 = arith.constant 0 : i32
      %dma_wait3A_2352 = tpu.memref_slice %arg4[%dma_wait3A_2350, %dma_wait3A_2351] : memref<32x1000000xf32, #tpu.memory_space<hbm>> -> memref<32x128xf32, #tpu.memory_space<hbm>>
      %dma_wait3A_2353 = arith.constant 0 : i32
      %dma_wait3A_2354 = arith.constant 0 : i32
      %dma_wait3A_2355 = tpu.memref_slice %arg11[%dma_wait3A_2345, %dma_wait3A_2353, %dma_wait3A_2354] : memref<8x32x128xf32, #tpu.memory_space<vmem>> -> memref<1x32x128xf32, #tpu.memory_space<vmem>>
      %dma_wait3A_2356 = tpu.memref_squeeze %dma_wait3A_2355 : memref<1x32x128xf32, #tpu.memory_space<vmem>> -> memref<32x128xf32, #tpu.memory_space<vmem>>
      %dma_wait3A_2357 = arith.constant 0 : i32
      %dma_wait3A_2358 = arith.constant 0 : i32
      %dma_wait3A_2359 = tpu.memref_slice %arg4[%dma_wait3A_2357, %dma_wait3A_2358] : memref<32x1000000xf32, #tpu.memory_space<hbm>> -> memref<32x128xf32, #tpu.memory_space<hbm>>
      tpu.wait_dma2 semaphore(%arg18 : memref<!tpu.dma_semaphore, #tpu.memory_space<semaphore_mem>>) src(%dma_wait3A_2359 : memref<32x128xf32, #tpu.memory_space<hbm>>) dst(%dma_wait3A_2356 : memref<32x128xf32, #tpu.memory_space<vmem>>)
      %dma_wait3A_2360 = arith.constant 1 : i32
      %dma_wait3A_2361 = arith.constant 0 : i32
      %dma_wait3A_2362 = arith.constant 0 : i32
      %dma_wait3A_2363 = tpu.memref_slice %arg12[%dma_wait3A_2360, %dma_wait3A_2361, %dma_wait3A_2362] : memref<8x32x128xf32, #tpu.memory_space<vmem>> -> memref<1x32x128xf32, #tpu.memory_space<vmem>>
      %dma_wait3A_2364 = tpu.memref_squeeze %dma_wait3A_2363 : memref<1x32x128xf32, #tpu.memory_space<vmem>> -> memref<32x128xf32, #tpu.memory_space<vmem>>
      %dma_wait3A_2365 = arith.constant 0 : i32
      %dma_wait3A_2366 = arith.constant 0 : i32
      %dma_wait3A_2367 = tpu.memref_slice %arg5[%dma_wait3A_2365, %dma_wait3A_2366] : memref<32x1000000xf32, #tpu.memory_space<hbm>> -> memref<32x128xf32, #tpu.memory_space<hbm>>
      %dma_wait3A_2368 = arith.constant 0 : i32
      %dma_wait3A_2369 = arith.constant 0 : i32
      %dma_wait3A_2370 = tpu.memref_slice %arg12[%dma_wait3A_2360, %dma_wait3A_2368, %dma_wait3A_2369] : memref<8x32x128xf32, #tpu.memory_space<vmem>> -> memref<1x32x128xf32, #tpu.memory_space<vmem>>
      %dma_wait3A_2371 = tpu.memref_squeeze %dma_wait3A_2370 : memref<1x32x128xf32, #tpu.memory_space<vmem>> -> memref<32x128xf32, #tpu.memory_space<vmem>>
      %dma_wait3A_2372 = arith.constant 0 : i32
      %dma_wait3A_2373 = arith.constant 0 : i32
      %dma_wait3A_2374 = tpu.memref_slice %arg5[%dma_wait3A_2372, %dma_wait3A_2373] : memref<32x1000000xf32, #tpu.memory_space<hbm>> -> memref<32x128xf32, #tpu.memory_space<hbm>>
      tpu.wait_dma2 semaphore(%arg18 : memref<!tpu.dma_semaphore, #tpu.memory_space<semaphore_mem>>) src(%dma_wait3A_2374 : memref<32x128xf32, #tpu.memory_space<hbm>>) dst(%dma_wait3A_2371 : memref<32x128xf32, #tpu.memory_space<vmem>>)
      %slice3A_2375 = vector.extract_strided_slice %get3A_680 {offsets = [9], sizes = [1], strides = [1]} : vector<16xi32> to vector<1xi32>
      %squeeze3A_2376 = vector.extract %slice3A_2375[0] : i32 from vector<1xi32>
      %jit3A_2377 = arith.constant 128 : i32
      %eq3A_2378 = arith.constant 0 : i32
      %eq3A_2379 = arith.cmpi eq, %jit3A_2377, %eq3A_2378 : i32
      %jit3A_2380 = arith.constant 1 : i32
      %select_n3A_2381 = arith.select %eq3A_2379, %jit3A_2380, %jit3A_2377 : i32
      %rem3A_2382 = arith.remsi %squeeze3A_2376, %select_n3A_2381 : i32
      %ne3A_2383 = arith.constant 0 : i32
      %ne3A_2384 = arith.cmpi ne, %rem3A_2382, %ne3A_2383 : i32
      %lt3A_2385 = arith.constant 0 : i32
      %lt3A_2386 = arith.cmpi slt, %rem3A_2382, %lt3A_2385 : i32
      %lt3A_2387 = arith.constant 0 : i32
      %lt3A_2388 = arith.cmpi slt, %select_n3A_2381, %lt3A_2387 : i32
      %ne3A_2389 = arith.xori %lt3A_2386, %lt3A_2388 : i1
      %and3A_2390 = arith.andi %ne3A_2389, %ne3A_2384 : i1
      %add3A_2391 = arith.addi %rem3A_2382, %select_n3A_2381 : i32
      %select_n3A_2392 = arith.select %and3A_2390, %add3A_2391, %rem3A_2382 : i32
      %add3A_2393 = vector.broadcast %select_n3A_2392 : i32 to vector<16xi32>
      %add3A_2394 = arith.addi %broadcast_in_dim3A_6, %add3A_2393 : vector<16xi32>
      %slice3A_2395 = vector.extract_strided_slice %get3A_682 {offsets = [9], sizes = [1], strides = [1]} : vector<16xi32> to vector<1xi32>
      %squeeze3A_2396 = vector.extract %slice3A_2395[0] : i32 from vector<1xi32>
      %jit3A_2397 = arith.constant 128 : i32
      %eq3A_2398 = arith.constant 0 : i32
      %eq3A_2399 = arith.cmpi eq, %jit3A_2397, %eq3A_2398 : i32
      %jit3A_2400 = arith.constant 1 : i32
      %select_n3A_2401 = arith.select %eq3A_2399, %jit3A_2400, %jit3A_2397 : i32
      %rem3A_2402 = arith.remsi %squeeze3A_2396, %select_n3A_2401 : i32
      %ne3A_2403 = arith.constant 0 : i32
      %ne3A_2404 = arith.cmpi ne, %rem3A_2402, %ne3A_2403 : i32
      %lt3A_2405 = arith.constant 0 : i32
      %lt3A_2406 = arith.cmpi slt, %rem3A_2402, %lt3A_2405 : i32
      %lt3A_2407 = arith.constant 0 : i32
      %lt3A_2408 = arith.cmpi slt, %select_n3A_2401, %lt3A_2407 : i32
      %ne3A_2409 = arith.xori %lt3A_2406, %lt3A_2408 : i1
      %and3A_2410 = arith.andi %ne3A_2409, %ne3A_2404 : i1
      %add3A_2411 = arith.addi %rem3A_2402, %select_n3A_2401 : i32
      %select_n3A_2412 = arith.select %and3A_2410, %add3A_2411, %rem3A_2402 : i32
      %add3A_2413 = vector.broadcast %select_n3A_2412 : i32 to vector<16xi32>
      %add3A_2414 = arith.addi %broadcast_in_dim3A_6, %add3A_2413 : vector<16xi32>
      %gather3A_2415 = arith.constant 1 : i32
      %gather3A_2416 = arith.constant 0 : i32
      %gather3A_2417 = arith.constant 0 : i32
      %gather3A_2418 = tpu.memref_slice %arg11[%gather3A_2415, %gather3A_2416, %gather3A_2417] : memref<8x32x128xf32, #tpu.memory_space<vmem>> -> memref<1x32x128xf32, #tpu.memory_space<vmem>>
      %gather3A_2419 = tpu.memref_squeeze %gather3A_2418 : memref<1x32x128xf32, #tpu.memory_space<vmem>> -> memref<32x128xf32, #tpu.memory_space<vmem>>
      %gather3A_2420 = tpu.vector_load_idx %gather3A_2419[%iota3A, %add3A_2394] : memref<32x128xf32, #tpu.memory_space<vmem>>[vector<16xi32>, vector<16xi32>], vector<16xf32>,
      %add3A_2421 = arith.constant 16 : i32
      %add3A_2422 = vector.broadcast %add3A_2421 : i32 to vector<16xi32>
      %add3A_2423 = arith.addi %iota3A, %add3A_2422 : vector<16xi32>
      %gather3A_2424 = arith.constant 1 : i32
      %gather3A_2425 = arith.constant 0 : i32
      %gather3A_2426 = arith.constant 0 : i32
      %gather3A_2427 = tpu.memref_slice %arg11[%gather3A_2424, %gather3A_2425, %gather3A_2426] : memref<8x32x128xf32, #tpu.memory_space<vmem>> -> memref<1x32x128xf32, #tpu.memory_space<vmem>>
      %gather3A_2428 = tpu.memref_squeeze %gather3A_2427 : memref<1x32x128xf32, #tpu.memory_space<vmem>> -> memref<32x128xf32, #tpu.memory_space<vmem>>
      %gather3A_2429 = tpu.vector_load_idx %gather3A_2428[%add3A_2423, %add3A_2394] : memref<32x128xf32, #tpu.memory_space<vmem>>[vector<16xi32>, vector<16xi32>], vector<16xf32>,
      %gather3A_2430 = arith.constant 1 : i32
      %gather3A_2431 = arith.constant 0 : i32
      %gather3A_2432 = arith.constant 0 : i32
      %gather3A_2433 = tpu.memref_slice %arg12[%gather3A_2430, %gather3A_2431, %gather3A_2432] : memref<8x32x128xf32, #tpu.memory_space<vmem>> -> memref<1x32x128xf32, #tpu.memory_space<vmem>>
      %gather3A_2434 = tpu.memref_squeeze %gather3A_2433 : memref<1x32x128xf32, #tpu.memory_space<vmem>> -> memref<32x128xf32, #tpu.memory_space<vmem>>
      %gather3A_2435 = tpu.vector_load_idx %gather3A_2434[%iota3A, %add3A_2414] : memref<32x128xf32, #tpu.memory_space<vmem>>[vector<16xi32>, vector<16xi32>], vector<16xf32>,
      %add3A_2436 = arith.constant 16 : i32
      %add3A_2437 = vector.broadcast %add3A_2436 : i32 to vector<16xi32>
      %add3A_2438 = arith.addi %iota3A, %add3A_2437 : vector<16xi32>
      %gather3A_2439 = arith.constant 1 : i32
      %gather3A_2440 = arith.constant 0 : i32
      %gather3A_2441 = arith.constant 0 : i32
      %gather3A_2442 = tpu.memref_slice %arg12[%gather3A_2439, %gather3A_2440, %gather3A_2441] : memref<8x32x128xf32, #tpu.memory_space<vmem>> -> memref<1x32x128xf32, #tpu.memory_space<vmem>>
      %gather3A_2443 = tpu.memref_squeeze %gather3A_2442 : memref<1x32x128xf32, #tpu.memory_space<vmem>> -> memref<32x128xf32, #tpu.memory_space<vmem>>
      %gather3A_2444 = tpu.vector_load_idx %gather3A_2443[%add3A_2438, %add3A_2414] : memref<32x128xf32, #tpu.memory_space<vmem>>[vector<16xi32>, vector<16xi32>], vector<16xf32>,
      %mul3A_2445 = arith.mulf %gather3A_2420, %gather3A_2435 : vector<16xf32>
      %mul3A_2446 = arith.mulf %mul3A_2445, %get3A_1 : vector<16xf32>
      %mul3A_2447 = arith.mulf %gather3A_2429, %gather3A_2444 : vector<16xf32>
      %mul3A_2448 = arith.mulf %mul3A_2447, %get3A_3 : vector<16xf32>
      %add3A_2449 = arith.addf %mul3A_2446, %mul3A_2448 : vector<16xf32>
      %swap3A_2450 = arith.constant 9 : i32
      %swap3A_2451 = arith.index_cast %swap3A_2450 : i32 to index
      %swap3A_2452 = arith.constant 0 : index
      %swap3A_2453 = tpu.vector_load %arg13[%swap3A_2451, %swap3A_2452] {strides = array<i32>} : memref<16x128xf32, #tpu.memory_space<vmem>>, vector<16xf32>,
      tpu.vector_store %arg13[%swap3A_2451, %swap3A_2452], %add3A_2449 {strides = array<i32>} : memref<16x128xf32, #tpu.memory_space<vmem>>, vector<16xf32>,
      %lt3A_2454 = arith.constant 31 : i32
      %lt3A_2455 = arith.cmpi slt, %scan3A_676, %lt3A_2454 : i32
      %convert_element_type3A_2456 = arith.extui %lt3A_2455 : i1 to i32
      %cond3A_2457 = arith.constant 0 : i32
      %cond3A_2458 = arith.cmpi ne, %convert_element_type3A_2456, %cond3A_2457 : i32
      scf.if %cond3A_2458 {
        %slice3A_3217 = vector.extract_strided_slice %get3A_689 {offsets = [1], sizes = [1], strides = [1]} : vector<16xi32> to vector<1xi32>
        %squeeze3A_3218 = vector.extract %slice3A_3217[0] : i32 from vector<1xi32>
        %slice3A_3219 = vector.extract_strided_slice %get3A_693 {offsets = [1], sizes = [1], strides = [1]} : vector<16xi32> to vector<1xi32>
        %squeeze3A_3220 = vector.extract %slice3A_3219[0] : i32 from vector<1xi32>
        %jit3A_3221 = arith.constant 128 : i32
        %div3A_3222 = arith.divsi %squeeze3A_3218, %jit3A_3221 : i32
        %sign3A_3223 = arith.constant 0 : i32
        %sign3A_3224 = arith.cmpi sgt, %squeeze3A_3218, %sign3A_3223 : i32
        %sign3A_3225 = arith.extui %sign3A_3224 : i1 to i32
        %sign3A_3226 = arith.constant 0 : i32
        %sign3A_3227 = arith.cmpi slt, %squeeze3A_3218, %sign3A_3226 : i32
        %sign3A_3228 = arith.extui %sign3A_3227 : i1 to i32
        %sign3A_3229 = arith.subi %sign3A_3225, %sign3A_3228 : i32
        %sign3A_3230 = arith.constant 0 : i32
        %sign3A_3231 = arith.cmpi sgt, %jit3A_3221, %sign3A_3230 : i32
        %sign3A_3232 = arith.extui %sign3A_3231 : i1 to i32
        %sign3A_3233 = arith.constant 0 : i32
        %sign3A_3234 = arith.cmpi slt, %jit3A_3221, %sign3A_3233 : i32
        %sign3A_3235 = arith.extui %sign3A_3234 : i1 to i32
        %sign3A_3236 = arith.subi %sign3A_3232, %sign3A_3235 : i32
        %ne3A_3237 = arith.cmpi ne, %sign3A_3229, %sign3A_3236 : i32
        %rem3A_3238 = arith.remsi %squeeze3A_3218, %jit3A_3221 : i32
        %ne3A_3239 = arith.constant 0 : i32
        %ne3A_3240 = arith.cmpi ne, %rem3A_3238, %ne3A_3239 : i32
        %and3A_3241 = arith.andi %ne3A_3237, %ne3A_3240 : i1
        %sub3A_3242 = arith.constant 1 : i32
        %sub3A_3243 = arith.subi %div3A_3222, %sub3A_3242 : i32
        %select_n3A_3244 = arith.select %and3A_3241, %sub3A_3243, %div3A_3222 : i32
        %mul3A_3245 = arith.constant 128 : i32
        %mul3A_3246 = arith.muli %select_n3A_3244, %mul3A_3245 : i32
        %multiple_of3A_3247 = tpu.assume_multiple %mul3A_3246, 128 : i32
        %jit3A_3248 = arith.constant 128 : i32
        %div3A_3249 = arith.divsi %squeeze3A_3220, %jit3A_3248 : i32
        %sign3A_3250 = arith.constant 0 : i32
        %sign3A_3251 = arith.cmpi sgt, %squeeze3A_3220, %sign3A_3250 : i32
        %sign3A_3252 = arith.extui %sign3A_3251 : i1 to i32
        %sign3A_3253 = arith.constant 0 : i32
        %sign3A_3254 = arith.cmpi slt, %squeeze3A_3220, %sign3A_3253 : i32
        %sign3A_3255 = arith.extui %sign3A_3254 : i1 to i32
        %sign3A_3256 = arith.subi %sign3A_3252, %sign3A_3255 : i32
        %sign3A_3257 = arith.constant 0 : i32
        %sign3A_3258 = arith.cmpi sgt, %jit3A_3248, %sign3A_3257 : i32
        %sign3A_3259 = arith.extui %sign3A_3258 : i1 to i32
        %sign3A_3260 = arith.constant 0 : i32
        %sign3A_3261 = arith.cmpi slt, %jit3A_3248, %sign3A_3260 : i32
        %sign3A_3262 = arith.extui %sign3A_3261 : i1 to i32
        %sign3A_3263 = arith.subi %sign3A_3259, %sign3A_3262 : i32
        %ne3A_3264 = arith.cmpi ne, %sign3A_3256, %sign3A_3263 : i32
        %rem3A_3265 = arith.remsi %squeeze3A_3220, %jit3A_3248 : i32
        %ne3A_3266 = arith.constant 0 : i32
        %ne3A_3267 = arith.cmpi ne, %rem3A_3265, %ne3A_3266 : i32
        %and3A_3268 = arith.andi %ne3A_3264, %ne3A_3267 : i1
        %sub3A_3269 = arith.constant 1 : i32
        %sub3A_3270 = arith.subi %div3A_3249, %sub3A_3269 : i32
        %select_n3A_3271 = arith.select %and3A_3268, %sub3A_3270, %div3A_3249 : i32
        %mul3A_3272 = arith.constant 128 : i32
        %mul3A_3273 = arith.muli %select_n3A_3271, %mul3A_3272 : i32
        %multiple_of3A_3274 = tpu.assume_multiple %mul3A_3273, 128 : i32
        %dma_start3A_3275 = arith.constant 1 : i32
        %dma_start3A_3276 = arith.constant 0 : i32
        %dma_start3A_3277 = arith.constant 0 : i32
        %dma_start3A_3278 = tpu.memref_slice %arg11[%dma_start3A_3275, %dma_start3A_3276, %dma_start3A_3277] : memref<8x32x128xf32, #tpu.memory_space<vmem>> -> memref<1x32x128xf32, #tpu.memory_space<vmem>>
        %dma_start3A_3279 = tpu.memref_squeeze %dma_start3A_3278 : memref<1x32x128xf32, #tpu.memory_space<vmem>> -> memref<32x128xf32, #tpu.memory_space<vmem>>
        %dma_start3A_3280 = arith.constant 0 : i32
        %dma_start3A_3281 = tpu.memref_slice %arg4[%dma_start3A_3280, %multiple_of3A_3247] : memref<32x1000000xf32, #tpu.memory_space<hbm>> -> memref<32x128xf32, #tpu.memory_space<hbm>>
        %dma_start3A_3282 = arith.constant 0 : i32
        %dma_start3A_3283 = arith.constant 0 : i32
        %dma_start3A_3284 = tpu.memref_slice %arg11[%dma_start3A_3275, %dma_start3A_3282, %dma_start3A_3283] : memref<8x32x128xf32, #tpu.memory_space<vmem>> -> memref<1x32x128xf32, #tpu.memory_space<vmem>>
        %dma_start3A_3285 = tpu.memref_squeeze %dma_start3A_3284 : memref<1x32x128xf32, #tpu.memory_space<vmem>> -> memref<32x128xf32, #tpu.memory_space<vmem>>
        %dma_start3A_3286 = arith.constant 0 : i32
        %dma_start3A_3287 = tpu.memref_slice %arg4[%dma_start3A_3286, %multiple_of3A_3247] : memref<32x1000000xf32, #tpu.memory_space<hbm>> -> memref<32x128xf32, #tpu.memory_space<hbm>>
        tpu.enqueue_dma source(%dma_start3A_3287 : memref<32x128xf32, #tpu.memory_space<hbm>>) target(%dma_start3A_3285 : memref<32x128xf32, #tpu.memory_space<vmem>>) target_semaphore(%arg18 : memref<!tpu.dma_semaphore, #tpu.memory_space<semaphore_mem>>)
        %dma_start3A_3288 = arith.constant 1 : i32
        %dma_start3A_3289 = arith.constant 0 : i32
        %dma_start3A_3290 = arith.constant 0 : i32
        %dma_start3A_3291 = tpu.memref_slice %arg12[%dma_start3A_3288, %dma_start3A_3289, %dma_start3A_3290] : memref<8x32x128xf32, #tpu.memory_space<vmem>> -> memref<1x32x128xf32, #tpu.memory_space<vmem>>
        %dma_start3A_3292 = tpu.memref_squeeze %dma_start3A_3291 : memref<1x32x128xf32, #tpu.memory_space<vmem>> -> memref<32x128xf32, #tpu.memory_space<vmem>>
        %dma_start3A_3293 = arith.constant 0 : i32
        %dma_start3A_3294 = tpu.memref_slice %arg5[%dma_start3A_3293, %multiple_of3A_3274] : memref<32x1000000xf32, #tpu.memory_space<hbm>> -> memref<32x128xf32, #tpu.memory_space<hbm>>
        %dma_start3A_3295 = arith.constant 0 : i32
        %dma_start3A_3296 = arith.constant 0 : i32
        %dma_start3A_3297 = tpu.memref_slice %arg12[%dma_start3A_3288, %dma_start3A_3295, %dma_start3A_3296] : memref<8x32x128xf32, #tpu.memory_space<vmem>> -> memref<1x32x128xf32, #tpu.memory_space<vmem>>
        %dma_start3A_3298 = tpu.memref_squeeze %dma_start3A_3297 : memref<1x32x128xf32, #tpu.memory_space<vmem>> -> memref<32x128xf32, #tpu.memory_space<vmem>>
        %dma_start3A_3299 = arith.constant 0 : i32
        %dma_start3A_3300 = tpu.memref_slice %arg5[%dma_start3A_3299, %multiple_of3A_3274] : memref<32x1000000xf32, #tpu.memory_space<hbm>> -> memref<32x128xf32, #tpu.memory_space<hbm>>
        tpu.enqueue_dma source(%dma_start3A_3300 : memref<32x128xf32, #tpu.memory_space<hbm>>) target(%dma_start3A_3298 : memref<32x128xf32, #tpu.memory_space<vmem>>) target_semaphore(%arg18 : memref<!tpu.dma_semaphore, #tpu.memory_space<semaphore_mem>>)
      } else {
      }
      %dma_wait3A_2459 = arith.constant 2 : i32
      %dma_wait3A_2460 = arith.constant 0 : i32
      %dma_wait3A_2461 = arith.constant 0 : i32
      %dma_wait3A_2462 = tpu.memref_slice %arg11[%dma_wait3A_2459, %dma_wait3A_2460, %dma_wait3A_2461] : memref<8x32x128xf32, #tpu.memory_space<vmem>> -> memref<1x32x128xf32, #tpu.memory_space<vmem>>
      %dma_wait3A_2463 = tpu.memref_squeeze %dma_wait3A_2462 : memref<1x32x128xf32, #tpu.memory_space<vmem>> -> memref<32x128xf32, #tpu.memory_space<vmem>>
      %dma_wait3A_2464 = arith.constant 0 : i32
      %dma_wait3A_2465 = arith.constant 0 : i32
      %dma_wait3A_2466 = tpu.memref_slice %arg4[%dma_wait3A_2464, %dma_wait3A_2465] : memref<32x1000000xf32, #tpu.memory_space<hbm>> -> memref<32x128xf32, #tpu.memory_space<hbm>>
      %dma_wait3A_2467 = arith.constant 0 : i32
      %dma_wait3A_2468 = arith.constant 0 : i32
      %dma_wait3A_2469 = tpu.memref_slice %arg11[%dma_wait3A_2459, %dma_wait3A_2467, %dma_wait3A_2468] : memref<8x32x128xf32, #tpu.memory_space<vmem>> -> memref<1x32x128xf32, #tpu.memory_space<vmem>>
      %dma_wait3A_2470 = tpu.memref_squeeze %dma_wait3A_2469 : memref<1x32x128xf32, #tpu.memory_space<vmem>> -> memref<32x128xf32, #tpu.memory_space<vmem>>
      %dma_wait3A_2471 = arith.constant 0 : i32
      %dma_wait3A_2472 = arith.constant 0 : i32
      %dma_wait3A_2473 = tpu.memref_slice %arg4[%dma_wait3A_2471, %dma_wait3A_2472] : memref<32x1000000xf32, #tpu.memory_space<hbm>> -> memref<32x128xf32, #tpu.memory_space<hbm>>
      tpu.wait_dma2 semaphore(%arg19 : memref<!tpu.dma_semaphore, #tpu.memory_space<semaphore_mem>>) src(%dma_wait3A_2473 : memref<32x128xf32, #tpu.memory_space<hbm>>) dst(%dma_wait3A_2470 : memref<32x128xf32, #tpu.memory_space<vmem>>)
      %dma_wait3A_2474 = arith.constant 2 : i32
      %dma_wait3A_2475 = arith.constant 0 : i32
      %dma_wait3A_2476 = arith.constant 0 : i32
      %dma_wait3A_2477 = tpu.memref_slice %arg12[%dma_wait3A_2474, %dma_wait3A_2475, %dma_wait3A_2476] : memref<8x32x128xf32, #tpu.memory_space<vmem>> -> memref<1x32x128xf32, #tpu.memory_space<vmem>>
      %dma_wait3A_2478 = tpu.memref_squeeze %dma_wait3A_2477 : memref<1x32x128xf32, #tpu.memory_space<vmem>> -> memref<32x128xf32, #tpu.memory_space<vmem>>
      %dma_wait3A_2479 = arith.constant 0 : i32
      %dma_wait3A_2480 = arith.constant 0 : i32
      %dma_wait3A_2481 = tpu.memref_slice %arg5[%dma_wait3A_2479, %dma_wait3A_2480] : memref<32x1000000xf32, #tpu.memory_space<hbm>> -> memref<32x128xf32, #tpu.memory_space<hbm>>
      %dma_wait3A_2482 = arith.constant 0 : i32
      %dma_wait3A_2483 = arith.constant 0 : i32
      %dma_wait3A_2484 = tpu.memref_slice %arg12[%dma_wait3A_2474, %dma_wait3A_2482, %dma_wait3A_2483] : memref<8x32x128xf32, #tpu.memory_space<vmem>> -> memref<1x32x128xf32, #tpu.memory_space<vmem>>
      %dma_wait3A_2485 = tpu.memref_squeeze %dma_wait3A_2484 : memref<1x32x128xf32, #tpu.memory_space<vmem>> -> memref<32x128xf32, #tpu.memory_space<vmem>>
      %dma_wait3A_2486 = arith.constant 0 : i32
      %dma_wait3A_2487 = arith.constant 0 : i32
      %dma_wait3A_2488 = tpu.memref_slice %arg5[%dma_wait3A_2486, %dma_wait3A_2487] : memref<32x1000000xf32, #tpu.memory_space<hbm>> -> memref<32x128xf32, #tpu.memory_space<hbm>>
      tpu.wait_dma2 semaphore(%arg19 : memref<!tpu.dma_semaphore, #tpu.memory_space<semaphore_mem>>) src(%dma_wait3A_2488 : memref<32x128xf32, #tpu.memory_space<hbm>>) dst(%dma_wait3A_2485 : memref<32x128xf32, #tpu.memory_space<vmem>>)
      %slice3A_2489 = vector.extract_strided_slice %get3A_680 {offsets = [10], sizes = [1], strides = [1]} : vector<16xi32> to vector<1xi32>
      %squeeze3A_2490 = vector.extract %slice3A_2489[0] : i32 from vector<1xi32>
      %jit3A_2491 = arith.constant 128 : i32
      %eq3A_2492 = arith.constant 0 : i32
      %eq3A_2493 = arith.cmpi eq, %jit3A_2491, %eq3A_2492 : i32
      %jit3A_2494 = arith.constant 1 : i32
      %select_n3A_2495 = arith.select %eq3A_2493, %jit3A_2494, %jit3A_2491 : i32
      %rem3A_2496 = arith.remsi %squeeze3A_2490, %select_n3A_2495 : i32
      %ne3A_2497 = arith.constant 0 : i32
      %ne3A_2498 = arith.cmpi ne, %rem3A_2496, %ne3A_2497 : i32
      %lt3A_2499 = arith.constant 0 : i32
      %lt3A_2500 = arith.cmpi slt, %rem3A_2496, %lt3A_2499 : i32
      %lt3A_2501 = arith.constant 0 : i32
      %lt3A_2502 = arith.cmpi slt, %select_n3A_2495, %lt3A_2501 : i32
      %ne3A_2503 = arith.xori %lt3A_2500, %lt3A_2502 : i1
      %and3A_2504 = arith.andi %ne3A_2503, %ne3A_2498 : i1
      %add3A_2505 = arith.addi %rem3A_2496, %select_n3A_2495 : i32
      %select_n3A_2506 = arith.select %and3A_2504, %add3A_2505, %rem3A_2496 : i32
      %add3A_2507 = vector.broadcast %select_n3A_2506 : i32 to vector<16xi32>
      %add3A_2508 = arith.addi %broadcast_in_dim3A_6, %add3A_2507 : vector<16xi32>
      %slice3A_2509 = vector.extract_strided_slice %get3A_682 {offsets = [10], sizes = [1], strides = [1]} : vector<16xi32> to vector<1xi32>
      %squeeze3A_2510 = vector.extract %slice3A_2509[0] : i32 from vector<1xi32>
      %jit3A_2511 = arith.constant 128 : i32
      %eq3A_2512 = arith.constant 0 : i32
      %eq3A_2513 = arith.cmpi eq, %jit3A_2511, %eq3A_2512 : i32
      %jit3A_2514 = arith.constant 1 : i32
      %select_n3A_2515 = arith.select %eq3A_2513, %jit3A_2514, %jit3A_2511 : i32
      %rem3A_2516 = arith.remsi %squeeze3A_2510, %select_n3A_2515 : i32
      %ne3A_2517 = arith.constant 0 : i32
      %ne3A_2518 = arith.cmpi ne, %rem3A_2516, %ne3A_2517 : i32
      %lt3A_2519 = arith.constant 0 : i32
      %lt3A_2520 = arith.cmpi slt, %rem3A_2516, %lt3A_2519 : i32
      %lt3A_2521 = arith.constant 0 : i32
      %lt3A_2522 = arith.cmpi slt, %select_n3A_2515, %lt3A_2521 : i32
      %ne3A_2523 = arith.xori %lt3A_2520, %lt3A_2522 : i1
      %and3A_2524 = arith.andi %ne3A_2523, %ne3A_2518 : i1
      %add3A_2525 = arith.addi %rem3A_2516, %select_n3A_2515 : i32
      %select_n3A_2526 = arith.select %and3A_2524, %add3A_2525, %rem3A_2516 : i32
      %add3A_2527 = vector.broadcast %select_n3A_2526 : i32 to vector<16xi32>
      %add3A_2528 = arith.addi %broadcast_in_dim3A_6, %add3A_2527 : vector<16xi32>
      %gather3A_2529 = arith.constant 2 : i32
      %gather3A_2530 = arith.constant 0 : i32
      %gather3A_2531 = arith.constant 0 : i32
      %gather3A_2532 = tpu.memref_slice %arg11[%gather3A_2529, %gather3A_2530, %gather3A_2531] : memref<8x32x128xf32, #tpu.memory_space<vmem>> -> memref<1x32x128xf32, #tpu.memory_space<vmem>>
      %gather3A_2533 = tpu.memref_squeeze %gather3A_2532 : memref<1x32x128xf32, #tpu.memory_space<vmem>> -> memref<32x128xf32, #tpu.memory_space<vmem>>
      %gather3A_2534 = tpu.vector_load_idx %gather3A_2533[%iota3A, %add3A_2508] : memref<32x128xf32, #tpu.memory_space<vmem>>[vector<16xi32>, vector<16xi32>], vector<16xf32>,
      %add3A_2535 = arith.constant 16 : i32
      %add3A_2536 = vector.broadcast %add3A_2535 : i32 to vector<16xi32>
      %add3A_2537 = arith.addi %iota3A, %add3A_2536 : vector<16xi32>
      %gather3A_2538 = arith.constant 2 : i32
      %gather3A_2539 = arith.constant 0 : i32
      %gather3A_2540 = arith.constant 0 : i32
      %gather3A_2541 = tpu.memref_slice %arg11[%gather3A_2538, %gather3A_2539, %gather3A_2540] : memref<8x32x128xf32, #tpu.memory_space<vmem>> -> memref<1x32x128xf32, #tpu.memory_space<vmem>>
      %gather3A_2542 = tpu.memref_squeeze %gather3A_2541 : memref<1x32x128xf32, #tpu.memory_space<vmem>> -> memref<32x128xf32, #tpu.memory_space<vmem>>
      %gather3A_2543 = tpu.vector_load_idx %gather3A_2542[%add3A_2537, %add3A_2508] : memref<32x128xf32, #tpu.memory_space<vmem>>[vector<16xi32>, vector<16xi32>], vector<16xf32>,
      %gather3A_2544 = arith.constant 2 : i32
      %gather3A_2545 = arith.constant 0 : i32
      %gather3A_2546 = arith.constant 0 : i32
      %gather3A_2547 = tpu.memref_slice %arg12[%gather3A_2544, %gather3A_2545, %gather3A_2546] : memref<8x32x128xf32, #tpu.memory_space<vmem>> -> memref<1x32x128xf32, #tpu.memory_space<vmem>>
      %gather3A_2548 = tpu.memref_squeeze %gather3A_2547 : memref<1x32x128xf32, #tpu.memory_space<vmem>> -> memref<32x128xf32, #tpu.memory_space<vmem>>
      %gather3A_2549 = tpu.vector_load_idx %gather3A_2548[%iota3A, %add3A_2528] : memref<32x128xf32, #tpu.memory_space<vmem>>[vector<16xi32>, vector<16xi32>], vector<16xf32>,
      %add3A_2550 = arith.constant 16 : i32
      %add3A_2551 = vector.broadcast %add3A_2550 : i32 to vector<16xi32>
      %add3A_2552 = arith.addi %iota3A, %add3A_2551 : vector<16xi32>
      %gather3A_2553 = arith.constant 2 : i32
      %gather3A_2554 = arith.constant 0 : i32
      %gather3A_2555 = arith.constant 0 : i32
      %gather3A_2556 = tpu.memref_slice %arg12[%gather3A_2553, %gather3A_2554, %gather3A_2555] : memref<8x32x128xf32, #tpu.memory_space<vmem>> -> memref<1x32x128xf32, #tpu.memory_space<vmem>>
      %gather3A_2557 = tpu.memref_squeeze %gather3A_2556 : memref<1x32x128xf32, #tpu.memory_space<vmem>> -> memref<32x128xf32, #tpu.memory_space<vmem>>
      %gather3A_2558 = tpu.vector_load_idx %gather3A_2557[%add3A_2552, %add3A_2528] : memref<32x128xf32, #tpu.memory_space<vmem>>[vector<16xi32>, vector<16xi32>], vector<16xf32>,
      %mul3A_2559 = arith.mulf %gather3A_2534, %gather3A_2549 : vector<16xf32>
      %mul3A_2560 = arith.mulf %mul3A_2559, %get3A_1 : vector<16xf32>
      %mul3A_2561 = arith.mulf %gather3A_2543, %gather3A_2558 : vector<16xf32>
      %mul3A_2562 = arith.mulf %mul3A_2561, %get3A_3 : vector<16xf32>
      %add3A_2563 = arith.addf %mul3A_2560, %mul3A_2562 : vector<16xf32>
      %swap3A_2564 = arith.constant 10 : i32
      %swap3A_2565 = arith.index_cast %swap3A_2564 : i32 to index
      %swap3A_2566 = arith.constant 0 : index
      %swap3A_2567 = tpu.vector_load %arg13[%swap3A_2565, %swap3A_2566] {strides = array<i32>} : memref<16x128xf32, #tpu.memory_space<vmem>>, vector<16xf32>,
      tpu.vector_store %arg13[%swap3A_2565, %swap3A_2566], %add3A_2563 {strides = array<i32>} : memref<16x128xf32, #tpu.memory_space<vmem>>, vector<16xf32>,
      %lt3A_2568 = arith.constant 31 : i32
      %lt3A_2569 = arith.cmpi slt, %scan3A_676, %lt3A_2568 : i32
      %convert_element_type3A_2570 = arith.extui %lt3A_2569 : i1 to i32
      %cond3A_2571 = arith.constant 0 : i32
      %cond3A_2572 = arith.cmpi ne, %convert_element_type3A_2570, %cond3A_2571 : i32
      scf.if %cond3A_2572 {
        %slice3A_3217 = vector.extract_strided_slice %get3A_689 {offsets = [2], sizes = [1], strides = [1]} : vector<16xi32> to vector<1xi32>
        %squeeze3A_3218 = vector.extract %slice3A_3217[0] : i32 from vector<1xi32>
        %slice3A_3219 = vector.extract_strided_slice %get3A_693 {offsets = [2], sizes = [1], strides = [1]} : vector<16xi32> to vector<1xi32>
        %squeeze3A_3220 = vector.extract %slice3A_3219[0] : i32 from vector<1xi32>
        %jit3A_3221 = arith.constant 128 : i32
        %div3A_3222 = arith.divsi %squeeze3A_3218, %jit3A_3221 : i32
        %sign3A_3223 = arith.constant 0 : i32
        %sign3A_3224 = arith.cmpi sgt, %squeeze3A_3218, %sign3A_3223 : i32
        %sign3A_3225 = arith.extui %sign3A_3224 : i1 to i32
        %sign3A_3226 = arith.constant 0 : i32
        %sign3A_3227 = arith.cmpi slt, %squeeze3A_3218, %sign3A_3226 : i32
        %sign3A_3228 = arith.extui %sign3A_3227 : i1 to i32
        %sign3A_3229 = arith.subi %sign3A_3225, %sign3A_3228 : i32
        %sign3A_3230 = arith.constant 0 : i32
        %sign3A_3231 = arith.cmpi sgt, %jit3A_3221, %sign3A_3230 : i32
        %sign3A_3232 = arith.extui %sign3A_3231 : i1 to i32
        %sign3A_3233 = arith.constant 0 : i32
        %sign3A_3234 = arith.cmpi slt, %jit3A_3221, %sign3A_3233 : i32
        %sign3A_3235 = arith.extui %sign3A_3234 : i1 to i32
        %sign3A_3236 = arith.subi %sign3A_3232, %sign3A_3235 : i32
        %ne3A_3237 = arith.cmpi ne, %sign3A_3229, %sign3A_3236 : i32
        %rem3A_3238 = arith.remsi %squeeze3A_3218, %jit3A_3221 : i32
        %ne3A_3239 = arith.constant 0 : i32
        %ne3A_3240 = arith.cmpi ne, %rem3A_3238, %ne3A_3239 : i32
        %and3A_3241 = arith.andi %ne3A_3237, %ne3A_3240 : i1
        %sub3A_3242 = arith.constant 1 : i32
        %sub3A_3243 = arith.subi %div3A_3222, %sub3A_3242 : i32
        %select_n3A_3244 = arith.select %and3A_3241, %sub3A_3243, %div3A_3222 : i32
        %mul3A_3245 = arith.constant 128 : i32
        %mul3A_3246 = arith.muli %select_n3A_3244, %mul3A_3245 : i32
        %multiple_of3A_3247 = tpu.assume_multiple %mul3A_3246, 128 : i32
        %jit3A_3248 = arith.constant 128 : i32
        %div3A_3249 = arith.divsi %squeeze3A_3220, %jit3A_3248 : i32
        %sign3A_3250 = arith.constant 0 : i32
        %sign3A_3251 = arith.cmpi sgt, %squeeze3A_3220, %sign3A_3250 : i32
        %sign3A_3252 = arith.extui %sign3A_3251 : i1 to i32
        %sign3A_3253 = arith.constant 0 : i32
        %sign3A_3254 = arith.cmpi slt, %squeeze3A_3220, %sign3A_3253 : i32
        %sign3A_3255 = arith.extui %sign3A_3254 : i1 to i32
        %sign3A_3256 = arith.subi %sign3A_3252, %sign3A_3255 : i32
        %sign3A_3257 = arith.constant 0 : i32
        %sign3A_3258 = arith.cmpi sgt, %jit3A_3248, %sign3A_3257 : i32
        %sign3A_3259 = arith.extui %sign3A_3258 : i1 to i32
        %sign3A_3260 = arith.constant 0 : i32
        %sign3A_3261 = arith.cmpi slt, %jit3A_3248, %sign3A_3260 : i32
        %sign3A_3262 = arith.extui %sign3A_3261 : i1 to i32
        %sign3A_3263 = arith.subi %sign3A_3259, %sign3A_3262 : i32
        %ne3A_3264 = arith.cmpi ne, %sign3A_3256, %sign3A_3263 : i32
        %rem3A_3265 = arith.remsi %squeeze3A_3220, %jit3A_3248 : i32
        %ne3A_3266 = arith.constant 0 : i32
        %ne3A_3267 = arith.cmpi ne, %rem3A_3265, %ne3A_3266 : i32
        %and3A_3268 = arith.andi %ne3A_3264, %ne3A_3267 : i1
        %sub3A_3269 = arith.constant 1 : i32
        %sub3A_3270 = arith.subi %div3A_3249, %sub3A_3269 : i32
        %select_n3A_3271 = arith.select %and3A_3268, %sub3A_3270, %div3A_3249 : i32
        %mul3A_3272 = arith.constant 128 : i32
        %mul3A_3273 = arith.muli %select_n3A_3271, %mul3A_3272 : i32
        %multiple_of3A_3274 = tpu.assume_multiple %mul3A_3273, 128 : i32
        %dma_start3A_3275 = arith.constant 2 : i32
        %dma_start3A_3276 = arith.constant 0 : i32
        %dma_start3A_3277 = arith.constant 0 : i32
        %dma_start3A_3278 = tpu.memref_slice %arg11[%dma_start3A_3275, %dma_start3A_3276, %dma_start3A_3277] : memref<8x32x128xf32, #tpu.memory_space<vmem>> -> memref<1x32x128xf32, #tpu.memory_space<vmem>>
        %dma_start3A_3279 = tpu.memref_squeeze %dma_start3A_3278 : memref<1x32x128xf32, #tpu.memory_space<vmem>> -> memref<32x128xf32, #tpu.memory_space<vmem>>
        %dma_start3A_3280 = arith.constant 0 : i32
        %dma_start3A_3281 = tpu.memref_slice %arg4[%dma_start3A_3280, %multiple_of3A_3247] : memref<32x1000000xf32, #tpu.memory_space<hbm>> -> memref<32x128xf32, #tpu.memory_space<hbm>>
        %dma_start3A_3282 = arith.constant 0 : i32
        %dma_start3A_3283 = arith.constant 0 : i32
        %dma_start3A_3284 = tpu.memref_slice %arg11[%dma_start3A_3275, %dma_start3A_3282, %dma_start3A_3283] : memref<8x32x128xf32, #tpu.memory_space<vmem>> -> memref<1x32x128xf32, #tpu.memory_space<vmem>>
        %dma_start3A_3285 = tpu.memref_squeeze %dma_start3A_3284 : memref<1x32x128xf32, #tpu.memory_space<vmem>> -> memref<32x128xf32, #tpu.memory_space<vmem>>
        %dma_start3A_3286 = arith.constant 0 : i32
        %dma_start3A_3287 = tpu.memref_slice %arg4[%dma_start3A_3286, %multiple_of3A_3247] : memref<32x1000000xf32, #tpu.memory_space<hbm>> -> memref<32x128xf32, #tpu.memory_space<hbm>>
        tpu.enqueue_dma source(%dma_start3A_3287 : memref<32x128xf32, #tpu.memory_space<hbm>>) target(%dma_start3A_3285 : memref<32x128xf32, #tpu.memory_space<vmem>>) target_semaphore(%arg19 : memref<!tpu.dma_semaphore, #tpu.memory_space<semaphore_mem>>)
        %dma_start3A_3288 = arith.constant 2 : i32
        %dma_start3A_3289 = arith.constant 0 : i32
        %dma_start3A_3290 = arith.constant 0 : i32
        %dma_start3A_3291 = tpu.memref_slice %arg12[%dma_start3A_3288, %dma_start3A_3289, %dma_start3A_3290] : memref<8x32x128xf32, #tpu.memory_space<vmem>> -> memref<1x32x128xf32, #tpu.memory_space<vmem>>
        %dma_start3A_3292 = tpu.memref_squeeze %dma_start3A_3291 : memref<1x32x128xf32, #tpu.memory_space<vmem>> -> memref<32x128xf32, #tpu.memory_space<vmem>>
        %dma_start3A_3293 = arith.constant 0 : i32
        %dma_start3A_3294 = tpu.memref_slice %arg5[%dma_start3A_3293, %multiple_of3A_3274] : memref<32x1000000xf32, #tpu.memory_space<hbm>> -> memref<32x128xf32, #tpu.memory_space<hbm>>
        %dma_start3A_3295 = arith.constant 0 : i32
        %dma_start3A_3296 = arith.constant 0 : i32
        %dma_start3A_3297 = tpu.memref_slice %arg12[%dma_start3A_3288, %dma_start3A_3295, %dma_start3A_3296] : memref<8x32x128xf32, #tpu.memory_space<vmem>> -> memref<1x32x128xf32, #tpu.memory_space<vmem>>
        %dma_start3A_3298 = tpu.memref_squeeze %dma_start3A_3297 : memref<1x32x128xf32, #tpu.memory_space<vmem>> -> memref<32x128xf32, #tpu.memory_space<vmem>>
        %dma_start3A_3299 = arith.constant 0 : i32
        %dma_start3A_3300 = tpu.memref_slice %arg5[%dma_start3A_3299, %multiple_of3A_3274] : memref<32x1000000xf32, #tpu.memory_space<hbm>> -> memref<32x128xf32, #tpu.memory_space<hbm>>
        tpu.enqueue_dma source(%dma_start3A_3300 : memref<32x128xf32, #tpu.memory_space<hbm>>) target(%dma_start3A_3298 : memref<32x128xf32, #tpu.memory_space<vmem>>) target_semaphore(%arg19 : memref<!tpu.dma_semaphore, #tpu.memory_space<semaphore_mem>>)
      } else {
      }
      %dma_wait3A_2573 = arith.constant 3 : i32
      %dma_wait3A_2574 = arith.constant 0 : i32
      %dma_wait3A_2575 = arith.constant 0 : i32
      %dma_wait3A_2576 = tpu.memref_slice %arg11[%dma_wait3A_2573, %dma_wait3A_2574, %dma_wait3A_2575] : memref<8x32x128xf32, #tpu.memory_space<vmem>> -> memref<1x32x128xf32, #tpu.memory_space<vmem>>
      %dma_wait3A_2577 = tpu.memref_squeeze %dma_wait3A_2576 : memref<1x32x128xf32, #tpu.memory_space<vmem>> -> memref<32x128xf32, #tpu.memory_space<vmem>>
      %dma_wait3A_2578 = arith.constant 0 : i32
      %dma_wait3A_2579 = arith.constant 0 : i32
      %dma_wait3A_2580 = tpu.memref_slice %arg4[%dma_wait3A_2578, %dma_wait3A_2579] : memref<32x1000000xf32, #tpu.memory_space<hbm>> -> memref<32x128xf32, #tpu.memory_space<hbm>>
      %dma_wait3A_2581 = arith.constant 0 : i32
      %dma_wait3A_2582 = arith.constant 0 : i32
      %dma_wait3A_2583 = tpu.memref_slice %arg11[%dma_wait3A_2573, %dma_wait3A_2581, %dma_wait3A_2582] : memref<8x32x128xf32, #tpu.memory_space<vmem>> -> memref<1x32x128xf32, #tpu.memory_space<vmem>>
      %dma_wait3A_2584 = tpu.memref_squeeze %dma_wait3A_2583 : memref<1x32x128xf32, #tpu.memory_space<vmem>> -> memref<32x128xf32, #tpu.memory_space<vmem>>
      %dma_wait3A_2585 = arith.constant 0 : i32
      %dma_wait3A_2586 = arith.constant 0 : i32
      %dma_wait3A_2587 = tpu.memref_slice %arg4[%dma_wait3A_2585, %dma_wait3A_2586] : memref<32x1000000xf32, #tpu.memory_space<hbm>> -> memref<32x128xf32, #tpu.memory_space<hbm>>
      tpu.wait_dma2 semaphore(%arg20 : memref<!tpu.dma_semaphore, #tpu.memory_space<semaphore_mem>>) src(%dma_wait3A_2587 : memref<32x128xf32, #tpu.memory_space<hbm>>) dst(%dma_wait3A_2584 : memref<32x128xf32, #tpu.memory_space<vmem>>)
      %dma_wait3A_2588 = arith.constant 3 : i32
      %dma_wait3A_2589 = arith.constant 0 : i32
      %dma_wait3A_2590 = arith.constant 0 : i32
      %dma_wait3A_2591 = tpu.memref_slice %arg12[%dma_wait3A_2588, %dma_wait3A_2589, %dma_wait3A_2590] : memref<8x32x128xf32, #tpu.memory_space<vmem>> -> memref<1x32x128xf32, #tpu.memory_space<vmem>>
      %dma_wait3A_2592 = tpu.memref_squeeze %dma_wait3A_2591 : memref<1x32x128xf32, #tpu.memory_space<vmem>> -> memref<32x128xf32, #tpu.memory_space<vmem>>
      %dma_wait3A_2593 = arith.constant 0 : i32
      %dma_wait3A_2594 = arith.constant 0 : i32
      %dma_wait3A_2595 = tpu.memref_slice %arg5[%dma_wait3A_2593, %dma_wait3A_2594] : memref<32x1000000xf32, #tpu.memory_space<hbm>> -> memref<32x128xf32, #tpu.memory_space<hbm>>
      %dma_wait3A_2596 = arith.constant 0 : i32
      %dma_wait3A_2597 = arith.constant 0 : i32
      %dma_wait3A_2598 = tpu.memref_slice %arg12[%dma_wait3A_2588, %dma_wait3A_2596, %dma_wait3A_2597] : memref<8x32x128xf32, #tpu.memory_space<vmem>> -> memref<1x32x128xf32, #tpu.memory_space<vmem>>
      %dma_wait3A_2599 = tpu.memref_squeeze %dma_wait3A_2598 : memref<1x32x128xf32, #tpu.memory_space<vmem>> -> memref<32x128xf32, #tpu.memory_space<vmem>>
      %dma_wait3A_2600 = arith.constant 0 : i32
      %dma_wait3A_2601 = arith.constant 0 : i32
      %dma_wait3A_2602 = tpu.memref_slice %arg5[%dma_wait3A_2600, %dma_wait3A_2601] : memref<32x1000000xf32, #tpu.memory_space<hbm>> -> memref<32x128xf32, #tpu.memory_space<hbm>>
      tpu.wait_dma2 semaphore(%arg20 : memref<!tpu.dma_semaphore, #tpu.memory_space<semaphore_mem>>) src(%dma_wait3A_2602 : memref<32x128xf32, #tpu.memory_space<hbm>>) dst(%dma_wait3A_2599 : memref<32x128xf32, #tpu.memory_space<vmem>>)
      %slice3A_2603 = vector.extract_strided_slice %get3A_680 {offsets = [11], sizes = [1], strides = [1]} : vector<16xi32> to vector<1xi32>
      %squeeze3A_2604 = vector.extract %slice3A_2603[0] : i32 from vector<1xi32>
      %jit3A_2605 = arith.constant 128 : i32
      %eq3A_2606 = arith.constant 0 : i32
      %eq3A_2607 = arith.cmpi eq, %jit3A_2605, %eq3A_2606 : i32
      %jit3A_2608 = arith.constant 1 : i32
      %select_n3A_2609 = arith.select %eq3A_2607, %jit3A_2608, %jit3A_2605 : i32
      %rem3A_2610 = arith.remsi %squeeze3A_2604, %select_n3A_2609 : i32
      %ne3A_2611 = arith.constant 0 : i32
      %ne3A_2612 = arith.cmpi ne, %rem3A_2610, %ne3A_2611 : i32
      %lt3A_2613 = arith.constant 0 : i32
      %lt3A_2614 = arith.cmpi slt, %rem3A_2610, %lt3A_2613 : i32
      %lt3A_2615 = arith.constant 0 : i32
      %lt3A_2616 = arith.cmpi slt, %select_n3A_2609, %lt3A_2615 : i32
      %ne3A_2617 = arith.xori %lt3A_2614, %lt3A_2616 : i1
      %and3A_2618 = arith.andi %ne3A_2617, %ne3A_2612 : i1
      %add3A_2619 = arith.addi %rem3A_2610, %select_n3A_2609 : i32
      %select_n3A_2620 = arith.select %and3A_2618, %add3A_2619, %rem3A_2610 : i32
      %add3A_2621 = vector.broadcast %select_n3A_2620 : i32 to vector<16xi32>
      %add3A_2622 = arith.addi %broadcast_in_dim3A_6, %add3A_2621 : vector<16xi32>
      %slice3A_2623 = vector.extract_strided_slice %get3A_682 {offsets = [11], sizes = [1], strides = [1]} : vector<16xi32> to vector<1xi32>
      %squeeze3A_2624 = vector.extract %slice3A_2623[0] : i32 from vector<1xi32>
      %jit3A_2625 = arith.constant 128 : i32
      %eq3A_2626 = arith.constant 0 : i32
      %eq3A_2627 = arith.cmpi eq, %jit3A_2625, %eq3A_2626 : i32
      %jit3A_2628 = arith.constant 1 : i32
      %select_n3A_2629 = arith.select %eq3A_2627, %jit3A_2628, %jit3A_2625 : i32
      %rem3A_2630 = arith.remsi %squeeze3A_2624, %select_n3A_2629 : i32
      %ne3A_2631 = arith.constant 0 : i32
      %ne3A_2632 = arith.cmpi ne, %rem3A_2630, %ne3A_2631 : i32
      %lt3A_2633 = arith.constant 0 : i32
      %lt3A_2634 = arith.cmpi slt, %rem3A_2630, %lt3A_2633 : i32
      %lt3A_2635 = arith.constant 0 : i32
      %lt3A_2636 = arith.cmpi slt, %select_n3A_2629, %lt3A_2635 : i32
      %ne3A_2637 = arith.xori %lt3A_2634, %lt3A_2636 : i1
      %and3A_2638 = arith.andi %ne3A_2637, %ne3A_2632 : i1
      %add3A_2639 = arith.addi %rem3A_2630, %select_n3A_2629 : i32
      %select_n3A_2640 = arith.select %and3A_2638, %add3A_2639, %rem3A_2630 : i32
      %add3A_2641 = vector.broadcast %select_n3A_2640 : i32 to vector<16xi32>
      %add3A_2642 = arith.addi %broadcast_in_dim3A_6, %add3A_2641 : vector<16xi32>
      %gather3A_2643 = arith.constant 3 : i32
      %gather3A_2644 = arith.constant 0 : i32
      %gather3A_2645 = arith.constant 0 : i32
      %gather3A_2646 = tpu.memref_slice %arg11[%gather3A_2643, %gather3A_2644, %gather3A_2645] : memref<8x32x128xf32, #tpu.memory_space<vmem>> -> memref<1x32x128xf32, #tpu.memory_space<vmem>>
      %gather3A_2647 = tpu.memref_squeeze %gather3A_2646 : memref<1x32x128xf32, #tpu.memory_space<vmem>> -> memref<32x128xf32, #tpu.memory_space<vmem>>
      %gather3A_2648 = tpu.vector_load_idx %gather3A_2647[%iota3A, %add3A_2622] : memref<32x128xf32, #tpu.memory_space<vmem>>[vector<16xi32>, vector<16xi32>], vector<16xf32>,
      %add3A_2649 = arith.constant 16 : i32
      %add3A_2650 = vector.broadcast %add3A_2649 : i32 to vector<16xi32>
      %add3A_2651 = arith.addi %iota3A, %add3A_2650 : vector<16xi32>
      %gather3A_2652 = arith.constant 3 : i32
      %gather3A_2653 = arith.constant 0 : i32
      %gather3A_2654 = arith.constant 0 : i32
      %gather3A_2655 = tpu.memref_slice %arg11[%gather3A_2652, %gather3A_2653, %gather3A_2654] : memref<8x32x128xf32, #tpu.memory_space<vmem>> -> memref<1x32x128xf32, #tpu.memory_space<vmem>>
      %gather3A_2656 = tpu.memref_squeeze %gather3A_2655 : memref<1x32x128xf32, #tpu.memory_space<vmem>> -> memref<32x128xf32, #tpu.memory_space<vmem>>
      %gather3A_2657 = tpu.vector_load_idx %gather3A_2656[%add3A_2651, %add3A_2622] : memref<32x128xf32, #tpu.memory_space<vmem>>[vector<16xi32>, vector<16xi32>], vector<16xf32>,
      %gather3A_2658 = arith.constant 3 : i32
      %gather3A_2659 = arith.constant 0 : i32
      %gather3A_2660 = arith.constant 0 : i32
      %gather3A_2661 = tpu.memref_slice %arg12[%gather3A_2658, %gather3A_2659, %gather3A_2660] : memref<8x32x128xf32, #tpu.memory_space<vmem>> -> memref<1x32x128xf32, #tpu.memory_space<vmem>>
      %gather3A_2662 = tpu.memref_squeeze %gather3A_2661 : memref<1x32x128xf32, #tpu.memory_space<vmem>> -> memref<32x128xf32, #tpu.memory_space<vmem>>
      %gather3A_2663 = tpu.vector_load_idx %gather3A_2662[%iota3A, %add3A_2642] : memref<32x128xf32, #tpu.memory_space<vmem>>[vector<16xi32>, vector<16xi32>], vector<16xf32>,
      %add3A_2664 = arith.constant 16 : i32
      %add3A_2665 = vector.broadcast %add3A_2664 : i32 to vector<16xi32>
      %add3A_2666 = arith.addi %iota3A, %add3A_2665 : vector<16xi32>
      %gather3A_2667 = arith.constant 3 : i32
      %gather3A_2668 = arith.constant 0 : i32
      %gather3A_2669 = arith.constant 0 : i32
      %gather3A_2670 = tpu.memref_slice %arg12[%gather3A_2667, %gather3A_2668, %gather3A_2669] : memref<8x32x128xf32, #tpu.memory_space<vmem>> -> memref<1x32x128xf32, #tpu.memory_space<vmem>>
      %gather3A_2671 = tpu.memref_squeeze %gather3A_2670 : memref<1x32x128xf32, #tpu.memory_space<vmem>> -> memref<32x128xf32, #tpu.memory_space<vmem>>
      %gather3A_2672 = tpu.vector_load_idx %gather3A_2671[%add3A_2666, %add3A_2642] : memref<32x128xf32, #tpu.memory_space<vmem>>[vector<16xi32>, vector<16xi32>], vector<16xf32>,
      %mul3A_2673 = arith.mulf %gather3A_2648, %gather3A_2663 : vector<16xf32>
      %mul3A_2674 = arith.mulf %mul3A_2673, %get3A_1 : vector<16xf32>
      %mul3A_2675 = arith.mulf %gather3A_2657, %gather3A_2672 : vector<16xf32>
      %mul3A_2676 = arith.mulf %mul3A_2675, %get3A_3 : vector<16xf32>
      %add3A_2677 = arith.addf %mul3A_2674, %mul3A_2676 : vector<16xf32>
      %swap3A_2678 = arith.constant 11 : i32
      %swap3A_2679 = arith.index_cast %swap3A_2678 : i32 to index
      %swap3A_2680 = arith.constant 0 : index
      %swap3A_2681 = tpu.vector_load %arg13[%swap3A_2679, %swap3A_2680] {strides = array<i32>} : memref<16x128xf32, #tpu.memory_space<vmem>>, vector<16xf32>,
      tpu.vector_store %arg13[%swap3A_2679, %swap3A_2680], %add3A_2677 {strides = array<i32>} : memref<16x128xf32, #tpu.memory_space<vmem>>, vector<16xf32>,
      %lt3A_2682 = arith.constant 31 : i32
      %lt3A_2683 = arith.cmpi slt, %scan3A_676, %lt3A_2682 : i32
      %convert_element_type3A_2684 = arith.extui %lt3A_2683 : i1 to i32
      %cond3A_2685 = arith.constant 0 : i32
      %cond3A_2686 = arith.cmpi ne, %convert_element_type3A_2684, %cond3A_2685 : i32
      scf.if %cond3A_2686 {
        %slice3A_3217 = vector.extract_strided_slice %get3A_689 {offsets = [3], sizes = [1], strides = [1]} : vector<16xi32> to vector<1xi32>
        %squeeze3A_3218 = vector.extract %slice3A_3217[0] : i32 from vector<1xi32>
        %slice3A_3219 = vector.extract_strided_slice %get3A_693 {offsets = [3], sizes = [1], strides = [1]} : vector<16xi32> to vector<1xi32>
        %squeeze3A_3220 = vector.extract %slice3A_3219[0] : i32 from vector<1xi32>
        %jit3A_3221 = arith.constant 128 : i32
        %div3A_3222 = arith.divsi %squeeze3A_3218, %jit3A_3221 : i32
        %sign3A_3223 = arith.constant 0 : i32
        %sign3A_3224 = arith.cmpi sgt, %squeeze3A_3218, %sign3A_3223 : i32
        %sign3A_3225 = arith.extui %sign3A_3224 : i1 to i32
        %sign3A_3226 = arith.constant 0 : i32
        %sign3A_3227 = arith.cmpi slt, %squeeze3A_3218, %sign3A_3226 : i32
        %sign3A_3228 = arith.extui %sign3A_3227 : i1 to i32
        %sign3A_3229 = arith.subi %sign3A_3225, %sign3A_3228 : i32
        %sign3A_3230 = arith.constant 0 : i32
        %sign3A_3231 = arith.cmpi sgt, %jit3A_3221, %sign3A_3230 : i32
        %sign3A_3232 = arith.extui %sign3A_3231 : i1 to i32
        %sign3A_3233 = arith.constant 0 : i32
        %sign3A_3234 = arith.cmpi slt, %jit3A_3221, %sign3A_3233 : i32
        %sign3A_3235 = arith.extui %sign3A_3234 : i1 to i32
        %sign3A_3236 = arith.subi %sign3A_3232, %sign3A_3235 : i32
        %ne3A_3237 = arith.cmpi ne, %sign3A_3229, %sign3A_3236 : i32
        %rem3A_3238 = arith.remsi %squeeze3A_3218, %jit3A_3221 : i32
        %ne3A_3239 = arith.constant 0 : i32
        %ne3A_3240 = arith.cmpi ne, %rem3A_3238, %ne3A_3239 : i32
        %and3A_3241 = arith.andi %ne3A_3237, %ne3A_3240 : i1
        %sub3A_3242 = arith.constant 1 : i32
        %sub3A_3243 = arith.subi %div3A_3222, %sub3A_3242 : i32
        %select_n3A_3244 = arith.select %and3A_3241, %sub3A_3243, %div3A_3222 : i32
        %mul3A_3245 = arith.constant 128 : i32
        %mul3A_3246 = arith.muli %select_n3A_3244, %mul3A_3245 : i32
        %multiple_of3A_3247 = tpu.assume_multiple %mul3A_3246, 128 : i32
        %jit3A_3248 = arith.constant 128 : i32
        %div3A_3249 = arith.divsi %squeeze3A_3220, %jit3A_3248 : i32
        %sign3A_3250 = arith.constant 0 : i32
        %sign3A_3251 = arith.cmpi sgt, %squeeze3A_3220, %sign3A_3250 : i32
        %sign3A_3252 = arith.extui %sign3A_3251 : i1 to i32
        %sign3A_3253 = arith.constant 0 : i32
        %sign3A_3254 = arith.cmpi slt, %squeeze3A_3220, %sign3A_3253 : i32
        %sign3A_3255 = arith.extui %sign3A_3254 : i1 to i32
        %sign3A_3256 = arith.subi %sign3A_3252, %sign3A_3255 : i32
        %sign3A_3257 = arith.constant 0 : i32
        %sign3A_3258 = arith.cmpi sgt, %jit3A_3248, %sign3A_3257 : i32
        %sign3A_3259 = arith.extui %sign3A_3258 : i1 to i32
        %sign3A_3260 = arith.constant 0 : i32
        %sign3A_3261 = arith.cmpi slt, %jit3A_3248, %sign3A_3260 : i32
        %sign3A_3262 = arith.extui %sign3A_3261 : i1 to i32
        %sign3A_3263 = arith.subi %sign3A_3259, %sign3A_3262 : i32
        %ne3A_3264 = arith.cmpi ne, %sign3A_3256, %sign3A_3263 : i32
        %rem3A_3265 = arith.remsi %squeeze3A_3220, %jit3A_3248 : i32
        %ne3A_3266 = arith.constant 0 : i32
        %ne3A_3267 = arith.cmpi ne, %rem3A_3265, %ne3A_3266 : i32
        %and3A_3268 = arith.andi %ne3A_3264, %ne3A_3267 : i1
        %sub3A_3269 = arith.constant 1 : i32
        %sub3A_3270 = arith.subi %div3A_3249, %sub3A_3269 : i32
        %select_n3A_3271 = arith.select %and3A_3268, %sub3A_3270, %div3A_3249 : i32
        %mul3A_3272 = arith.constant 128 : i32
        %mul3A_3273 = arith.muli %select_n3A_3271, %mul3A_3272 : i32
        %multiple_of3A_3274 = tpu.assume_multiple %mul3A_3273, 128 : i32
        %dma_start3A_3275 = arith.constant 3 : i32
        %dma_start3A_3276 = arith.constant 0 : i32
        %dma_start3A_3277 = arith.constant 0 : i32
        %dma_start3A_3278 = tpu.memref_slice %arg11[%dma_start3A_3275, %dma_start3A_3276, %dma_start3A_3277] : memref<8x32x128xf32, #tpu.memory_space<vmem>> -> memref<1x32x128xf32, #tpu.memory_space<vmem>>
        %dma_start3A_3279 = tpu.memref_squeeze %dma_start3A_3278 : memref<1x32x128xf32, #tpu.memory_space<vmem>> -> memref<32x128xf32, #tpu.memory_space<vmem>>
        %dma_start3A_3280 = arith.constant 0 : i32
        %dma_start3A_3281 = tpu.memref_slice %arg4[%dma_start3A_3280, %multiple_of3A_3247] : memref<32x1000000xf32, #tpu.memory_space<hbm>> -> memref<32x128xf32, #tpu.memory_space<hbm>>
        %dma_start3A_3282 = arith.constant 0 : i32
        %dma_start3A_3283 = arith.constant 0 : i32
        %dma_start3A_3284 = tpu.memref_slice %arg11[%dma_start3A_3275, %dma_start3A_3282, %dma_start3A_3283] : memref<8x32x128xf32, #tpu.memory_space<vmem>> -> memref<1x32x128xf32, #tpu.memory_space<vmem>>
        %dma_start3A_3285 = tpu.memref_squeeze %dma_start3A_3284 : memref<1x32x128xf32, #tpu.memory_space<vmem>> -> memref<32x128xf32, #tpu.memory_space<vmem>>
        %dma_start3A_3286 = arith.constant 0 : i32
        %dma_start3A_3287 = tpu.memref_slice %arg4[%dma_start3A_3286, %multiple_of3A_3247] : memref<32x1000000xf32, #tpu.memory_space<hbm>> -> memref<32x128xf32, #tpu.memory_space<hbm>>
        tpu.enqueue_dma source(%dma_start3A_3287 : memref<32x128xf32, #tpu.memory_space<hbm>>) target(%dma_start3A_3285 : memref<32x128xf32, #tpu.memory_space<vmem>>) target_semaphore(%arg20 : memref<!tpu.dma_semaphore, #tpu.memory_space<semaphore_mem>>)
        %dma_start3A_3288 = arith.constant 3 : i32
        %dma_start3A_3289 = arith.constant 0 : i32
        %dma_start3A_3290 = arith.constant 0 : i32
        %dma_start3A_3291 = tpu.memref_slice %arg12[%dma_start3A_3288, %dma_start3A_3289, %dma_start3A_3290] : memref<8x32x128xf32, #tpu.memory_space<vmem>> -> memref<1x32x128xf32, #tpu.memory_space<vmem>>
        %dma_start3A_3292 = tpu.memref_squeeze %dma_start3A_3291 : memref<1x32x128xf32, #tpu.memory_space<vmem>> -> memref<32x128xf32, #tpu.memory_space<vmem>>
        %dma_start3A_3293 = arith.constant 0 : i32
        %dma_start3A_3294 = tpu.memref_slice %arg5[%dma_start3A_3293, %multiple_of3A_3274] : memref<32x1000000xf32, #tpu.memory_space<hbm>> -> memref<32x128xf32, #tpu.memory_space<hbm>>
        %dma_start3A_3295 = arith.constant 0 : i32
        %dma_start3A_3296 = arith.constant 0 : i32
        %dma_start3A_3297 = tpu.memref_slice %arg12[%dma_start3A_3288, %dma_start3A_3295, %dma_start3A_3296] : memref<8x32x128xf32, #tpu.memory_space<vmem>> -> memref<1x32x128xf32, #tpu.memory_space<vmem>>
        %dma_start3A_3298 = tpu.memref_squeeze %dma_start3A_3297 : memref<1x32x128xf32, #tpu.memory_space<vmem>> -> memref<32x128xf32, #tpu.memory_space<vmem>>
        %dma_start3A_3299 = arith.constant 0 : i32
        %dma_start3A_3300 = tpu.memref_slice %arg5[%dma_start3A_3299, %multiple_of3A_3274] : memref<32x1000000xf32, #tpu.memory_space<hbm>> -> memref<32x128xf32, #tpu.memory_space<hbm>>
        tpu.enqueue_dma source(%dma_start3A_3300 : memref<32x128xf32, #tpu.memory_space<hbm>>) target(%dma_start3A_3298 : memref<32x128xf32, #tpu.memory_space<vmem>>) target_semaphore(%arg20 : memref<!tpu.dma_semaphore, #tpu.memory_space<semaphore_mem>>)
      } else {
      }
      %dma_wait3A_2687 = arith.constant 4 : i32
      %dma_wait3A_2688 = arith.constant 0 : i32
      %dma_wait3A_2689 = arith.constant 0 : i32
      %dma_wait3A_2690 = tpu.memref_slice %arg11[%dma_wait3A_2687, %dma_wait3A_2688, %dma_wait3A_2689] : memref<8x32x128xf32, #tpu.memory_space<vmem>> -> memref<1x32x128xf32, #tpu.memory_space<vmem>>
      %dma_wait3A_2691 = tpu.memref_squeeze %dma_wait3A_2690 : memref<1x32x128xf32, #tpu.memory_space<vmem>> -> memref<32x128xf32, #tpu.memory_space<vmem>>
      %dma_wait3A_2692 = arith.constant 0 : i32
      %dma_wait3A_2693 = arith.constant 0 : i32
      %dma_wait3A_2694 = tpu.memref_slice %arg4[%dma_wait3A_2692, %dma_wait3A_2693] : memref<32x1000000xf32, #tpu.memory_space<hbm>> -> memref<32x128xf32, #tpu.memory_space<hbm>>
      %dma_wait3A_2695 = arith.constant 0 : i32
      %dma_wait3A_2696 = arith.constant 0 : i32
      %dma_wait3A_2697 = tpu.memref_slice %arg11[%dma_wait3A_2687, %dma_wait3A_2695, %dma_wait3A_2696] : memref<8x32x128xf32, #tpu.memory_space<vmem>> -> memref<1x32x128xf32, #tpu.memory_space<vmem>>
      %dma_wait3A_2698 = tpu.memref_squeeze %dma_wait3A_2697 : memref<1x32x128xf32, #tpu.memory_space<vmem>> -> memref<32x128xf32, #tpu.memory_space<vmem>>
      %dma_wait3A_2699 = arith.constant 0 : i32
      %dma_wait3A_2700 = arith.constant 0 : i32
      %dma_wait3A_2701 = tpu.memref_slice %arg4[%dma_wait3A_2699, %dma_wait3A_2700] : memref<32x1000000xf32, #tpu.memory_space<hbm>> -> memref<32x128xf32, #tpu.memory_space<hbm>>
      tpu.wait_dma2 semaphore(%arg21 : memref<!tpu.dma_semaphore, #tpu.memory_space<semaphore_mem>>) src(%dma_wait3A_2701 : memref<32x128xf32, #tpu.memory_space<hbm>>) dst(%dma_wait3A_2698 : memref<32x128xf32, #tpu.memory_space<vmem>>)
      %dma_wait3A_2702 = arith.constant 4 : i32
      %dma_wait3A_2703 = arith.constant 0 : i32
      %dma_wait3A_2704 = arith.constant 0 : i32
      %dma_wait3A_2705 = tpu.memref_slice %arg12[%dma_wait3A_2702, %dma_wait3A_2703, %dma_wait3A_2704] : memref<8x32x128xf32, #tpu.memory_space<vmem>> -> memref<1x32x128xf32, #tpu.memory_space<vmem>>
      %dma_wait3A_2706 = tpu.memref_squeeze %dma_wait3A_2705 : memref<1x32x128xf32, #tpu.memory_space<vmem>> -> memref<32x128xf32, #tpu.memory_space<vmem>>
      %dma_wait3A_2707 = arith.constant 0 : i32
      %dma_wait3A_2708 = arith.constant 0 : i32
      %dma_wait3A_2709 = tpu.memref_slice %arg5[%dma_wait3A_2707, %dma_wait3A_2708] : memref<32x1000000xf32, #tpu.memory_space<hbm>> -> memref<32x128xf32, #tpu.memory_space<hbm>>
      %dma_wait3A_2710 = arith.constant 0 : i32
      %dma_wait3A_2711 = arith.constant 0 : i32
      %dma_wait3A_2712 = tpu.memref_slice %arg12[%dma_wait3A_2702, %dma_wait3A_2710, %dma_wait3A_2711] : memref<8x32x128xf32, #tpu.memory_space<vmem>> -> memref<1x32x128xf32, #tpu.memory_space<vmem>>
      %dma_wait3A_2713 = tpu.memref_squeeze %dma_wait3A_2712 : memref<1x32x128xf32, #tpu.memory_space<vmem>> -> memref<32x128xf32, #tpu.memory_space<vmem>>
      %dma_wait3A_2714 = arith.constant 0 : i32
      %dma_wait3A_2715 = arith.constant 0 : i32
      %dma_wait3A_2716 = tpu.memref_slice %arg5[%dma_wait3A_2714, %dma_wait3A_2715] : memref<32x1000000xf32, #tpu.memory_space<hbm>> -> memref<32x128xf32, #tpu.memory_space<hbm>>
      tpu.wait_dma2 semaphore(%arg21 : memref<!tpu.dma_semaphore, #tpu.memory_space<semaphore_mem>>) src(%dma_wait3A_2716 : memref<32x128xf32, #tpu.memory_space<hbm>>) dst(%dma_wait3A_2713 : memref<32x128xf32, #tpu.memory_space<vmem>>)
      %slice3A_2717 = vector.extract_strided_slice %get3A_680 {offsets = [12], sizes = [1], strides = [1]} : vector<16xi32> to vector<1xi32>
      %squeeze3A_2718 = vector.extract %slice3A_2717[0] : i32 from vector<1xi32>
      %jit3A_2719 = arith.constant 128 : i32
      %eq3A_2720 = arith.constant 0 : i32
      %eq3A_2721 = arith.cmpi eq, %jit3A_2719, %eq3A_2720 : i32
      %jit3A_2722 = arith.constant 1 : i32
      %select_n3A_2723 = arith.select %eq3A_2721, %jit3A_2722, %jit3A_2719 : i32
      %rem3A_2724 = arith.remsi %squeeze3A_2718, %select_n3A_2723 : i32
      %ne3A_2725 = arith.constant 0 : i32
      %ne3A_2726 = arith.cmpi ne, %rem3A_2724, %ne3A_2725 : i32
      %lt3A_2727 = arith.constant 0 : i32
      %lt3A_2728 = arith.cmpi slt, %rem3A_2724, %lt3A_2727 : i32
      %lt3A_2729 = arith.constant 0 : i32
      %lt3A_2730 = arith.cmpi slt, %select_n3A_2723, %lt3A_2729 : i32
      %ne3A_2731 = arith.xori %lt3A_2728, %lt3A_2730 : i1
      %and3A_2732 = arith.andi %ne3A_2731, %ne3A_2726 : i1
      %add3A_2733 = arith.addi %rem3A_2724, %select_n3A_2723 : i32
      %select_n3A_2734 = arith.select %and3A_2732, %add3A_2733, %rem3A_2724 : i32
      %add3A_2735 = vector.broadcast %select_n3A_2734 : i32 to vector<16xi32>
      %add3A_2736 = arith.addi %broadcast_in_dim3A_6, %add3A_2735 : vector<16xi32>
      %slice3A_2737 = vector.extract_strided_slice %get3A_682 {offsets = [12], sizes = [1], strides = [1]} : vector<16xi32> to vector<1xi32>
      %squeeze3A_2738 = vector.extract %slice3A_2737[0] : i32 from vector<1xi32>
      %jit3A_2739 = arith.constant 128 : i32
      %eq3A_2740 = arith.constant 0 : i32
      %eq3A_2741 = arith.cmpi eq, %jit3A_2739, %eq3A_2740 : i32
      %jit3A_2742 = arith.constant 1 : i32
      %select_n3A_2743 = arith.select %eq3A_2741, %jit3A_2742, %jit3A_2739 : i32
      %rem3A_2744 = arith.remsi %squeeze3A_2738, %select_n3A_2743 : i32
      %ne3A_2745 = arith.constant 0 : i32
      %ne3A_2746 = arith.cmpi ne, %rem3A_2744, %ne3A_2745 : i32
      %lt3A_2747 = arith.constant 0 : i32
      %lt3A_2748 = arith.cmpi slt, %rem3A_2744, %lt3A_2747 : i32
      %lt3A_2749 = arith.constant 0 : i32
      %lt3A_2750 = arith.cmpi slt, %select_n3A_2743, %lt3A_2749 : i32
      %ne3A_2751 = arith.xori %lt3A_2748, %lt3A_2750 : i1
      %and3A_2752 = arith.andi %ne3A_2751, %ne3A_2746 : i1
      %add3A_2753 = arith.addi %rem3A_2744, %select_n3A_2743 : i32
      %select_n3A_2754 = arith.select %and3A_2752, %add3A_2753, %rem3A_2744 : i32
      %add3A_2755 = vector.broadcast %select_n3A_2754 : i32 to vector<16xi32>
      %add3A_2756 = arith.addi %broadcast_in_dim3A_6, %add3A_2755 : vector<16xi32>
      %gather3A_2757 = arith.constant 4 : i32
      %gather3A_2758 = arith.constant 0 : i32
      %gather3A_2759 = arith.constant 0 : i32
      %gather3A_2760 = tpu.memref_slice %arg11[%gather3A_2757, %gather3A_2758, %gather3A_2759] : memref<8x32x128xf32, #tpu.memory_space<vmem>> -> memref<1x32x128xf32, #tpu.memory_space<vmem>>
      %gather3A_2761 = tpu.memref_squeeze %gather3A_2760 : memref<1x32x128xf32, #tpu.memory_space<vmem>> -> memref<32x128xf32, #tpu.memory_space<vmem>>
      %gather3A_2762 = tpu.vector_load_idx %gather3A_2761[%iota3A, %add3A_2736] : memref<32x128xf32, #tpu.memory_space<vmem>>[vector<16xi32>, vector<16xi32>], vector<16xf32>,
      %add3A_2763 = arith.constant 16 : i32
      %add3A_2764 = vector.broadcast %add3A_2763 : i32 to vector<16xi32>
      %add3A_2765 = arith.addi %iota3A, %add3A_2764 : vector<16xi32>
      %gather3A_2766 = arith.constant 4 : i32
      %gather3A_2767 = arith.constant 0 : i32
      %gather3A_2768 = arith.constant 0 : i32
      %gather3A_2769 = tpu.memref_slice %arg11[%gather3A_2766, %gather3A_2767, %gather3A_2768] : memref<8x32x128xf32, #tpu.memory_space<vmem>> -> memref<1x32x128xf32, #tpu.memory_space<vmem>>
      %gather3A_2770 = tpu.memref_squeeze %gather3A_2769 : memref<1x32x128xf32, #tpu.memory_space<vmem>> -> memref<32x128xf32, #tpu.memory_space<vmem>>
      %gather3A_2771 = tpu.vector_load_idx %gather3A_2770[%add3A_2765, %add3A_2736] : memref<32x128xf32, #tpu.memory_space<vmem>>[vector<16xi32>, vector<16xi32>], vector<16xf32>,
      %gather3A_2772 = arith.constant 4 : i32
      %gather3A_2773 = arith.constant 0 : i32
      %gather3A_2774 = arith.constant 0 : i32
      %gather3A_2775 = tpu.memref_slice %arg12[%gather3A_2772, %gather3A_2773, %gather3A_2774] : memref<8x32x128xf32, #tpu.memory_space<vmem>> -> memref<1x32x128xf32, #tpu.memory_space<vmem>>
      %gather3A_2776 = tpu.memref_squeeze %gather3A_2775 : memref<1x32x128xf32, #tpu.memory_space<vmem>> -> memref<32x128xf32, #tpu.memory_space<vmem>>
      %gather3A_2777 = tpu.vector_load_idx %gather3A_2776[%iota3A, %add3A_2756] : memref<32x128xf32, #tpu.memory_space<vmem>>[vector<16xi32>, vector<16xi32>], vector<16xf32>,
      %add3A_2778 = arith.constant 16 : i32
      %add3A_2779 = vector.broadcast %add3A_2778 : i32 to vector<16xi32>
      %add3A_2780 = arith.addi %iota3A, %add3A_2779 : vector<16xi32>
      %gather3A_2781 = arith.constant 4 : i32
      %gather3A_2782 = arith.constant 0 : i32
      %gather3A_2783 = arith.constant 0 : i32
      %gather3A_2784 = tpu.memref_slice %arg12[%gather3A_2781, %gather3A_2782, %gather3A_2783] : memref<8x32x128xf32, #tpu.memory_space<vmem>> -> memref<1x32x128xf32, #tpu.memory_space<vmem>>
      %gather3A_2785 = tpu.memref_squeeze %gather3A_2784 : memref<1x32x128xf32, #tpu.memory_space<vmem>> -> memref<32x128xf32, #tpu.memory_space<vmem>>
      %gather3A_2786 = tpu.vector_load_idx %gather3A_2785[%add3A_2780, %add3A_2756] : memref<32x128xf32, #tpu.memory_space<vmem>>[vector<16xi32>, vector<16xi32>], vector<16xf32>,
      %mul3A_2787 = arith.mulf %gather3A_2762, %gather3A_2777 : vector<16xf32>
      %mul3A_2788 = arith.mulf %mul3A_2787, %get3A_1 : vector<16xf32>
      %mul3A_2789 = arith.mulf %gather3A_2771, %gather3A_2786 : vector<16xf32>
      %mul3A_2790 = arith.mulf %mul3A_2789, %get3A_3 : vector<16xf32>
      %add3A_2791 = arith.addf %mul3A_2788, %mul3A_2790 : vector<16xf32>
      %swap3A_2792 = arith.constant 12 : i32
      %swap3A_2793 = arith.index_cast %swap3A_2792 : i32 to index
      %swap3A_2794 = arith.constant 0 : index
      %swap3A_2795 = tpu.vector_load %arg13[%swap3A_2793, %swap3A_2794] {strides = array<i32>} : memref<16x128xf32, #tpu.memory_space<vmem>>, vector<16xf32>,
      tpu.vector_store %arg13[%swap3A_2793, %swap3A_2794], %add3A_2791 {strides = array<i32>} : memref<16x128xf32, #tpu.memory_space<vmem>>, vector<16xf32>,
      %lt3A_2796 = arith.constant 31 : i32
      %lt3A_2797 = arith.cmpi slt, %scan3A_676, %lt3A_2796 : i32
      %convert_element_type3A_2798 = arith.extui %lt3A_2797 : i1 to i32
      %cond3A_2799 = arith.constant 0 : i32
      %cond3A_2800 = arith.cmpi ne, %convert_element_type3A_2798, %cond3A_2799 : i32
      scf.if %cond3A_2800 {
        %slice3A_3217 = vector.extract_strided_slice %get3A_689 {offsets = [4], sizes = [1], strides = [1]} : vector<16xi32> to vector<1xi32>
        %squeeze3A_3218 = vector.extract %slice3A_3217[0] : i32 from vector<1xi32>
        %slice3A_3219 = vector.extract_strided_slice %get3A_693 {offsets = [4], sizes = [1], strides = [1]} : vector<16xi32> to vector<1xi32>
        %squeeze3A_3220 = vector.extract %slice3A_3219[0] : i32 from vector<1xi32>
        %jit3A_3221 = arith.constant 128 : i32
        %div3A_3222 = arith.divsi %squeeze3A_3218, %jit3A_3221 : i32
        %sign3A_3223 = arith.constant 0 : i32
        %sign3A_3224 = arith.cmpi sgt, %squeeze3A_3218, %sign3A_3223 : i32
        %sign3A_3225 = arith.extui %sign3A_3224 : i1 to i32
        %sign3A_3226 = arith.constant 0 : i32
        %sign3A_3227 = arith.cmpi slt, %squeeze3A_3218, %sign3A_3226 : i32
        %sign3A_3228 = arith.extui %sign3A_3227 : i1 to i32
        %sign3A_3229 = arith.subi %sign3A_3225, %sign3A_3228 : i32
        %sign3A_3230 = arith.constant 0 : i32
        %sign3A_3231 = arith.cmpi sgt, %jit3A_3221, %sign3A_3230 : i32
        %sign3A_3232 = arith.extui %sign3A_3231 : i1 to i32
        %sign3A_3233 = arith.constant 0 : i32
        %sign3A_3234 = arith.cmpi slt, %jit3A_3221, %sign3A_3233 : i32
        %sign3A_3235 = arith.extui %sign3A_3234 : i1 to i32
        %sign3A_3236 = arith.subi %sign3A_3232, %sign3A_3235 : i32
        %ne3A_3237 = arith.cmpi ne, %sign3A_3229, %sign3A_3236 : i32
        %rem3A_3238 = arith.remsi %squeeze3A_3218, %jit3A_3221 : i32
        %ne3A_3239 = arith.constant 0 : i32
        %ne3A_3240 = arith.cmpi ne, %rem3A_3238, %ne3A_3239 : i32
        %and3A_3241 = arith.andi %ne3A_3237, %ne3A_3240 : i1
        %sub3A_3242 = arith.constant 1 : i32
        %sub3A_3243 = arith.subi %div3A_3222, %sub3A_3242 : i32
        %select_n3A_3244 = arith.select %and3A_3241, %sub3A_3243, %div3A_3222 : i32
        %mul3A_3245 = arith.constant 128 : i32
        %mul3A_3246 = arith.muli %select_n3A_3244, %mul3A_3245 : i32
        %multiple_of3A_3247 = tpu.assume_multiple %mul3A_3246, 128 : i32
        %jit3A_3248 = arith.constant 128 : i32
        %div3A_3249 = arith.divsi %squeeze3A_3220, %jit3A_3248 : i32
        %sign3A_3250 = arith.constant 0 : i32
        %sign3A_3251 = arith.cmpi sgt, %squeeze3A_3220, %sign3A_3250 : i32
        %sign3A_3252 = arith.extui %sign3A_3251 : i1 to i32
        %sign3A_3253 = arith.constant 0 : i32
        %sign3A_3254 = arith.cmpi slt, %squeeze3A_3220, %sign3A_3253 : i32
        %sign3A_3255 = arith.extui %sign3A_3254 : i1 to i32
        %sign3A_3256 = arith.subi %sign3A_3252, %sign3A_3255 : i32
        %sign3A_3257 = arith.constant 0 : i32
        %sign3A_3258 = arith.cmpi sgt, %jit3A_3248, %sign3A_3257 : i32
        %sign3A_3259 = arith.extui %sign3A_3258 : i1 to i32
        %sign3A_3260 = arith.constant 0 : i32
        %sign3A_3261 = arith.cmpi slt, %jit3A_3248, %sign3A_3260 : i32
        %sign3A_3262 = arith.extui %sign3A_3261 : i1 to i32
        %sign3A_3263 = arith.subi %sign3A_3259, %sign3A_3262 : i32
        %ne3A_3264 = arith.cmpi ne, %sign3A_3256, %sign3A_3263 : i32
        %rem3A_3265 = arith.remsi %squeeze3A_3220, %jit3A_3248 : i32
        %ne3A_3266 = arith.constant 0 : i32
        %ne3A_3267 = arith.cmpi ne, %rem3A_3265, %ne3A_3266 : i32
        %and3A_3268 = arith.andi %ne3A_3264, %ne3A_3267 : i1
        %sub3A_3269 = arith.constant 1 : i32
        %sub3A_3270 = arith.subi %div3A_3249, %sub3A_3269 : i32
        %select_n3A_3271 = arith.select %and3A_3268, %sub3A_3270, %div3A_3249 : i32
        %mul3A_3272 = arith.constant 128 : i32
        %mul3A_3273 = arith.muli %select_n3A_3271, %mul3A_3272 : i32
        %multiple_of3A_3274 = tpu.assume_multiple %mul3A_3273, 128 : i32
        %dma_start3A_3275 = arith.constant 4 : i32
        %dma_start3A_3276 = arith.constant 0 : i32
        %dma_start3A_3277 = arith.constant 0 : i32
        %dma_start3A_3278 = tpu.memref_slice %arg11[%dma_start3A_3275, %dma_start3A_3276, %dma_start3A_3277] : memref<8x32x128xf32, #tpu.memory_space<vmem>> -> memref<1x32x128xf32, #tpu.memory_space<vmem>>
        %dma_start3A_3279 = tpu.memref_squeeze %dma_start3A_3278 : memref<1x32x128xf32, #tpu.memory_space<vmem>> -> memref<32x128xf32, #tpu.memory_space<vmem>>
        %dma_start3A_3280 = arith.constant 0 : i32
        %dma_start3A_3281 = tpu.memref_slice %arg4[%dma_start3A_3280, %multiple_of3A_3247] : memref<32x1000000xf32, #tpu.memory_space<hbm>> -> memref<32x128xf32, #tpu.memory_space<hbm>>
        %dma_start3A_3282 = arith.constant 0 : i32
        %dma_start3A_3283 = arith.constant 0 : i32
        %dma_start3A_3284 = tpu.memref_slice %arg11[%dma_start3A_3275, %dma_start3A_3282, %dma_start3A_3283] : memref<8x32x128xf32, #tpu.memory_space<vmem>> -> memref<1x32x128xf32, #tpu.memory_space<vmem>>
        %dma_start3A_3285 = tpu.memref_squeeze %dma_start3A_3284 : memref<1x32x128xf32, #tpu.memory_space<vmem>> -> memref<32x128xf32, #tpu.memory_space<vmem>>
        %dma_start3A_3286 = arith.constant 0 : i32
        %dma_start3A_3287 = tpu.memref_slice %arg4[%dma_start3A_3286, %multiple_of3A_3247] : memref<32x1000000xf32, #tpu.memory_space<hbm>> -> memref<32x128xf32, #tpu.memory_space<hbm>>
        tpu.enqueue_dma source(%dma_start3A_3287 : memref<32x128xf32, #tpu.memory_space<hbm>>) target(%dma_start3A_3285 : memref<32x128xf32, #tpu.memory_space<vmem>>) target_semaphore(%arg21 : memref<!tpu.dma_semaphore, #tpu.memory_space<semaphore_mem>>)
        %dma_start3A_3288 = arith.constant 4 : i32
        %dma_start3A_3289 = arith.constant 0 : i32
        %dma_start3A_3290 = arith.constant 0 : i32
        %dma_start3A_3291 = tpu.memref_slice %arg12[%dma_start3A_3288, %dma_start3A_3289, %dma_start3A_3290] : memref<8x32x128xf32, #tpu.memory_space<vmem>> -> memref<1x32x128xf32, #tpu.memory_space<vmem>>
        %dma_start3A_3292 = tpu.memref_squeeze %dma_start3A_3291 : memref<1x32x128xf32, #tpu.memory_space<vmem>> -> memref<32x128xf32, #tpu.memory_space<vmem>>
        %dma_start3A_3293 = arith.constant 0 : i32
        %dma_start3A_3294 = tpu.memref_slice %arg5[%dma_start3A_3293, %multiple_of3A_3274] : memref<32x1000000xf32, #tpu.memory_space<hbm>> -> memref<32x128xf32, #tpu.memory_space<hbm>>
        %dma_start3A_3295 = arith.constant 0 : i32
        %dma_start3A_3296 = arith.constant 0 : i32
        %dma_start3A_3297 = tpu.memref_slice %arg12[%dma_start3A_3288, %dma_start3A_3295, %dma_start3A_3296] : memref<8x32x128xf32, #tpu.memory_space<vmem>> -> memref<1x32x128xf32, #tpu.memory_space<vmem>>
        %dma_start3A_3298 = tpu.memref_squeeze %dma_start3A_3297 : memref<1x32x128xf32, #tpu.memory_space<vmem>> -> memref<32x128xf32, #tpu.memory_space<vmem>>
        %dma_start3A_3299 = arith.constant 0 : i32
        %dma_start3A_3300 = tpu.memref_slice %arg5[%dma_start3A_3299, %multiple_of3A_3274] : memref<32x1000000xf32, #tpu.memory_space<hbm>> -> memref<32x128xf32, #tpu.memory_space<hbm>>
        tpu.enqueue_dma source(%dma_start3A_3300 : memref<32x128xf32, #tpu.memory_space<hbm>>) target(%dma_start3A_3298 : memref<32x128xf32, #tpu.memory_space<vmem>>) target_semaphore(%arg21 : memref<!tpu.dma_semaphore, #tpu.memory_space<semaphore_mem>>)
      } else {
      }
      %dma_wait3A_2801 = arith.constant 5 : i32
      %dma_wait3A_2802 = arith.constant 0 : i32
      %dma_wait3A_2803 = arith.constant 0 : i32
      %dma_wait3A_2804 = tpu.memref_slice %arg11[%dma_wait3A_2801, %dma_wait3A_2802, %dma_wait3A_2803] : memref<8x32x128xf32, #tpu.memory_space<vmem>> -> memref<1x32x128xf32, #tpu.memory_space<vmem>>
      %dma_wait3A_2805 = tpu.memref_squeeze %dma_wait3A_2804 : memref<1x32x128xf32, #tpu.memory_space<vmem>> -> memref<32x128xf32, #tpu.memory_space<vmem>>
      %dma_wait3A_2806 = arith.constant 0 : i32
      %dma_wait3A_2807 = arith.constant 0 : i32
      %dma_wait3A_2808 = tpu.memref_slice %arg4[%dma_wait3A_2806, %dma_wait3A_2807] : memref<32x1000000xf32, #tpu.memory_space<hbm>> -> memref<32x128xf32, #tpu.memory_space<hbm>>
      %dma_wait3A_2809 = arith.constant 0 : i32
      %dma_wait3A_2810 = arith.constant 0 : i32
      %dma_wait3A_2811 = tpu.memref_slice %arg11[%dma_wait3A_2801, %dma_wait3A_2809, %dma_wait3A_2810] : memref<8x32x128xf32, #tpu.memory_space<vmem>> -> memref<1x32x128xf32, #tpu.memory_space<vmem>>
      %dma_wait3A_2812 = tpu.memref_squeeze %dma_wait3A_2811 : memref<1x32x128xf32, #tpu.memory_space<vmem>> -> memref<32x128xf32, #tpu.memory_space<vmem>>
      %dma_wait3A_2813 = arith.constant 0 : i32
      %dma_wait3A_2814 = arith.constant 0 : i32
      %dma_wait3A_2815 = tpu.memref_slice %arg4[%dma_wait3A_2813, %dma_wait3A_2814] : memref<32x1000000xf32, #tpu.memory_space<hbm>> -> memref<32x128xf32, #tpu.memory_space<hbm>>
      tpu.wait_dma2 semaphore(%arg22 : memref<!tpu.dma_semaphore, #tpu.memory_space<semaphore_mem>>) src(%dma_wait3A_2815 : memref<32x128xf32, #tpu.memory_space<hbm>>) dst(%dma_wait3A_2812 : memref<32x128xf32, #tpu.memory_space<vmem>>)
      %dma_wait3A_2816 = arith.constant 5 : i32
      %dma_wait3A_2817 = arith.constant 0 : i32
      %dma_wait3A_2818 = arith.constant 0 : i32
      %dma_wait3A_2819 = tpu.memref_slice %arg12[%dma_wait3A_2816, %dma_wait3A_2817, %dma_wait3A_2818] : memref<8x32x128xf32, #tpu.memory_space<vmem>> -> memref<1x32x128xf32, #tpu.memory_space<vmem>>
      %dma_wait3A_2820 = tpu.memref_squeeze %dma_wait3A_2819 : memref<1x32x128xf32, #tpu.memory_space<vmem>> -> memref<32x128xf32, #tpu.memory_space<vmem>>
      %dma_wait3A_2821 = arith.constant 0 : i32
      %dma_wait3A_2822 = arith.constant 0 : i32
      %dma_wait3A_2823 = tpu.memref_slice %arg5[%dma_wait3A_2821, %dma_wait3A_2822] : memref<32x1000000xf32, #tpu.memory_space<hbm>> -> memref<32x128xf32, #tpu.memory_space<hbm>>
      %dma_wait3A_2824 = arith.constant 0 : i32
      %dma_wait3A_2825 = arith.constant 0 : i32
      %dma_wait3A_2826 = tpu.memref_slice %arg12[%dma_wait3A_2816, %dma_wait3A_2824, %dma_wait3A_2825] : memref<8x32x128xf32, #tpu.memory_space<vmem>> -> memref<1x32x128xf32, #tpu.memory_space<vmem>>
      %dma_wait3A_2827 = tpu.memref_squeeze %dma_wait3A_2826 : memref<1x32x128xf32, #tpu.memory_space<vmem>> -> memref<32x128xf32, #tpu.memory_space<vmem>>
      %dma_wait3A_2828 = arith.constant 0 : i32
      %dma_wait3A_2829 = arith.constant 0 : i32
      %dma_wait3A_2830 = tpu.memref_slice %arg5[%dma_wait3A_2828, %dma_wait3A_2829] : memref<32x1000000xf32, #tpu.memory_space<hbm>> -> memref<32x128xf32, #tpu.memory_space<hbm>>
      tpu.wait_dma2 semaphore(%arg22 : memref<!tpu.dma_semaphore, #tpu.memory_space<semaphore_mem>>) src(%dma_wait3A_2830 : memref<32x128xf32, #tpu.memory_space<hbm>>) dst(%dma_wait3A_2827 : memref<32x128xf32, #tpu.memory_space<vmem>>)
      %slice3A_2831 = vector.extract_strided_slice %get3A_680 {offsets = [13], sizes = [1], strides = [1]} : vector<16xi32> to vector<1xi32>
      %squeeze3A_2832 = vector.extract %slice3A_2831[0] : i32 from vector<1xi32>
      %jit3A_2833 = arith.constant 128 : i32
      %eq3A_2834 = arith.constant 0 : i32
      %eq3A_2835 = arith.cmpi eq, %jit3A_2833, %eq3A_2834 : i32
      %jit3A_2836 = arith.constant 1 : i32
      %select_n3A_2837 = arith.select %eq3A_2835, %jit3A_2836, %jit3A_2833 : i32
      %rem3A_2838 = arith.remsi %squeeze3A_2832, %select_n3A_2837 : i32
      %ne3A_2839 = arith.constant 0 : i32
      %ne3A_2840 = arith.cmpi ne, %rem3A_2838, %ne3A_2839 : i32
      %lt3A_2841 = arith.constant 0 : i32
      %lt3A_2842 = arith.cmpi slt, %rem3A_2838, %lt3A_2841 : i32
      %lt3A_2843 = arith.constant 0 : i32
      %lt3A_2844 = arith.cmpi slt, %select_n3A_2837, %lt3A_2843 : i32
      %ne3A_2845 = arith.xori %lt3A_2842, %lt3A_2844 : i1
      %and3A_2846 = arith.andi %ne3A_2845, %ne3A_2840 : i1
      %add3A_2847 = arith.addi %rem3A_2838, %select_n3A_2837 : i32
      %select_n3A_2848 = arith.select %and3A_2846, %add3A_2847, %rem3A_2838 : i32
      %add3A_2849 = vector.broadcast %select_n3A_2848 : i32 to vector<16xi32>
      %add3A_2850 = arith.addi %broadcast_in_dim3A_6, %add3A_2849 : vector<16xi32>
      %slice3A_2851 = vector.extract_strided_slice %get3A_682 {offsets = [13], sizes = [1], strides = [1]} : vector<16xi32> to vector<1xi32>
      %squeeze3A_2852 = vector.extract %slice3A_2851[0] : i32 from vector<1xi32>
      %jit3A_2853 = arith.constant 128 : i32
      %eq3A_2854 = arith.constant 0 : i32
      %eq3A_2855 = arith.cmpi eq, %jit3A_2853, %eq3A_2854 : i32
      %jit3A_2856 = arith.constant 1 : i32
      %select_n3A_2857 = arith.select %eq3A_2855, %jit3A_2856, %jit3A_2853 : i32
      %rem3A_2858 = arith.remsi %squeeze3A_2852, %select_n3A_2857 : i32
      %ne3A_2859 = arith.constant 0 : i32
      %ne3A_2860 = arith.cmpi ne, %rem3A_2858, %ne3A_2859 : i32
      %lt3A_2861 = arith.constant 0 : i32
      %lt3A_2862 = arith.cmpi slt, %rem3A_2858, %lt3A_2861 : i32
      %lt3A_2863 = arith.constant 0 : i32
      %lt3A_2864 = arith.cmpi slt, %select_n3A_2857, %lt3A_2863 : i32
      %ne3A_2865 = arith.xori %lt3A_2862, %lt3A_2864 : i1
      %and3A_2866 = arith.andi %ne3A_2865, %ne3A_2860 : i1
      %add3A_2867 = arith.addi %rem3A_2858, %select_n3A_2857 : i32
      %select_n3A_2868 = arith.select %and3A_2866, %add3A_2867, %rem3A_2858 : i32
      %add3A_2869 = vector.broadcast %select_n3A_2868 : i32 to vector<16xi32>
      %add3A_2870 = arith.addi %broadcast_in_dim3A_6, %add3A_2869 : vector<16xi32>
      %gather3A_2871 = arith.constant 5 : i32
      %gather3A_2872 = arith.constant 0 : i32
      %gather3A_2873 = arith.constant 0 : i32
      %gather3A_2874 = tpu.memref_slice %arg11[%gather3A_2871, %gather3A_2872, %gather3A_2873] : memref<8x32x128xf32, #tpu.memory_space<vmem>> -> memref<1x32x128xf32, #tpu.memory_space<vmem>>
      %gather3A_2875 = tpu.memref_squeeze %gather3A_2874 : memref<1x32x128xf32, #tpu.memory_space<vmem>> -> memref<32x128xf32, #tpu.memory_space<vmem>>
      %gather3A_2876 = tpu.vector_load_idx %gather3A_2875[%iota3A, %add3A_2850] : memref<32x128xf32, #tpu.memory_space<vmem>>[vector<16xi32>, vector<16xi32>], vector<16xf32>,
      %add3A_2877 = arith.constant 16 : i32
      %add3A_2878 = vector.broadcast %add3A_2877 : i32 to vector<16xi32>
      %add3A_2879 = arith.addi %iota3A, %add3A_2878 : vector<16xi32>
      %gather3A_2880 = arith.constant 5 : i32
      %gather3A_2881 = arith.constant 0 : i32
      %gather3A_2882 = arith.constant 0 : i32
      %gather3A_2883 = tpu.memref_slice %arg11[%gather3A_2880, %gather3A_2881, %gather3A_2882] : memref<8x32x128xf32, #tpu.memory_space<vmem>> -> memref<1x32x128xf32, #tpu.memory_space<vmem>>
      %gather3A_2884 = tpu.memref_squeeze %gather3A_2883 : memref<1x32x128xf32, #tpu.memory_space<vmem>> -> memref<32x128xf32, #tpu.memory_space<vmem>>
      %gather3A_2885 = tpu.vector_load_idx %gather3A_2884[%add3A_2879, %add3A_2850] : memref<32x128xf32, #tpu.memory_space<vmem>>[vector<16xi32>, vector<16xi32>], vector<16xf32>,
      %gather3A_2886 = arith.constant 5 : i32
      %gather3A_2887 = arith.constant 0 : i32
      %gather3A_2888 = arith.constant 0 : i32
      %gather3A_2889 = tpu.memref_slice %arg12[%gather3A_2886, %gather3A_2887, %gather3A_2888] : memref<8x32x128xf32, #tpu.memory_space<vmem>> -> memref<1x32x128xf32, #tpu.memory_space<vmem>>
      %gather3A_2890 = tpu.memref_squeeze %gather3A_2889 : memref<1x32x128xf32, #tpu.memory_space<vmem>> -> memref<32x128xf32, #tpu.memory_space<vmem>>
      %gather3A_2891 = tpu.vector_load_idx %gather3A_2890[%iota3A, %add3A_2870] : memref<32x128xf32, #tpu.memory_space<vmem>>[vector<16xi32>, vector<16xi32>], vector<16xf32>,
      %add3A_2892 = arith.constant 16 : i32
      %add3A_2893 = vector.broadcast %add3A_2892 : i32 to vector<16xi32>
      %add3A_2894 = arith.addi %iota3A, %add3A_2893 : vector<16xi32>
      %gather3A_2895 = arith.constant 5 : i32
      %gather3A_2896 = arith.constant 0 : i32
      %gather3A_2897 = arith.constant 0 : i32
      %gather3A_2898 = tpu.memref_slice %arg12[%gather3A_2895, %gather3A_2896, %gather3A_2897] : memref<8x32x128xf32, #tpu.memory_space<vmem>> -> memref<1x32x128xf32, #tpu.memory_space<vmem>>
      %gather3A_2899 = tpu.memref_squeeze %gather3A_2898 : memref<1x32x128xf32, #tpu.memory_space<vmem>> -> memref<32x128xf32, #tpu.memory_space<vmem>>
      %gather3A_2900 = tpu.vector_load_idx %gather3A_2899[%add3A_2894, %add3A_2870] : memref<32x128xf32, #tpu.memory_space<vmem>>[vector<16xi32>, vector<16xi32>], vector<16xf32>,
      %mul3A_2901 = arith.mulf %gather3A_2876, %gather3A_2891 : vector<16xf32>
      %mul3A_2902 = arith.mulf %mul3A_2901, %get3A_1 : vector<16xf32>
      %mul3A_2903 = arith.mulf %gather3A_2885, %gather3A_2900 : vector<16xf32>
      %mul3A_2904 = arith.mulf %mul3A_2903, %get3A_3 : vector<16xf32>
      %add3A_2905 = arith.addf %mul3A_2902, %mul3A_2904 : vector<16xf32>
      %swap3A_2906 = arith.constant 13 : i32
      %swap3A_2907 = arith.index_cast %swap3A_2906 : i32 to index
      %swap3A_2908 = arith.constant 0 : index
      %swap3A_2909 = tpu.vector_load %arg13[%swap3A_2907, %swap3A_2908] {strides = array<i32>} : memref<16x128xf32, #tpu.memory_space<vmem>>, vector<16xf32>,
      tpu.vector_store %arg13[%swap3A_2907, %swap3A_2908], %add3A_2905 {strides = array<i32>} : memref<16x128xf32, #tpu.memory_space<vmem>>, vector<16xf32>,
      %lt3A_2910 = arith.constant 31 : i32
      %lt3A_2911 = arith.cmpi slt, %scan3A_676, %lt3A_2910 : i32
      %convert_element_type3A_2912 = arith.extui %lt3A_2911 : i1 to i32
      %cond3A_2913 = arith.constant 0 : i32
      %cond3A_2914 = arith.cmpi ne, %convert_element_type3A_2912, %cond3A_2913 : i32
      scf.if %cond3A_2914 {
        %slice3A_3217 = vector.extract_strided_slice %get3A_689 {offsets = [5], sizes = [1], strides = [1]} : vector<16xi32> to vector<1xi32>
        %squeeze3A_3218 = vector.extract %slice3A_3217[0] : i32 from vector<1xi32>
        %slice3A_3219 = vector.extract_strided_slice %get3A_693 {offsets = [5], sizes = [1], strides = [1]} : vector<16xi32> to vector<1xi32>
        %squeeze3A_3220 = vector.extract %slice3A_3219[0] : i32 from vector<1xi32>
        %jit3A_3221 = arith.constant 128 : i32
        %div3A_3222 = arith.divsi %squeeze3A_3218, %jit3A_3221 : i32
        %sign3A_3223 = arith.constant 0 : i32
        %sign3A_3224 = arith.cmpi sgt, %squeeze3A_3218, %sign3A_3223 : i32
        %sign3A_3225 = arith.extui %sign3A_3224 : i1 to i32
        %sign3A_3226 = arith.constant 0 : i32
        %sign3A_3227 = arith.cmpi slt, %squeeze3A_3218, %sign3A_3226 : i32
        %sign3A_3228 = arith.extui %sign3A_3227 : i1 to i32
        %sign3A_3229 = arith.subi %sign3A_3225, %sign3A_3228 : i32
        %sign3A_3230 = arith.constant 0 : i32
        %sign3A_3231 = arith.cmpi sgt, %jit3A_3221, %sign3A_3230 : i32
        %sign3A_3232 = arith.extui %sign3A_3231 : i1 to i32
        %sign3A_3233 = arith.constant 0 : i32
        %sign3A_3234 = arith.cmpi slt, %jit3A_3221, %sign3A_3233 : i32
        %sign3A_3235 = arith.extui %sign3A_3234 : i1 to i32
        %sign3A_3236 = arith.subi %sign3A_3232, %sign3A_3235 : i32
        %ne3A_3237 = arith.cmpi ne, %sign3A_3229, %sign3A_3236 : i32
        %rem3A_3238 = arith.remsi %squeeze3A_3218, %jit3A_3221 : i32
        %ne3A_3239 = arith.constant 0 : i32
        %ne3A_3240 = arith.cmpi ne, %rem3A_3238, %ne3A_3239 : i32
        %and3A_3241 = arith.andi %ne3A_3237, %ne3A_3240 : i1
        %sub3A_3242 = arith.constant 1 : i32
        %sub3A_3243 = arith.subi %div3A_3222, %sub3A_3242 : i32
        %select_n3A_3244 = arith.select %and3A_3241, %sub3A_3243, %div3A_3222 : i32
        %mul3A_3245 = arith.constant 128 : i32
        %mul3A_3246 = arith.muli %select_n3A_3244, %mul3A_3245 : i32
        %multiple_of3A_3247 = tpu.assume_multiple %mul3A_3246, 128 : i32
        %jit3A_3248 = arith.constant 128 : i32
        %div3A_3249 = arith.divsi %squeeze3A_3220, %jit3A_3248 : i32
        %sign3A_3250 = arith.constant 0 : i32
        %sign3A_3251 = arith.cmpi sgt, %squeeze3A_3220, %sign3A_3250 : i32
        %sign3A_3252 = arith.extui %sign3A_3251 : i1 to i32
        %sign3A_3253 = arith.constant 0 : i32
        %sign3A_3254 = arith.cmpi slt, %squeeze3A_3220, %sign3A_3253 : i32
        %sign3A_3255 = arith.extui %sign3A_3254 : i1 to i32
        %sign3A_3256 = arith.subi %sign3A_3252, %sign3A_3255 : i32
        %sign3A_3257 = arith.constant 0 : i32
        %sign3A_3258 = arith.cmpi sgt, %jit3A_3248, %sign3A_3257 : i32
        %sign3A_3259 = arith.extui %sign3A_3258 : i1 to i32
        %sign3A_3260 = arith.constant 0 : i32
        %sign3A_3261 = arith.cmpi slt, %jit3A_3248, %sign3A_3260 : i32
        %sign3A_3262 = arith.extui %sign3A_3261 : i1 to i32
        %sign3A_3263 = arith.subi %sign3A_3259, %sign3A_3262 : i32
        %ne3A_3264 = arith.cmpi ne, %sign3A_3256, %sign3A_3263 : i32
        %rem3A_3265 = arith.remsi %squeeze3A_3220, %jit3A_3248 : i32
        %ne3A_3266 = arith.constant 0 : i32
        %ne3A_3267 = arith.cmpi ne, %rem3A_3265, %ne3A_3266 : i32
        %and3A_3268 = arith.andi %ne3A_3264, %ne3A_3267 : i1
        %sub3A_3269 = arith.constant 1 : i32
        %sub3A_3270 = arith.subi %div3A_3249, %sub3A_3269 : i32
        %select_n3A_3271 = arith.select %and3A_3268, %sub3A_3270, %div3A_3249 : i32
        %mul3A_3272 = arith.constant 128 : i32
        %mul3A_3273 = arith.muli %select_n3A_3271, %mul3A_3272 : i32
        %multiple_of3A_3274 = tpu.assume_multiple %mul3A_3273, 128 : i32
        %dma_start3A_3275 = arith.constant 5 : i32
        %dma_start3A_3276 = arith.constant 0 : i32
        %dma_start3A_3277 = arith.constant 0 : i32
        %dma_start3A_3278 = tpu.memref_slice %arg11[%dma_start3A_3275, %dma_start3A_3276, %dma_start3A_3277] : memref<8x32x128xf32, #tpu.memory_space<vmem>> -> memref<1x32x128xf32, #tpu.memory_space<vmem>>
        %dma_start3A_3279 = tpu.memref_squeeze %dma_start3A_3278 : memref<1x32x128xf32, #tpu.memory_space<vmem>> -> memref<32x128xf32, #tpu.memory_space<vmem>>
        %dma_start3A_3280 = arith.constant 0 : i32
        %dma_start3A_3281 = tpu.memref_slice %arg4[%dma_start3A_3280, %multiple_of3A_3247] : memref<32x1000000xf32, #tpu.memory_space<hbm>> -> memref<32x128xf32, #tpu.memory_space<hbm>>
        %dma_start3A_3282 = arith.constant 0 : i32
        %dma_start3A_3283 = arith.constant 0 : i32
        %dma_start3A_3284 = tpu.memref_slice %arg11[%dma_start3A_3275, %dma_start3A_3282, %dma_start3A_3283] : memref<8x32x128xf32, #tpu.memory_space<vmem>> -> memref<1x32x128xf32, #tpu.memory_space<vmem>>
        %dma_start3A_3285 = tpu.memref_squeeze %dma_start3A_3284 : memref<1x32x128xf32, #tpu.memory_space<vmem>> -> memref<32x128xf32, #tpu.memory_space<vmem>>
        %dma_start3A_3286 = arith.constant 0 : i32
        %dma_start3A_3287 = tpu.memref_slice %arg4[%dma_start3A_3286, %multiple_of3A_3247] : memref<32x1000000xf32, #tpu.memory_space<hbm>> -> memref<32x128xf32, #tpu.memory_space<hbm>>
        tpu.enqueue_dma source(%dma_start3A_3287 : memref<32x128xf32, #tpu.memory_space<hbm>>) target(%dma_start3A_3285 : memref<32x128xf32, #tpu.memory_space<vmem>>) target_semaphore(%arg22 : memref<!tpu.dma_semaphore, #tpu.memory_space<semaphore_mem>>)
        %dma_start3A_3288 = arith.constant 5 : i32
        %dma_start3A_3289 = arith.constant 0 : i32
        %dma_start3A_3290 = arith.constant 0 : i32
        %dma_start3A_3291 = tpu.memref_slice %arg12[%dma_start3A_3288, %dma_start3A_3289, %dma_start3A_3290] : memref<8x32x128xf32, #tpu.memory_space<vmem>> -> memref<1x32x128xf32, #tpu.memory_space<vmem>>
        %dma_start3A_3292 = tpu.memref_squeeze %dma_start3A_3291 : memref<1x32x128xf32, #tpu.memory_space<vmem>> -> memref<32x128xf32, #tpu.memory_space<vmem>>
        %dma_start3A_3293 = arith.constant 0 : i32
        %dma_start3A_3294 = tpu.memref_slice %arg5[%dma_start3A_3293, %multiple_of3A_3274] : memref<32x1000000xf32, #tpu.memory_space<hbm>> -> memref<32x128xf32, #tpu.memory_space<hbm>>
        %dma_start3A_3295 = arith.constant 0 : i32
        %dma_start3A_3296 = arith.constant 0 : i32
        %dma_start3A_3297 = tpu.memref_slice %arg12[%dma_start3A_3288, %dma_start3A_3295, %dma_start3A_3296] : memref<8x32x128xf32, #tpu.memory_space<vmem>> -> memref<1x32x128xf32, #tpu.memory_space<vmem>>
        %dma_start3A_3298 = tpu.memref_squeeze %dma_start3A_3297 : memref<1x32x128xf32, #tpu.memory_space<vmem>> -> memref<32x128xf32, #tpu.memory_space<vmem>>
        %dma_start3A_3299 = arith.constant 0 : i32
        %dma_start3A_3300 = tpu.memref_slice %arg5[%dma_start3A_3299, %multiple_of3A_3274] : memref<32x1000000xf32, #tpu.memory_space<hbm>> -> memref<32x128xf32, #tpu.memory_space<hbm>>
        tpu.enqueue_dma source(%dma_start3A_3300 : memref<32x128xf32, #tpu.memory_space<hbm>>) target(%dma_start3A_3298 : memref<32x128xf32, #tpu.memory_space<vmem>>) target_semaphore(%arg22 : memref<!tpu.dma_semaphore, #tpu.memory_space<semaphore_mem>>)
      } else {
      }
      %dma_wait3A_2915 = arith.constant 6 : i32
      %dma_wait3A_2916 = arith.constant 0 : i32
      %dma_wait3A_2917 = arith.constant 0 : i32
      %dma_wait3A_2918 = tpu.memref_slice %arg11[%dma_wait3A_2915, %dma_wait3A_2916, %dma_wait3A_2917] : memref<8x32x128xf32, #tpu.memory_space<vmem>> -> memref<1x32x128xf32, #tpu.memory_space<vmem>>
      %dma_wait3A_2919 = tpu.memref_squeeze %dma_wait3A_2918 : memref<1x32x128xf32, #tpu.memory_space<vmem>> -> memref<32x128xf32, #tpu.memory_space<vmem>>
      %dma_wait3A_2920 = arith.constant 0 : i32
      %dma_wait3A_2921 = arith.constant 0 : i32
      %dma_wait3A_2922 = tpu.memref_slice %arg4[%dma_wait3A_2920, %dma_wait3A_2921] : memref<32x1000000xf32, #tpu.memory_space<hbm>> -> memref<32x128xf32, #tpu.memory_space<hbm>>
      %dma_wait3A_2923 = arith.constant 0 : i32
      %dma_wait3A_2924 = arith.constant 0 : i32
      %dma_wait3A_2925 = tpu.memref_slice %arg11[%dma_wait3A_2915, %dma_wait3A_2923, %dma_wait3A_2924] : memref<8x32x128xf32, #tpu.memory_space<vmem>> -> memref<1x32x128xf32, #tpu.memory_space<vmem>>
      %dma_wait3A_2926 = tpu.memref_squeeze %dma_wait3A_2925 : memref<1x32x128xf32, #tpu.memory_space<vmem>> -> memref<32x128xf32, #tpu.memory_space<vmem>>
      %dma_wait3A_2927 = arith.constant 0 : i32
      %dma_wait3A_2928 = arith.constant 0 : i32
      %dma_wait3A_2929 = tpu.memref_slice %arg4[%dma_wait3A_2927, %dma_wait3A_2928] : memref<32x1000000xf32, #tpu.memory_space<hbm>> -> memref<32x128xf32, #tpu.memory_space<hbm>>
      tpu.wait_dma2 semaphore(%arg23 : memref<!tpu.dma_semaphore, #tpu.memory_space<semaphore_mem>>) src(%dma_wait3A_2929 : memref<32x128xf32, #tpu.memory_space<hbm>>) dst(%dma_wait3A_2926 : memref<32x128xf32, #tpu.memory_space<vmem>>)
      %dma_wait3A_2930 = arith.constant 6 : i32
      %dma_wait3A_2931 = arith.constant 0 : i32
      %dma_wait3A_2932 = arith.constant 0 : i32
      %dma_wait3A_2933 = tpu.memref_slice %arg12[%dma_wait3A_2930, %dma_wait3A_2931, %dma_wait3A_2932] : memref<8x32x128xf32, #tpu.memory_space<vmem>> -> memref<1x32x128xf32, #tpu.memory_space<vmem>>
      %dma_wait3A_2934 = tpu.memref_squeeze %dma_wait3A_2933 : memref<1x32x128xf32, #tpu.memory_space<vmem>> -> memref<32x128xf32, #tpu.memory_space<vmem>>
      %dma_wait3A_2935 = arith.constant 0 : i32
      %dma_wait3A_2936 = arith.constant 0 : i32
      %dma_wait3A_2937 = tpu.memref_slice %arg5[%dma_wait3A_2935, %dma_wait3A_2936] : memref<32x1000000xf32, #tpu.memory_space<hbm>> -> memref<32x128xf32, #tpu.memory_space<hbm>>
      %dma_wait3A_2938 = arith.constant 0 : i32
      %dma_wait3A_2939 = arith.constant 0 : i32
      %dma_wait3A_2940 = tpu.memref_slice %arg12[%dma_wait3A_2930, %dma_wait3A_2938, %dma_wait3A_2939] : memref<8x32x128xf32, #tpu.memory_space<vmem>> -> memref<1x32x128xf32, #tpu.memory_space<vmem>>
      %dma_wait3A_2941 = tpu.memref_squeeze %dma_wait3A_2940 : memref<1x32x128xf32, #tpu.memory_space<vmem>> -> memref<32x128xf32, #tpu.memory_space<vmem>>
      %dma_wait3A_2942 = arith.constant 0 : i32
      %dma_wait3A_2943 = arith.constant 0 : i32
      %dma_wait3A_2944 = tpu.memref_slice %arg5[%dma_wait3A_2942, %dma_wait3A_2943] : memref<32x1000000xf32, #tpu.memory_space<hbm>> -> memref<32x128xf32, #tpu.memory_space<hbm>>
      tpu.wait_dma2 semaphore(%arg23 : memref<!tpu.dma_semaphore, #tpu.memory_space<semaphore_mem>>) src(%dma_wait3A_2944 : memref<32x128xf32, #tpu.memory_space<hbm>>) dst(%dma_wait3A_2941 : memref<32x128xf32, #tpu.memory_space<vmem>>)
      %slice3A_2945 = vector.extract_strided_slice %get3A_680 {offsets = [14], sizes = [1], strides = [1]} : vector<16xi32> to vector<1xi32>
      %squeeze3A_2946 = vector.extract %slice3A_2945[0] : i32 from vector<1xi32>
      %jit3A_2947 = arith.constant 128 : i32
      %eq3A_2948 = arith.constant 0 : i32
      %eq3A_2949 = arith.cmpi eq, %jit3A_2947, %eq3A_2948 : i32
      %jit3A_2950 = arith.constant 1 : i32
      %select_n3A_2951 = arith.select %eq3A_2949, %jit3A_2950, %jit3A_2947 : i32
      %rem3A_2952 = arith.remsi %squeeze3A_2946, %select_n3A_2951 : i32
      %ne3A_2953 = arith.constant 0 : i32
      %ne3A_2954 = arith.cmpi ne, %rem3A_2952, %ne3A_2953 : i32
      %lt3A_2955 = arith.constant 0 : i32
      %lt3A_2956 = arith.cmpi slt, %rem3A_2952, %lt3A_2955 : i32
      %lt3A_2957 = arith.constant 0 : i32
      %lt3A_2958 = arith.cmpi slt, %select_n3A_2951, %lt3A_2957 : i32
      %ne3A_2959 = arith.xori %lt3A_2956, %lt3A_2958 : i1
      %and3A_2960 = arith.andi %ne3A_2959, %ne3A_2954 : i1
      %add3A_2961 = arith.addi %rem3A_2952, %select_n3A_2951 : i32
      %select_n3A_2962 = arith.select %and3A_2960, %add3A_2961, %rem3A_2952 : i32
      %add3A_2963 = vector.broadcast %select_n3A_2962 : i32 to vector<16xi32>
      %add3A_2964 = arith.addi %broadcast_in_dim3A_6, %add3A_2963 : vector<16xi32>
      %slice3A_2965 = vector.extract_strided_slice %get3A_682 {offsets = [14], sizes = [1], strides = [1]} : vector<16xi32> to vector<1xi32>
      %squeeze3A_2966 = vector.extract %slice3A_2965[0] : i32 from vector<1xi32>
      %jit3A_2967 = arith.constant 128 : i32
      %eq3A_2968 = arith.constant 0 : i32
      %eq3A_2969 = arith.cmpi eq, %jit3A_2967, %eq3A_2968 : i32
      %jit3A_2970 = arith.constant 1 : i32
      %select_n3A_2971 = arith.select %eq3A_2969, %jit3A_2970, %jit3A_2967 : i32
      %rem3A_2972 = arith.remsi %squeeze3A_2966, %select_n3A_2971 : i32
      %ne3A_2973 = arith.constant 0 : i32
      %ne3A_2974 = arith.cmpi ne, %rem3A_2972, %ne3A_2973 : i32
      %lt3A_2975 = arith.constant 0 : i32
      %lt3A_2976 = arith.cmpi slt, %rem3A_2972, %lt3A_2975 : i32
      %lt3A_2977 = arith.constant 0 : i32
      %lt3A_2978 = arith.cmpi slt, %select_n3A_2971, %lt3A_2977 : i32
      %ne3A_2979 = arith.xori %lt3A_2976, %lt3A_2978 : i1
      %and3A_2980 = arith.andi %ne3A_2979, %ne3A_2974 : i1
      %add3A_2981 = arith.addi %rem3A_2972, %select_n3A_2971 : i32
      %select_n3A_2982 = arith.select %and3A_2980, %add3A_2981, %rem3A_2972 : i32
      %add3A_2983 = vector.broadcast %select_n3A_2982 : i32 to vector<16xi32>
      %add3A_2984 = arith.addi %broadcast_in_dim3A_6, %add3A_2983 : vector<16xi32>
      %gather3A_2985 = arith.constant 6 : i32
      %gather3A_2986 = arith.constant 0 : i32
      %gather3A_2987 = arith.constant 0 : i32
      %gather3A_2988 = tpu.memref_slice %arg11[%gather3A_2985, %gather3A_2986, %gather3A_2987] : memref<8x32x128xf32, #tpu.memory_space<vmem>> -> memref<1x32x128xf32, #tpu.memory_space<vmem>>
      %gather3A_2989 = tpu.memref_squeeze %gather3A_2988 : memref<1x32x128xf32, #tpu.memory_space<vmem>> -> memref<32x128xf32, #tpu.memory_space<vmem>>
      %gather3A_2990 = tpu.vector_load_idx %gather3A_2989[%iota3A, %add3A_2964] : memref<32x128xf32, #tpu.memory_space<vmem>>[vector<16xi32>, vector<16xi32>], vector<16xf32>,
      %add3A_2991 = arith.constant 16 : i32
      %add3A_2992 = vector.broadcast %add3A_2991 : i32 to vector<16xi32>
      %add3A_2993 = arith.addi %iota3A, %add3A_2992 : vector<16xi32>
      %gather3A_2994 = arith.constant 6 : i32
      %gather3A_2995 = arith.constant 0 : i32
      %gather3A_2996 = arith.constant 0 : i32
      %gather3A_2997 = tpu.memref_slice %arg11[%gather3A_2994, %gather3A_2995, %gather3A_2996] : memref<8x32x128xf32, #tpu.memory_space<vmem>> -> memref<1x32x128xf32, #tpu.memory_space<vmem>>
      %gather3A_2998 = tpu.memref_squeeze %gather3A_2997 : memref<1x32x128xf32, #tpu.memory_space<vmem>> -> memref<32x128xf32, #tpu.memory_space<vmem>>
      %gather3A_2999 = tpu.vector_load_idx %gather3A_2998[%add3A_2993, %add3A_2964] : memref<32x128xf32, #tpu.memory_space<vmem>>[vector<16xi32>, vector<16xi32>], vector<16xf32>,
      %gather3A_3000 = arith.constant 6 : i32
      %gather3A_3001 = arith.constant 0 : i32
      %gather3A_3002 = arith.constant 0 : i32
      %gather3A_3003 = tpu.memref_slice %arg12[%gather3A_3000, %gather3A_3001, %gather3A_3002] : memref<8x32x128xf32, #tpu.memory_space<vmem>> -> memref<1x32x128xf32, #tpu.memory_space<vmem>>
      %gather3A_3004 = tpu.memref_squeeze %gather3A_3003 : memref<1x32x128xf32, #tpu.memory_space<vmem>> -> memref<32x128xf32, #tpu.memory_space<vmem>>
      %gather3A_3005 = tpu.vector_load_idx %gather3A_3004[%iota3A, %add3A_2984] : memref<32x128xf32, #tpu.memory_space<vmem>>[vector<16xi32>, vector<16xi32>], vector<16xf32>,
      %add3A_3006 = arith.constant 16 : i32
      %add3A_3007 = vector.broadcast %add3A_3006 : i32 to vector<16xi32>
      %add3A_3008 = arith.addi %iota3A, %add3A_3007 : vector<16xi32>
      %gather3A_3009 = arith.constant 6 : i32
      %gather3A_3010 = arith.constant 0 : i32
      %gather3A_3011 = arith.constant 0 : i32
      %gather3A_3012 = tpu.memref_slice %arg12[%gather3A_3009, %gather3A_3010, %gather3A_3011] : memref<8x32x128xf32, #tpu.memory_space<vmem>> -> memref<1x32x128xf32, #tpu.memory_space<vmem>>
      %gather3A_3013 = tpu.memref_squeeze %gather3A_3012 : memref<1x32x128xf32, #tpu.memory_space<vmem>> -> memref<32x128xf32, #tpu.memory_space<vmem>>
      %gather3A_3014 = tpu.vector_load_idx %gather3A_3013[%add3A_3008, %add3A_2984] : memref<32x128xf32, #tpu.memory_space<vmem>>[vector<16xi32>, vector<16xi32>], vector<16xf32>,
      %mul3A_3015 = arith.mulf %gather3A_2990, %gather3A_3005 : vector<16xf32>
      %mul3A_3016 = arith.mulf %mul3A_3015, %get3A_1 : vector<16xf32>
      %mul3A_3017 = arith.mulf %gather3A_2999, %gather3A_3014 : vector<16xf32>
      %mul3A_3018 = arith.mulf %mul3A_3017, %get3A_3 : vector<16xf32>
      %add3A_3019 = arith.addf %mul3A_3016, %mul3A_3018 : vector<16xf32>
      %swap3A_3020 = arith.constant 14 : i32
      %swap3A_3021 = arith.index_cast %swap3A_3020 : i32 to index
      %swap3A_3022 = arith.constant 0 : index
      %swap3A_3023 = tpu.vector_load %arg13[%swap3A_3021, %swap3A_3022] {strides = array<i32>} : memref<16x128xf32, #tpu.memory_space<vmem>>, vector<16xf32>,
      tpu.vector_store %arg13[%swap3A_3021, %swap3A_3022], %add3A_3019 {strides = array<i32>} : memref<16x128xf32, #tpu.memory_space<vmem>>, vector<16xf32>,
      %lt3A_3024 = arith.constant 31 : i32
      %lt3A_3025 = arith.cmpi slt, %scan3A_676, %lt3A_3024 : i32
      %convert_element_type3A_3026 = arith.extui %lt3A_3025 : i1 to i32
      %cond3A_3027 = arith.constant 0 : i32
      %cond3A_3028 = arith.cmpi ne, %convert_element_type3A_3026, %cond3A_3027 : i32
      scf.if %cond3A_3028 {
        %slice3A_3217 = vector.extract_strided_slice %get3A_689 {offsets = [6], sizes = [1], strides = [1]} : vector<16xi32> to vector<1xi32>
        %squeeze3A_3218 = vector.extract %slice3A_3217[0] : i32 from vector<1xi32>
        %slice3A_3219 = vector.extract_strided_slice %get3A_693 {offsets = [6], sizes = [1], strides = [1]} : vector<16xi32> to vector<1xi32>
        %squeeze3A_3220 = vector.extract %slice3A_3219[0] : i32 from vector<1xi32>
        %jit3A_3221 = arith.constant 128 : i32
        %div3A_3222 = arith.divsi %squeeze3A_3218, %jit3A_3221 : i32
        %sign3A_3223 = arith.constant 0 : i32
        %sign3A_3224 = arith.cmpi sgt, %squeeze3A_3218, %sign3A_3223 : i32
        %sign3A_3225 = arith.extui %sign3A_3224 : i1 to i32
        %sign3A_3226 = arith.constant 0 : i32
        %sign3A_3227 = arith.cmpi slt, %squeeze3A_3218, %sign3A_3226 : i32
        %sign3A_3228 = arith.extui %sign3A_3227 : i1 to i32
        %sign3A_3229 = arith.subi %sign3A_3225, %sign3A_3228 : i32
        %sign3A_3230 = arith.constant 0 : i32
        %sign3A_3231 = arith.cmpi sgt, %jit3A_3221, %sign3A_3230 : i32
        %sign3A_3232 = arith.extui %sign3A_3231 : i1 to i32
        %sign3A_3233 = arith.constant 0 : i32
        %sign3A_3234 = arith.cmpi slt, %jit3A_3221, %sign3A_3233 : i32
        %sign3A_3235 = arith.extui %sign3A_3234 : i1 to i32
        %sign3A_3236 = arith.subi %sign3A_3232, %sign3A_3235 : i32
        %ne3A_3237 = arith.cmpi ne, %sign3A_3229, %sign3A_3236 : i32
        %rem3A_3238 = arith.remsi %squeeze3A_3218, %jit3A_3221 : i32
        %ne3A_3239 = arith.constant 0 : i32
        %ne3A_3240 = arith.cmpi ne, %rem3A_3238, %ne3A_3239 : i32
        %and3A_3241 = arith.andi %ne3A_3237, %ne3A_3240 : i1
        %sub3A_3242 = arith.constant 1 : i32
        %sub3A_3243 = arith.subi %div3A_3222, %sub3A_3242 : i32
        %select_n3A_3244 = arith.select %and3A_3241, %sub3A_3243, %div3A_3222 : i32
        %mul3A_3245 = arith.constant 128 : i32
        %mul3A_3246 = arith.muli %select_n3A_3244, %mul3A_3245 : i32
        %multiple_of3A_3247 = tpu.assume_multiple %mul3A_3246, 128 : i32
        %jit3A_3248 = arith.constant 128 : i32
        %div3A_3249 = arith.divsi %squeeze3A_3220, %jit3A_3248 : i32
        %sign3A_3250 = arith.constant 0 : i32
        %sign3A_3251 = arith.cmpi sgt, %squeeze3A_3220, %sign3A_3250 : i32
        %sign3A_3252 = arith.extui %sign3A_3251 : i1 to i32
        %sign3A_3253 = arith.constant 0 : i32
        %sign3A_3254 = arith.cmpi slt, %squeeze3A_3220, %sign3A_3253 : i32
        %sign3A_3255 = arith.extui %sign3A_3254 : i1 to i32
        %sign3A_3256 = arith.subi %sign3A_3252, %sign3A_3255 : i32
        %sign3A_3257 = arith.constant 0 : i32
        %sign3A_3258 = arith.cmpi sgt, %jit3A_3248, %sign3A_3257 : i32
        %sign3A_3259 = arith.extui %sign3A_3258 : i1 to i32
        %sign3A_3260 = arith.constant 0 : i32
        %sign3A_3261 = arith.cmpi slt, %jit3A_3248, %sign3A_3260 : i32
        %sign3A_3262 = arith.extui %sign3A_3261 : i1 to i32
        %sign3A_3263 = arith.subi %sign3A_3259, %sign3A_3262 : i32
        %ne3A_3264 = arith.cmpi ne, %sign3A_3256, %sign3A_3263 : i32
        %rem3A_3265 = arith.remsi %squeeze3A_3220, %jit3A_3248 : i32
        %ne3A_3266 = arith.constant 0 : i32
        %ne3A_3267 = arith.cmpi ne, %rem3A_3265, %ne3A_3266 : i32
        %and3A_3268 = arith.andi %ne3A_3264, %ne3A_3267 : i1
        %sub3A_3269 = arith.constant 1 : i32
        %sub3A_3270 = arith.subi %div3A_3249, %sub3A_3269 : i32
        %select_n3A_3271 = arith.select %and3A_3268, %sub3A_3270, %div3A_3249 : i32
        %mul3A_3272 = arith.constant 128 : i32
        %mul3A_3273 = arith.muli %select_n3A_3271, %mul3A_3272 : i32
        %multiple_of3A_3274 = tpu.assume_multiple %mul3A_3273, 128 : i32
        %dma_start3A_3275 = arith.constant 6 : i32
        %dma_start3A_3276 = arith.constant 0 : i32
        %dma_start3A_3277 = arith.constant 0 : i32
        %dma_start3A_3278 = tpu.memref_slice %arg11[%dma_start3A_3275, %dma_start3A_3276, %dma_start3A_3277] : memref<8x32x128xf32, #tpu.memory_space<vmem>> -> memref<1x32x128xf32, #tpu.memory_space<vmem>>
        %dma_start3A_3279 = tpu.memref_squeeze %dma_start3A_3278 : memref<1x32x128xf32, #tpu.memory_space<vmem>> -> memref<32x128xf32, #tpu.memory_space<vmem>>
        %dma_start3A_3280 = arith.constant 0 : i32
        %dma_start3A_3281 = tpu.memref_slice %arg4[%dma_start3A_3280, %multiple_of3A_3247] : memref<32x1000000xf32, #tpu.memory_space<hbm>> -> memref<32x128xf32, #tpu.memory_space<hbm>>
        %dma_start3A_3282 = arith.constant 0 : i32
        %dma_start3A_3283 = arith.constant 0 : i32
        %dma_start3A_3284 = tpu.memref_slice %arg11[%dma_start3A_3275, %dma_start3A_3282, %dma_start3A_3283] : memref<8x32x128xf32, #tpu.memory_space<vmem>> -> memref<1x32x128xf32, #tpu.memory_space<vmem>>
        %dma_start3A_3285 = tpu.memref_squeeze %dma_start3A_3284 : memref<1x32x128xf32, #tpu.memory_space<vmem>> -> memref<32x128xf32, #tpu.memory_space<vmem>>
        %dma_start3A_3286 = arith.constant 0 : i32
        %dma_start3A_3287 = tpu.memref_slice %arg4[%dma_start3A_3286, %multiple_of3A_3247] : memref<32x1000000xf32, #tpu.memory_space<hbm>> -> memref<32x128xf32, #tpu.memory_space<hbm>>
        tpu.enqueue_dma source(%dma_start3A_3287 : memref<32x128xf32, #tpu.memory_space<hbm>>) target(%dma_start3A_3285 : memref<32x128xf32, #tpu.memory_space<vmem>>) target_semaphore(%arg23 : memref<!tpu.dma_semaphore, #tpu.memory_space<semaphore_mem>>)
        %dma_start3A_3288 = arith.constant 6 : i32
        %dma_start3A_3289 = arith.constant 0 : i32
        %dma_start3A_3290 = arith.constant 0 : i32
        %dma_start3A_3291 = tpu.memref_slice %arg12[%dma_start3A_3288, %dma_start3A_3289, %dma_start3A_3290] : memref<8x32x128xf32, #tpu.memory_space<vmem>> -> memref<1x32x128xf32, #tpu.memory_space<vmem>>
        %dma_start3A_3292 = tpu.memref_squeeze %dma_start3A_3291 : memref<1x32x128xf32, #tpu.memory_space<vmem>> -> memref<32x128xf32, #tpu.memory_space<vmem>>
        %dma_start3A_3293 = arith.constant 0 : i32
        %dma_start3A_3294 = tpu.memref_slice %arg5[%dma_start3A_3293, %multiple_of3A_3274] : memref<32x1000000xf32, #tpu.memory_space<hbm>> -> memref<32x128xf32, #tpu.memory_space<hbm>>
        %dma_start3A_3295 = arith.constant 0 : i32
        %dma_start3A_3296 = arith.constant 0 : i32
        %dma_start3A_3297 = tpu.memref_slice %arg12[%dma_start3A_3288, %dma_start3A_3295, %dma_start3A_3296] : memref<8x32x128xf32, #tpu.memory_space<vmem>> -> memref<1x32x128xf32, #tpu.memory_space<vmem>>
        %dma_start3A_3298 = tpu.memref_squeeze %dma_start3A_3297 : memref<1x32x128xf32, #tpu.memory_space<vmem>> -> memref<32x128xf32, #tpu.memory_space<vmem>>
        %dma_start3A_3299 = arith.constant 0 : i32
        %dma_start3A_3300 = tpu.memref_slice %arg5[%dma_start3A_3299, %multiple_of3A_3274] : memref<32x1000000xf32, #tpu.memory_space<hbm>> -> memref<32x128xf32, #tpu.memory_space<hbm>>
        tpu.enqueue_dma source(%dma_start3A_3300 : memref<32x128xf32, #tpu.memory_space<hbm>>) target(%dma_start3A_3298 : memref<32x128xf32, #tpu.memory_space<vmem>>) target_semaphore(%arg23 : memref<!tpu.dma_semaphore, #tpu.memory_space<semaphore_mem>>)
      } else {
      }
      %dma_wait3A_3029 = arith.constant 7 : i32
      %dma_wait3A_3030 = arith.constant 0 : i32
      %dma_wait3A_3031 = arith.constant 0 : i32
      %dma_wait3A_3032 = tpu.memref_slice %arg11[%dma_wait3A_3029, %dma_wait3A_3030, %dma_wait3A_3031] : memref<8x32x128xf32, #tpu.memory_space<vmem>> -> memref<1x32x128xf32, #tpu.memory_space<vmem>>
      %dma_wait3A_3033 = tpu.memref_squeeze %dma_wait3A_3032 : memref<1x32x128xf32, #tpu.memory_space<vmem>> -> memref<32x128xf32, #tpu.memory_space<vmem>>
      %dma_wait3A_3034 = arith.constant 0 : i32
      %dma_wait3A_3035 = arith.constant 0 : i32
      %dma_wait3A_3036 = tpu.memref_slice %arg4[%dma_wait3A_3034, %dma_wait3A_3035] : memref<32x1000000xf32, #tpu.memory_space<hbm>> -> memref<32x128xf32, #tpu.memory_space<hbm>>
      %dma_wait3A_3037 = arith.constant 0 : i32
      %dma_wait3A_3038 = arith.constant 0 : i32
      %dma_wait3A_3039 = tpu.memref_slice %arg11[%dma_wait3A_3029, %dma_wait3A_3037, %dma_wait3A_3038] : memref<8x32x128xf32, #tpu.memory_space<vmem>> -> memref<1x32x128xf32, #tpu.memory_space<vmem>>
      %dma_wait3A_3040 = tpu.memref_squeeze %dma_wait3A_3039 : memref<1x32x128xf32, #tpu.memory_space<vmem>> -> memref<32x128xf32, #tpu.memory_space<vmem>>
      %dma_wait3A_3041 = arith.constant 0 : i32
      %dma_wait3A_3042 = arith.constant 0 : i32
      %dma_wait3A_3043 = tpu.memref_slice %arg4[%dma_wait3A_3041, %dma_wait3A_3042] : memref<32x1000000xf32, #tpu.memory_space<hbm>> -> memref<32x128xf32, #tpu.memory_space<hbm>>
      tpu.wait_dma2 semaphore(%arg24 : memref<!tpu.dma_semaphore, #tpu.memory_space<semaphore_mem>>) src(%dma_wait3A_3043 : memref<32x128xf32, #tpu.memory_space<hbm>>) dst(%dma_wait3A_3040 : memref<32x128xf32, #tpu.memory_space<vmem>>)
      %dma_wait3A_3044 = arith.constant 7 : i32
      %dma_wait3A_3045 = arith.constant 0 : i32
      %dma_wait3A_3046 = arith.constant 0 : i32
      %dma_wait3A_3047 = tpu.memref_slice %arg12[%dma_wait3A_3044, %dma_wait3A_3045, %dma_wait3A_3046] : memref<8x32x128xf32, #tpu.memory_space<vmem>> -> memref<1x32x128xf32, #tpu.memory_space<vmem>>
      %dma_wait3A_3048 = tpu.memref_squeeze %dma_wait3A_3047 : memref<1x32x128xf32, #tpu.memory_space<vmem>> -> memref<32x128xf32, #tpu.memory_space<vmem>>
      %dma_wait3A_3049 = arith.constant 0 : i32
      %dma_wait3A_3050 = arith.constant 0 : i32
      %dma_wait3A_3051 = tpu.memref_slice %arg5[%dma_wait3A_3049, %dma_wait3A_3050] : memref<32x1000000xf32, #tpu.memory_space<hbm>> -> memref<32x128xf32, #tpu.memory_space<hbm>>
      %dma_wait3A_3052 = arith.constant 0 : i32
      %dma_wait3A_3053 = arith.constant 0 : i32
      %dma_wait3A_3054 = tpu.memref_slice %arg12[%dma_wait3A_3044, %dma_wait3A_3052, %dma_wait3A_3053] : memref<8x32x128xf32, #tpu.memory_space<vmem>> -> memref<1x32x128xf32, #tpu.memory_space<vmem>>
      %dma_wait3A_3055 = tpu.memref_squeeze %dma_wait3A_3054 : memref<1x32x128xf32, #tpu.memory_space<vmem>> -> memref<32x128xf32, #tpu.memory_space<vmem>>
      %dma_wait3A_3056 = arith.constant 0 : i32
      %dma_wait3A_3057 = arith.constant 0 : i32
      %dma_wait3A_3058 = tpu.memref_slice %arg5[%dma_wait3A_3056, %dma_wait3A_3057] : memref<32x1000000xf32, #tpu.memory_space<hbm>> -> memref<32x128xf32, #tpu.memory_space<hbm>>
      tpu.wait_dma2 semaphore(%arg24 : memref<!tpu.dma_semaphore, #tpu.memory_space<semaphore_mem>>) src(%dma_wait3A_3058 : memref<32x128xf32, #tpu.memory_space<hbm>>) dst(%dma_wait3A_3055 : memref<32x128xf32, #tpu.memory_space<vmem>>)
      %slice3A_3059 = vector.extract_strided_slice %get3A_680 {offsets = [15], sizes = [1], strides = [1]} : vector<16xi32> to vector<1xi32>
      %squeeze3A_3060 = vector.extract %slice3A_3059[0] : i32 from vector<1xi32>
      %jit3A_3061 = arith.constant 128 : i32
      %eq3A_3062 = arith.constant 0 : i32
      %eq3A_3063 = arith.cmpi eq, %jit3A_3061, %eq3A_3062 : i32
      %jit3A_3064 = arith.constant 1 : i32
      %select_n3A_3065 = arith.select %eq3A_3063, %jit3A_3064, %jit3A_3061 : i32
      %rem3A_3066 = arith.remsi %squeeze3A_3060, %select_n3A_3065 : i32
      %ne3A_3067 = arith.constant 0 : i32
      %ne3A_3068 = arith.cmpi ne, %rem3A_3066, %ne3A_3067 : i32
      %lt3A_3069 = arith.constant 0 : i32
      %lt3A_3070 = arith.cmpi slt, %rem3A_3066, %lt3A_3069 : i32
      %lt3A_3071 = arith.constant 0 : i32
      %lt3A_3072 = arith.cmpi slt, %select_n3A_3065, %lt3A_3071 : i32
      %ne3A_3073 = arith.xori %lt3A_3070, %lt3A_3072 : i1
      %and3A_3074 = arith.andi %ne3A_3073, %ne3A_3068 : i1
      %add3A_3075 = arith.addi %rem3A_3066, %select_n3A_3065 : i32
      %select_n3A_3076 = arith.select %and3A_3074, %add3A_3075, %rem3A_3066 : i32
      %add3A_3077 = vector.broadcast %select_n3A_3076 : i32 to vector<16xi32>
      %add3A_3078 = arith.addi %broadcast_in_dim3A_6, %add3A_3077 : vector<16xi32>
      %slice3A_3079 = vector.extract_strided_slice %get3A_682 {offsets = [15], sizes = [1], strides = [1]} : vector<16xi32> to vector<1xi32>
      %squeeze3A_3080 = vector.extract %slice3A_3079[0] : i32 from vector<1xi32>
      %jit3A_3081 = arith.constant 128 : i32
      %eq3A_3082 = arith.constant 0 : i32
      %eq3A_3083 = arith.cmpi eq, %jit3A_3081, %eq3A_3082 : i32
      %jit3A_3084 = arith.constant 1 : i32
      %select_n3A_3085 = arith.select %eq3A_3083, %jit3A_3084, %jit3A_3081 : i32
      %rem3A_3086 = arith.remsi %squeeze3A_3080, %select_n3A_3085 : i32
      %ne3A_3087 = arith.constant 0 : i32
      %ne3A_3088 = arith.cmpi ne, %rem3A_3086, %ne3A_3087 : i32
      %lt3A_3089 = arith.constant 0 : i32
      %lt3A_3090 = arith.cmpi slt, %rem3A_3086, %lt3A_3089 : i32
      %lt3A_3091 = arith.constant 0 : i32
      %lt3A_3092 = arith.cmpi slt, %select_n3A_3085, %lt3A_3091 : i32
      %ne3A_3093 = arith.xori %lt3A_3090, %lt3A_3092 : i1
      %and3A_3094 = arith.andi %ne3A_3093, %ne3A_3088 : i1
      %add3A_3095 = arith.addi %rem3A_3086, %select_n3A_3085 : i32
      %select_n3A_3096 = arith.select %and3A_3094, %add3A_3095, %rem3A_3086 : i32
      %add3A_3097 = vector.broadcast %select_n3A_3096 : i32 to vector<16xi32>
      %add3A_3098 = arith.addi %broadcast_in_dim3A_6, %add3A_3097 : vector<16xi32>
      %gather3A_3099 = arith.constant 7 : i32
      %gather3A_3100 = arith.constant 0 : i32
      %gather3A_3101 = arith.constant 0 : i32
      %gather3A_3102 = tpu.memref_slice %arg11[%gather3A_3099, %gather3A_3100, %gather3A_3101] : memref<8x32x128xf32, #tpu.memory_space<vmem>> -> memref<1x32x128xf32, #tpu.memory_space<vmem>>
      %gather3A_3103 = tpu.memref_squeeze %gather3A_3102 : memref<1x32x128xf32, #tpu.memory_space<vmem>> -> memref<32x128xf32, #tpu.memory_space<vmem>>
      %gather3A_3104 = tpu.vector_load_idx %gather3A_3103[%iota3A, %add3A_3078] : memref<32x128xf32, #tpu.memory_space<vmem>>[vector<16xi32>, vector<16xi32>], vector<16xf32>,
      %add3A_3105 = arith.constant 16 : i32
      %add3A_3106 = vector.broadcast %add3A_3105 : i32 to vector<16xi32>
      %add3A_3107 = arith.addi %iota3A, %add3A_3106 : vector<16xi32>
      %gather3A_3108 = arith.constant 7 : i32
      %gather3A_3109 = arith.constant 0 : i32
      %gather3A_3110 = arith.constant 0 : i32
      %gather3A_3111 = tpu.memref_slice %arg11[%gather3A_3108, %gather3A_3109, %gather3A_3110] : memref<8x32x128xf32, #tpu.memory_space<vmem>> -> memref<1x32x128xf32, #tpu.memory_space<vmem>>
      %gather3A_3112 = tpu.memref_squeeze %gather3A_3111 : memref<1x32x128xf32, #tpu.memory_space<vmem>> -> memref<32x128xf32, #tpu.memory_space<vmem>>
      %gather3A_3113 = tpu.vector_load_idx %gather3A_3112[%add3A_3107, %add3A_3078] : memref<32x128xf32, #tpu.memory_space<vmem>>[vector<16xi32>, vector<16xi32>], vector<16xf32>,
      %gather3A_3114 = arith.constant 7 : i32
      %gather3A_3115 = arith.constant 0 : i32
      %gather3A_3116 = arith.constant 0 : i32
      %gather3A_3117 = tpu.memref_slice %arg12[%gather3A_3114, %gather3A_3115, %gather3A_3116] : memref<8x32x128xf32, #tpu.memory_space<vmem>> -> memref<1x32x128xf32, #tpu.memory_space<vmem>>
      %gather3A_3118 = tpu.memref_squeeze %gather3A_3117 : memref<1x32x128xf32, #tpu.memory_space<vmem>> -> memref<32x128xf32, #tpu.memory_space<vmem>>
      %gather3A_3119 = tpu.vector_load_idx %gather3A_3118[%iota3A, %add3A_3098] : memref<32x128xf32, #tpu.memory_space<vmem>>[vector<16xi32>, vector<16xi32>], vector<16xf32>,
      %add3A_3120 = arith.constant 16 : i32
      %add3A_3121 = vector.broadcast %add3A_3120 : i32 to vector<16xi32>
      %add3A_3122 = arith.addi %iota3A, %add3A_3121 : vector<16xi32>
      %gather3A_3123 = arith.constant 7 : i32
      %gather3A_3124 = arith.constant 0 : i32
      %gather3A_3125 = arith.constant 0 : i32
      %gather3A_3126 = tpu.memref_slice %arg12[%gather3A_3123, %gather3A_3124, %gather3A_3125] : memref<8x32x128xf32, #tpu.memory_space<vmem>> -> memref<1x32x128xf32, #tpu.memory_space<vmem>>
      %gather3A_3127 = tpu.memref_squeeze %gather3A_3126 : memref<1x32x128xf32, #tpu.memory_space<vmem>> -> memref<32x128xf32, #tpu.memory_space<vmem>>
      %gather3A_3128 = tpu.vector_load_idx %gather3A_3127[%add3A_3122, %add3A_3098] : memref<32x128xf32, #tpu.memory_space<vmem>>[vector<16xi32>, vector<16xi32>], vector<16xf32>,
      %mul3A_3129 = arith.mulf %gather3A_3104, %gather3A_3119 : vector<16xf32>
      %mul3A_3130 = arith.mulf %mul3A_3129, %get3A_1 : vector<16xf32>
      %mul3A_3131 = arith.mulf %gather3A_3113, %gather3A_3128 : vector<16xf32>
      %mul3A_3132 = arith.mulf %mul3A_3131, %get3A_3 : vector<16xf32>
      %add3A_3133 = arith.addf %mul3A_3130, %mul3A_3132 : vector<16xf32>
      %swap3A_3134 = arith.constant 15 : i32
      %swap3A_3135 = arith.index_cast %swap3A_3134 : i32 to index
      %swap3A_3136 = arith.constant 0 : index
      %swap3A_3137 = tpu.vector_load %arg13[%swap3A_3135, %swap3A_3136] {strides = array<i32>} : memref<16x128xf32, #tpu.memory_space<vmem>>, vector<16xf32>,
      tpu.vector_store %arg13[%swap3A_3135, %swap3A_3136], %add3A_3133 {strides = array<i32>} : memref<16x128xf32, #tpu.memory_space<vmem>>, vector<16xf32>,
      %lt3A_3138 = arith.constant 31 : i32
      %lt3A_3139 = arith.cmpi slt, %scan3A_676, %lt3A_3138 : i32
      %convert_element_type3A_3140 = arith.extui %lt3A_3139 : i1 to i32
      %cond3A_3141 = arith.constant 0 : i32
      %cond3A_3142 = arith.cmpi ne, %convert_element_type3A_3140, %cond3A_3141 : i32
      scf.if %cond3A_3142 {
        %slice3A_3217 = vector.extract_strided_slice %get3A_689 {offsets = [7], sizes = [1], strides = [1]} : vector<16xi32> to vector<1xi32>
        %squeeze3A_3218 = vector.extract %slice3A_3217[0] : i32 from vector<1xi32>
        %slice3A_3219 = vector.extract_strided_slice %get3A_693 {offsets = [7], sizes = [1], strides = [1]} : vector<16xi32> to vector<1xi32>
        %squeeze3A_3220 = vector.extract %slice3A_3219[0] : i32 from vector<1xi32>
        %jit3A_3221 = arith.constant 128 : i32
        %div3A_3222 = arith.divsi %squeeze3A_3218, %jit3A_3221 : i32
        %sign3A_3223 = arith.constant 0 : i32
        %sign3A_3224 = arith.cmpi sgt, %squeeze3A_3218, %sign3A_3223 : i32
        %sign3A_3225 = arith.extui %sign3A_3224 : i1 to i32
        %sign3A_3226 = arith.constant 0 : i32
        %sign3A_3227 = arith.cmpi slt, %squeeze3A_3218, %sign3A_3226 : i32
        %sign3A_3228 = arith.extui %sign3A_3227 : i1 to i32
        %sign3A_3229 = arith.subi %sign3A_3225, %sign3A_3228 : i32
        %sign3A_3230 = arith.constant 0 : i32
        %sign3A_3231 = arith.cmpi sgt, %jit3A_3221, %sign3A_3230 : i32
        %sign3A_3232 = arith.extui %sign3A_3231 : i1 to i32
        %sign3A_3233 = arith.constant 0 : i32
        %sign3A_3234 = arith.cmpi slt, %jit3A_3221, %sign3A_3233 : i32
        %sign3A_3235 = arith.extui %sign3A_3234 : i1 to i32
        %sign3A_3236 = arith.subi %sign3A_3232, %sign3A_3235 : i32
        %ne3A_3237 = arith.cmpi ne, %sign3A_3229, %sign3A_3236 : i32
        %rem3A_3238 = arith.remsi %squeeze3A_3218, %jit3A_3221 : i32
        %ne3A_3239 = arith.constant 0 : i32
        %ne3A_3240 = arith.cmpi ne, %rem3A_3238, %ne3A_3239 : i32
        %and3A_3241 = arith.andi %ne3A_3237, %ne3A_3240 : i1
        %sub3A_3242 = arith.constant 1 : i32
        %sub3A_3243 = arith.subi %div3A_3222, %sub3A_3242 : i32
        %select_n3A_3244 = arith.select %and3A_3241, %sub3A_3243, %div3A_3222 : i32
        %mul3A_3245 = arith.constant 128 : i32
        %mul3A_3246 = arith.muli %select_n3A_3244, %mul3A_3245 : i32
        %multiple_of3A_3247 = tpu.assume_multiple %mul3A_3246, 128 : i32
        %jit3A_3248 = arith.constant 128 : i32
        %div3A_3249 = arith.divsi %squeeze3A_3220, %jit3A_3248 : i32
        %sign3A_3250 = arith.constant 0 : i32
        %sign3A_3251 = arith.cmpi sgt, %squeeze3A_3220, %sign3A_3250 : i32
        %sign3A_3252 = arith.extui %sign3A_3251 : i1 to i32
        %sign3A_3253 = arith.constant 0 : i32
        %sign3A_3254 = arith.cmpi slt, %squeeze3A_3220, %sign3A_3253 : i32
        %sign3A_3255 = arith.extui %sign3A_3254 : i1 to i32
        %sign3A_3256 = arith.subi %sign3A_3252, %sign3A_3255 : i32
        %sign3A_3257 = arith.constant 0 : i32
        %sign3A_3258 = arith.cmpi sgt, %jit3A_3248, %sign3A_3257 : i32
        %sign3A_3259 = arith.extui %sign3A_3258 : i1 to i32
        %sign3A_3260 = arith.constant 0 : i32
        %sign3A_3261 = arith.cmpi slt, %jit3A_3248, %sign3A_3260 : i32
        %sign3A_3262 = arith.extui %sign3A_3261 : i1 to i32
        %sign3A_3263 = arith.subi %sign3A_3259, %sign3A_3262 : i32
        %ne3A_3264 = arith.cmpi ne, %sign3A_3256, %sign3A_3263 : i32
        %rem3A_3265 = arith.remsi %squeeze3A_3220, %jit3A_3248 : i32
        %ne3A_3266 = arith.constant 0 : i32
        %ne3A_3267 = arith.cmpi ne, %rem3A_3265, %ne3A_3266 : i32
        %and3A_3268 = arith.andi %ne3A_3264, %ne3A_3267 : i1
        %sub3A_3269 = arith.constant 1 : i32
        %sub3A_3270 = arith.subi %div3A_3249, %sub3A_3269 : i32
        %select_n3A_3271 = arith.select %and3A_3268, %sub3A_3270, %div3A_3249 : i32
        %mul3A_3272 = arith.constant 128 : i32
        %mul3A_3273 = arith.muli %select_n3A_3271, %mul3A_3272 : i32
        %multiple_of3A_3274 = tpu.assume_multiple %mul3A_3273, 128 : i32
        %dma_start3A_3275 = arith.constant 7 : i32
        %dma_start3A_3276 = arith.constant 0 : i32
        %dma_start3A_3277 = arith.constant 0 : i32
        %dma_start3A_3278 = tpu.memref_slice %arg11[%dma_start3A_3275, %dma_start3A_3276, %dma_start3A_3277] : memref<8x32x128xf32, #tpu.memory_space<vmem>> -> memref<1x32x128xf32, #tpu.memory_space<vmem>>
        %dma_start3A_3279 = tpu.memref_squeeze %dma_start3A_3278 : memref<1x32x128xf32, #tpu.memory_space<vmem>> -> memref<32x128xf32, #tpu.memory_space<vmem>>
        %dma_start3A_3280 = arith.constant 0 : i32
        %dma_start3A_3281 = tpu.memref_slice %arg4[%dma_start3A_3280, %multiple_of3A_3247] : memref<32x1000000xf32, #tpu.memory_space<hbm>> -> memref<32x128xf32, #tpu.memory_space<hbm>>
        %dma_start3A_3282 = arith.constant 0 : i32
        %dma_start3A_3283 = arith.constant 0 : i32
        %dma_start3A_3284 = tpu.memref_slice %arg11[%dma_start3A_3275, %dma_start3A_3282, %dma_start3A_3283] : memref<8x32x128xf32, #tpu.memory_space<vmem>> -> memref<1x32x128xf32, #tpu.memory_space<vmem>>
        %dma_start3A_3285 = tpu.memref_squeeze %dma_start3A_3284 : memref<1x32x128xf32, #tpu.memory_space<vmem>> -> memref<32x128xf32, #tpu.memory_space<vmem>>
        %dma_start3A_3286 = arith.constant 0 : i32
        %dma_start3A_3287 = tpu.memref_slice %arg4[%dma_start3A_3286, %multiple_of3A_3247] : memref<32x1000000xf32, #tpu.memory_space<hbm>> -> memref<32x128xf32, #tpu.memory_space<hbm>>
        tpu.enqueue_dma source(%dma_start3A_3287 : memref<32x128xf32, #tpu.memory_space<hbm>>) target(%dma_start3A_3285 : memref<32x128xf32, #tpu.memory_space<vmem>>) target_semaphore(%arg24 : memref<!tpu.dma_semaphore, #tpu.memory_space<semaphore_mem>>)
        %dma_start3A_3288 = arith.constant 7 : i32
        %dma_start3A_3289 = arith.constant 0 : i32
        %dma_start3A_3290 = arith.constant 0 : i32
        %dma_start3A_3291 = tpu.memref_slice %arg12[%dma_start3A_3288, %dma_start3A_3289, %dma_start3A_3290] : memref<8x32x128xf32, #tpu.memory_space<vmem>> -> memref<1x32x128xf32, #tpu.memory_space<vmem>>
        %dma_start3A_3292 = tpu.memref_squeeze %dma_start3A_3291 : memref<1x32x128xf32, #tpu.memory_space<vmem>> -> memref<32x128xf32, #tpu.memory_space<vmem>>
        %dma_start3A_3293 = arith.constant 0 : i32
        %dma_start3A_3294 = tpu.memref_slice %arg5[%dma_start3A_3293, %multiple_of3A_3274] : memref<32x1000000xf32, #tpu.memory_space<hbm>> -> memref<32x128xf32, #tpu.memory_space<hbm>>
        %dma_start3A_3295 = arith.constant 0 : i32
        %dma_start3A_3296 = arith.constant 0 : i32
        %dma_start3A_3297 = tpu.memref_slice %arg12[%dma_start3A_3288, %dma_start3A_3295, %dma_start3A_3296] : memref<8x32x128xf32, #tpu.memory_space<vmem>> -> memref<1x32x128xf32, #tpu.memory_space<vmem>>
        %dma_start3A_3298 = tpu.memref_squeeze %dma_start3A_3297 : memref<1x32x128xf32, #tpu.memory_space<vmem>> -> memref<32x128xf32, #tpu.memory_space<vmem>>
        %dma_start3A_3299 = arith.constant 0 : i32
        %dma_start3A_3300 = tpu.memref_slice %arg5[%dma_start3A_3299, %multiple_of3A_3274] : memref<32x1000000xf32, #tpu.memory_space<hbm>> -> memref<32x128xf32, #tpu.memory_space<hbm>>
        tpu.enqueue_dma source(%dma_start3A_3300 : memref<32x128xf32, #tpu.memory_space<hbm>>) target(%dma_start3A_3298 : memref<32x128xf32, #tpu.memory_space<vmem>>) target_semaphore(%arg24 : memref<!tpu.dma_semaphore, #tpu.memory_space<semaphore_mem>>)
      } else {
      }
      %broadcast_in_dim3A_3143 = arith.constant 0 : i32
      %broadcast_in_dim3A_3144 = vector.broadcast %broadcast_in_dim3A_3143 : i32 to vector<16xi32>
      %gather3A_3145 = tpu.vector_load_idx %arg13[%iota3A, %broadcast_in_dim3A_3144] : memref<16x128xf32, #tpu.memory_space<vmem>>[vector<16xi32>, vector<16xi32>], vector<16xf32>,
      %add3A_3146 = arith.addf %get3A_5, %gather3A_3145 : vector<16xf32>
      %broadcast_in_dim3A_3147 = arith.constant 1 : i32
      %broadcast_in_dim3A_3148 = vector.broadcast %broadcast_in_dim3A_3147 : i32 to vector<16xi32>
      %gather3A_3149 = tpu.vector_load_idx %arg13[%iota3A, %broadcast_in_dim3A_3148] : memref<16x128xf32, #tpu.memory_space<vmem>>[vector<16xi32>, vector<16xi32>], vector<16xf32>,
      %add3A_3150 = arith.addf %add3A_3146, %gather3A_3149 : vector<16xf32>
      %broadcast_in_dim3A_3151 = arith.constant 2 : i32
      %broadcast_in_dim3A_3152 = vector.broadcast %broadcast_in_dim3A_3151 : i32 to vector<16xi32>
      %gather3A_3153 = tpu.vector_load_idx %arg13[%iota3A, %broadcast_in_dim3A_3152] : memref<16x128xf32, #tpu.memory_space<vmem>>[vector<16xi32>, vector<16xi32>], vector<16xf32>,
      %add3A_3154 = arith.addf %add3A_3150, %gather3A_3153 : vector<16xf32>
      %broadcast_in_dim3A_3155 = arith.constant 3 : i32
      %broadcast_in_dim3A_3156 = vector.broadcast %broadcast_in_dim3A_3155 : i32 to vector<16xi32>
      %gather3A_3157 = tpu.vector_load_idx %arg13[%iota3A, %broadcast_in_dim3A_3156] : memref<16x128xf32, #tpu.memory_space<vmem>>[vector<16xi32>, vector<16xi32>], vector<16xf32>,
      %add3A_3158 = arith.addf %add3A_3154, %gather3A_3157 : vector<16xf32>
      %broadcast_in_dim3A_3159 = arith.constant 4 : i32
      %broadcast_in_dim3A_3160 = vector.broadcast %broadcast_in_dim3A_3159 : i32 to vector<16xi32>
      %gather3A_3161 = tpu.vector_load_idx %arg13[%iota3A, %broadcast_in_dim3A_3160] : memref<16x128xf32, #tpu.memory_space<vmem>>[vector<16xi32>, vector<16xi32>], vector<16xf32>,
      %add3A_3162 = arith.addf %add3A_3158, %gather3A_3161 : vector<16xf32>
      %broadcast_in_dim3A_3163 = arith.constant 5 : i32
      %broadcast_in_dim3A_3164 = vector.broadcast %broadcast_in_dim3A_3163 : i32 to vector<16xi32>
      %gather3A_3165 = tpu.vector_load_idx %arg13[%iota3A, %broadcast_in_dim3A_3164] : memref<16x128xf32, #tpu.memory_space<vmem>>[vector<16xi32>, vector<16xi32>], vector<16xf32>,
      %add3A_3166 = arith.addf %add3A_3162, %gather3A_3165 : vector<16xf32>
      %broadcast_in_dim3A_3167 = arith.constant 6 : i32
      %broadcast_in_dim3A_3168 = vector.broadcast %broadcast_in_dim3A_3167 : i32 to vector<16xi32>
      %gather3A_3169 = tpu.vector_load_idx %arg13[%iota3A, %broadcast_in_dim3A_3168] : memref<16x128xf32, #tpu.memory_space<vmem>>[vector<16xi32>, vector<16xi32>], vector<16xf32>,
      %add3A_3170 = arith.addf %add3A_3166, %gather3A_3169 : vector<16xf32>
      %broadcast_in_dim3A_3171 = arith.constant 7 : i32
      %broadcast_in_dim3A_3172 = vector.broadcast %broadcast_in_dim3A_3171 : i32 to vector<16xi32>
      %gather3A_3173 = tpu.vector_load_idx %arg13[%iota3A, %broadcast_in_dim3A_3172] : memref<16x128xf32, #tpu.memory_space<vmem>>[vector<16xi32>, vector<16xi32>], vector<16xf32>,
      %add3A_3174 = arith.addf %add3A_3170, %gather3A_3173 : vector<16xf32>
      %broadcast_in_dim3A_3175 = arith.constant 8 : i32
      %broadcast_in_dim3A_3176 = vector.broadcast %broadcast_in_dim3A_3175 : i32 to vector<16xi32>
      %gather3A_3177 = tpu.vector_load_idx %arg13[%iota3A, %broadcast_in_dim3A_3176] : memref<16x128xf32, #tpu.memory_space<vmem>>[vector<16xi32>, vector<16xi32>], vector<16xf32>,
      %add3A_3178 = arith.addf %add3A_3174, %gather3A_3177 : vector<16xf32>
      %broadcast_in_dim3A_3179 = arith.constant 9 : i32
      %broadcast_in_dim3A_3180 = vector.broadcast %broadcast_in_dim3A_3179 : i32 to vector<16xi32>
      %gather3A_3181 = tpu.vector_load_idx %arg13[%iota3A, %broadcast_in_dim3A_3180] : memref<16x128xf32, #tpu.memory_space<vmem>>[vector<16xi32>, vector<16xi32>], vector<16xf32>,
      %add3A_3182 = arith.addf %add3A_3178, %gather3A_3181 : vector<16xf32>
      %broadcast_in_dim3A_3183 = arith.constant 10 : i32
      %broadcast_in_dim3A_3184 = vector.broadcast %broadcast_in_dim3A_3183 : i32 to vector<16xi32>
      %gather3A_3185 = tpu.vector_load_idx %arg13[%iota3A, %broadcast_in_dim3A_3184] : memref<16x128xf32, #tpu.memory_space<vmem>>[vector<16xi32>, vector<16xi32>], vector<16xf32>,
      %add3A_3186 = arith.addf %add3A_3182, %gather3A_3185 : vector<16xf32>
      %broadcast_in_dim3A_3187 = arith.constant 11 : i32
      %broadcast_in_dim3A_3188 = vector.broadcast %broadcast_in_dim3A_3187 : i32 to vector<16xi32>
      %gather3A_3189 = tpu.vector_load_idx %arg13[%iota3A, %broadcast_in_dim3A_3188] : memref<16x128xf32, #tpu.memory_space<vmem>>[vector<16xi32>, vector<16xi32>], vector<16xf32>,
      %add3A_3190 = arith.addf %add3A_3186, %gather3A_3189 : vector<16xf32>
      %broadcast_in_dim3A_3191 = arith.constant 12 : i32
      %broadcast_in_dim3A_3192 = vector.broadcast %broadcast_in_dim3A_3191 : i32 to vector<16xi32>
      %gather3A_3193 = tpu.vector_load_idx %arg13[%iota3A, %broadcast_in_dim3A_3192] : memref<16x128xf32, #tpu.memory_space<vmem>>[vector<16xi32>, vector<16xi32>], vector<16xf32>,
      %add3A_3194 = arith.addf %add3A_3190, %gather3A_3193 : vector<16xf32>
      %broadcast_in_dim3A_3195 = arith.constant 13 : i32
      %broadcast_in_dim3A_3196 = vector.broadcast %broadcast_in_dim3A_3195 : i32 to vector<16xi32>
      %gather3A_3197 = tpu.vector_load_idx %arg13[%iota3A, %broadcast_in_dim3A_3196] : memref<16x128xf32, #tpu.memory_space<vmem>>[vector<16xi32>, vector<16xi32>], vector<16xf32>,
      %add3A_3198 = arith.addf %add3A_3194, %gather3A_3197 : vector<16xf32>
      %broadcast_in_dim3A_3199 = arith.constant 14 : i32
      %broadcast_in_dim3A_3200 = vector.broadcast %broadcast_in_dim3A_3199 : i32 to vector<16xi32>
      %gather3A_3201 = tpu.vector_load_idx %arg13[%iota3A, %broadcast_in_dim3A_3200] : memref<16x128xf32, #tpu.memory_space<vmem>>[vector<16xi32>, vector<16xi32>], vector<16xf32>,
      %add3A_3202 = arith.addf %add3A_3198, %gather3A_3201 : vector<16xf32>
      %broadcast_in_dim3A_3203 = arith.constant 15 : i32
      %broadcast_in_dim3A_3204 = vector.broadcast %broadcast_in_dim3A_3203 : i32 to vector<16xi32>
      %gather3A_3205 = tpu.vector_load_idx %arg13[%iota3A, %broadcast_in_dim3A_3204] : memref<16x128xf32, #tpu.memory_space<vmem>>[vector<16xi32>, vector<16xi32>], vector<16xf32>,
      %add3A_3206 = arith.addf %add3A_3202, %gather3A_3205 : vector<16xf32>
      %neg3A = arith.constant 0.000000e+00 : f32
      %neg3A_3207 = vector.broadcast %neg3A : f32 to vector<16xf32>
      %neg3A_3208 = arith.subf %neg3A_3207, %add3A_3206 : vector<16xf32>
      %exp3A = math.exp %neg3A_3208 : vector<16xf32>
      %add3A_3209 = arith.constant 1.000000e+00 : f32
      %add3A_3210 = vector.broadcast %add3A_3209 : f32 to vector<16xf32>
      %add3A_3211 = arith.addf %add3A_3210, %exp3A : vector<16xf32>
      %div3A_3212 = arith.constant 1.000000e+00 : f32
      %div3A_3213 = vector.broadcast %div3A_3212 : f32 to vector<16xf32>
      %div3A_3214 = arith.divf %div3A_3213, %add3A_3211 : vector<16xf32>
      %swap3A_3215 = arith.index_cast %mul3A_678 : i32 to index
      %swap3A_3216 = tpu.vector_load %arg14[%swap3A_3215] {strides = array<i32>} : memref<512xf32, #tpu.memory_space<vmem>>, vector<16xf32>,
      tpu.vector_store %arg14[%swap3A_3215], %div3A_3214 {strides = array<i32>} : memref<512xf32, #tpu.memory_space<vmem>>, vector<16xf32>,
    }
    %scan3A_675 = arith.constant 32 : i32
    "tpu.region"() ({
      %run_scoped3A = tpu.sem_alloc : memref<!tpu.dma_semaphore, #tpu.memory_space<semaphore_mem>>
      %dma_start3A_676 = arith.constant 0 : i32
      %dma_start3A_677 = tpu.memref_slice %arg8[%add3A, %dma_start3A_676] : memref<32x512xf32, #tpu.memory_space<hbm>> -> memref<1x512xf32, #tpu.memory_space<hbm>>
      %dma_start3A_678 = tpu.memref_squeeze %dma_start3A_677 : memref<1x512xf32, #tpu.memory_space<hbm>> -> memref<512xf32, #tpu.memory_space<hbm>>
      %dma_start3A_679 = arith.constant 0 : i32
      %dma_start3A_680 = tpu.memref_slice %arg8[%add3A, %dma_start3A_679] : memref<32x512xf32, #tpu.memory_space<hbm>> -> memref<1x512xf32, #tpu.memory_space<hbm>>
      %dma_start3A_681 = tpu.memref_squeeze %dma_start3A_680 : memref<1x512xf32, #tpu.memory_space<hbm>> -> memref<512xf32, #tpu.memory_space<hbm>>
      tpu.enqueue_dma source(%arg14 : memref<512xf32, #tpu.memory_space<vmem>>) target(%dma_start3A_681 : memref<512xf32, #tpu.memory_space<hbm>>) target_semaphore(%run_scoped3A : memref<!tpu.dma_semaphore, #tpu.memory_space<semaphore_mem>>)
      %dma_wait3A = arith.constant 0 : i32
      %dma_wait3A_682 = tpu.memref_slice %arg8[%add3A, %dma_wait3A] : memref<32x512xf32, #tpu.memory_space<hbm>> -> memref<1x512xf32, #tpu.memory_space<hbm>>
      %dma_wait3A_683 = tpu.memref_squeeze %dma_wait3A_682 : memref<1x512xf32, #tpu.memory_space<hbm>> -> memref<512xf32, #tpu.memory_space<hbm>>
      %dma_wait3A_684 = arith.constant 0 : i32
      %dma_wait3A_685 = tpu.memref_slice %arg8[%add3A, %dma_wait3A_684] : memref<32x512xf32, #tpu.memory_space<hbm>> -> memref<1x512xf32, #tpu.memory_space<hbm>>
      %dma_wait3A_686 = tpu.memref_squeeze %dma_wait3A_685 : memref<1x512xf32, #tpu.memory_space<hbm>> -> memref<512xf32, #tpu.memory_space<hbm>>
      tpu.wait_dma2 semaphore(%run_scoped3A : memref<!tpu.dma_semaphore, #tpu.memory_space<semaphore_mem>>) src(%arg14 : memref<512xf32, #tpu.memory_space<vmem>>) dst(%dma_wait3A_686 : memref<512xf32, #tpu.memory_space<hbm>>)
      tpu.yield
    }) : () -> ()
    return
  }
}

</mosaic_0001>

<sc_bundles>
// kernel: _gmf.3.cloned.1.call-start
scs
__scs_entry_jumppad:
0x0: {  	(pc) =	sbr.rel $0x88, $3  }
0x1: {  	(tag) =	ssettag $0x0;
	lr =	simm.s32 $0x1  }
0x2: {  	[smem:$0x3F9B] =	sst lr;
	_ =	strace $0xD0000000  }
0x3: {  	_ = 	snop  }
0x4: {  	_ = 	snop  }
0x5: {  	_ = 	snop  }
0x6: {  	_ = 	snop  }
0x7: {  	_ = 	snop  }
__scs_overlays_trampoline_lowered:
0x8: {  	[smem:$0x3FAA] =	sst s0  }
0x9: {  	[smem:$0x3FAB] =	sst s1  }
0xa: {  	[smem:$0x3FAC] =	sst s2  }
0xb: {  	[smem:$0x3FAD] =	sst s3  }
0xc: {  	[smem:$0x3FAE] =	sst s4  }
0xd: {  	[smem:$0x3FAF] =	sst s5  }
0xe: {  	[smem:$0x3FB0] =	sst s6  }
0xf: {  	[smem:$0x3FB1] =	sst s7  }
0x10: {  	[smem:$0x3FB2] =	sst s8  }
0x11: {  	[smem:$0x3FB3] =	sst s9;
	s0 =	simm.s32 @!p0 $0x0  }
0x12: {  	s1 =	sld [smem:$0x3F99];
	s0 =	simm.s32 @p0 $0x1  }
0x13: {  	[smem:$0x3FB4] =	sst s0;
	s0 =	simm.s32 @!p1 $0x0  }
0x14: {  	s2 =	sld [smem:$0x3F98];
	s0 =	simm.s32 @p1 $0x1  }
0x15: {  	[smem:$0x3FB5] =	sst s0;
	s0 =	simm.s32 @!p2 $0x0  }
0x16: {  	s3 =	sld [smem:$0x3FDB];
	s0 =	simm.s32 @p2 $0x1  }
0x17: {  	s4 =	simm.s32 $0x1BF5;
	[smem:$0x3FB7] =	sst s0  }
0x18: {  	s0 =	sld [smem:$0x3F9A];
	_ =	swait.ge [sflag:s4], $0x0  }
0x19: {  	s7 =	sld [smem:$0x3F9B]  }
0x1a: {  	s8 =	sadd.s32 $0xFFFFE003, lr  }
0x1b: {  	s9 =	sadd.s32 $0xFFFFFEF7, lr;
	s5 =	simm.s32 $0xFFFFFFFF;
	p2 =	slt.u32 s8, $0xFFFFF086  }
0x1c: {  	p1 =	slt.u32 s9, $0xF7A;
	s5 =	simm.s32 @!p2 $0x0  }
0x1d: {  	s5 =	simm.s32 @p1 $0x1;
	p0 =	seq.s32 s7, s2  }
0x1e: {  	s7 =	smul.u32 @!p0 $0xF7A, s2;
	p2 =	seq.s32 @!p0 s5, $0x0  }
0x1f: {  	s9 =	smul.u32 $0xF7A, s1;
	s8 =	simm.s32 @!p0 $0x1BF5;
	p2 =	por !p2, p0  }
0x20: {  	[sflag:s8] =	ssyncset.s32 @!p0 $0xFFFFF086;
	s6 =	sadd.s32 @!p0 s3, s7;
	s7 =	simm.s32 @!p0 $0x108  }
0x21: {  	s3 =	sadd.s32 s3, s9;
	s6 =	sadd.s32 @!p0 $0x88, s6;
	s7 =	simm.s32 @p2 $0x1082  }
0x22: {  	[simem:s7], [sflag:s8] =	dma.local @!p0 [hbm:s6], $0xF7A  }
0x23: {  	s9 =	sor.u32 $0xD0000000, s2;
	s6 =	simm.s32 $0x108;
	_ =	swait.ge @!p0 [sflag:s8], $0x0  }
0x24: {  	s3 =	sadd.s32 $0x88, s3;
	s6 =	simm.s32 @!p1 $0x1082;
	[sflag:s4] =	ssyncset.s32 $0xFFFFF086  }
0x25: {  	[simem:s6], [sflag:s4] =	dma.local [hbm:s3], $0xF7A  }
0x26: {  	[smem:$0x3F9B] =	sst s1;
	(tag) =	ssettag s2;
	_ =	strace s9  }
0x27: {  	s1 =	sld [smem:$0x3FAB]  }
0x28: {  	s2 =	sld [smem:$0x3FAC]  }
0x29: {  	s4 =	sld [smem:$0x3FAE]  }
0x2a: {  	p0 =	seq.s32 s5, $0x0;
	s5 =	sld [smem:$0x3FAF]  }
0x2b: {  	s6 =	sld [smem:$0x3FB0]  }
0x2c: {  	s7 =	sld [smem:$0x3FB1]  }
0x2d: {  	s3 =	simm.s32 $0x108;
	s8 =	sld [smem:$0x3FB2]  }
0x2e: {  	s3 =	simm.s32 @!p0 $0x1082;
	s9 =	sld [smem:$0x3FB3]  }
0x2f: {  	lr =	sadd.s32 s0, s3;
	s0 =	sld [smem:$0x3FAA]  }
0x30: {  	s3 =	sld [smem:$0x3FAD]  }
0x31: {  	[smem:$0x3FB6] =	sst s10  }
0x32: {  	s10 =	sld [smem:$0x3FB4];
	_ =	sdelay $0x3  }
0x33: {  	p0 =	seq.s32 s10, $0x1;
	s10 =	sld [smem:$0x3FB6];
	_ =	sdelay $0x3  }
0x34: {  	[smem:$0x3FB6] =	sst s10  }
0x35: {  	s10 =	sld [smem:$0x3FB5];
	_ =	sdelay $0x3  }
0x36: {  	p1 =	seq.s32 s10, $0x1;
	s10 =	sld [smem:$0x3FB6];
	_ =	sdelay $0x3  }
0x37: {  	[smem:$0x3FB6] =	sst s10  }
0x38: {  	s10 =	sld [smem:$0x3FB7]  }
0x39: {  	_ = 	snop;
	(pc) =	sbr.ind lr, $3  }
0x3a: {  	_ = 	snop  }
0x3b: {  	_ = 	snop  }
0x3c: {  	p2 =	seq.s32 s10, $0x1;
	s10 =	sld [smem:$0x3FB6]  }
0x3d: {  	_ =	shalt  }
0x3e: {  	_ =	shalt  }
0x3f: {  	_ =	shalt  }
0x40: {  	_ =	shalt  }
0x41: {  	_ =	shalt  }
0x42: {  	_ =	shalt  }
0x43: {  	_ =	shalt  }
0x44: {  	_ =	shalt  }
0x45: {  	_ =	shalt  }
0x46: {  	_ =	shalt  }
0x47: {  	_ =	shalt  }
0x48: {  	_ =	shalt  }
0x49: {  	_ =	shalt  }
0x4a: {  	_ =	shalt  }
0x4b: {  	_ =	shalt  }
0x4c: {  	_ =	shalt  }
0x4d: {  	_ =	shalt  }
0x4e: {  	_ =	shalt  }
0x4f: {  	_ =	shalt  }
0x50: {  	_ =	shalt  }
0x51: {  	_ =	shalt  }
0x52: {  	_ =	shalt  }
0x53: {  	_ =	shalt  }
0x54: {  	_ =	shalt  }
0x55: {  	_ =	shalt  }
0x56: {  	_ =	shalt  }
0x57: {  	_ =	shalt  }
0x58: {  	_ =	shalt  }
0x59: {  	_ =	shalt  }
0x5a: {  	_ =	shalt  }
0x5b: {  	_ =	shalt  }
0x5c: {  	_ =	shalt  }
0x5d: {  	_ =	shalt  }
0x5e: {  	_ =	shalt  }
0x5f: {  	_ =	shalt  }
0x60: {  	_ =	shalt  }
0x61: {  	_ =	shalt  }
0x62: {  	_ =	shalt  }
0x63: {  	_ =	shalt  }
0x64: {  	_ =	shalt  }
0x65: {  	_ =	shalt  }
0x66: {  	_ =	shalt  }
0x67: {  	_ =	shalt  }
0x68: {  	_ =	shalt  }
0x69: {  	_ =	shalt  }
0x6a: {  	_ =	shalt  }
0x6b: {  	_ =	shalt  }
0x6c: {  	_ =	shalt  }
0x6d: {  	_ =	shalt  }
0x6e: {  	_ =	shalt  }
0x6f: {  	_ =	shalt  }
0x70: {  	_ =	shalt  }
0x71: {  	_ =	shalt  }
0x72: {  	_ =	shalt  }
0x73: {  	_ =	shalt  }
0x74: {  	_ =	shalt  }
0x75: {  	_ =	shalt  }
0x76: {  	_ =	shalt  }
0x77: {  	_ =	shalt  }
0x78: {  	_ =	shalt  }
0x79: {  	_ =	shalt  }
0x7a: {  	_ =	shalt  }
0x7b: {  	_ =	shalt  }
0x7c: {  	_ =	shalt  }
0x7d: {  	_ =	shalt  }
0x7e: {  	_ =	shalt  }
0x7f: {  	_ =	shalt  }
0x80: {  	_ =	shalt  }
0x81: {  	_ =	shalt  }
0x82: {  	_ =	shalt  }
0x83: {  	_ =	shalt  }
0x84: {  	_ =	shalt  }
0x85: {  	_ =	shalt  }
0x86: {  	_ =	shalt  }
0x87: {  	_ =	shalt  }
.Lfunc_end0:
.L_simem_size_0:
called_computation_lowered:
.L_overlay_start_0:
0x88: {  	s2 =	sld [smem:$0x3FD9]  }
0x89: {  	s3 =	sld [smem:$0x3FFE];
	_ =	sdelay $0x1  }
0x8a: {  	s1 =	srdreg.scid  }
0x8b: {  	s0 =	sand.u32 $0x1, s1  }
0x8c: {  	s18 =	sshll.u32 s0, $0xA;
	s2 =	sadd.s32 s3, s2  }
0x8d: {  	s2 =	sadd.s32 s2, s18  }
0x8e: {  	[smem:$0x3FC2] =	sst s2  }
0x8f: {  	_ = 	snop  }
0x90: {  	s2 =	sld [smem:$0x3FC9]  }
0x91: {  	s19 =	sld [smem:$0x3FC8]  }
0x92: {  	s4 =	sld [smem:$0x3FC7]  }
0x93: {  	s5 =	sld [smem:$0x3FC6]  }
0x94: {  	s6 =	sld [smem:$0x3FC5]  }
0x95: {  	s7 =	sld [smem:$0x3FC4]  }
0x96: {  	s8 =	sld [smem:$0x3FD0];
	(tm) =	ssettm $0x1  }
0x97: {  	s9 =	sld [smem:$0x3FFB];
	_ =	sdelay $0x3  }
0x98: {  	_ =	strace s9  }
0x99: {  	s9 =	sld [smem:$0x3FFC];
	_ =	sdelay $0x3  }
0x9a: {  	_ =	strace s9  }
0x9b: {  	s9 =	sld [smem:$0x3FFD];
	_ =	sdelay $0x3  }
0x9c: {  	_ =	strace s9  }
0x9d: {  	_ =	strace $0x8FFFFFFF  }
0x9e: {  	s20 =	sld [smem:$0x3FDB];
	_ =	sdelay $0x1  }
0x9f: {  	s10 =	simm.s32 $_scs_section_size  }
0xa0: {  	s11 =	simm.s32 $_size__tile_overlayer_lowered;
	s12 =	simm.s32 $_tile_overlayer_lowered  }
0xa1: {  	s23 =	simm.s32 $0x1BFF;
	s22 =	sshll.u32 s12, $0x1;
	s9 =	sadd.s32 s10, s20  }
0xa2: {  	s13 =	simm.s32 $0x0;
	s21 =	sshll.u32 s11, $0x1;
	s11 =	sadd.s32 s22, s9  }
0xa3: {  	[timem:s13], [sflag:s23] =	dma.local [hbm:s11], s21  }
0xa4: {  	_ =	swait.ge [sflag:s23], s21  }
0xa5: {  	s10 =	ssub.s32 $0x0, s21;
	[sflag:s23] =	ssyncset.done $0x0  }
0xa6: {  	[sflag:s23] =	ssyncadd.s32 s10;
	_ =	sdelay $0x1  }
0xa7: {  	s24 =	simm.s32 $0x1B8B  }
0xa8: {  	_ =	swait.ge [sflag:s24], $0x1  }
0xa9: {  	[sflag:s24] =	ssyncset.done $0x0  }
0xaa: {  	s25 =	simm.s32 $0x1B8E;
	[sflag:s24] =	ssyncadd.s32 $0xFFFFFFFF  }
0xab: {  	s26 =	simm.s32 $execute0_lowered;
	[smem:$0x3FD2] =	sst s25  }
0xac: {  	s10 =	sshll.u32 s26, $0x1;
	_ =	strace $0x80000046;
	[dreg:$0x1] =	wrdreg $0xFFFFFFFF  }
0xad: {  	s28 =	simm.s32 $_size_execute0_lowered;
	s9 =	sadd.s32 s9, s10;
	[dreg:$0x0] =	wrdreg $0x0  }
0xae: {  	s10 =	sshll.u32 s28, $0x1;
	[dreg:$0x2] =	wrdreg s9  }
0xaf: {  	[dreg:$0x3] =	wrdreg s10  }
0xb0: {  	[dreg:$0x4] =	wrdreg $0xC0  }
0xb1: {  	_ =	task [dreg:s13], $0x5FFFF  }
0xb2: {  	[dreg:$0x1] =	wrdreg $0xFFFFFFFF  }
0xb3: {  	[dreg:$0x0] =	wrdreg $0x60  }
0xb4: {  	[dreg:$0x2] =	wrdreg s2  }
0xb5: {  	[dreg:$0x3] =	wrdreg s19  }
0xb6: {  	[dreg:$0x4] =	wrdreg s4  }
0xb7: {  	[dreg:$0x5] =	wrdreg s5  }
0xb8: {  	[dreg:$0x6] =	wrdreg s6  }
0xb9: {  	[dreg:$0x7] =	wrdreg s7  }
0xba: {  	[dreg:$0x8] =	wrdreg s8  }
0xbb: {  	[dreg:$0x9] =	wrdreg $0x9  }
0xbc: {  	_ =	task.clear_ibuf [dreg:s13], $0xAFFFF;
	_ =	strace $0x90000046  }
0xbd: {  	s29 =	simm.s32 $0x9;
	_ =	strace $0x80000048  }
0xbe: {  	_ =	swait.ge [sflag:s29], $0x1  }
0xbf: {  	[sflag:s29] =	ssyncadd.s32 $0xFFFFFFFF  }
0xc0: {  	_ =	strace $0x90000048  }
0xc1: {  	_ =	sfence  }
0xc2: {  	s30 =	sld [smem:$0x0];
	_ =	sdelay $0x2  }
0xc3: {  	s31 =	sshll.u32 s1, $0xD;
	s1 =	sshrl.u32 s1, $0x2  }
0xc4: {  	s3 =	sand.u32 $0x4000, s31;
	s1 =	sadd.s32 s1, s30  }
0xc5: {  	s0 =	sor.u32 s3, s0;
	s1 =	sshll.u32 s1, $0x11  }
0xc6: {  	s0 =	sor.u32 s1, s0  }
0xc7: {  	s0 =	sadd.s32 $0x8F2B, s0  }
0xc8: {  	[sflag:s0] =	ssyncadd.remote.s32 $0x1  }
0xc9: {  	_ =	sfence.sel $0xFFFF  }
0xca: {  	[dreg:$0x0] =	wrdreg $0xFFFFFFFF;
	(pc) =	sbr.abs _section_cstart, $3  }
0xcb: {  	[dreg:$0x1] =	wrdreg $0xFFFFFFFF  }
0xcc: {  	_ =	task.clear_ibuf [dreg:s13], $0x2FFFF;
	_ =	strace $0x9FFFFFFF  }
0xcd: {  	(tm) =	ssettm $0x7FFFFFFF  }
tec
execute0_lowered:
.L_overlay_start_1:
0x0: {  	(tag) =	ssettag $0x1  }
0x1: {  	s0 =	rddreg [dreg:$0x0]  }
0x2: {  	s3 =	rddreg [dreg:$0x1]  }
0x3: {  	s2 =	rddreg [dreg:$0x2]  }
0x4: {  	s1 =	rddreg [dreg:$0x3]  }
0x5: {  	s4 =	rddreg [dreg:$0x6]  }
0x6: {  	s5 =	srdreg.scid;
	s6 =	simm.s32 $0x0;
	s8 =	stileid.u32  }
0x7: {  	s14 =	simm.s32 $0x1;
	s29 =	simm.s32 $0x1400;
	s13 =	simm.s32 $0x9400  }
0x8: {  	s30 =	simm.s32 $0x2400;
	s15 =	simm.s32 $0xA400;
	s31 =	simm.s32 $0x3400  }
0x9: {  	s16 =	simm.s32 $0xB400;
	s18 =	simm.s32 $0x4400;
	s19 =	simm.s32 $0xC400  }
0xa: {  	s20 =	simm.s32 $0x5400;
	s21 =	simm.s32 $0xD400;
	s22 =	simm.s32 $0x6400  }
0xb: {  	s23 =	simm.s32 $0xE400;
	s11 =	simm.s32 $0x7;
	s17 =	simm.s32 $0x8  }
0xc: {  	s5 =	sand.u32 $0x1, s5;
	[smem:$0x7FF] =	sst s6;
	s7 =	sshll.u32 s8, $0x5  }
0xd: {  	v0 =	vlaneseq.u32;
	s8 =	sshll.u32 s8, $0x7;
	s24 =	ssub.s32 $0x2, s5;
	s5 =	sshll.u32 s5, $0x4  }
0xe: {  	v0 =	vmul.u32 $0x80, v0;
	s7 =	sand.u32 $0x60, s7;
	s8 =	sand.u32 $0x600, s8;
	_ =	strace $0x80000047  }
0xf: {  	s9 =	sshrl.u32 s24, $0x1;
	s5 =	sor.u32 s5, s7;
	s7 =	simm.s32 $0x8400  }
0x10: {  	v1 =	vor.u32 $0x800, v0;
	s6 =	ssub.s32 s24, s9;
	s5 =	sor.u32 s8, s5;
	s9 =	simm.s32 $0x7A1400  }
0x11: {  	v2 =	vor.u32 $0x1, v0;
	v3 =	vor.u32 $0x2, v0;
	v4 =	vor.u32 $0x3, v0;
	s24 =	simm.s32 $0x7400;
	s8 =	simm.s32 $0x3;
	s0 =	sadd.s32 s0, s5  }
0x12: {  	v5 =	vor.u32 $0x4, v0;
	v6 =	vor.u32 $0x5, v0;
	v7 =	vor.u32 $0x6, v0;
	s25 =	sadd.s32 s3, s5;
	s26 =	sadd.s32 s4, s5;
	[dreg:$0x8] =	wrdreg s0  }
0x13: {  	v8 =	vor.u32 $0x7, v0;
	v9 =	vor.u32 $0x8, v0;
	v10 =	vor.u32 $0x9, v0;
	s28 =	smax.u32 s6, $0x1;
	s4 =	simm.s32 $0x80;
	[dreg:$0x9] =	wrdreg s25  }
0x14: {  	v11 =	vor.u32 $0xA, v0;
	v12 =	vor.u32 $0xB, v0;
	v13 =	vor.u32 $0xC, v0;
	s5 =	simm.s32 $0x9;
	s3 =	simm.s32 $0x0;
	[dreg:$0xa] =	wrdreg s26  }
0x15: {  	v14 =	vor.u32 $0xD, v0;
	v15 =	vor.u32 $0xE, v0;
	v16 =	vor.u32 $0xF, v0;
	[dreg:$0xb] =	wrdreg s28;
	s25 =	simm.s32 $0xF400;
	s26 =	simm.s32 $0x2  }
.LBB2_1:
0x16: {  	[dreg:$0xc] =	wrdreg s3  }
0x17: {  	s3 =	simm.s32 $0x0;
	s0 =	rddreg [dreg:$0x8];
	s10 =	simm.s32 $0x400  }
0x18: {  	[tilespmem:s3], [sflag:$0x9] =	stream.strided.gather [hbm4b:s0+s4], $0x200, s10, s4, $0x38;
	[tilespmem:$0x10F00] =	vst v63  }
0x19: {  	_ =	swait.ge [sflag:s5], $0x200  }
0x1a: {  	[sflag:s5] =	ssyncset.done $0x0  }
0x1b: {  	s28 =	simm.s32 $0x200;
	s12 =	rddreg [dreg:$0x9];
	[sflag:s5] =	ssyncadd.s32 $0xFFFFFE00  }
0x1c: {  	[tilespmem:s28], [sflag:$0x9] =	stream.strided.gather [hbm4b:s12+s4], $0x200, s10, s4, $0x38;
	[tilespmem:$0x10F00] =	vst v63  }
0x1d: {  	_ =	swait.ge [sflag:s5], $0x200  }
0x1e: {  	[sflag:s5] =	ssyncset.done $0x0  }
0x1f: {  	[sflag:s5] =	ssyncadd.s32 $0xFFFFFE00  }
0x20: {  	s12 =	simm.s32 $0x10E00;
	s6 =	rddreg [dreg:$0x4]  }
0x21: {  	[tilespmem:s12], [sflag:$0x9] =	stream.linear.gather [hbm4b:s6+s3], $0x80, $0x38;
	[tilespmem:$0x10F00] =	vst v63  }
0x22: {  	_ =	swait.ge [sflag:s5], $0x80  }
0x23: {  	[sflag:s5] =	ssyncset.done $0x0  }
0x24: {  	[sflag:s5] =	ssyncadd.s32 $0xFFFFFF80  }
0x25: {  	s6 =	simm.s32 $0x10E80;
	s4 =	rddreg [dreg:$0x5]  }
0x26: {  	[tilespmem:s6], [sflag:$0x9] =	stream.linear.gather [hbm4b:s4+s3], $0x80, $0x38;
	[tilespmem:$0x10F00] =	vst v63  }
0x27: {  	_ =	swait.ge [sflag:s5], $0x80  }
0x28: {  	[sflag:s5] =	ssyncset.done $0x0  }
0x29: {  	[sflag:s5] =	ssyncadd.s32 $0xFFFFFF80  }
0x2a: {  	v21 =	vld [tilespmem:$0x200];
	_ =	sdelay $0x2  }
0x2b: {  	v20 =	vld [tilespmem:$0x0];
	_ =	sdelay $0x1  }
0x2c: {  	(v2sf) =	vpush v21, $0x0;
	_ =	sdelay $0x2  }
0x2d: {  	(v2sf) =	vpush v20, $0x0;
	_ =	sdelay $0xa  }
0x2e: {  	(v2sf) =	vpush v21, $0x1  }
0x2f: {  	s0 =	spop (v2sf);
	(v2sf) =	vpush v20, $0x1;
	_ =	sdelay $0x2  }
0x30: {  	s12 =	sand.u32 $0x7F, s0;
	s5 =	spop (v2sf)  }
0x31: {  	p0 =	sne.s32 s12, $0x0;
	s4 =	sand.u32 $0x7F, s5  }
0x32: {  	s12 =	sshra.s32 s5, $0x1F;
	p2 =	slt.s32 s5, $0x1;
	p1 =	sne.s32 s4, $0x0  }
0x33: {  	s3 =	sshrl.u32 s12, $0x19;
	p1 =	por !p2, !p1  }
0x34: {  	s3 =	sadd.s32 s3, s5;
	s5 =	simm.s32 $0x1;
	p1 =	por !p1, !p1  }
0x35: {  	s6 =	sshra.s32 s0, $0x1F;
	s3 =	sshrl.u32 s3, $0x7;
	s5 =	simm.s32 @!p1 $0x0  }
0x36: {  	p6 =	slt.s32 s0, $0x1;
	s6 =	sshrl.u32 s6, $0x19;
	s3 =	ssub.s32 s3, s5  }
0x37: {  	s0 =	sadd.s32 s6, s0;
	p0 =	por !p6, !p0;
	s3 =	sshll.u32 s3, $0x7  }
0x38: {  	v17 =	vld [tilespmem:$0x10E00];
	p0 =	por !p0, !p0;
	s5 =	simm.s32 $0x1;
	s3 =	sand.u32 $0x1FFFFF80, s3  }
0x39: {  	v18 =	vld [tilespmem:$0x10E10];
	s0 =	sshrl.u32 s0, $0x7;
	s5 =	simm.s32 @!p0 $0x0;
	s3 =	sadd.s32 s2, s3  }
0x3a: {  	v19 =	vld [tilespmem:$0x10E80];
	(v2sf) =	vpush v21, $0x2;
	[tilespmem:s10], [sflag:$0x1] =	stream.strided.gather [hbm4b:s3+s10], $0x1000, s9, s10, $0x38  }
0x3b: {  	s0 =	ssub.s32 s0, s5;
	s3 =	spop (v2sf)  }
0x3c: {  	s0 =	sshll.u32 s0, $0x7;
	s5 =	spop (v2sf);
	(v2sf) =	vpush v20, $0x2  }
0x3d: {  	s0 =	sand.u32 $0x1FFFFF80, s0  }
0x3e: {  	s0 =	sadd.s32 s1, s0  }
0x3f: {  	s4 =	sand.u32 $0x7F, s3;
	s6 =	sshra.s32 s3, $0x1F;
	p6 =	slt.s32 s3, $0x1  }
0x40: {  	[tilespmem:s7], [sflag:$0x1] =	stream.strided.gather [hbm4b:s0+s10], $0x1000, s9, s10, $0x38;
	[tilespmem:$0x10F00] =	vst v63  }
0x41: {  	p3 =	sne.s32 s4, $0x0;
	s6 =	sshrl.u32 s6, $0x19;
	s12 =	sand.u32 $0x7F, s5  }
0x42: {  	s4 =	sshra.s32 s5, $0x1F;
	p5 =	slt.s32 s5, $0x1;
	p4 =	sne.s32 s12, $0x0  }
0x43: {  	s3 =	sadd.s32 s6, s3;
	s0 =	sshrl.u32 s4, $0x19;
	p1 =	por !p5, !p4  }
0x44: {  	s0 =	sadd.s32 s0, s5;
	s5 =	simm.s32 $0x1;
	p1 =	por !p1, !p1  }
0x45: {  	p0 =	por !p6, !p3;
	s0 =	sshrl.u32 s0, $0x7;
	s5 =	simm.s32 @!p1 $0x0  }
0x46: {  	p0 =	por !p0, !p0;
	s0 =	ssub.s32 s0, s5;
	s5 =	simm.s32 $0x1  }
0x47: {  	s3 =	sshrl.u32 s3, $0x7;
	s5 =	simm.s32 @!p0 $0x0  }
0x48: {  	s3 =	ssub.s32 s3, s5  }
0x49: {  	s0 =	sshll.u32 s0, $0x7;
	s6 =	sshll.u32 s3, $0x7;
	s3 =	spop (v2sf);
	(v2sf) =	vpush v21, $0x3  }
0x4a: {  	s0 =	sand.u32 $0x1FFFFF80, s0  }
0x4b: {  	s0 =	sadd.s32 s2, s0;
	s5 =	spop (v2sf);
	(v2sf) =	vpush v20, $0x3  }
0x4c: {  	[tilespmem:s29], [sflag:$0x2] =	stream.strided.gather [hbm4b:s0+s10], $0x1000, s9, s10, $0x38;
	[tilespmem:$0x10F00] =	vst v63  }
0x4d: {  	s0 =	sand.u32 $0x1FFFFF80, s6;
	s12 =	sand.u32 $0x7F, s3  }
0x4e: {  	p6 =	slt.s32 s3, $0x1;
	s0 =	sadd.s32 s1, s0;
	p3 =	sne.s32 s12, $0x0  }
0x4f: {  	[tilespmem:s13], [sflag:$0x2] =	stream.strided.gather [hbm4b:s0+s10], $0x1000, s9, s10, $0x38;
	[tilespmem:$0x10F00] =	vst v63  }
0x50: {  	s13 =	sshra.s32 s3, $0x1F;
	p0 =	por !p6, !p3;
	s4 =	sand.u32 $0x7F, s5  }
0x51: {  	s12 =	sshra.s32 s5, $0x1F;
	p5 =	slt.s32 s5, $0x1;
	p4 =	sne.s32 s4, $0x0  }
0x52: {  	s6 =	sshrl.u32 s13, $0x19;
	s0 =	sshrl.u32 s12, $0x19;
	p1 =	por !p5, !p4  }
0x53: {  	s0 =	sadd.s32 s0, s5;
	s5 =	simm.s32 $0x1;
	p1 =	por !p1, !p1  }
0x54: {  	p0 =	por !p0, !p0;
	s0 =	sshrl.u32 s0, $0x7;
	s5 =	simm.s32 @!p1 $0x0  }
0x55: {  	s3 =	sadd.s32 s6, s3;
	s0 =	ssub.s32 s0, s5;
	s5 =	simm.s32 $0x1  }
0x56: {  	s3 =	sshrl.u32 s3, $0x7;
	s5 =	simm.s32 @!p0 $0x0  }
0x57: {  	s3 =	ssub.s32 s3, s5  }
0x58: {  	s13 =	sshll.u32 s3, $0x7;
	s3 =	spop (v2sf);
	(v2sf) =	vpush v21, $0x4  }
0x59: {  	s0 =	sshll.u32 s0, $0x7  }
0x5a: {  	s0 =	sand.u32 $0x1FFFFF80, s0;
	s4 =	spop (v2sf);
	(v2sf) =	vpush v20, $0x4  }
0x5b: {  	s0 =	sadd.s32 s2, s0  }
0x5c: {  	[tilespmem:s30], [sflag:$0x3] =	stream.strided.gather [hbm4b:s0+s10], $0x1000, s9, s10, $0x38;
	[tilespmem:$0x10F00] =	vst v63  }
0x5d: {  	s0 =	sand.u32 $0x1FFFFF80, s13  }
0x5e: {  	s5 =	simm.s32 $0x1;
	s0 =	sadd.s32 s1, s0  }
0x5f: {  	[tilespmem:s15], [sflag:$0x3] =	stream.strided.gather [hbm4b:s0+s10], $0x1000, s9, s10, $0x38;
	[tilespmem:$0x10F00] =	vst v63  }
0x60: {  	s12 =	sshra.s32 s3, $0x1F;
	p6 =	slt.s32 s3, $0x1;
	s15 =	sand.u32 $0x7F, s3  }
0x61: {  	s6 =	sshrl.u32 s12, $0x19;
	p3 =	sne.s32 s15, $0x0;
	s13 =	sand.u32 $0x7F, s4  }
0x62: {  	s15 =	sshra.s32 s4, $0x1F;
	p5 =	slt.s32 s4, $0x1;
	p4 =	sne.s32 s13, $0x0  }
0x63: {  	s3 =	sadd.s32 s6, s3;
	s0 =	sshrl.u32 s15, $0x19;
	p1 =	por !p5, !p4  }
0x64: {  	s3 =	sshrl.u32 s3, $0x7;
	s0 =	sadd.s32 s0, s4;
	p1 =	por !p1, !p1  }
0x65: {  	p0 =	por !p6, !p3;
	s0 =	sshrl.u32 s0, $0x7;
	s5 =	simm.s32 @!p1 $0x0  }
0x66: {  	p0 =	por !p0, !p0;
	s0 =	ssub.s32 s0, s5;
	s5 =	simm.s32 $0x1  }
0x67: {  	s0 =	sshll.u32 s0, $0x7;
	s5 =	simm.s32 @!p0 $0x0;
	s4 =	spop (v2sf);
	(v2sf) =	vpush v21, $0x5  }
0x68: {  	s0 =	sand.u32 $0x1FFFFF80, s0;
	s3 =	ssub.s32 s3, s5  }
0x69: {  	s0 =	sadd.s32 s2, s0;
	s3 =	sshll.u32 s3, $0x7;
	s12 =	spop (v2sf);
	(v2sf) =	vpush v20, $0x5  }
0x6a: {  	[tilespmem:s31], [sflag:$0x4] =	stream.strided.gather [hbm4b:s0+s10], $0x1000, s9, s10, $0x38;
	[tilespmem:$0x10F00] =	vst v63  }
0x6b: {  	s5 =	simm.s32 $0x1;
	s0 =	sand.u32 $0x1FFFFF80, s3  }
0x6c: {  	s6 =	sand.u32 $0x7F, s4;
	s13 =	sshra.s32 s4, $0x1F;
	s0 =	sadd.s32 s1, s0  }
0x6d: {  	[tilespmem:s16], [sflag:$0x4] =	stream.strided.gather [hbm4b:s0+s10], $0x1000, s9, s10, $0x38;
	[tilespmem:$0x10F00] =	vst v63  }
0x6e: {  	p6 =	slt.s32 s4, $0x1;
	p3 =	sne.s32 s6, $0x0;
	s15 =	sand.u32 $0x7F, s12  }
0x6f: {  	s16 =	sshra.s32 s12, $0x1F;
	p5 =	slt.s32 s12, $0x1;
	p4 =	sne.s32 s15, $0x0  }
0x70: {  	s6 =	sshrl.u32 s13, $0x19;
	s0 =	sshrl.u32 s16, $0x19;
	p1 =	por !p5, !p4  }
0x71: {  	s3 =	sadd.s32 s6, s4;
	s0 =	sadd.s32 s0, s12;
	p1 =	por !p1, !p1  }
0x72: {  	p0 =	por !p6, !p3;
	s0 =	sshrl.u32 s0, $0x7;
	s5 =	simm.s32 @!p1 $0x0  }
0x73: {  	p0 =	por !p0, !p0;
	s0 =	ssub.s32 s0, s5;
	s5 =	simm.s32 $0x1  }
0x74: {  	s3 =	sshrl.u32 s3, $0x7;
	s0 =	sshll.u32 s0, $0x7;
	s5 =	simm.s32 @!p0 $0x0  }
0x75: {  	s0 =	sand.u32 $0x1FFFFF80, s0;
	s3 =	ssub.s32 s3, s5  }
0x76: {  	s0 =	sadd.s32 s2, s0;
	s3 =	sshll.u32 s3, $0x7;
	s4 =	spop (v2sf);
	(v2sf) =	vpush v21, $0x6  }
0x77: {  	[tilespmem:s18], [sflag:$0x5] =	stream.strided.gather [hbm4b:s0+s10], $0x1000, s9, s10, $0x38;
	[tilespmem:$0x10F00] =	vst v63  }
0x78: {  	s5 =	simm.s32 $0x1;
	s0 =	sand.u32 $0x1FFFFF80, s3;
	s13 =	spop (v2sf);
	(v2sf) =	vpush v20, $0x6  }
0x79: {  	s12 =	sand.u32 $0x7F, s4;
	s15 =	sshra.s32 s4, $0x1F;
	s0 =	sadd.s32 s1, s0  }
0x7a: {  	[tilespmem:s19], [sflag:$0x5] =	stream.strided.gather [hbm4b:s0+s10], $0x1000, s9, s10, $0x38;
	[tilespmem:$0x10F00] =	vst v63  }
0x7b: {  	p6 =	slt.s32 s4, $0x1;
	p3 =	sne.s32 s12, $0x0;
	s16 =	sand.u32 $0x7F, s13  }
0x7c: {  	s18 =	sshra.s32 s13, $0x1F;
	p5 =	slt.s32 s13, $0x1;
	p4 =	sne.s32 s16, $0x0  }
0x7d: {  	s6 =	sshrl.u32 s15, $0x19;
	s0 =	sshrl.u32 s18, $0x19;
	p1 =	por !p5, !p4  }
0x7e: {  	s3 =	sadd.s32 s6, s4;
	s0 =	sadd.s32 s0, s13;
	p1 =	por !p1, !p1  }
0x7f: {  	p0 =	por !p6, !p3;
	s0 =	sshrl.u32 s0, $0x7;
	s5 =	simm.s32 @!p1 $0x0  }
0x80: {  	p0 =	por !p0, !p0;
	s0 =	ssub.s32 s0, s5;
	s5 =	simm.s32 $0x1  }
0x81: {  	s3 =	sshrl.u32 s3, $0x7;
	s0 =	sshll.u32 s0, $0x7;
	s5 =	simm.s32 @!p0 $0x0  }
0x82: {  	s0 =	sand.u32 $0x1FFFFF80, s0;
	s3 =	ssub.s32 s3, s5  }
0x83: {  	s0 =	sadd.s32 s2, s0;
	s19 =	sshll.u32 s3, $0x7  }
0x84: {  	[tilespmem:s20], [sflag:$0x6] =	stream.strided.gather [hbm4b:s0+s10], $0x1000, s9, s10, $0x38;
	[tilespmem:$0x10F00] =	vst v63  }
0x85: {  	s0 =	sand.u32 $0x1FFFFF80, s19;
	s20 =	spop (v2sf);
	(v2sf) =	vpush v21, $0x7  }
0x86: {  	s5 =	simm.s32 $0x1;
	s0 =	sadd.s32 s1, s0  }
0x87: {  	s12 =	sshra.s32 s20, $0x1F;
	p6 =	slt.s32 s20, $0x1;
	s4 =	spop (v2sf);
	(v2sf) =	vpush v20, $0x7  }
0x88: {  	[tilespmem:s21], [sflag:$0x6] =	stream.strided.gather [hbm4b:s0+s10], $0x1000, s9, s10, $0x38;
	[tilespmem:$0x10F00] =	vst v63  }
0x89: {  	s21 =	sand.u32 $0x7F, s20;
	s6 =	sshrl.u32 s12, $0x19;
	s13 =	sand.u32 $0x7F, s4  }
0x8a: {  	s15 =	sshra.s32 s4, $0x1F;
	p5 =	slt.s32 s4, $0x1;
	p4 =	sne.s32 s13, $0x0  }
0x8b: {  	p3 =	sne.s32 s21, $0x0;
	s0 =	sshrl.u32 s15, $0x19;
	p1 =	por !p5, !p4  }
0x8c: {  	s3 =	sadd.s32 s6, s20;
	s0 =	sadd.s32 s0, s4;
	p1 =	por !p1, !p1  }
0x8d: {  	p0 =	por !p6, !p3;
	s0 =	sshrl.u32 s0, $0x7;
	s5 =	simm.s32 @!p1 $0x0  }
0x8e: {  	p0 =	por !p0, !p0;
	s0 =	ssub.s32 s0, s5;
	s5 =	simm.s32 $0x1  }
0x8f: {  	s3 =	sshrl.u32 s3, $0x7;
	s0 =	sshll.u32 s0, $0x7;
	s5 =	simm.s32 @!p0 $0x0  }
0x90: {  	s0 =	sand.u32 $0x1FFFFF80, s0;
	s3 =	ssub.s32 s3, s5  }
0x91: {  	s0 =	sadd.s32 s2, s0;
	s16 =	sshll.u32 s3, $0x7  }
0x92: {  	[tilespmem:s22], [sflag:$0x7] =	stream.strided.gather [hbm4b:s0+s10], $0x1000, s9, s10, $0x38;
	[tilespmem:$0x10F00] =	vst v63  }
0x93: {  	s0 =	sand.u32 $0x1FFFFF80, s16  }
0x94: {  	s18 =	spop (v2sf);
	s0 =	sadd.s32 s1, s0  }
0x95: {  	[tilespmem:s23], [sflag:$0x7] =	stream.strided.gather [hbm4b:s0+s10], $0x1000, s9, s10, $0x38;
	[tilespmem:$0x10F00] =	vst v63  }
0x96: {  	s5 =	simm.s32 $0x1;
	s20 =	spop (v2sf)  }
0x97: {  	s19 =	sand.u32 $0x7F, s18;
	s21 =	sshra.s32 s18, $0x1F;
	s22 =	sand.u32 $0x7F, s20  }
0x98: {  	s23 =	sshra.s32 s20, $0x1F;
	p5 =	slt.s32 s20, $0x1;
	p4 =	sne.s32 s22, $0x0  }
0x99: {  	p6 =	slt.s32 s18, $0x1;
	s0 =	sshrl.u32 s23, $0x19;
	p1 =	por !p5, !p4  }
0x9a: {  	p3 =	sne.s32 s19, $0x0;
	s0 =	sadd.s32 s0, s20;
	p1 =	por !p1, !p1  }
0x9b: {  	s6 =	sshrl.u32 s21, $0x19;
	s0 =	sshrl.u32 s0, $0x7;
	s5 =	simm.s32 @!p1 $0x0  }
0x9c: {  	s3 =	sadd.s32 s6, s18;
	p0 =	por !p6, !p3;
	s0 =	ssub.s32 s0, s5  }
0x9d: {  	p0 =	por !p0, !p0;
	s5 =	simm.s32 $0x1;
	s0 =	sshll.u32 s0, $0x7  }
0x9e: {  	s3 =	sshrl.u32 s3, $0x7;
	s5 =	simm.s32 @!p0 $0x0;
	s0 =	sand.u32 $0x1FFFFF80, s0  }
0x9f: {  	s3 =	ssub.s32 s3, s5;
	s0 =	sadd.s32 s2, s0  }
0xa0: {  	[tilespmem:s24], [sflag:$0x8] =	stream.strided.gather [hbm4b:s0+s10], $0x1000, s9, s10, $0x38;
	[tilespmem:$0x10F00] =	vst v63  }
0xa1: {  	s24 =	sshll.u32 s3, $0x7  }
0xa2: {  	s0 =	sand.u32 $0x1FFFFF80, s24  }
0xa3: {  	s15 =	simm.s32 $0x5;
	s4 =	simm.s32 $0xFFFFFFE0;
	s0 =	sadd.s32 s1, s0  }
0xa4: {  	[tilespmem:s25], [sflag:$0x8] =	stream.strided.gather [hbm4b:s0+s10], $0x1000, s9, s10, $0x38;
	[tilespmem:$0x10F00] =	vst v63  }
0xa5: {  	s3 =	simm.s32 $0x0;
	s0 =	simm.s32 $0x10C00;
	s9 =	smov.u32 s1  }
.LBB2_2:
0xa6: {  	[dreg:$0x10] =	wrdreg s4;
	s16 =	sadd.s32 $0x21, s4  }
0xa7: {  	[dreg:$0xe] =	wrdreg s0;
	v22 =	vld [tilespmem:s3+$0x0];
	s0 =	smin.u32 s16, $0x1F  }
0xa8: {  	[dreg:$0xf] =	wrdreg s3;
	v23 =	vld [tilespmem:s28+$0x0];
	s0 =	sshll.u32 s0, $0x4  }
0xa9: {  	[dreg:$0xd] =	wrdreg s28;
	v20 =	vld [tilespmem:s0+$0x0]  }
0xaa: {  	v21 =	vld [tilespmem:s0+$0x200];
	_ =	swait.ge [sflag:s14], $0x1000  }
0xab: {  	[sflag:s14] =	ssyncset.done $0x0  }
0xac: {  	[sflag:s14] =	ssyncadd.s32 $0xFFFFF000  }
0xad: {  	_ =	swait.ge [sflag:s14], $0x1000  }
0xae: {  	(v2sf) =	vpush v22, $0x0;
	_ =	sdelay $0x1  }
0xaf: {  	(v2sf) =	vpush v23, $0x0;
	_ =	sdelay $0x6  }
0xb0: {  	(v2sf) =	vpush v22, $0x8;
	_ =	sdelay $0x1  }
0xb1: {  	(v2sf) =	vpush v23, $0x8;
	_ =	sdelay $0x3  }
0xb2: {  	s18 =	spop (v2sf)  }
0xb3: {  	s0 =	sand.u32 $0x7F, s18  }
0xb4: {  	s19 =	spop (v2sf);
	v24 =	vor.u32 s0, v0  }
0xb5: {  	s3 =	sand.u32 $0x7F, s19;
	v25 =	vor.u32 s0, v1  }
0xb6: {  	v26 =	vor.u32 s3, v0  }
0xb7: {  	[sflag:s14] =	ssyncset.done $0x0;
	v27 =	vor.u32 s3, v1  }
0xb8: {  	s1 =	simm.s32 $0x400;
	[sflag:s14] =	ssyncadd.s32 $0xFFFFF000  }
0xb9: {  	v24 =	vld.idx.msk [tilespmem:v24+s1+$0x0], $0xffff  }
0xba: {  	v25 =	vld.idx.msk [tilespmem:v25+s1+$0x0], $0xffff  }
0xbb: {  	s28 =	spop (v2sf);
	v26 =	vld.idx.msk [tilespmem:v26+s7+$0x0], $0xffff  }
0xbc: {  	s20 =	sshra.s32 s28, $0x1F;
	v27 =	vld.idx.msk [tilespmem:v27+s7+$0x0], $0xffff  }
0xbd: {  	s3 =	spop (v2sf);
	s0 =	sshrl.u32 s20, $0x19  }
0xbe: {  	s16 =	sshra.s32 s3, $0x1F;
	s0 =	sadd.s32 s0, s28  }
0xbf: {  	s16 =	sshrl.u32 s16, $0x19;
	s5 =	sand.u32 $0xFFFFFF80, s0  }
0xc0: {  	p0 =	slt.s32 s28, $0x1;
	s21 =	sadd.s32 s16, s3;
	p1 =	sne.s32 s28, s5  }
0xc1: {  	s19 =	simm.s32 $0x1;
	s16 =	sand.u32 $0xFFFFFF80, s21;
	p0 =	por !p0, !p1;
	v24 =	vmul.f32 v26, v24;
	v25 =	vmul.f32 v27, v25  }
0xc2: {  	p6 =	slt.s32 s3, $0x1;
	p2 =	sne.s32 s3, s16;
	p0 =	por !p0, !p0  }
0xc3: {  	s0 =	sshrl.u32 s0, $0x7;
	p2 =	por !p6, !p2;
	s19 =	simm.s32 @!p0 $0x0;
	v24 =	vmul.f32 v24, v17;
	v25 =	vmul.f32 v25, v18  }
0xc4: {  	s16 =	simm.s32 $0x1;
	p0 =	por !p2, !p2;
	s0 =	ssub.s32 s0, s19  }
0xc5: {  	s5 =	sshrl.u32 s21, $0x7;
	s16 =	simm.s32 @!p0 $0x0;
	s0 =	sshll.u32 s0, $0x7;
	v24 =	vadd.f32 v25, v24  }
0xc6: {  	s5 =	ssub.s32 s5, s16;
	s0 =	sand.u32 $0x1FFFFF80, s0  }
0xc7: {  	s6 =	simm.s32 $0x7A1400;
	s22 =	sshll.u32 s5, $0x7;
	s0 =	sadd.s32 s2, s0;
	[tilespmem:$0x10400] =	vst v24  }
0xc8: {  	[tilespmem:s1], [sflag:$0x1] =	stream.strided.gather [hbm4b:s0+s1], $0x1000, s6, s1, $0x38;
	[tilespmem:$0x10F00] =	vst v63  }
0xc9: {  	s0 =	sand.u32 $0x1FFFFF80, s22  }
0xca: {  	s0 =	sadd.s32 s9, s0  }
0xcb: {  	[tilespmem:s7], [sflag:$0x1] =	stream.strided.gather [hbm4b:s0+s1], $0x1000, s6, s1, $0x38;
	[tilespmem:$0x10F00] =	vst v63  }
0xcc: {  	_ =	swait.ge [sflag:s26], $0x1000  }
0xcd: {  	[sflag:s26] =	ssyncset.done $0x0  }
0xce: {  	[sflag:s26] =	ssyncadd.s32 $0xFFFFF000  }
0xcf: {  	_ =	swait.ge [sflag:s26], $0x1000  }
0xd0: {  	(v2sf) =	vpush v22, $0x1;
	_ =	sdelay $0x1  }
0xd1: {  	(v2sf) =	vpush v23, $0x1;
	_ =	sdelay $0x6  }
0xd2: {  	(v2sf) =	vpush v22, $0x9;
	_ =	sdelay $0x1  }
0xd3: {  	(v2sf) =	vpush v23, $0x9;
	_ =	sdelay $0x3  }
0xd4: {  	s23 =	spop (v2sf)  }
0xd5: {  	s0 =	sand.u32 $0x7F, s23  }
0xd6: {  	s24 =	spop (v2sf);
	v60 =	vor.u32 s0, v0  }
0xd7: {  	s5 =	sand.u32 $0x7F, s24;
	v61 =	vor.u32 s0, v1  }
0xd8: {  	v62 =	vor.u32 s5, v0  }
0xd9: {  	[sflag:s26] =	ssyncset.done $0x0;
	v63 =	vor.u32 s5, v1  }
0xda: {  	[sflag:s26] =	ssyncadd.s32 $0xFFFFF000  }
0xdb: {  	v24 =	vld.idx.msk [tilespmem:v60+s29+$0x0], $0xffff  }
0xdc: {  	s25 =	simm.s32 $0x9400;
	v25 =	vld.idx.msk [tilespmem:v61+s29+$0x0], $0xffff  }
0xdd: {  	s19 =	spop (v2sf);
	v26 =	vld.idx.msk [tilespmem:v62+s25+$0x0], $0xffff  }
0xde: {  	s5 =	sshra.s32 s19, $0x1F;
	v27 =	vld.idx.msk [tilespmem:v63+s25+$0x0], $0xffff  }
0xdf: {  	s0 =	sshrl.u32 s5, $0x19;
	s29 =	spop (v2sf)  }
0xe0: {  	s0 =	sadd.s32 s0, s19;
	s13 =	sshra.s32 s29, $0x1F  }
0xe1: {  	s12 =	sand.u32 $0xFFFFFF80, s0;
	s16 =	sshrl.u32 s13, $0x19  }
0xe2: {  	p3 =	slt.s32 s19, $0x1;
	p4 =	sne.s32 s19, s12;
	s14 =	sadd.s32 s16, s29  }
0xe3: {  	s20 =	simm.s32 $0x1;
	p0 =	por !p3, !p4;
	s16 =	sand.u32 $0xFFFFFF80, s14;
	v24 =	vmul.f32 v26, v24;
	v25 =	vmul.f32 v27, v25  }
0xe4: {  	p5 =	slt.s32 s29, $0x1;
	p0 =	por !p0, !p0;
	p6 =	sne.s32 s29, s16  }
0xe5: {  	s0 =	sshrl.u32 s0, $0x7;
	s20 =	simm.s32 @!p0 $0x0;
	p2 =	por !p5, !p6;
	v24 =	vmul.f32 v24, v17;
	v25 =	vmul.f32 v25, v18  }
0xe6: {  	s0 =	ssub.s32 s0, s20;
	s16 =	simm.s32 $0x1;
	p0 =	por !p2, !p2  }
0xe7: {  	s5 =	sshrl.u32 s14, $0x7;
	s0 =	sshll.u32 s0, $0x7;
	s16 =	simm.s32 @!p0 $0x0;
	v24 =	vadd.f32 v25, v24  }
0xe8: {  	s0 =	sand.u32 $0x1FFFFF80, s0;
	s5 =	ssub.s32 s5, s16  }
0xe9: {  	s10 =	simm.s32 $0x1400;
	s0 =	sadd.s32 s2, s0;
	s16 =	sshll.u32 s5, $0x7;
	[tilespmem:$0x10480] =	vst v24  }
0xea: {  	[tilespmem:s10], [sflag:$0x2] =	stream.strided.gather [hbm4b:s0+s1], $0x1000, s6, s1, $0x38;
	[tilespmem:$0x10F00] =	vst v63  }
0xeb: {  	s0 =	sand.u32 $0x1FFFFF80, s16  }
0xec: {  	s26 =	simm.s32 $0x9400;
	s0 =	sadd.s32 s9, s0  }
0xed: {  	[tilespmem:s26], [sflag:$0x2] =	stream.strided.gather [hbm4b:s0+s1], $0x1000, s6, s1, $0x38;
	[tilespmem:$0x10F00] =	vst v63  }
0xee: {  	_ =	swait.ge [sflag:s8], $0x1000  }
0xef: {  	[sflag:s8] =	ssyncset.done $0x0  }
0xf0: {  	[sflag:s8] =	ssyncadd.s32 $0xFFFFF000  }
0xf1: {  	_ =	swait.ge [sflag:s8], $0x1000  }
0xf2: {  	(v2sf) =	vpush v22, $0x2;
	_ =	sdelay $0x1  }
0xf3: {  	(v2sf) =	vpush v23, $0x2;
	_ =	sdelay $0x6  }
0xf4: {  	(v2sf) =	vpush v22, $0xA;
	_ =	sdelay $0x1  }
0xf5: {  	(v2sf) =	vpush v23, $0xA;
	_ =	sdelay $0x3  }
0xf6: {  	s18 =	spop (v2sf)  }
0xf7: {  	s0 =	sand.u32 $0x7F, s18  }
0xf8: {  	s20 =	spop (v2sf);
	v30 =	vor.u32 s0, v0  }
0xf9: {  	s5 =	sand.u32 $0x7F, s20;
	v31 =	vor.u32 s0, v1  }
0xfa: {  	v32 =	vor.u32 s5, v0  }
0xfb: {  	[sflag:s8] =	ssyncset.done $0x0;
	v33 =	vor.u32 s5, v1  }
0xfc: {  	[sflag:s8] =	ssyncadd.s32 $0xFFFFF000  }
0xfd: {  	v24 =	vld.idx.msk [tilespmem:v30+s30+$0x0], $0xffff  }
0xfe: {  	s21 =	simm.s32 $0xA400;
	v25 =	vld.idx.msk [tilespmem:v31+s30+$0x0], $0xffff  }
0xff: {  	s20 =	spop (v2sf);
	v26 =	vld.idx.msk [tilespmem:v32+s21+$0x0], $0xffff  }
0x100: {  	s23 =	sshra.s32 s20, $0x1F;
	v27 =	vld.idx.msk [tilespmem:v33+s21+$0x0], $0xffff  }
0x101: {  	s0 =	sshrl.u32 s23, $0x19;
	s30 =	spop (v2sf)  }
0x102: {  	s0 =	sadd.s32 s0, s20;
	s26 =	sshra.s32 s30, $0x1F  }
0x103: {  	s25 =	sand.u32 $0xFFFFFF80, s0;
	s16 =	sshrl.u32 s26, $0x19  }
0x104: {  	p3 =	slt.s32 s20, $0x1;
	p4 =	sne.s32 s20, s25;
	s8 =	sadd.s32 s16, s30  }
0x105: {  	p0 =	por !p3, !p4;
	s21 =	simm.s32 $0x1;
	s16 =	sand.u32 $0xFFFFFF80, s8;
	v24 =	vmul.f32 v26, v24;
	v25 =	vmul.f32 v27, v25  }
0x106: {  	p5 =	slt.s32 s30, $0x1;
	p0 =	por !p0, !p0;
	p6 =	sne.s32 s30, s16  }
0x107: {  	s0 =	sshrl.u32 s0, $0x7;
	s21 =	simm.s32 @!p0 $0x0;
	p2 =	por !p5, !p6;
	v24 =	vmul.f32 v24, v17;
	v25 =	vmul.f32 v25, v18  }
0x108: {  	s0 =	ssub.s32 s0, s21;
	s16 =	simm.s32 $0x1;
	p0 =	por !p2, !p2  }
0x109: {  	s5 =	sshrl.u32 s8, $0x7;
	s0 =	sshll.u32 s0, $0x7;
	s16 =	simm.s32 @!p0 $0x0;
	v24 =	vadd.f32 v25, v24  }
0x10a: {  	s0 =	sand.u32 $0x1FFFFF80, s0;
	s5 =	ssub.s32 s5, s16  }
0x10b: {  	s24 =	simm.s32 $0x2400;
	s0 =	sadd.s32 s2, s0;
	s10 =	sshll.u32 s5, $0x7;
	[tilespmem:$0x10500] =	vst v24  }
0x10c: {  	[tilespmem:s24], [sflag:$0x3] =	stream.strided.gather [hbm4b:s0+s1], $0x1000, s6, s1, $0x38;
	[tilespmem:$0x10F00] =	vst v63  }
0x10d: {  	s0 =	sand.u32 $0x1FFFFF80, s10  }
0x10e: {  	s22 =	simm.s32 $0xA400;
	s13 =	simm.s32 $0x4;
	s0 =	sadd.s32 s9, s0  }
0x10f: {  	[tilespmem:s22], [sflag:$0x3] =	stream.strided.gather [hbm4b:s0+s1], $0x1000, s6, s1, $0x38;
	[tilespmem:$0x10F00] =	vst v63  }
0x110: {  	_ =	swait.ge [sflag:s13], $0x1000  }
0x111: {  	[sflag:s13] =	ssyncset.done $0x0  }
0x112: {  	[sflag:s13] =	ssyncadd.s32 $0xFFFFF000  }
0x113: {  	_ =	swait.ge [sflag:s13], $0x1000  }
0x114: {  	(v2sf) =	vpush v22, $0x3;
	_ =	sdelay $0x1  }
0x115: {  	(v2sf) =	vpush v23, $0x3;
	_ =	sdelay $0x6  }
0x116: {  	(v2sf) =	vpush v22, $0xB;
	_ =	sdelay $0x1  }
0x117: {  	(v2sf) =	vpush v23, $0xB;
	_ =	sdelay $0x3  }
0x118: {  	s12 =	spop (v2sf)  }
0x119: {  	s0 =	sand.u32 $0x7F, s12  }
0x11a: {  	s14 =	spop (v2sf);
	v34 =	vor.u32 s0, v0  }
0x11b: {  	s5 =	sand.u32 $0x7F, s14;
	v35 =	vor.u32 s0, v1  }
0x11c: {  	v36 =	vor.u32 s5, v0  }
0x11d: {  	[sflag:s13] =	ssyncset.done $0x0;
	v37 =	vor.u32 s5, v1  }
0x11e: {  	[sflag:s13] =	ssyncadd.s32 $0xFFFFF000  }
0x11f: {  	v24 =	vld.idx.msk [tilespmem:v34+s31+$0x0], $0xffff  }
0x120: {  	s16 =	simm.s32 $0xB400;
	v25 =	vld.idx.msk [tilespmem:v35+s31+$0x0], $0xffff  }
0x121: {  	s21 =	spop (v2sf);
	v26 =	vld.idx.msk [tilespmem:v36+s16+$0x0], $0xffff  }
0x122: {  	s22 =	sshra.s32 s21, $0x1F;
	v27 =	vld.idx.msk [tilespmem:v37+s16+$0x0], $0xffff  }
0x123: {  	s0 =	sshrl.u32 s22, $0x19;
	s31 =	spop (v2sf)  }
0x124: {  	s0 =	sadd.s32 s0, s21;
	s25 =	sshra.s32 s31, $0x1F  }
0x125: {  	s24 =	sand.u32 $0xFFFFFF80, s0;
	s16 =	sshrl.u32 s25, $0x19  }
0x126: {  	p3 =	slt.s32 s21, $0x1;
	p4 =	sne.s32 s21, s24;
	s26 =	sadd.s32 s16, s31  }
0x127: {  	s22 =	simm.s32 $0x1;
	p0 =	por !p3, !p4;
	s16 =	sand.u32 $0xFFFFFF80, s26;
	v24 =	vmul.f32 v26, v24;
	v25 =	vmul.f32 v27, v25  }
0x128: {  	p5 =	slt.s32 s31, $0x1;
	p0 =	por !p0, !p0;
	p6 =	sne.s32 s31, s16  }
0x129: {  	s0 =	sshrl.u32 s0, $0x7;
	s22 =	simm.s32 @!p0 $0x0;
	p2 =	por !p5, !p6;
	v24 =	vmul.f32 v24, v17;
	v25 =	vmul.f32 v25, v18  }
0x12a: {  	s0 =	ssub.s32 s0, s22;
	s16 =	simm.s32 $0x1;
	p0 =	por !p2, !p2  }
0x12b: {  	s5 =	sshrl.u32 s26, $0x7;
	s0 =	sshll.u32 s0, $0x7;
	s16 =	simm.s32 @!p0 $0x0;
	v24 =	vadd.f32 v25, v24  }
0x12c: {  	s0 =	sand.u32 $0x1FFFFF80, s0;
	s5 =	ssub.s32 s5, s16  }
0x12d: {  	s23 =	simm.s32 $0x3400;
	s0 =	sadd.s32 s2, s0;
	s8 =	sshll.u32 s5, $0x7;
	[tilespmem:$0x10580] =	vst v24  }
0x12e: {  	[tilespmem:s23], [sflag:$0x4] =	stream.strided.gather [hbm4b:s0+s1], $0x1000, s6, s1, $0x38;
	[tilespmem:$0x10F00] =	vst v63  }
0x12f: {  	s0 =	sand.u32 $0x1FFFFF80, s8  }
0x130: {  	s18 =	simm.s32 $0xB400;
	s0 =	sadd.s32 s9, s0  }
0x131: {  	[tilespmem:s18], [sflag:$0x4] =	stream.strided.gather [hbm4b:s0+s1], $0x1000, s6, s1, $0x38;
	[tilespmem:$0x10F00] =	vst v63  }
0x132: {  	_ =	swait.ge [sflag:s15], $0x1000  }
0x133: {  	[sflag:s15] =	ssyncset.done $0x0  }
0x134: {  	[sflag:s15] =	ssyncadd.s32 $0xFFFFF000  }
0x135: {  	_ =	swait.ge [sflag:s15], $0x1000  }
0x136: {  	(v2sf) =	vpush v22, $0x4;
	_ =	sdelay $0x1  }
0x137: {  	(v2sf) =	vpush v23, $0x4;
	_ =	sdelay $0x6  }
0x138: {  	(v2sf) =	vpush v22, $0xC;
	_ =	sdelay $0x1  }
0x139: {  	(v2sf) =	vpush v23, $0xC;
	_ =	sdelay $0x3  }
0x13a: {  	s10 =	spop (v2sf)  }
0x13b: {  	s0 =	sand.u32 $0x7F, s10  }
0x13c: {  	s12 =	spop (v2sf);
	v38 =	vor.u32 s0, v0  }
0x13d: {  	s5 =	sand.u32 $0x7F, s12;
	v39 =	vor.u32 s0, v1  }
0x13e: {  	v40 =	vor.u32 s5, v0  }
0x13f: {  	[sflag:s15] =	ssyncset.done $0x0;
	v41 =	vor.u32 s5, v1  }
0x140: {  	s14 =	simm.s32 $0x4400;
	[sflag:s15] =	ssyncadd.s32 $0xFFFFF000  }
0x141: {  	v24 =	vld.idx.msk [tilespmem:v38+s14+$0x0], $0xffff  }
0x142: {  	s16 =	simm.s32 $0xC400;
	v25 =	vld.idx.msk [tilespmem:v39+s14+$0x0], $0xffff  }
0x143: {  	s22 =	spop (v2sf);
	v26 =	vld.idx.msk [tilespmem:v40+s16+$0x0], $0xffff  }
0x144: {  	s23 =	sshra.s32 s22, $0x1F;
	v27 =	vld.idx.msk [tilespmem:v41+s16+$0x0], $0xffff  }
0x145: {  	s0 =	spop (v2sf);
	s24 =	sshrl.u32 s23, $0x19  }
0x146: {  	s23 =	sshra.s32 s0, $0x1F;
	s5 =	sadd.s32 s24, s22  }
0x147: {  	s23 =	sshrl.u32 s23, $0x19;
	s25 =	sand.u32 $0xFFFFFF80, s5  }
0x148: {  	p3 =	slt.s32 s22, $0x1;
	s26 =	sadd.s32 s23, s0;
	p4 =	sne.s32 s22, s25  }
0x149: {  	p5 =	slt.s32 s0, $0x1;
	s23 =	sand.u32 $0xFFFFFF80, s26;
	p0 =	por !p3, !p4;
	v24 =	vmul.f32 v26, v24;
	v25 =	vmul.f32 v27, v25  }
0x14a: {  	s24 =	simm.s32 $0x1;
	p6 =	sne.s32 s0, s23;
	p0 =	por !p0, !p0  }
0x14b: {  	s5 =	sshrl.u32 s5, $0x7;
	p2 =	por !p5, !p6;
	s24 =	simm.s32 @!p0 $0x0;
	v24 =	vmul.f32 v24, v17;
	v25 =	vmul.f32 v25, v18  }
0x14c: {  	s23 =	simm.s32 $0x1;
	p0 =	por !p2, !p2;
	s5 =	ssub.s32 s5, s24  }
0x14d: {  	s16 =	sshrl.u32 s26, $0x7;
	s23 =	simm.s32 @!p0 $0x0;
	s5 =	sshll.u32 s5, $0x7;
	v24 =	vadd.f32 v25, v24  }
0x14e: {  	s16 =	ssub.s32 s16, s23;
	s5 =	sand.u32 $0x1FFFFF80, s5  }
0x14f: {  	s15 =	simm.s32 $0x4400;
	s4 =	sshll.u32 s16, $0x7;
	s5 =	sadd.s32 s2, s5;
	[tilespmem:$0x10600] =	vst v24  }
0x150: {  	[tilespmem:s15], [sflag:$0x5] =	stream.strided.gather [hbm4b:s5+s1], $0x1000, s6, s1, $0x38;
	[tilespmem:$0x10F00] =	vst v63  }
0x151: {  	s5 =	sand.u32 $0x1FFFFF80, s4  }
0x152: {  	s18 =	simm.s32 $0xC400;
	s5 =	sadd.s32 s9, s5  }
0x153: {  	[tilespmem:s18], [sflag:$0x5] =	stream.strided.gather [hbm4b:s5+s1], $0x1000, s6, s1, $0x38;
	[tilespmem:$0x10F00] =	vst v63  }
0x154: {  	s18 =	simm.s32 $0x6  }
0x155: {  	_ =	swait.ge [sflag:s18], $0x1000  }
0x156: {  	[sflag:s18] =	ssyncset.done $0x0  }
0x157: {  	[sflag:s18] =	ssyncadd.s32 $0xFFFFF000  }
0x158: {  	_ =	swait.ge [sflag:s18], $0x1000  }
0x159: {  	(v2sf) =	vpush v22, $0x5;
	_ =	sdelay $0x1  }
0x15a: {  	(v2sf) =	vpush v23, $0x5;
	_ =	sdelay $0x6  }
0x15b: {  	(v2sf) =	vpush v22, $0xD;
	_ =	sdelay $0x2  }
0x15c: {  	(v2sf) =	vpush v23, $0xD;
	_ =	sdelay $0x2  }
0x15d: {  	s7 =	spop (v2sf)  }
0x15e: {  	s5 =	sand.u32 $0x7F, s7  }
0x15f: {  	s8 =	spop (v2sf);
	v42 =	vor.u32 s5, v0  }
0x160: {  	s16 =	sand.u32 $0x7F, s8;
	v43 =	vor.u32 s5, v1  }
0x161: {  	v44 =	vor.u32 s16, v0  }
0x162: {  	[sflag:s18] =	ssyncset.done $0x0;
	v45 =	vor.u32 s16, v1  }
0x163: {  	s10 =	simm.s32 $0x5400;
	[sflag:s18] =	ssyncadd.s32 $0xFFFFF000  }
0x164: {  	v24 =	vld.idx.msk [tilespmem:v42+s10+$0x0], $0xffff  }
0x165: {  	s14 =	simm.s32 $0xD400;
	v25 =	vld.idx.msk [tilespmem:v43+s10+$0x0], $0xffff  }
0x166: {  	s23 =	spop (v2sf);
	v26 =	vld.idx.msk [tilespmem:v44+s14+$0x0], $0xffff  }
0x167: {  	s25 =	sshra.s32 s23, $0x1F;
	v27 =	vld.idx.msk [tilespmem:v45+s14+$0x0], $0xffff  }
0x168: {  	s26 =	sshrl.u32 s25, $0x19  }
0x169: {  	s5 =	spop (v2sf);
	s16 =	sadd.s32 s26, s23  }
0x16a: {  	s25 =	sshra.s32 s5, $0x1F;
	s8 =	sand.u32 $0xFFFFFF80, s16  }
0x16b: {  	p3 =	slt.s32 s23, $0x1;
	s25 =	sshrl.u32 s25, $0x19;
	p4 =	sne.s32 s23, s8  }
0x16c: {  	p5 =	slt.s32 s5, $0x1;
	s10 =	sadd.s32 s25, s5;
	p0 =	por !p3, !p4;
	v24 =	vmul.f32 v26, v24;
	v25 =	vmul.f32 v27, v25  }
0x16d: {  	s26 =	simm.s32 $0x1;
	s25 =	sand.u32 $0xFFFFFF80, s10;
	p0 =	por !p0, !p0  }
0x16e: {  	s16 =	sshrl.u32 s16, $0x7;
	p6 =	sne.s32 s5, s25;
	s26 =	simm.s32 @!p0 $0x0;
	v24 =	vmul.f32 v24, v17;
	v25 =	vmul.f32 v25, v18  }
0x16f: {  	p2 =	por !p5, !p6;
	s16 =	ssub.s32 s16, s26  }
0x170: {  	s25 =	simm.s32 $0x1;
	p0 =	por !p2, !p2;
	s16 =	sshll.u32 s16, $0x7;
	v24 =	vadd.f32 v25, v24  }
0x171: {  	s24 =	sshrl.u32 s10, $0x7;
	s25 =	simm.s32 @!p0 $0x0;
	s16 =	sand.u32 $0x1FFFFF80, s16  }
0x172: {  	s12 =	simm.s32 $0x5400;
	s24 =	ssub.s32 s24, s25;
	s16 =	sadd.s32 s2, s16;
	[tilespmem:$0x10680] =	vst v24  }
0x173: {  	[tilespmem:s12], [sflag:$0x6] =	stream.strided.gather [hbm4b:s16+s1], $0x1000, s6, s1, $0x38;
	[tilespmem:$0x10F00] =	vst v63  }
0x174: {  	s12 =	sshll.u32 s24, $0x7  }
0x175: {  	s16 =	sand.u32 $0x1FFFFF80, s12  }
0x176: {  	s15 =	simm.s32 $0xD400;
	s16 =	sadd.s32 s9, s16  }
0x177: {  	[tilespmem:s15], [sflag:$0x6] =	stream.strided.gather [hbm4b:s16+s1], $0x1000, s6, s1, $0x38;
	[tilespmem:$0x10F00] =	vst v63  }
0x178: {  	_ =	swait.ge [sflag:s11], $0x1000  }
0x179: {  	[sflag:s11] =	ssyncset.done $0x0  }
0x17a: {  	[sflag:s11] =	ssyncadd.s32 $0xFFFFF000  }
0x17b: {  	_ =	swait.ge [sflag:s11], $0x1000  }
0x17c: {  	(v2sf) =	vpush v22, $0x6;
	_ =	sdelay $0x1  }
0x17d: {  	(v2sf) =	vpush v23, $0x6;
	_ =	sdelay $0x5  }
0x17e: {  	(v2sf) =	vpush v22, $0xE;
	_ =	sdelay $0x1  }
0x17f: {  	(v2sf) =	vpush v23, $0xE;
	_ =	sdelay $0x4  }
0x180: {  	s14 =	spop (v2sf)  }
0x181: {  	s16 =	sand.u32 $0x7F, s14  }
0x182: {  	s15 =	spop (v2sf);
	v46 =	vor.u32 s16, v0  }
0x183: {  	s24 =	sand.u32 $0x7F, s15;
	v47 =	vor.u32 s16, v1  }
0x184: {  	v48 =	vor.u32 s24, v0  }
0x185: {  	[sflag:s11] =	ssyncset.done $0x0;
	v49 =	vor.u32 s24, v1  }
0x186: {  	s25 =	simm.s32 $0x6400;
	[sflag:s11] =	ssyncadd.s32 $0xFFFFF000  }
0x187: {  	v24 =	vld.idx.msk [tilespmem:v46+s25+$0x0], $0xffff  }
0x188: {  	s26 =	simm.s32 $0xE400;
	s24 =	spop (v2sf);
	v25 =	vld.idx.msk [tilespmem:v47+s25+$0x0], $0xffff  }
0x189: {  	s7 =	sshra.s32 s24, $0x1F;
	v26 =	vld.idx.msk [tilespmem:v48+s26+$0x0], $0xffff  }
0x18a: {  	s16 =	spop (v2sf);
	s12 =	sshrl.u32 s7, $0x19;
	v27 =	vld.idx.msk [tilespmem:v49+s26+$0x0], $0xffff  }
0x18b: {  	s7 =	sshra.s32 s16, $0x1F;
	s25 =	sadd.s32 s12, s24  }
0x18c: {  	s4 =	sshrl.u32 s7, $0x19;
	s14 =	sand.u32 $0xFFFFFF80, s25  }
0x18d: {  	p3 =	slt.s32 s24, $0x1;
	s4 =	sadd.s32 s4, s16;
	p4 =	sne.s32 s24, s14  }
0x18e: {  	p5 =	slt.s32 s16, $0x1;
	s12 =	sand.u32 $0xFFFFFF80, s4;
	p0 =	por !p3, !p4  }
0x18f: {  	s14 =	simm.s32 $0x1;
	p6 =	sne.s32 s16, s12;
	p0 =	por !p0, !p0;
	v24 =	vmul.f32 v26, v24;
	v25 =	vmul.f32 v27, v25  }
0x190: {  	s25 =	sshrl.u32 s25, $0x7;
	p1 =	por !p5, !p6;
	s14 =	simm.s32 @!p0 $0x0  }
0x191: {  	p0 =	por !p1, !p1;
	s14 =	ssub.s32 s25, s14;
	s25 =	simm.s32 $0x1;
	v24 =	vmul.f32 v24, v17;
	v25 =	vmul.f32 v25, v18  }
0x192: {  	s4 =	sshrl.u32 s4, $0x7;
	s25 =	simm.s32 @!p0 $0x0  }
0x193: {  	s14 =	sshll.u32 s14, $0x7;
	s4 =	ssub.s32 s4, s25;
	v24 =	vadd.f32 v25, v24  }
0x194: {  	s14 =	sand.u32 $0x1FFFFF80, s14;
	s4 =	sshll.u32 s4, $0x7  }
0x195: {  	s15 =	simm.s32 $0x6400;
	s14 =	sadd.s32 s2, s14;
	s4 =	sand.u32 $0x1FFFFF80, s4;
	[tilespmem:$0x10700] =	vst v24  }
0x196: {  	[tilespmem:s15], [sflag:$0x7] =	stream.strided.gather [hbm4b:s14+s1], $0x1000, s6, s1, $0x38;
	[tilespmem:$0x10F00] =	vst v63  }
0x197: {  	s10 =	simm.s32 $0xE400;
	s4 =	sadd.s32 s9, s4  }
0x198: {  	[tilespmem:s10], [sflag:$0x7] =	stream.strided.gather [hbm4b:s4+s1], $0x1000, s6, s1, $0x38;
	[tilespmem:$0x10F00] =	vst v63  }
0x199: {  	_ =	swait.ge [sflag:s17], $0x1000  }
0x19a: {  	[sflag:s17] =	ssyncset.done $0x0  }
0x19b: {  	[sflag:s17] =	ssyncadd.s32 $0xFFFFF000  }
0x19c: {  	_ =	swait.ge [sflag:s17], $0x1000  }
0x19d: {  	(v2sf) =	vpush v22, $0x7;
	_ =	sdelay $0x1  }
0x19e: {  	(v2sf) =	vpush v23, $0x7;
	_ =	sdelay $0x6  }
0x19f: {  	(v2sf) =	vpush v22, $0xF;
	_ =	sdelay $0x1  }
0x1a0: {  	(v2sf) =	vpush v23, $0xF;
	_ =	sdelay $0x3  }
0x1a1: {  	s15 =	spop (v2sf)  }
0x1a2: {  	s4 =	sand.u32 $0x7F, s15  }
0x1a3: {  	s25 =	spop (v2sf);
	v50 =	vor.u32 s4, v0  }
0x1a4: {  	s14 =	sand.u32 $0x7F, s25;
	v51 =	vor.u32 s4, v1  }
0x1a5: {  	v52 =	vor.u32 s14, v0  }
0x1a6: {  	[sflag:s17] =	ssyncset.done $0x0;
	v53 =	vor.u32 s14, v1  }
0x1a7: {  	s26 =	simm.s32 $0x7400;
	[sflag:s17] =	ssyncadd.s32 $0xFFFFF000  }
0x1a8: {  	v22 =	vld.idx.msk [tilespmem:v50+s26+$0x0], $0xffff  }
0x1a9: {  	s10 =	simm.s32 $0xF400;
	v23 =	vld.idx.msk [tilespmem:v51+s26+$0x0], $0xffff  }
0x1aa: {  	s25 =	spop (v2sf);
	v24 =	vld.idx.msk [tilespmem:v52+s10+$0x0], $0xffff  }
0x1ab: {  	s14 =	sshra.s32 s25, $0x1F;
	v25 =	vld.idx.msk [tilespmem:v53+s10+$0x0], $0xffff  }
0x1ac: {  	s4 =	sshrl.u32 s14, $0x19;
	s26 =	spop (v2sf)  }
0x1ad: {  	s4 =	sadd.s32 s4, s25;
	s14 =	sshra.s32 s26, $0x1F  }
0x1ae: {  	s15 =	sand.u32 $0xFFFFFF80, s4;
	s14 =	sshrl.u32 s14, $0x19  }
0x1af: {  	p2 =	slt.s32 s25, $0x1;
	p3 =	sne.s32 s25, s15;
	s14 =	sadd.s32 s14, s26  }
0x1b0: {  	p0 =	por !p2, !p3;
	p5 =	slt.s32 s26, $0x1;
	s15 =	sand.u32 $0xFFFFFF80, s14;
	v22 =	vmul.f32 v24, v22;
	v23 =	vmul.f32 v25, v23  }
0x1b1: {  	p0 =	por !p0, !p0;
	p4 =	sne.s32 s26, s15;
	s15 =	simm.s32 $0x1  }
0x1b2: {  	s4 =	sshrl.u32 s4, $0x7;
	s15 =	simm.s32 @!p0 $0x0;
	p6 =	por !p5, !p4;
	v22 =	vmul.f32 v22, v17;
	v23 =	vmul.f32 v23, v18  }
0x1b3: {  	s4 =	ssub.s32 s4, s15;
	p0 =	por !p6, !p6;
	s15 =	simm.s32 $0x1  }
0x1b4: {  	s14 =	sshrl.u32 s14, $0x7;
	s4 =	sshll.u32 s4, $0x7;
	s15 =	simm.s32 @!p0 $0x0;
	v22 =	vadd.f32 v23, v22  }
0x1b5: {  	s4 =	sand.u32 $0x1FFFFF80, s4;
	s14 =	ssub.s32 s14, s15  }
0x1b6: {  	s12 =	simm.s32 $0x7400;
	s4 =	sadd.s32 s2, s4;
	s15 =	sshll.u32 s14, $0x7;
	[tilespmem:$0x10780] =	vst v22  }
0x1b7: {  	[tilespmem:s12], [sflag:$0x8] =	stream.strided.gather [hbm4b:s4+s1], $0x1000, s6, s1, $0x38;
	[tilespmem:$0x10F00] =	vst v63  }
0x1b8: {  	s4 =	sand.u32 $0x1FFFFF80, s15  }
0x1b9: {  	s7 =	simm.s32 $0x1;
	s10 =	simm.s32 $0xF400;
	s4 =	sadd.s32 s9, s4  }
0x1ba: {  	[tilespmem:s10], [sflag:$0x8] =	stream.strided.gather [hbm4b:s4+s1], $0x1000, s6, s1, $0x38;
	[tilespmem:$0x10F00] =	vst v63  }
0x1bb: {  	_ =	swait.ge [sflag:s7], $0x1000  }
0x1bc: {  	[sflag:s7] =	ssyncset.done $0x0  }
0x1bd: {  	[sflag:s7] =	ssyncadd.s32 $0xFFFFF000  }
0x1be: {  	_ =	swait.ge [sflag:s7], $0x1000  }
0x1bf: {  	s10 =	rddreg [dreg:$0x10]  }
0x1c0: {  	p0 =	seq.s32 s10, $0xFFFFFFFF  }
0x1c1: {  	(v2sf) =	vpush @!p0 v21, $0x0  }
0x1c2: {  	(v2sf) =	vpush @!p0 v20, $0x0;
	_ =	sdelay $0x4  }
0x1c3: {  	s12 =	sand.u32 $0x7F, s28  }
0x1c4: {  	v54 =	vor.u32 s12, v0  }
0x1c5: {  	s3 =	sand.u32 $0x7F, s3;
	v55 =	vor.u32 s12, v1  }
0x1c6: {  	v56 =	vor.u32 s3, v0  }
0x1c7: {  	v57 =	vor.u32 s3, v1;
	[sflag:s7] =	ssyncset.done $0x0  }
0x1c8: {  	[sflag:s7] =	ssyncadd.s32 $0xFFFFF000  }
0x1c9: {  	v22 =	vld.idx.msk [tilespmem:v54+s1+$0x0], $0xffff  }
0x1ca: {  	s7 =	simm.s32 $0x8400;
	v23 =	vld.idx.msk [tilespmem:v55+s1+$0x0], $0xffff  }
0x1cb: {  	v24 =	vld.idx.msk [tilespmem:v56+s7+$0x0], $0xffff  }
0x1cc: {  	v25 =	vld.idx.msk [tilespmem:v57+s7+$0x0], $0xffff;
	s3 =	spop @!p0 (v2sf)  }
0x1cd: {  	s4 =	sshra.s32 @!p0 s3, $0x1F;
	s14 =	sand.u32 @!p0 $0x7F, s3;
	s15 =	spop @!p0 (v2sf)  }
0x1ce: {  	p1 =	slt.s32 @!p0 s3, $0x1;
	p2 =	sne.s32 @!p0 s14, $0x0;
	s14 =	sand.u32 @!p0 $0x7F, s15  }
0x1cf: {  	p1 =	por @!p0 !p1, !p2;
	p2 =	slt.s32 @!p0 s15, $0x1;
	p3 =	sne.s32 @!p0 s14, $0x0  }
0x1d0: {  	s4 =	sshrl.u32 @!p0 s4, $0x19;
	s14 =	sshra.s32 @!p0 s15, $0x1F;
	p2 =	por @!p0 !p2, !p3  }
0x1d1: {  	v22 =	vmul.f32 v24, v22;
	v23 =	vmul.f32 v25, v23;
	s3 =	sadd.s32 @!p0 s4, s3;
	s4 =	sshrl.u32 @!p0 s14, $0x19;
	p2 =	por @!p0 !p2, !p2  }
0x1d2: {  	s14 =	simm.s32 @!p0 $0x1;
	s4 =	sadd.s32 @!p0 s4, s15;
	p2 =	por !p2, p0  }
0x1d3: {  	v22 =	vmul.f32 v22, v17;
	v23 =	vmul.f32 v23, v18;
	p1 =	por @!p0 !p1, !p1;
	s4 =	sshrl.u32 @!p0 s4, $0x7;
	s14 =	simm.s32 @p2 $0x0  }
0x1d4: {  	p1 =	por !p1, p0;
	s15 =	simm.s32 @!p0 $0x1;
	s4 =	ssub.s32 @!p0 s4, s14  }
0x1d5: {  	v22 =	vadd.f32 v23, v22;
	s3 =	sshrl.u32 @!p0 s3, $0x7;
	s15 =	simm.s32 @p1 $0x0;
	s4 =	sshll.u32 @!p0 s4, $0x7  }
0x1d6: {  	s14 =	ssub.s32 @!p0 s3, s15;
	s3 =	sand.u32 @!p0 $0x1FFFFF80, s4  }
0x1d7: {  	s28 =	simm.s32 @!p0 $0x400;
	[tilespmem:$0x10800] =	vst v22;
	s4 =	sadd.s32 @!p0 s2, s3;
	s3 =	simm.s32 @!p0 $0x7A1400  }
0x1d8: {  	[tilespmem:s28], [sflag:$0x1] =	stream.strided.gather @!p0 [hbm4b:s4+s28], $0x1000, s3, s28, $0x38;
	[tilespmem:$0x10F00] =	vst v63  }
0x1d9: {  	s4 =	sshll.u32 @!p0 s14, $0x7  }
0x1da: {  	s4 =	sand.u32 @!p0 $0x1FFFFF80, s4  }
0x1db: {  	s8 =	simm.s32 $0x2;
	s14 =	simm.s32 @!p0 $0x8400;
	s4 =	sadd.s32 @!p0 s9, s4  }
0x1dc: {  	[tilespmem:s14], [sflag:$0x1] =	stream.strided.gather @!p0 [hbm4b:s4+s28], $0x1000, s3, s28, $0x38;
	[tilespmem:$0x10F00] =	vst v63  }
0x1dd: {  	_ =	swait.ge [sflag:s8], $0x1000  }
0x1de: {  	[sflag:s8] =	ssyncset.done $0x0  }
0x1df: {  	[sflag:s8] =	ssyncadd.s32 $0xFFFFF000  }
0x1e0: {  	_ =	swait.ge [sflag:s8], $0x1000  }
0x1e1: {  	(v2sf) =	vpush @!p0 v21, $0x1  }
0x1e2: {  	(v2sf) =	vpush @!p0 v20, $0x1;
	_ =	sdelay $0x4  }
0x1e3: {  	s14 =	sand.u32 $0x7F, s19  }
0x1e4: {  	v58 =	vor.u32 s14, v0  }
0x1e5: {  	s15 =	sand.u32 $0x7F, s29;
	v59 =	vor.u32 s14, v1  }
0x1e6: {  	v60 =	vor.u32 s15, v0  }
0x1e7: {  	v61 =	vor.u32 s15, v1;
	[sflag:s8] =	ssyncset.done $0x0  }
0x1e8: {  	s29 =	simm.s32 $0x1400;
	[sflag:s8] =	ssyncadd.s32 $0xFFFFF000  }
0x1e9: {  	v22 =	vld.idx.msk [tilespmem:v58+s29+$0x0], $0xffff  }
0x1ea: {  	s19 =	simm.s32 $0x9400;
	v23 =	vld.idx.msk [tilespmem:v59+s29+$0x0], $0xffff  }
0x1eb: {  	v24 =	vld.idx.msk [tilespmem:v60+s19+$0x0], $0xffff  }
0x1ec: {  	v25 =	vld.idx.msk [tilespmem:v61+s19+$0x0], $0xffff;
	s4 =	spop @!p0 (v2sf)  }
0x1ed: {  	s14 =	spop @!p0 (v2sf)  }
0x1ee: {  	s15 =	sand.u32 @!p0 $0x7F, s14  }
0x1ef: {  	p1 =	slt.s32 @!p0 s14, $0x1;
	p2 =	sne.s32 @!p0 s15, $0x0  }
0x1f0: {  	s15 =	sshra.s32 @!p0 s14, $0x1F;
	p1 =	por @!p0 !p1, !p2  }
0x1f1: {  	v22 =	vmul.f32 v24, v22;
	v23 =	vmul.f32 v25, v23;
	s15 =	sshrl.u32 @!p0 s15, $0x19;
	p1 =	por @!p0 !p1, !p1  }
0x1f2: {  	s14 =	sadd.s32 @!p0 s15, s14;
	s15 =	simm.s32 @!p0 $0x1;
	p1 =	por !p1, p0  }
0x1f3: {  	v22 =	vmul.f32 v22, v17;
	v23 =	vmul.f32 v23, v18;
	s14 =	sshrl.u32 @!p0 s14, $0x7;
	s15 =	simm.s32 @p1 $0x0  }
0x1f4: {  	s14 =	ssub.s32 @!p0 s14, s15  }
0x1f5: {  	v22 =	vadd.f32 v23, v22;
	s14 =	sshll.u32 @!p0 s14, $0x7  }
0x1f6: {  	s14 =	sand.u32 @!p0 $0x1FFFFF80, s14  }
0x1f7: {  	[tilespmem:$0x10880] =	vst v22;
	s15 =	simm.s32 @!p0 $0x1400;
	s14 =	sadd.s32 @!p0 s2, s14  }
0x1f8: {  	[tilespmem:s15], [sflag:$0x2] =	stream.strided.gather @!p0 [hbm4b:s14+s28], $0x1000, s3, s28, $0x38;
	[tilespmem:$0x10F00] =	vst v63  }
0x1f9: {  	s14 =	sand.u32 @!p0 $0x7F, s4  }
0x1fa: {  	p1 =	slt.s32 @!p0 s4, $0x1;
	p2 =	sne.s32 @!p0 s14, $0x0  }
0x1fb: {  	s14 =	sshra.s32 @!p0 s4, $0x1F;
	p1 =	por @!p0 !p1, !p2  }
0x1fc: {  	s14 =	sshrl.u32 @!p0 s14, $0x19;
	p1 =	por @!p0 !p1, !p1  }
0x1fd: {  	s4 =	sadd.s32 @!p0 s14, s4;
	s14 =	simm.s32 @!p0 $0x1;
	p1 =	por !p1, p0  }
0x1fe: {  	s4 =	sshrl.u32 @!p0 s4, $0x7;
	s14 =	simm.s32 @p1 $0x0  }
0x1ff: {  	s4 =	ssub.s32 @!p0 s4, s14  }
0x200: {  	s4 =	sshll.u32 @!p0 s4, $0x7  }
0x201: {  	s4 =	sand.u32 @!p0 $0x1FFFFF80, s4  }
0x202: {  	s8 =	simm.s32 $0x3;
	s14 =	simm.s32 @!p0 $0x9400;
	s4 =	sadd.s32 @!p0 s9, s4  }
0x203: {  	[tilespmem:s14], [sflag:$0x2] =	stream.strided.gather @!p0 [hbm4b:s4+s28], $0x1000, s3, s28, $0x38;
	[tilespmem:$0x10F00] =	vst v63  }
0x204: {  	_ =	swait.ge [sflag:s8], $0x1000  }
0x205: {  	[sflag:s8] =	ssyncset.done $0x0  }
0x206: {  	[sflag:s8] =	ssyncadd.s32 $0xFFFFF000  }
0x207: {  	_ =	swait.ge [sflag:s8], $0x1000  }
0x208: {  	(v2sf) =	vpush @!p0 v21, $0x2  }
0x209: {  	(v2sf) =	vpush @!p0 v20, $0x2;
	_ =	sdelay $0x4  }
0x20a: {  	s20 =	sand.u32 $0x7F, s20  }
0x20b: {  	v62 =	vor.u32 s20, v0  }
0x20c: {  	v63 =	vor.u32 s20, v1;
	s1 =	sand.u32 $0x7F, s30  }
0x20d: {  	v28 =	vor.u32 s1, v0  }
0x20e: {  	v29 =	vor.u32 s1, v1;
	[sflag:s8] =	ssyncset.done $0x0  }
0x20f: {  	s30 =	simm.s32 $0x2400;
	[sflag:s8] =	ssyncadd.s32 $0xFFFFF000  }
0x210: {  	v22 =	vld.idx.msk [tilespmem:v62+s30+$0x0], $0xffff  }
0x211: {  	s4 =	simm.s32 $0xA400;
	v23 =	vld.idx.msk [tilespmem:v63+s30+$0x0], $0xffff  }
0x212: {  	v24 =	vld.idx.msk [tilespmem:v28+s4+$0x0], $0xffff  }
0x213: {  	v25 =	vld.idx.msk [tilespmem:v29+s4+$0x0], $0xffff;
	s4 =	spop @!p0 (v2sf)  }
0x214: {  	s14 =	spop @!p0 (v2sf)  }
0x215: {  	s15 =	sand.u32 @!p0 $0x7F, s14  }
0x216: {  	p1 =	slt.s32 @!p0 s14, $0x1;
	p2 =	sne.s32 @!p0 s15, $0x0  }
0x217: {  	s15 =	sshra.s32 @!p0 s14, $0x1F;
	p1 =	por @!p0 !p1, !p2  }
0x218: {  	v22 =	vmul.f32 v24, v22;
	v23 =	vmul.f32 v25, v23;
	s15 =	sshrl.u32 @!p0 s15, $0x19;
	p1 =	por @!p0 !p1, !p1  }
0x219: {  	s14 =	sadd.s32 @!p0 s15, s14;
	s15 =	simm.s32 @!p0 $0x1;
	p1 =	por !p1, p0  }
0x21a: {  	v22 =	vmul.f32 v22, v17;
	v23 =	vmul.f32 v23, v18;
	s14 =	sshrl.u32 @!p0 s14, $0x7;
	s15 =	simm.s32 @p1 $0x0  }
0x21b: {  	s14 =	ssub.s32 @!p0 s14, s15  }
0x21c: {  	v22 =	vadd.f32 v23, v22;
	s14 =	sshll.u32 @!p0 s14, $0x7  }
0x21d: {  	s14 =	sand.u32 @!p0 $0x1FFFFF80, s14  }
0x21e: {  	[tilespmem:$0x10900] =	vst v22;
	s15 =	simm.s32 @!p0 $0x2400;
	s14 =	sadd.s32 @!p0 s2, s14  }
0x21f: {  	[tilespmem:s15], [sflag:$0x3] =	stream.strided.gather @!p0 [hbm4b:s14+s28], $0x1000, s3, s28, $0x38;
	[tilespmem:$0x10F00] =	vst v63  }
0x220: {  	s14 =	sand.u32 @!p0 $0x7F, s4  }
0x221: {  	p1 =	slt.s32 @!p0 s4, $0x1;
	p2 =	sne.s32 @!p0 s14, $0x0  }
0x222: {  	s14 =	sshra.s32 @!p0 s4, $0x1F;
	p1 =	por @!p0 !p1, !p2  }
0x223: {  	s14 =	sshrl.u32 @!p0 s14, $0x19;
	p1 =	por @!p0 !p1, !p1  }
0x224: {  	s4 =	sadd.s32 @!p0 s14, s4;
	s14 =	simm.s32 @!p0 $0x1;
	p1 =	por !p1, p0  }
0x225: {  	s4 =	sshrl.u32 @!p0 s4, $0x7;
	s14 =	simm.s32 @p1 $0x0  }
0x226: {  	s4 =	ssub.s32 @!p0 s4, s14  }
0x227: {  	s4 =	sshll.u32 @!p0 s4, $0x7  }
0x228: {  	s4 =	sand.u32 @!p0 $0x1FFFFF80, s4  }
0x229: {  	s14 =	simm.s32 @!p0 $0xA400;
	s4 =	sadd.s32 @!p0 s9, s4  }
0x22a: {  	[tilespmem:s14], [sflag:$0x3] =	stream.strided.gather @!p0 [hbm4b:s4+s28], $0x1000, s3, s28, $0x38;
	[tilespmem:$0x10F00] =	vst v63  }
0x22b: {  	_ =	swait.ge [sflag:s13], $0x1000  }
0x22c: {  	[sflag:s13] =	ssyncset.done $0x0  }
0x22d: {  	[sflag:s13] =	ssyncadd.s32 $0xFFFFF000  }
0x22e: {  	_ =	swait.ge [sflag:s13], $0x1000  }
0x22f: {  	(v2sf) =	vpush @!p0 v21, $0x3  }
0x230: {  	(v2sf) =	vpush @!p0 v20, $0x3;
	_ =	sdelay $0x4  }
0x231: {  	s6 =	sand.u32 $0x7F, s21  }
0x232: {  	v30 =	vor.u32 s6, v0  }
0x233: {  	v31 =	vor.u32 s6, v1;
	s10 =	sand.u32 $0x7F, s31  }
0x234: {  	v32 =	vor.u32 s10, v0  }
0x235: {  	v33 =	vor.u32 s10, v1;
	[sflag:s13] =	ssyncset.done $0x0  }
0x236: {  	s31 =	simm.s32 $0x3400;
	[sflag:s13] =	ssyncadd.s32 $0xFFFFF000  }
0x237: {  	v22 =	vld.idx.msk [tilespmem:v30+s31+$0x0], $0xffff  }
0x238: {  	s15 =	simm.s32 $0xB400;
	v23 =	vld.idx.msk [tilespmem:v31+s31+$0x0], $0xffff  }
0x239: {  	v24 =	vld.idx.msk [tilespmem:v32+s15+$0x0], $0xffff  }
0x23a: {  	v25 =	vld.idx.msk [tilespmem:v33+s15+$0x0], $0xffff;
	s4 =	spop @!p0 (v2sf)  }
0x23b: {  	s14 =	spop @!p0 (v2sf)  }
0x23c: {  	s15 =	sand.u32 @!p0 $0x7F, s14  }
0x23d: {  	p1 =	slt.s32 @!p0 s14, $0x1;
	p2 =	sne.s32 @!p0 s15, $0x0  }
0x23e: {  	s15 =	sshra.s32 @!p0 s14, $0x1F;
	p1 =	por @!p0 !p1, !p2  }
0x23f: {  	v22 =	vmul.f32 v24, v22;
	v23 =	vmul.f32 v25, v23;
	s15 =	sshrl.u32 @!p0 s15, $0x19;
	p1 =	por @!p0 !p1, !p1  }
0x240: {  	s14 =	sadd.s32 @!p0 s15, s14;
	s15 =	simm.s32 @!p0 $0x1;
	p1 =	por !p1, p0  }
0x241: {  	v22 =	vmul.f32 v22, v17;
	v23 =	vmul.f32 v23, v18;
	s14 =	sshrl.u32 @!p0 s14, $0x7;
	s15 =	simm.s32 @p1 $0x0  }
0x242: {  	s14 =	ssub.s32 @!p0 s14, s15  }
0x243: {  	v22 =	vadd.f32 v23, v22;
	s14 =	sshll.u32 @!p0 s14, $0x7  }
0x244: {  	s14 =	sand.u32 @!p0 $0x1FFFFF80, s14  }
0x245: {  	[tilespmem:$0x10980] =	vst v22;
	s15 =	simm.s32 @!p0 $0x3400;
	s14 =	sadd.s32 @!p0 s2, s14  }
0x246: {  	[tilespmem:s15], [sflag:$0x4] =	stream.strided.gather @!p0 [hbm4b:s14+s28], $0x1000, s3, s28, $0x38;
	[tilespmem:$0x10F00] =	vst v63  }
0x247: {  	s14 =	sand.u32 @!p0 $0x7F, s4  }
0x248: {  	p1 =	slt.s32 @!p0 s4, $0x1;
	p2 =	sne.s32 @!p0 s14, $0x0  }
0x249: {  	s14 =	sshra.s32 @!p0 s4, $0x1F;
	p1 =	por @!p0 !p1, !p2  }
0x24a: {  	s14 =	sshrl.u32 @!p0 s14, $0x19;
	p1 =	por @!p0 !p1, !p1  }
0x24b: {  	s4 =	sadd.s32 @!p0 s14, s4;
	s14 =	simm.s32 @!p0 $0x1;
	p1 =	por !p1, p0  }
0x24c: {  	s4 =	sshrl.u32 @!p0 s4, $0x7;
	s14 =	simm.s32 @p1 $0x0  }
0x24d: {  	s4 =	ssub.s32 @!p0 s4, s14  }
0x24e: {  	s4 =	sshll.u32 @!p0 s4, $0x7  }
0x24f: {  	s4 =	sand.u32 @!p0 $0x1FFFFF80, s4  }
0x250: {  	s15 =	simm.s32 $0x5;
	s14 =	simm.s32 @!p0 $0xB400;
	s4 =	sadd.s32 @!p0 s9, s4  }
0x251: {  	[tilespmem:s14], [sflag:$0x4] =	stream.strided.gather @!p0 [hbm4b:s4+s28], $0x1000, s3, s28, $0x38;
	[tilespmem:$0x10F00] =	vst v63  }
0x252: {  	_ =	swait.ge [sflag:s15], $0x1000  }
0x253: {  	[sflag:s15] =	ssyncset.done $0x0  }
0x254: {  	[sflag:s15] =	ssyncadd.s32 $0xFFFFF000  }
0x255: {  	_ =	swait.ge [sflag:s15], $0x1000  }
0x256: {  	(v2sf) =	vpush @!p0 v21, $0x4  }
0x257: {  	(v2sf) =	vpush @!p0 v20, $0x4;
	_ =	sdelay $0x4  }
0x258: {  	s19 =	sand.u32 $0x7F, s22  }
0x259: {  	v34 =	vor.u32 s19, v0  }
0x25a: {  	s0 =	sand.u32 $0x7F, s0;
	v35 =	vor.u32 s19, v1  }
0x25b: {  	v36 =	vor.u32 s0, v0  }
0x25c: {  	v37 =	vor.u32 s0, v1;
	[sflag:s15] =	ssyncset.done $0x0  }
0x25d: {  	s20 =	simm.s32 $0x4400;
	[sflag:s15] =	ssyncadd.s32 $0xFFFFF000  }
0x25e: {  	v22 =	vld.idx.msk [tilespmem:v34+s20+$0x0], $0xffff  }
0x25f: {  	s21 =	simm.s32 $0xC400;
	v23 =	vld.idx.msk [tilespmem:v35+s20+$0x0], $0xffff  }
0x260: {  	v24 =	vld.idx.msk [tilespmem:v36+s21+$0x0], $0xffff  }
0x261: {  	v25 =	vld.idx.msk [tilespmem:v37+s21+$0x0], $0xffff;
	s0 =	spop @!p0 (v2sf)  }
0x262: {  	s4 =	spop @!p0 (v2sf)  }
0x263: {  	s14 =	sand.u32 @!p0 $0x7F, s4  }
0x264: {  	p1 =	slt.s32 @!p0 s4, $0x1;
	p2 =	sne.s32 @!p0 s14, $0x0  }
0x265: {  	s14 =	sshra.s32 @!p0 s4, $0x1F;
	p1 =	por @!p0 !p1, !p2  }
0x266: {  	v22 =	vmul.f32 v24, v22;
	v23 =	vmul.f32 v25, v23;
	s14 =	sshrl.u32 @!p0 s14, $0x19;
	p1 =	por @!p0 !p1, !p1  }
0x267: {  	s4 =	sadd.s32 @!p0 s14, s4;
	s14 =	simm.s32 @!p0 $0x1;
	p1 =	por !p1, p0  }
0x268: {  	v22 =	vmul.f32 v22, v17;
	v23 =	vmul.f32 v23, v18;
	s4 =	sshrl.u32 @!p0 s4, $0x7;
	s14 =	simm.s32 @p1 $0x0  }
0x269: {  	s4 =	ssub.s32 @!p0 s4, s14  }
0x26a: {  	v22 =	vadd.f32 v23, v22;
	s4 =	sshll.u32 @!p0 s4, $0x7  }
0x26b: {  	s4 =	sand.u32 @!p0 $0x1FFFFF80, s4  }
0x26c: {  	[tilespmem:$0x10A00] =	vst v22;
	s14 =	simm.s32 @!p0 $0x4400;
	s4 =	sadd.s32 @!p0 s2, s4  }
0x26d: {  	[tilespmem:s14], [sflag:$0x5] =	stream.strided.gather @!p0 [hbm4b:s4+s28], $0x1000, s3, s28, $0x38;
	[tilespmem:$0x10F00] =	vst v63  }
0x26e: {  	s4 =	sand.u32 @!p0 $0x7F, s0  }
0x26f: {  	p1 =	slt.s32 @!p0 s0, $0x1;
	p2 =	sne.s32 @!p0 s4, $0x0  }
0x270: {  	s4 =	sshra.s32 @!p0 s0, $0x1F;
	p1 =	por @!p0 !p1, !p2  }
0x271: {  	s4 =	sshrl.u32 @!p0 s4, $0x19;
	p1 =	por @!p0 !p1, !p1  }
0x272: {  	s0 =	sadd.s32 @!p0 s4, s0;
	s4 =	simm.s32 @!p0 $0x1;
	p1 =	por !p1, p0  }
0x273: {  	s0 =	sshrl.u32 @!p0 s0, $0x7;
	s4 =	simm.s32 @p1 $0x0  }
0x274: {  	s0 =	ssub.s32 @!p0 s0, s4  }
0x275: {  	s0 =	sshll.u32 @!p0 s0, $0x7  }
0x276: {  	s0 =	sand.u32 @!p0 $0x1FFFFF80, s0  }
0x277: {  	s4 =	simm.s32 @!p0 $0xC400;
	s0 =	sadd.s32 @!p0 s9, s0  }
0x278: {  	[tilespmem:s4], [sflag:$0x5] =	stream.strided.gather @!p0 [hbm4b:s0+s28], $0x1000, s3, s28, $0x38;
	[tilespmem:$0x10F00] =	vst v63  }
0x279: {  	_ =	swait.ge [sflag:s18], $0x1000  }
0x27a: {  	[sflag:s18] =	ssyncset.done $0x0  }
0x27b: {  	[sflag:s18] =	ssyncadd.s32 $0xFFFFF000  }
0x27c: {  	_ =	swait.ge [sflag:s18], $0x1000  }
0x27d: {  	(v2sf) =	vpush @!p0 v21, $0x5  }
0x27e: {  	(v2sf) =	vpush @!p0 v20, $0x5;
	_ =	sdelay $0x4  }
0x27f: {  	s22 =	sand.u32 $0x7F, s23  }
0x280: {  	v38 =	vor.u32 s22, v0  }
0x281: {  	s23 =	sand.u32 $0x7F, s5;
	v39 =	vor.u32 s22, v1  }
0x282: {  	v40 =	vor.u32 s23, v0  }
0x283: {  	v41 =	vor.u32 s23, v1;
	[sflag:s18] =	ssyncset.done $0x0  }
0x284: {  	s5 =	simm.s32 $0x5400;
	[sflag:s18] =	ssyncadd.s32 $0xFFFFF000  }
0x285: {  	v22 =	vld.idx.msk [tilespmem:v38+s5+$0x0], $0xffff  }
0x286: {  	s6 =	simm.s32 $0xD400;
	v23 =	vld.idx.msk [tilespmem:v39+s5+$0x0], $0xffff  }
0x287: {  	v24 =	vld.idx.msk [tilespmem:v40+s6+$0x0], $0xffff  }
0x288: {  	v25 =	vld.idx.msk [tilespmem:v41+s6+$0x0], $0xffff;
	s0 =	spop @!p0 (v2sf)  }
0x289: {  	s4 =	spop @!p0 (v2sf)  }
0x28a: {  	s5 =	sand.u32 @!p0 $0x7F, s4  }
0x28b: {  	p1 =	slt.s32 @!p0 s4, $0x1;
	p2 =	sne.s32 @!p0 s5, $0x0  }
0x28c: {  	s5 =	sshra.s32 @!p0 s4, $0x1F;
	p1 =	por @!p0 !p1, !p2  }
0x28d: {  	v22 =	vmul.f32 v24, v22;
	v23 =	vmul.f32 v25, v23;
	s5 =	sshrl.u32 @!p0 s5, $0x19;
	p1 =	por @!p0 !p1, !p1  }
0x28e: {  	s4 =	sadd.s32 @!p0 s5, s4;
	s5 =	simm.s32 @!p0 $0x1;
	p1 =	por !p1, p0  }
0x28f: {  	v22 =	vmul.f32 v22, v17;
	v23 =	vmul.f32 v23, v18;
	s4 =	sshrl.u32 @!p0 s4, $0x7;
	s5 =	simm.s32 @p1 $0x0  }
0x290: {  	s4 =	ssub.s32 @!p0 s4, s5  }
0x291: {  	v22 =	vadd.f32 v23, v22;
	s4 =	sshll.u32 @!p0 s4, $0x7  }
0x292: {  	s4 =	sand.u32 @!p0 $0x1FFFFF80, s4  }
0x293: {  	[tilespmem:$0x10A80] =	vst v22;
	s5 =	simm.s32 @!p0 $0x5400;
	s4 =	sadd.s32 @!p0 s2, s4  }
0x294: {  	[tilespmem:s5], [sflag:$0x6] =	stream.strided.gather @!p0 [hbm4b:s4+s28], $0x1000, s3, s28, $0x38;
	[tilespmem:$0x10F00] =	vst v63  }
0x295: {  	s4 =	sand.u32 @!p0 $0x7F, s0  }
0x296: {  	p1 =	slt.s32 @!p0 s0, $0x1;
	p2 =	sne.s32 @!p0 s4, $0x0  }
0x297: {  	s4 =	sshra.s32 @!p0 s0, $0x1F;
	p1 =	por @!p0 !p1, !p2  }
0x298: {  	s4 =	sshrl.u32 @!p0 s4, $0x19;
	p1 =	por @!p0 !p1, !p1  }
0x299: {  	s0 =	sadd.s32 @!p0 s4, s0;
	s4 =	simm.s32 @!p0 $0x1;
	p1 =	por !p1, p0  }
0x29a: {  	s0 =	sshrl.u32 @!p0 s0, $0x7;
	s4 =	simm.s32 @p1 $0x0  }
0x29b: {  	s0 =	ssub.s32 @!p0 s0, s4  }
0x29c: {  	s0 =	sshll.u32 @!p0 s0, $0x7  }
0x29d: {  	s0 =	sand.u32 @!p0 $0x1FFFFF80, s0  }
0x29e: {  	s4 =	simm.s32 @!p0 $0xD400;
	s0 =	sadd.s32 @!p0 s9, s0  }
0x29f: {  	[tilespmem:s4], [sflag:$0x6] =	stream.strided.gather @!p0 [hbm4b:s0+s28], $0x1000, s3, s28, $0x38;
	[tilespmem:$0x10F00] =	vst v63  }
0x2a0: {  	_ =	swait.ge [sflag:s11], $0x1000  }
0x2a1: {  	[sflag:s11] =	ssyncset.done $0x0  }
0x2a2: {  	[sflag:s11] =	ssyncadd.s32 $0xFFFFF000  }
0x2a3: {  	_ =	swait.ge [sflag:s11], $0x1000  }
0x2a4: {  	(v2sf) =	vpush @!p0 v21, $0x6  }
0x2a5: {  	(v2sf) =	vpush @!p0 v20, $0x6;
	_ =	sdelay $0x4  }
0x2a6: {  	s10 =	sand.u32 $0x7F, s24  }
0x2a7: {  	v42 =	vor.u32 s10, v0  }
0x2a8: {  	v43 =	vor.u32 s10, v1;
	s13 =	sand.u32 $0x7F, s16  }
0x2a9: {  	v44 =	vor.u32 s13, v0  }
0x2aa: {  	v45 =	vor.u32 s13, v1;
	[sflag:s11] =	ssyncset.done $0x0  }
0x2ab: {  	s16 =	simm.s32 $0x6400;
	[sflag:s11] =	ssyncadd.s32 $0xFFFFF000  }
0x2ac: {  	v22 =	vld.idx.msk [tilespmem:v42+s16+$0x0], $0xffff  }
0x2ad: {  	s18 =	simm.s32 $0xE400;
	v23 =	vld.idx.msk [tilespmem:v43+s16+$0x0], $0xffff  }
0x2ae: {  	v24 =	vld.idx.msk [tilespmem:v44+s18+$0x0], $0xffff  }
0x2af: {  	v25 =	vld.idx.msk [tilespmem:v45+s18+$0x0], $0xffff;
	s0 =	spop @!p0 (v2sf)  }
0x2b0: {  	s4 =	spop @!p0 (v2sf)  }
0x2b1: {  	s5 =	sand.u32 @!p0 $0x7F, s4  }
0x2b2: {  	p1 =	slt.s32 @!p0 s4, $0x1;
	p2 =	sne.s32 @!p0 s5, $0x0  }
0x2b3: {  	s5 =	sshra.s32 @!p0 s4, $0x1F;
	p1 =	por @!p0 !p1, !p2  }
0x2b4: {  	v22 =	vmul.f32 v24, v22;
	v23 =	vmul.f32 v25, v23;
	s5 =	sshrl.u32 @!p0 s5, $0x19;
	p1 =	por @!p0 !p1, !p1  }
0x2b5: {  	s4 =	sadd.s32 @!p0 s5, s4;
	s5 =	simm.s32 @!p0 $0x1;
	p1 =	por !p1, p0  }
0x2b6: {  	v22 =	vmul.f32 v22, v17;
	v23 =	vmul.f32 v23, v18;
	s4 =	sshrl.u32 @!p0 s4, $0x7;
	s5 =	simm.s32 @p1 $0x0  }
0x2b7: {  	s4 =	ssub.s32 @!p0 s4, s5  }
0x2b8: {  	v22 =	vadd.f32 v23, v22;
	s4 =	sshll.u32 @!p0 s4, $0x7  }
0x2b9: {  	s4 =	sand.u32 @!p0 $0x1FFFFF80, s4  }
0x2ba: {  	[tilespmem:$0x10B00] =	vst v22;
	s5 =	simm.s32 @!p0 $0x6400;
	s4 =	sadd.s32 @!p0 s2, s4  }
0x2bb: {  	[tilespmem:s5], [sflag:$0x7] =	stream.strided.gather @!p0 [hbm4b:s4+s28], $0x1000, s3, s28, $0x38;
	[tilespmem:$0x10F00] =	vst v63  }
0x2bc: {  	s4 =	sand.u32 @!p0 $0x7F, s0  }
0x2bd: {  	p1 =	slt.s32 @!p0 s0, $0x1;
	p2 =	sne.s32 @!p0 s4, $0x0  }
0x2be: {  	s4 =	sshra.s32 @!p0 s0, $0x1F;
	p1 =	por @!p0 !p1, !p2  }
0x2bf: {  	s4 =	sshrl.u32 @!p0 s4, $0x19;
	p1 =	por @!p0 !p1, !p1  }
0x2c0: {  	s0 =	sadd.s32 @!p0 s4, s0;
	s4 =	simm.s32 @!p0 $0x1;
	p1 =	por !p1, p0  }
0x2c1: {  	s0 =	sshrl.u32 @!p0 s0, $0x7;
	s4 =	simm.s32 @p1 $0x0  }
0x2c2: {  	s0 =	ssub.s32 @!p0 s0, s4  }
0x2c3: {  	s0 =	sshll.u32 @!p0 s0, $0x7  }
0x2c4: {  	s0 =	sand.u32 @!p0 $0x1FFFFF80, s0  }
0x2c5: {  	s4 =	simm.s32 @!p0 $0xE400;
	s0 =	sadd.s32 @!p0 s9, s0  }
0x2c6: {  	[tilespmem:s4], [sflag:$0x7] =	stream.strided.gather @!p0 [hbm4b:s0+s28], $0x1000, s3, s28, $0x38;
	[tilespmem:$0x10F00] =	vst v63  }
0x2c7: {  	_ =	swait.ge [sflag:s17], $0x1000  }
0x2c8: {  	[sflag:s17] =	ssyncset.done $0x0  }
0x2c9: {  	[sflag:s17] =	ssyncadd.s32 $0xFFFFF000  }
0x2ca: {  	_ =	swait.ge [sflag:s17], $0x1000  }
0x2cb: {  	(v2sf) =	vpush @!p0 v21, $0x7  }
0x2cc: {  	(v2sf) =	vpush @!p0 v20, $0x7;
	_ =	sdelay $0x4  }
0x2cd: {  	s19 =	sand.u32 $0x7F, s25  }
0x2ce: {  	v46 =	vor.u32 s19, v1;
	s20 =	sand.u32 $0x7F, s26  }
0x2cf: {  	v47 =	vor.u32 s20, v0  }
0x2d0: {  	v48 =	vor.u32 s20, v1  }
0x2d1: {  	[sflag:s17] =	ssyncset.done $0x0;
	v20 =	vor.u32 s19, v0  }
0x2d2: {  	s21 =	simm.s32 $0x7400;
	[sflag:s17] =	ssyncadd.s32 $0xFFFFF000  }
0x2d3: {  	s22 =	simm.s32 $0xF400;
	v21 =	vld.idx.msk [tilespmem:v46+s21+$0x0], $0xffff  }
0x2d4: {  	v22 =	vld.idx.msk [tilespmem:v47+s22+$0x0], $0xffff  }
0x2d5: {  	v23 =	vld.idx.msk [tilespmem:v48+s22+$0x0], $0xffff  }
0x2d6: {  	v20 =	vld.idx.msk [tilespmem:v20+s21+$0x0], $0xffff;
	s0 =	spop @!p0 (v2sf)  }
0x2d7: {  	s4 =	spop @!p0 (v2sf)  }
0x2d8: {  	s5 =	sand.u32 @!p0 $0x7F, s4  }
0x2d9: {  	p1 =	slt.s32 @!p0 s4, $0x1;
	p2 =	sne.s32 @!p0 s5, $0x0  }
0x2da: {  	s5 =	sshra.s32 @!p0 s4, $0x1F;
	p1 =	por @!p0 !p1, !p2  }
0x2db: {  	v21 =	vmul.f32 v23, v21;
	v20 =	vmul.f32 v22, v20;
	s5 =	sshrl.u32 @!p0 s5, $0x19;
	p1 =	por @!p0 !p1, !p1  }
0x2dc: {  	s4 =	sadd.s32 @!p0 s5, s4;
	s5 =	simm.s32 @!p0 $0x1;
	p1 =	por !p1, p0  }
0x2dd: {  	v21 =	vmul.f32 v21, v18;
	v20 =	vmul.f32 v20, v17;
	s4 =	sshrl.u32 @!p0 s4, $0x7;
	s5 =	simm.s32 @p1 $0x0  }
0x2de: {  	s4 =	ssub.s32 @!p0 s4, s5  }
0x2df: {  	v20 =	vadd.f32 v21, v20;
	s4 =	sshll.u32 @!p0 s4, $0x7  }
0x2e0: {  	s4 =	sand.u32 @!p0 $0x1FFFFF80, s4  }
0x2e1: {  	[tilespmem:$0x10B80] =	vst v20;
	s5 =	simm.s32 @!p0 $0x7400;
	s4 =	sadd.s32 @!p0 s2, s4  }
0x2e2: {  	[tilespmem:s5], [sflag:$0x8] =	stream.strided.gather @!p0 [hbm4b:s4+s28], $0x1000, s3, s28, $0x38;
	[tilespmem:$0x10F00] =	vst v63  }
0x2e3: {  	s4 =	sand.u32 @!p0 $0x7F, s0  }
0x2e4: {  	p1 =	slt.s32 @!p0 s0, $0x1;
	p2 =	sne.s32 @!p0 s4, $0x0  }
0x2e5: {  	s4 =	sshra.s32 @!p0 s0, $0x1F;
	p1 =	por @!p0 !p1, !p2  }
0x2e6: {  	s4 =	sshrl.u32 @!p0 s4, $0x19;
	p1 =	por @!p0 !p1, !p1  }
0x2e7: {  	s0 =	sadd.s32 @!p0 s4, s0;
	s4 =	simm.s32 @!p0 $0x1;
	p1 =	por !p1, p0  }
0x2e8: {  	s0 =	sshrl.u32 @!p0 s0, $0x7;
	s4 =	simm.s32 @p1 $0x0  }
0x2e9: {  	s0 =	ssub.s32 @!p0 s0, s4  }
0x2ea: {  	s0 =	sshll.u32 @!p0 s0, $0x7  }
0x2eb: {  	s0 =	sand.u32 @!p0 $0x1FFFFF80, s0  }
0x2ec: {  	s1 =	simm.s32 $0x10400;
	s4 =	simm.s32 @!p0 $0xF400;
	s0 =	sadd.s32 @!p0 s9, s0  }
0x2ed: {  	[tilespmem:s4], [sflag:$0x8] =	stream.strided.gather @!p0 [hbm4b:s0+s28], $0x1000, s3, s28, $0x38;
	[tilespmem:$0x10F00] =	vst v63  }
0x2ee: {  	v20 =	vld.idx.msk [tilespmem:v0+s1+$0x0], $0xffff;
	_ =	sdelay $0x1  }
0x2ef: {  	v49 =	vld.idx.msk [tilespmem:v2+s1+$0x0], $0xffff;
	_ =	sdelay $0x1  }
0x2f0: {  	v50 =	vld.idx.msk [tilespmem:v3+s1+$0x0], $0xffff  }
0x2f1: {  	v20 =	vadd.f32 v20, v19  }
0x2f2: {  	v51 =	vld.idx.msk [tilespmem:v4+s1+$0x0], $0xffff  }
0x2f3: {  	v20 =	vadd.f32 v49, v20  }
0x2f4: {  	v52 =	vld.idx.msk [tilespmem:v5+s1+$0x0], $0xffff  }
0x2f5: {  	v20 =	vadd.f32 v50, v20  }
0x2f6: {  	v53 =	vld.idx.msk [tilespmem:v6+s1+$0x0], $0xffff  }
0x2f7: {  	v20 =	vadd.f32 v51, v20  }
0x2f8: {  	v54 =	vld.idx.msk [tilespmem:v7+s1+$0x0], $0xffff  }
0x2f9: {  	v20 =	vadd.f32 v52, v20  }
0x2fa: {  	v55 =	vld.idx.msk [tilespmem:v8+s1+$0x0], $0xffff  }
0x2fb: {  	v20 =	vadd.f32 v53, v20  }
0x2fc: {  	v56 =	vld.idx.msk [tilespmem:v9+s1+$0x0], $0xffff  }
0x2fd: {  	v20 =	vadd.f32 v54, v20  }
0x2fe: {  	v57 =	vld.idx.msk [tilespmem:v10+s1+$0x0], $0xffff  }
0x2ff: {  	v20 =	vadd.f32 v55, v20  }
0x300: {  	v58 =	vld.idx.msk [tilespmem:v11+s1+$0x0], $0xffff  }
0x301: {  	v20 =	vadd.f32 v56, v20  }
0x302: {  	v59 =	vld.idx.msk [tilespmem:v12+s1+$0x0], $0xffff  }
0x303: {  	v20 =	vadd.f32 v57, v20  }
0x304: {  	v60 =	vld.idx.msk [tilespmem:v13+s1+$0x0], $0xffff  }
0x305: {  	v20 =	vadd.f32 v58, v20  }
0x306: {  	v61 =	vld.idx.msk [tilespmem:v14+s1+$0x0], $0xffff  }
0x307: {  	v20 =	vadd.f32 v59, v20  }
0x308: {  	v62 =	vld.idx.msk [tilespmem:v15+s1+$0x0], $0xffff  }
0x309: {  	v20 =	vadd.f32 v60, v20  }
0x30a: {  	v63 =	vld.idx.msk [tilespmem:v16+s1+$0x0], $0xffff  }
0x30b: {  	v20 =	vadd.f32 v61, v20;
	_ =	sdelay $0x1  }
0x30c: {  	v20 =	vadd.f32 v62, v20;
	_ =	sdelay $0x1  }
0x30d: {  	v20 =	vadd.f32 v63, v20;
	_ =	sdelay $0x1  }
0x30e: {  	v20 =	vsub.f32 $0.0e+00, v20;
	_ =	sdelay $0x1  }
0x30f: {  	v20 =	vmul.f32 $1.442695020e+00, v20;
	_ =	sdelay $0x1  }
0x310: {  	(erf) = vpow2.f32 v20;
	_ =	sdelay $0x8  }
0x311: {  	v20 =	vpop (erf)  }
0x312: {  	v20 =	vadd.f32 $1.000000000e+00, v20;
	_ =	sdelay $0x1  }
0x313: {  	(erf) = vrcp.f32 v20;
	_ =	sdelay $0x2  }
0x314: {  	s23 =	rddreg [dreg:$0x10]  }
0x315: {  	s4 =	sadd.s32 $0x1, s23  }
0x316: {  	p0 =	seq.s32 s4, $0x0  }
.Ltmp0:
0x317: {  	_ = 	snop;
	(pc) =	sbr.rel @!p0 .LBB2_2-.Ltmp0, $4  }
0x318: {  	s24 =	rddreg [dreg:$0xf]  }
0x319: {  	s12 =	simm.s32 $0x400;
	s25 =	rddreg [dreg:$0xe]  }
0x31a: {  	s26 =	simm.s32 $0x2;
	s14 =	simm.s32 $0x1;
	s28 =	rddreg [dreg:$0xd];
	v20 =	vpop (erf)  }
0x31b: {  	s3 =	sadd.s32 $0x10, s24;
	s0 =	sadd.s32 $0x10, s25;
	s28 =	sadd.s32 $0x10, s28;
	[tilespmem:s25+$0x0] =	vst v20  }
0x31c: {  	s0 =	rddreg [dreg:$0xa]  }
0x31d: {  	s4 =	simm.s32 $0x80;
	s1 =	simm.s32 $0x10C00;
	s5 =	simm.s32 $0x9  }
0x31e: {  	[hbm4b:s0+s4] =	stream.strided.scatter [tilespmem:s1], [sflag:$0x9], $0x200, s12, s4, $0x38;
	[tilespmem:$0x10F00] =	vst v63  }
0x31f: {  	_ =	swait.ge [sflag:s5], $0x200  }
0x320: {  	s3 =	rddreg [dreg:$0xc]  }
0x321: {  	s28 =	rddreg [dreg:$0xb];
	s3 =	sadd.s32 $0x1, s3  }
0x322: {  	s13 =	simm.s32 $0x9400;
	p0 =	sne.s32 s3, s28  }
.Ltmp1:
0x323: {  	s15 =	simm.s32 $0xA400;
	s16 =	simm.s32 $0xB400;
	(pc) =	sbr.rel @p0 .LBB2_1-.Ltmp1, $4  }
0x324: {  	s18 =	simm.s32 $0x4400;
	s19 =	simm.s32 $0xC400;
	s20 =	simm.s32 $0x5400  }
0x325: {  	s21 =	simm.s32 $0xD400;
	s22 =	simm.s32 $0x6400;
	s23 =	simm.s32 $0xE400  }
0x326: {  	s24 =	simm.s32 $0x7400;
	s25 =	simm.s32 $0xF400;
	[sflag:s5] =	ssyncset.done $0x0  }
0x327: {  	s1 =	smov.u32 s9;
	s9 =	simm.s32 $0x7A1400;
	[sflag:s5] =	ssyncadd.s32 $0xFFFFFE00  }
0x328: {  	_ =	sfence.sel $0x180000  }
0x329: {  	[bflag:$0x0] =	sbarrier.arrive $0xFFFF  }
0x32a: {  	_ =	strace $0x90000047  }
0x32b: {  	s0 =	stileid.u32;
	[bflag:$0x2] =	sbarrier.arrive $0xFFFF  }
0x32c: {  	p0 =	sne.s32 s0, $0x0;
	s0 =	rddreg [dreg:$0x7]  }
0x32d: {  	s0 =	sadd.s32 @!p0 $0x100000, s0  }
0x32e: {  	[sflag:s0] =	ssyncadd.tile.s32 @!p0 $0x1;
	_ =	shalt  }
.Lfunc_end2:
_tile_overlayer_lowered:
.L_overlay_start_2:
0x32f: {  	(tag) =	ssettag $0x2  }
0x330: {  	s0 =	rddreg [dreg:$0x0];
	s2 =	stileid.u32  }
0x331: {  	s1 =	rddreg [dreg:$0x1];
	p0 =	sne.s32 s2, $0x0  }
0x332: {  	s3 =	rddreg [dreg:$0x2];
	[bflag:$0x3] =	sbarrier.arrive $0xFFFF;
	s2 =	simm.s32 @!p0 $0x1C09  }
0x333: {  	[timem:s3], [sflag:s2] =	dma.local @!p0 [hbm:s0], s1  }
0x334: {  	s0 =	simm.s32 @!p0 $0x9  }
0x335: {  	_ =	swait.ge @!p0 [sflag:s0], s1  }
0x336: {  	s1 =	ssub.s32 @!p0 $0x0, s1;
	[sflag:s0] =	ssyncset.done @!p0 $0x0  }
0x337: {  	[sflag:s0] =	ssyncadd.s32 @!p0 s1  }
0x338: {  	[bflag:$0x3] =	sbarrier.arrive $0xFFFF  }
0x339: {  	_ =	shalt  }

</sc_bundles>
